<compile_context>
chip_gen: v7x
topology: tpu7x:2x2x1
jax: 0.10.2.dev20260603
libtpu: 0.0.44.dev20260713+nightly
codegen_flags: <defaults>
</compile_context>

<pallas_src>
import jax
import jax.numpy as jnp
from jax import lax
from jax.experimental import pallas as pl
from jax.experimental.pallas import tpu as pltpu
from jax.experimental.pallas import tpu_sc as plsc

_B = 16384
_L = 50
_D = 64
_NC = 2
_NS = 16
_NW = _NC * _NS
_U = 16
_NI = _U * _L
_UPW = _B // _NW
_NCH = _UPW // _U
_PST = 17
_PRS = 64 * _PST + 16
_GR = 80
_NG = _NI // _GR
_GL = _L // _NG


def _sc_body(users_hbm, items_hbm, ut_hbm, it_hbm, out_hbm,
             uidx_v, iidx_v, iidx1_v, urows_v, irows_v, prow_v, scores_v,
             isem0, isem1, rsem0, rsem1, osem0, osem1):
    wid = lax.axis_index("s") * _NC + lax.axis_index("c")
    base_row = wid * _UPW
    isems = (isem0, isem1)
    rsems = (rsem0, rsem1)
    osems = (osem0, osem1)

    def issue_idx(ch, buf):
        row0 = base_row + ch * _U
        pltpu.async_copy(users_hbm.at[pl.ds(row0, _U)], uidx_v.at[buf],
                         isems[buf])
        pltpu.async_copy(items_hbm.at[:, pl.ds(row0, _U)], iidx_v.at[buf],
                         isems[buf])

    def drain_idx(buf):
        pltpu.make_async_copy(users_hbm.at[pl.ds(0, _U)], uidx_v.at[buf],
                              isems[buf]).wait()
        pltpu.make_async_copy(items_hbm.at[:, pl.ds(0, _U)], iidx_v.at[buf],
                              isems[buf]).wait()

    def issue_rows(buf):
        uidx_v[buf, pl.ds(0, _U)] = uidx_v[buf, pl.ds(0, _U)] * 2
        pltpu.async_copy(ut_hbm.at[uidx_v.at[buf]], urows_v.at[buf],
                         rsems[buf])
        @plsc.parallel_loop(0, _L, unroll=5)
        def _(l):
            iidx1_v[buf, pl.ds(l * _U, _U)] = iidx_v[buf, l, pl.ds(0, _U)] * 2
        for g in range(_NG):
            pltpu.async_copy(
                it_hbm.at[iidx1_v.at[buf, pl.ds(g * _GR, _GR)]],
                irows_v.at[buf, pl.ds(g * _GR, _GR)], rsems[buf])

    def drain_rows(buf):
        pltpu.make_async_copy(ut_hbm.at[pl.ds(0, _U)], urows_v.at[buf],
                              rsems[buf]).wait()
        pltpu.make_async_copy(it_hbm.at[pl.ds(0, _NI)], irows_v.at[buf],
                              rsems[buf]).wait()

    def drain_out(buf):
        pltpu.make_async_copy(scores_v.at[buf], out_hbm.at[pl.ds(0, _U)],
                              osems[buf]).wait()

    lane17 = lax.iota(jnp.int32, 16) * _PST

    def compute(ch, buf):
        def user_body(c, carry2):
            u0 = urows_v[buf, c, pl.ds(0, 16)]
            u1 = urows_v[buf, c, pl.ds(16, 16)]
            u2 = urows_v[buf, c, pl.ds(32, 16)]
            u3 = urows_v[buf, c, pl.ds(48, 16)]

            @plsc.parallel_loop(0, _L, unroll=5)
            def _(l):
                n = l * _U + c
                p = ((irows_v[buf, n, pl.ds(0, 16)] * u0
                      + irows_v[buf, n, pl.ds(16, 16)] * u1)
                     + (irows_v[buf, n, pl.ds(32, 16)] * u2
                        + irows_v[buf, n, pl.ds(48, 16)] * u3))
                prow_v[buf, pl.ds(l * _PST, 16)] = p

            @plsc.parallel_loop(0, 4)
            def _(g):
                col0 = g * (16 * _PST)
                acc = plsc.load_gather(prow_v.at[buf], [lane17 + col0])
                for d in range(1, 16):
                    acc = acc + plsc.load_gather(prow_v.at[buf],
                                                 [lane17 + (col0 + d)])
                scores_v[buf, c, pl.ds(g * 16, 16)] = acc
            return carry2

        lax.fori_loop(0, _U, user_body, 0)
        pltpu.async_copy(scores_v.at[buf],
                         out_hbm.at[pl.ds(base_row + ch * _U, _U)],
                         osems[buf])

    def step(ch, buf, first):
        nbuf = 1 - buf
        drain_idx(nbuf)
        issue_rows(nbuf)
        drain_rows(buf)
        issue_idx(jnp.minimum(ch + 2, _NCH - 1), buf)
        if not first:
            drain_out(buf)
        compute(ch, buf)

    issue_idx(0, 0)
    issue_idx(1, 1)
    drain_idx(0)
    issue_rows(0)

    step(0, 0, True)
    step(1, 1, True)

    def pair_body(i, carry):
        step(2 * i, 0, False)
        step(2 * i + 1, 1, False)
        return carry

    lax.fori_loop(1, _NCH // 2, pair_body, 0)

    drain_idx(1)
    drain_rows(0)
    drain_out(0)
    drain_out(1)


def kernel(users, items, user_table, item_table):
    items_t = items.T
    ut_p = jnp.pad(user_table, ((0, 0), (0, _D))).reshape(-1, _D)
    it_p = jnp.pad(item_table, ((0, 0), (0, _D))).reshape(-1, _D)
    mesh = plsc.VectorSubcoreMesh(core_axis_name="c", subcore_axis_name="s")
    out64 = pl.kernel(
        _sc_body,
        mesh=mesh,
        compiler_params=pltpu.CompilerParams(
            needs_layout_passes=False, use_tc_tiling_on_sc=False),
        out_type=jax.ShapeDtypeStruct((_B, _D), jnp.float32),
        scratch_types=[
            pltpu.VMEM((2, _U), jnp.int32),
            pltpu.VMEM((2, _L, _U), jnp.int32),
            pltpu.VMEM((2, _NI), jnp.int32),
            pltpu.VMEM((2, _U, _D), jnp.float32),
            pltpu.VMEM((2, _NI, _D), jnp.float32),
            pltpu.VMEM((2, _PRS), jnp.float32),
            pltpu.VMEM((2, _U, _D), jnp.float32),
            pltpu.SemaphoreType.DMA,
            pltpu.SemaphoreType.DMA,
            pltpu.SemaphoreType.DMA,
            pltpu.SemaphoreType.DMA,
            pltpu.SemaphoreType.DMA,
            pltpu.SemaphoreType.DMA,
        ],
    )(users, items_t, ut_p, it_p)
    return out64[:, :_L]

# --- scband reference (transcript-rebuilt; emitter-appended) ---
"""Pipeline reference for scband-bprmf-86646670229544 (READ-ONLY COPY).

The authoritative reference and input builder live on the scoring server;
editing this copy changes nothing except your own understanding.
"""

import jax, jax.numpy as jnp
import numpy as np

NUM_USERS = 1000000
NUM_ITEMS = 1000000
DIM = 64
BATCH = 16384
HIST = 50

def _xavier_uniform(key, shape):
    fan_in, fan_out = shape[0], shape[1]
    limit = float(np.sqrt(6.0 / (fan_in + fan_out)))
    return jax.random.uniform(key, shape, dtype=jnp.float32, minval=-limit, maxval=limit)

def setup_inputs(seed: int = 0) -> dict:
    key = jax.random.key(seed)
    k_u, k_i, k_ut, k_it = jax.random.split(key, 4)
    users = jax.random.randint(k_u, (BATCH,), 0, NUM_USERS, dtype=jnp.int64 if jax.config.jax_enable_x64 else jnp.int32)
    items = jax.random.randint(k_i, (BATCH, HIST), 0, NUM_ITEMS, dtype=jnp.int64 if jax.config.jax_enable_x64 else jnp.int32)
    user_table = _xavier_uniform(k_ut, (NUM_USERS, DIM))
    item_table = _xavier_uniform(k_it, (NUM_ITEMS, DIM))
    return {"users": users, "items": items, "user_table": user_table, "item_table": item_table}

def reference(users, items, user_table, item_table):
    # BPRMF.score: dot product between user embedding and each candidate item embedding
    user_vec = jnp.take(user_table, users, axis=0)            # [B, D]
    item_vec = jnp.take(item_table, items, axis=0)            # [B, L, D]
    scores = (user_vec[:, None, :] * item_vec).sum(axis=-1)   # [B, L]
    return scores

if __name__ == "__main__":
    import jax
    _d = setup_inputs()
    print(jax.jit(kernel)(*tuple(_d.values())))

</pallas_src>

<mosaic_0001>
#map = affine_map<(d0, d1) -> (0)>
#map1 = affine_map<(d0, d1) -> (0, 0)>
module attributes {stable_mosaic.version = 14 : i64} {
  func.func @_sc_body(%arg0: i32, %arg1: i32, %arg2: memref<16384xi32, #tpu.memory_space<hbm>>, %arg3: memref<50x16384xi32, #tpu.memory_space<hbm>>, %arg4: memref<2000000x64xf32, #tpu.memory_space<hbm>>, %arg5: memref<2000000x64xf32, #tpu.memory_space<hbm>>, %arg6: memref<16384x64xf32, #tpu.memory_space<hbm>>, %arg7: memref<2x16xi32, #tpu.memory_space<vmem>>, %arg8: memref<2x50x16xi32, #tpu.memory_space<vmem>>, %arg9: memref<2x800xi32, #tpu.memory_space<vmem>>, %arg10: memref<2x16x64xf32, #tpu.memory_space<vmem>>, %arg11: memref<2x800x64xf32, #tpu.memory_space<vmem>>, %arg12: memref<2x1104xf32, #tpu.memory_space<vmem>>, %arg13: memref<2x16x64xf32, #tpu.memory_space<vmem>>, %arg14: memref<!tpu.dma_semaphore, #tpu.memory_space<semaphore_mem>>, %arg15: memref<!tpu.dma_semaphore, #tpu.memory_space<semaphore_mem>>, %arg16: memref<!tpu.dma_semaphore, #tpu.memory_space<semaphore_mem>>, %arg17: memref<!tpu.dma_semaphore, #tpu.memory_space<semaphore_mem>>, %arg18: memref<!tpu.dma_semaphore, #tpu.memory_space<semaphore_mem>>, %arg19: memref<!tpu.dma_semaphore, #tpu.memory_space<semaphore_mem>>) attributes {dimension_semantics = [#tpu.dimension_semantics<core_parallel>, #tpu.dimension_semantics<subcore_parallel>], iteration_bounds = array<i64: 2, 16>, scalar_prefetch = 0 : i64, scratch_operands = 13 : i64, tpu.core_type = #tpu.core_type<sc_vector_subcore>, window_params = [{transform_indices = #map}, {transform_indices = #map1}, {transform_indices = #map1}, {transform_indices = #map1}, {transform_indices = #map1}]} {
    %mul3A = arith.constant 2 : i32
    %mul3A_0 = arith.muli %arg1, %mul3A : i32
    %add3A = arith.addi %mul3A_0, %arg0 : i32
    %mul3A_1 = arith.constant 512 : i32
    %mul3A_2 = arith.muli %add3A, %mul3A_1 : i32
    %iota3A = tpu.iota {dimensions = array<i32: 0>} : vector<16xi32>
    %mul3A_3 = arith.constant 17 : i32
    %mul3A_4 = vector.broadcast %mul3A_3 : i32 to vector<16xi32>
    %mul3A_5 = arith.muli %iota3A, %mul3A_4 : vector<16xi32>
    %add3A_6 = arith.constant 0 : i32
    %add3A_7 = arith.addi %mul3A_2, %add3A_6 : i32
    %dma_start3A = arith.constant 0 : i32
    %dma_start3A_8 = arith.constant 0 : i32
    %dma_start3A_9 = tpu.memref_slice %arg7[%dma_start3A, %dma_start3A_8] : memref<2x16xi32, #tpu.memory_space<vmem>> -> memref<1x16xi32, #tpu.memory_space<vmem>>
    %dma_start3A_10 = tpu.memref_squeeze %dma_start3A_9 : memref<1x16xi32, #tpu.memory_space<vmem>> -> memref<16xi32, #tpu.memory_space<vmem>>
    %dma_start3A_11 = tpu.memref_slice %arg2[%add3A_7] : memref<16384xi32, #tpu.memory_space<hbm>> -> memref<16xi32, #tpu.memory_space<hbm>>
    %dma_start3A_12 = arith.constant 0 : i32
    %dma_start3A_13 = tpu.memref_slice %arg7[%dma_start3A, %dma_start3A_12] : memref<2x16xi32, #tpu.memory_space<vmem>> -> memref<1x16xi32, #tpu.memory_space<vmem>>
    %dma_start3A_14 = tpu.memref_squeeze %dma_start3A_13 : memref<1x16xi32, #tpu.memory_space<vmem>> -> memref<16xi32, #tpu.memory_space<vmem>>
    %dma_start3A_15 = tpu.memref_slice %arg2[%add3A_7] : memref<16384xi32, #tpu.memory_space<hbm>> -> memref<16xi32, #tpu.memory_space<hbm>>
    tpu.enqueue_dma source(%dma_start3A_15 : memref<16xi32, #tpu.memory_space<hbm>>) target(%dma_start3A_14 : memref<16xi32, #tpu.memory_space<vmem>>) target_semaphore(%arg14 : memref<!tpu.dma_semaphore, #tpu.memory_space<semaphore_mem>>)
    %dma_start3A_16 = arith.constant 0 : i32
    %dma_start3A_17 = arith.constant 0 : i32
    %dma_start3A_18 = arith.constant 0 : i32
    %dma_start3A_19 = tpu.memref_slice %arg8[%dma_start3A_16, %dma_start3A_17, %dma_start3A_18] : memref<2x50x16xi32, #tpu.memory_space<vmem>> -> memref<1x50x16xi32, #tpu.memory_space<vmem>>
    %dma_start3A_20 = tpu.memref_squeeze %dma_start3A_19 : memref<1x50x16xi32, #tpu.memory_space<vmem>> -> memref<50x16xi32, #tpu.memory_space<vmem>>
    %dma_start3A_21 = arith.constant 0 : i32
    %dma_start3A_22 = tpu.memref_slice %arg3[%dma_start3A_21, %add3A_7] : memref<50x16384xi32, #tpu.memory_space<hbm>> -> memref<50x16xi32, #tpu.memory_space<hbm>>
    %dma_start3A_23 = arith.constant 0 : i32
    %dma_start3A_24 = arith.constant 0 : i32
    %dma_start3A_25 = tpu.memref_slice %arg8[%dma_start3A_16, %dma_start3A_23, %dma_start3A_24] : memref<2x50x16xi32, #tpu.memory_space<vmem>> -> memref<1x50x16xi32, #tpu.memory_space<vmem>>
    %dma_start3A_26 = tpu.memref_squeeze %dma_start3A_25 : memref<1x50x16xi32, #tpu.memory_space<vmem>> -> memref<50x16xi32, #tpu.memory_space<vmem>>
    %dma_start3A_27 = arith.constant 0 : i32
    %dma_start3A_28 = tpu.memref_slice %arg3[%dma_start3A_27, %add3A_7] : memref<50x16384xi32, #tpu.memory_space<hbm>> -> memref<50x16xi32, #tpu.memory_space<hbm>>
    tpu.enqueue_dma source(%dma_start3A_28 : memref<50x16xi32, #tpu.memory_space<hbm>>) target(%dma_start3A_26 : memref<50x16xi32, #tpu.memory_space<vmem>>) target_semaphore(%arg14 : memref<!tpu.dma_semaphore, #tpu.memory_space<semaphore_mem>>)
    %add3A_29 = arith.constant 16 : i32
    %add3A_30 = arith.addi %mul3A_2, %add3A_29 : i32
    %dma_start3A_31 = arith.constant 1 : i32
    %dma_start3A_32 = arith.constant 0 : i32
    %dma_start3A_33 = tpu.memref_slice %arg7[%dma_start3A_31, %dma_start3A_32] : memref<2x16xi32, #tpu.memory_space<vmem>> -> memref<1x16xi32, #tpu.memory_space<vmem>>
    %dma_start3A_34 = tpu.memref_squeeze %dma_start3A_33 : memref<1x16xi32, #tpu.memory_space<vmem>> -> memref<16xi32, #tpu.memory_space<vmem>>
    %dma_start3A_35 = tpu.memref_slice %arg2[%add3A_30] : memref<16384xi32, #tpu.memory_space<hbm>> -> memref<16xi32, #tpu.memory_space<hbm>>
    %dma_start3A_36 = arith.constant 0 : i32
    %dma_start3A_37 = tpu.memref_slice %arg7[%dma_start3A_31, %dma_start3A_36] : memref<2x16xi32, #tpu.memory_space<vmem>> -> memref<1x16xi32, #tpu.memory_space<vmem>>
    %dma_start3A_38 = tpu.memref_squeeze %dma_start3A_37 : memref<1x16xi32, #tpu.memory_space<vmem>> -> memref<16xi32, #tpu.memory_space<vmem>>
    %dma_start3A_39 = tpu.memref_slice %arg2[%add3A_30] : memref<16384xi32, #tpu.memory_space<hbm>> -> memref<16xi32, #tpu.memory_space<hbm>>
    tpu.enqueue_dma source(%dma_start3A_39 : memref<16xi32, #tpu.memory_space<hbm>>) target(%dma_start3A_38 : memref<16xi32, #tpu.memory_space<vmem>>) target_semaphore(%arg15 : memref<!tpu.dma_semaphore, #tpu.memory_space<semaphore_mem>>)
    %dma_start3A_40 = arith.constant 1 : i32
    %dma_start3A_41 = arith.constant 0 : i32
    %dma_start3A_42 = arith.constant 0 : i32
    %dma_start3A_43 = tpu.memref_slice %arg8[%dma_start3A_40, %dma_start3A_41, %dma_start3A_42] : memref<2x50x16xi32, #tpu.memory_space<vmem>> -> memref<1x50x16xi32, #tpu.memory_space<vmem>>
    %dma_start3A_44 = tpu.memref_squeeze %dma_start3A_43 : memref<1x50x16xi32, #tpu.memory_space<vmem>> -> memref<50x16xi32, #tpu.memory_space<vmem>>
    %dma_start3A_45 = arith.constant 0 : i32
    %dma_start3A_46 = tpu.memref_slice %arg3[%dma_start3A_45, %add3A_30] : memref<50x16384xi32, #tpu.memory_space<hbm>> -> memref<50x16xi32, #tpu.memory_space<hbm>>
    %dma_start3A_47 = arith.constant 0 : i32
    %dma_start3A_48 = arith.constant 0 : i32
    %dma_start3A_49 = tpu.memref_slice %arg8[%dma_start3A_40, %dma_start3A_47, %dma_start3A_48] : memref<2x50x16xi32, #tpu.memory_space<vmem>> -> memref<1x50x16xi32, #tpu.memory_space<vmem>>
    %dma_start3A_50 = tpu.memref_squeeze %dma_start3A_49 : memref<1x50x16xi32, #tpu.memory_space<vmem>> -> memref<50x16xi32, #tpu.memory_space<vmem>>
    %dma_start3A_51 = arith.constant 0 : i32
    %dma_start3A_52 = tpu.memref_slice %arg3[%dma_start3A_51, %add3A_30] : memref<50x16384xi32, #tpu.memory_space<hbm>> -> memref<50x16xi32, #tpu.memory_space<hbm>>
    tpu.enqueue_dma source(%dma_start3A_52 : memref<50x16xi32, #tpu.memory_space<hbm>>) target(%dma_start3A_50 : memref<50x16xi32, #tpu.memory_space<vmem>>) target_semaphore(%arg15 : memref<!tpu.dma_semaphore, #tpu.memory_space<semaphore_mem>>)
    %dma_wait3A = arith.constant 0 : i32
    %dma_wait3A_53 = arith.constant 0 : i32
    %dma_wait3A_54 = tpu.memref_slice %arg7[%dma_wait3A, %dma_wait3A_53] : memref<2x16xi32, #tpu.memory_space<vmem>> -> memref<1x16xi32, #tpu.memory_space<vmem>>
    %dma_wait3A_55 = tpu.memref_squeeze %dma_wait3A_54 : memref<1x16xi32, #tpu.memory_space<vmem>> -> memref<16xi32, #tpu.memory_space<vmem>>
    %dma_wait3A_56 = arith.constant 0 : i32
    %dma_wait3A_57 = tpu.memref_slice %arg2[%dma_wait3A_56] : memref<16384xi32, #tpu.memory_space<hbm>> -> memref<16xi32, #tpu.memory_space<hbm>>
    %dma_wait3A_58 = arith.constant 0 : i32
    %dma_wait3A_59 = tpu.memref_slice %arg7[%dma_wait3A, %dma_wait3A_58] : memref<2x16xi32, #tpu.memory_space<vmem>> -> memref<1x16xi32, #tpu.memory_space<vmem>>
    %dma_wait3A_60 = tpu.memref_squeeze %dma_wait3A_59 : memref<1x16xi32, #tpu.memory_space<vmem>> -> memref<16xi32, #tpu.memory_space<vmem>>
    %dma_wait3A_61 = arith.constant 0 : i32
    %dma_wait3A_62 = tpu.memref_slice %arg2[%dma_wait3A_61] : memref<16384xi32, #tpu.memory_space<hbm>> -> memref<16xi32, #tpu.memory_space<hbm>>
    tpu.wait_dma2 semaphore(%arg14 : memref<!tpu.dma_semaphore, #tpu.memory_space<semaphore_mem>>) src(%dma_wait3A_62 : memref<16xi32, #tpu.memory_space<hbm>>) dst(%dma_wait3A_60 : memref<16xi32, #tpu.memory_space<vmem>>)
    %dma_wait3A_63 = arith.constant 0 : i32
    %dma_wait3A_64 = arith.constant 0 : i32
    %dma_wait3A_65 = arith.constant 0 : i32
    %dma_wait3A_66 = tpu.memref_slice %arg8[%dma_wait3A_63, %dma_wait3A_64, %dma_wait3A_65] : memref<2x50x16xi32, #tpu.memory_space<vmem>> -> memref<1x50x16xi32, #tpu.memory_space<vmem>>
    %dma_wait3A_67 = tpu.memref_squeeze %dma_wait3A_66 : memref<1x50x16xi32, #tpu.memory_space<vmem>> -> memref<50x16xi32, #tpu.memory_space<vmem>>
    %dma_wait3A_68 = arith.constant 0 : i32
    %dma_wait3A_69 = arith.constant 0 : i32
    %dma_wait3A_70 = tpu.memref_slice %arg3[%dma_wait3A_68, %dma_wait3A_69] : memref<50x16384xi32, #tpu.memory_space<hbm>> -> memref<50x16xi32, #tpu.memory_space<hbm>>
    %dma_wait3A_71 = arith.constant 0 : i32
    %dma_wait3A_72 = arith.constant 0 : i32
    %dma_wait3A_73 = tpu.memref_slice %arg8[%dma_wait3A_63, %dma_wait3A_71, %dma_wait3A_72] : memref<2x50x16xi32, #tpu.memory_space<vmem>> -> memref<1x50x16xi32, #tpu.memory_space<vmem>>
    %dma_wait3A_74 = tpu.memref_squeeze %dma_wait3A_73 : memref<1x50x16xi32, #tpu.memory_space<vmem>> -> memref<50x16xi32, #tpu.memory_space<vmem>>
    %dma_wait3A_75 = arith.constant 0 : i32
    %dma_wait3A_76 = arith.constant 0 : i32
    %dma_wait3A_77 = tpu.memref_slice %arg3[%dma_wait3A_75, %dma_wait3A_76] : memref<50x16384xi32, #tpu.memory_space<hbm>> -> memref<50x16xi32, #tpu.memory_space<hbm>>
    tpu.wait_dma2 semaphore(%arg14 : memref<!tpu.dma_semaphore, #tpu.memory_space<semaphore_mem>>) src(%dma_wait3A_77 : memref<50x16xi32, #tpu.memory_space<hbm>>) dst(%dma_wait3A_74 : memref<50x16xi32, #tpu.memory_space<vmem>>)
    %get3A = arith.constant 0 : i32
    %get3A_78 = arith.index_cast %get3A : i32 to index
    %get3A_79 = arith.constant 0 : index
    %get3A_80 = tpu.vector_load %arg7[%get3A_78, %get3A_79] {strides = array<i32>} : memref<2x16xi32, #tpu.memory_space<vmem>>, vector<16xi32>,
    %mul3A_81 = arith.constant 2 : i32
    %mul3A_82 = vector.broadcast %mul3A_81 : i32 to vector<16xi32>
    %mul3A_83 = arith.muli %get3A_80, %mul3A_82 : vector<16xi32>
    %swap3A = arith.constant 0 : i32
    %swap3A_84 = arith.index_cast %swap3A : i32 to index
    %swap3A_85 = arith.constant 0 : index
    %swap3A_86 = tpu.vector_load %arg7[%swap3A_84, %swap3A_85] {strides = array<i32>} : memref<2x16xi32, #tpu.memory_space<vmem>>, vector<16xi32>,
    tpu.vector_store %arg7[%swap3A_84, %swap3A_85], %mul3A_83 {strides = array<i32>} : memref<2x16xi32, #tpu.memory_space<vmem>>, vector<16xi32>,
    %dma_start3A_87 = arith.constant 0 : i32
    %dma_start3A_88 = arith.constant 0 : i32
    %dma_start3A_89 = arith.constant 0 : i32
    %dma_start3A_90 = arith.constant 0 : i32
    %dma_start3A_91 = tpu.memref_slice %arg10[%dma_start3A_88, %dma_start3A_89, %dma_start3A_90] : memref<2x16x64xf32, #tpu.memory_space<vmem>> -> memref<1x16x64xf32, #tpu.memory_space<vmem>>
    %dma_start3A_92 = tpu.memref_squeeze %dma_start3A_91 : memref<1x16x64xf32, #tpu.memory_space<vmem>> -> memref<16x64xf32, #tpu.memory_space<vmem>>
    %dma_start3A_93 = arith.constant 0 : i32
    %dma_start3A_94 = tpu.memref_slice %arg7[%dma_start3A_87, %dma_start3A_93] : memref<2x16xi32, #tpu.memory_space<vmem>> -> memref<1x16xi32, #tpu.memory_space<vmem>>
    %dma_start3A_95 = tpu.memref_squeeze %dma_start3A_94 : memref<1x16xi32, #tpu.memory_space<vmem>> -> memref<16xi32, #tpu.memory_space<vmem>>
    %dma_start3A_96 = arith.constant 0 : i32
    %dma_start3A_97 = arith.constant 0 : i32
    %dma_start3A_98 = tpu.memref_slice %arg4[%dma_start3A_96, %dma_start3A_97] : memref<2000000x64xf32, #tpu.memory_space<hbm>> -> memref<2000000x64xf32, #tpu.memory_space<hbm>>
    tpu.enqueue_indirect_dma source(%dma_start3A_98 : memref<2000000x64xf32, #tpu.memory_space<hbm>>) target(%dma_start3A_92 : memref<16x64xf32, #tpu.memory_space<vmem>>) offsets(%dma_start3A_95 : memref<16xi32, #tpu.memory_space<vmem>>) semaphore(%arg16 : memref<!tpu.dma_semaphore, #tpu.memory_space<semaphore_mem>>)
    %parallel_loop3A = arith.constant 0 : i32
    %parallel_loop3A_99 = arith.constant 50 : i32
    %parallel_loop3A_100 = arith.constant 1 : i32
    scf.for %parallel_loop3A_813 = %parallel_loop3A to %parallel_loop3A_99 step %parallel_loop3A_100  : i32 {
      %parallel_loop3A_814 = arith.constant 0 : i32
      %parallel_loop3A_815 = arith.index_cast %parallel_loop3A_814 : i32 to index
      %parallel_loop3A_816 = arith.index_cast %parallel_loop3A_813 : i32 to index
      %parallel_loop3A_817 = arith.constant 0 : index
      %parallel_loop3A_818 = tpu.vector_load %arg8[%parallel_loop3A_815, %parallel_loop3A_816, %parallel_loop3A_817] {strides = array<i32>} : memref<2x50x16xi32, #tpu.memory_space<vmem>>, vector<16xi32>,
      %parallel_loop3A_819 = arith.constant 2 : i32
      %parallel_loop3A_820 = vector.broadcast %parallel_loop3A_819 : i32 to vector<16xi32>
      %parallel_loop3A_821 = arith.muli %parallel_loop3A_818, %parallel_loop3A_820 : vector<16xi32>
      %parallel_loop3A_822 = arith.constant 16 : i32
      %parallel_loop3A_823 = arith.muli %parallel_loop3A_813, %parallel_loop3A_822 : i32
      %parallel_loop3A_824 = arith.constant 0 : i32
      %parallel_loop3A_825 = arith.index_cast %parallel_loop3A_824 : i32 to index
      %parallel_loop3A_826 = arith.index_cast %parallel_loop3A_823 : i32 to index
      %parallel_loop3A_827 = tpu.vector_load %arg9[%parallel_loop3A_825, %parallel_loop3A_826] {strides = array<i32>} : memref<2x800xi32, #tpu.memory_space<vmem>>, vector<16xi32>,
      tpu.vector_store %arg9[%parallel_loop3A_825, %parallel_loop3A_826], %parallel_loop3A_821 {strides = array<i32>} : memref<2x800xi32, #tpu.memory_space<vmem>>, vector<16xi32>,
    } {sc.loop_unroll_factor = 5 : i64, sc.parallel_access}
    %dma_start3A_101 = arith.constant 0 : i32
    %dma_start3A_102 = arith.constant 0 : i32
    %dma_start3A_103 = arith.constant 0 : i32
    %dma_start3A_104 = arith.constant 0 : i32
    %dma_start3A_105 = tpu.memref_slice %arg11[%dma_start3A_102, %dma_start3A_103, %dma_start3A_104] : memref<2x800x64xf32, #tpu.memory_space<vmem>> -> memref<1x80x64xf32, #tpu.memory_space<vmem>>
    %dma_start3A_106 = tpu.memref_squeeze %dma_start3A_105 : memref<1x80x64xf32, #tpu.memory_space<vmem>> -> memref<80x64xf32, #tpu.memory_space<vmem>>
    %dma_start3A_107 = arith.constant 0 : i32
    %dma_start3A_108 = tpu.memref_slice %arg9[%dma_start3A_101, %dma_start3A_107] : memref<2x800xi32, #tpu.memory_space<vmem>> -> memref<1x80xi32, #tpu.memory_space<vmem>>
    %dma_start3A_109 = tpu.memref_squeeze %dma_start3A_108 : memref<1x80xi32, #tpu.memory_space<vmem>> -> memref<80xi32, #tpu.memory_space<vmem>>
    %dma_start3A_110 = arith.constant 0 : i32
    %dma_start3A_111 = arith.constant 0 : i32
    %dma_start3A_112 = tpu.memref_slice %arg5[%dma_start3A_110, %dma_start3A_111] : memref<2000000x64xf32, #tpu.memory_space<hbm>> -> memref<2000000x64xf32, #tpu.memory_space<hbm>>
    tpu.enqueue_indirect_dma source(%dma_start3A_112 : memref<2000000x64xf32, #tpu.memory_space<hbm>>) target(%dma_start3A_106 : memref<80x64xf32, #tpu.memory_space<vmem>>) offsets(%dma_start3A_109 : memref<80xi32, #tpu.memory_space<vmem>>) semaphore(%arg16 : memref<!tpu.dma_semaphore, #tpu.memory_space<semaphore_mem>>)
    %dma_start3A_113 = arith.constant 0 : i32
    %dma_start3A_114 = arith.constant 0 : i32
    %dma_start3A_115 = arith.constant 80 : i32
    %dma_start3A_116 = arith.constant 0 : i32
    %dma_start3A_117 = tpu.memref_slice %arg11[%dma_start3A_114, %dma_start3A_115, %dma_start3A_116] : memref<2x800x64xf32, #tpu.memory_space<vmem>> -> memref<1x80x64xf32, #tpu.memory_space<vmem>>
    %dma_start3A_118 = tpu.memref_squeeze %dma_start3A_117 : memref<1x80x64xf32, #tpu.memory_space<vmem>> -> memref<80x64xf32, #tpu.memory_space<vmem>>
    %dma_start3A_119 = arith.constant 80 : i32
    %dma_start3A_120 = tpu.memref_slice %arg9[%dma_start3A_113, %dma_start3A_119] : memref<2x800xi32, #tpu.memory_space<vmem>> -> memref<1x80xi32, #tpu.memory_space<vmem>>
    %dma_start3A_121 = tpu.memref_squeeze %dma_start3A_120 : memref<1x80xi32, #tpu.memory_space<vmem>> -> memref<80xi32, #tpu.memory_space<vmem>>
    %dma_start3A_122 = arith.constant 0 : i32
    %dma_start3A_123 = arith.constant 0 : i32
    %dma_start3A_124 = tpu.memref_slice %arg5[%dma_start3A_122, %dma_start3A_123] : memref<2000000x64xf32, #tpu.memory_space<hbm>> -> memref<2000000x64xf32, #tpu.memory_space<hbm>>
    tpu.enqueue_indirect_dma source(%dma_start3A_124 : memref<2000000x64xf32, #tpu.memory_space<hbm>>) target(%dma_start3A_118 : memref<80x64xf32, #tpu.memory_space<vmem>>) offsets(%dma_start3A_121 : memref<80xi32, #tpu.memory_space<vmem>>) semaphore(%arg16 : memref<!tpu.dma_semaphore, #tpu.memory_space<semaphore_mem>>)
    %dma_start3A_125 = arith.constant 0 : i32
    %dma_start3A_126 = arith.constant 0 : i32
    %dma_start3A_127 = arith.constant 160 : i32
    %dma_start3A_128 = arith.constant 0 : i32
    %dma_start3A_129 = tpu.memref_slice %arg11[%dma_start3A_126, %dma_start3A_127, %dma_start3A_128] : memref<2x800x64xf32, #tpu.memory_space<vmem>> -> memref<1x80x64xf32, #tpu.memory_space<vmem>>
    %dma_start3A_130 = tpu.memref_squeeze %dma_start3A_129 : memref<1x80x64xf32, #tpu.memory_space<vmem>> -> memref<80x64xf32, #tpu.memory_space<vmem>>
    %dma_start3A_131 = arith.constant 160 : i32
    %dma_start3A_132 = tpu.memref_slice %arg9[%dma_start3A_125, %dma_start3A_131] : memref<2x800xi32, #tpu.memory_space<vmem>> -> memref<1x80xi32, #tpu.memory_space<vmem>>
    %dma_start3A_133 = tpu.memref_squeeze %dma_start3A_132 : memref<1x80xi32, #tpu.memory_space<vmem>> -> memref<80xi32, #tpu.memory_space<vmem>>
    %dma_start3A_134 = arith.constant 0 : i32
    %dma_start3A_135 = arith.constant 0 : i32
    %dma_start3A_136 = tpu.memref_slice %arg5[%dma_start3A_134, %dma_start3A_135] : memref<2000000x64xf32, #tpu.memory_space<hbm>> -> memref<2000000x64xf32, #tpu.memory_space<hbm>>
    tpu.enqueue_indirect_dma source(%dma_start3A_136 : memref<2000000x64xf32, #tpu.memory_space<hbm>>) target(%dma_start3A_130 : memref<80x64xf32, #tpu.memory_space<vmem>>) offsets(%dma_start3A_133 : memref<80xi32, #tpu.memory_space<vmem>>) semaphore(%arg16 : memref<!tpu.dma_semaphore, #tpu.memory_space<semaphore_mem>>)
    %dma_start3A_137 = arith.constant 0 : i32
    %dma_start3A_138 = arith.constant 0 : i32
    %dma_start3A_139 = arith.constant 240 : i32
    %dma_start3A_140 = arith.constant 0 : i32
    %dma_start3A_141 = tpu.memref_slice %arg11[%dma_start3A_138, %dma_start3A_139, %dma_start3A_140] : memref<2x800x64xf32, #tpu.memory_space<vmem>> -> memref<1x80x64xf32, #tpu.memory_space<vmem>>
    %dma_start3A_142 = tpu.memref_squeeze %dma_start3A_141 : memref<1x80x64xf32, #tpu.memory_space<vmem>> -> memref<80x64xf32, #tpu.memory_space<vmem>>
    %dma_start3A_143 = arith.constant 240 : i32
    %dma_start3A_144 = tpu.memref_slice %arg9[%dma_start3A_137, %dma_start3A_143] : memref<2x800xi32, #tpu.memory_space<vmem>> -> memref<1x80xi32, #tpu.memory_space<vmem>>
    %dma_start3A_145 = tpu.memref_squeeze %dma_start3A_144 : memref<1x80xi32, #tpu.memory_space<vmem>> -> memref<80xi32, #tpu.memory_space<vmem>>
    %dma_start3A_146 = arith.constant 0 : i32
    %dma_start3A_147 = arith.constant 0 : i32
    %dma_start3A_148 = tpu.memref_slice %arg5[%dma_start3A_146, %dma_start3A_147] : memref<2000000x64xf32, #tpu.memory_space<hbm>> -> memref<2000000x64xf32, #tpu.memory_space<hbm>>
    tpu.enqueue_indirect_dma source(%dma_start3A_148 : memref<2000000x64xf32, #tpu.memory_space<hbm>>) target(%dma_start3A_142 : memref<80x64xf32, #tpu.memory_space<vmem>>) offsets(%dma_start3A_145 : memref<80xi32, #tpu.memory_space<vmem>>) semaphore(%arg16 : memref<!tpu.dma_semaphore, #tpu.memory_space<semaphore_mem>>)
    %dma_start3A_149 = arith.constant 0 : i32
    %dma_start3A_150 = arith.constant 0 : i32
    %dma_start3A_151 = arith.constant 320 : i32
    %dma_start3A_152 = arith.constant 0 : i32
    %dma_start3A_153 = tpu.memref_slice %arg11[%dma_start3A_150, %dma_start3A_151, %dma_start3A_152] : memref<2x800x64xf32, #tpu.memory_space<vmem>> -> memref<1x80x64xf32, #tpu.memory_space<vmem>>
    %dma_start3A_154 = tpu.memref_squeeze %dma_start3A_153 : memref<1x80x64xf32, #tpu.memory_space<vmem>> -> memref<80x64xf32, #tpu.memory_space<vmem>>
    %dma_start3A_155 = arith.constant 320 : i32
    %dma_start3A_156 = tpu.memref_slice %arg9[%dma_start3A_149, %dma_start3A_155] : memref<2x800xi32, #tpu.memory_space<vmem>> -> memref<1x80xi32, #tpu.memory_space<vmem>>
    %dma_start3A_157 = tpu.memref_squeeze %dma_start3A_156 : memref<1x80xi32, #tpu.memory_space<vmem>> -> memref<80xi32, #tpu.memory_space<vmem>>
    %dma_start3A_158 = arith.constant 0 : i32
    %dma_start3A_159 = arith.constant 0 : i32
    %dma_start3A_160 = tpu.memref_slice %arg5[%dma_start3A_158, %dma_start3A_159] : memref<2000000x64xf32, #tpu.memory_space<hbm>> -> memref<2000000x64xf32, #tpu.memory_space<hbm>>
    tpu.enqueue_indirect_dma source(%dma_start3A_160 : memref<2000000x64xf32, #tpu.memory_space<hbm>>) target(%dma_start3A_154 : memref<80x64xf32, #tpu.memory_space<vmem>>) offsets(%dma_start3A_157 : memref<80xi32, #tpu.memory_space<vmem>>) semaphore(%arg16 : memref<!tpu.dma_semaphore, #tpu.memory_space<semaphore_mem>>)
    %dma_start3A_161 = arith.constant 0 : i32
    %dma_start3A_162 = arith.constant 0 : i32
    %dma_start3A_163 = arith.constant 400 : i32
    %dma_start3A_164 = arith.constant 0 : i32
    %dma_start3A_165 = tpu.memref_slice %arg11[%dma_start3A_162, %dma_start3A_163, %dma_start3A_164] : memref<2x800x64xf32, #tpu.memory_space<vmem>> -> memref<1x80x64xf32, #tpu.memory_space<vmem>>
    %dma_start3A_166 = tpu.memref_squeeze %dma_start3A_165 : memref<1x80x64xf32, #tpu.memory_space<vmem>> -> memref<80x64xf32, #tpu.memory_space<vmem>>
    %dma_start3A_167 = arith.constant 400 : i32
    %dma_start3A_168 = tpu.memref_slice %arg9[%dma_start3A_161, %dma_start3A_167] : memref<2x800xi32, #tpu.memory_space<vmem>> -> memref<1x80xi32, #tpu.memory_space<vmem>>
    %dma_start3A_169 = tpu.memref_squeeze %dma_start3A_168 : memref<1x80xi32, #tpu.memory_space<vmem>> -> memref<80xi32, #tpu.memory_space<vmem>>
    %dma_start3A_170 = arith.constant 0 : i32
    %dma_start3A_171 = arith.constant 0 : i32
    %dma_start3A_172 = tpu.memref_slice %arg5[%dma_start3A_170, %dma_start3A_171] : memref<2000000x64xf32, #tpu.memory_space<hbm>> -> memref<2000000x64xf32, #tpu.memory_space<hbm>>
    tpu.enqueue_indirect_dma source(%dma_start3A_172 : memref<2000000x64xf32, #tpu.memory_space<hbm>>) target(%dma_start3A_166 : memref<80x64xf32, #tpu.memory_space<vmem>>) offsets(%dma_start3A_169 : memref<80xi32, #tpu.memory_space<vmem>>) semaphore(%arg16 : memref<!tpu.dma_semaphore, #tpu.memory_space<semaphore_mem>>)
    %dma_start3A_173 = arith.constant 0 : i32
    %dma_start3A_174 = arith.constant 0 : i32
    %dma_start3A_175 = arith.constant 480 : i32
    %dma_start3A_176 = arith.constant 0 : i32
    %dma_start3A_177 = tpu.memref_slice %arg11[%dma_start3A_174, %dma_start3A_175, %dma_start3A_176] : memref<2x800x64xf32, #tpu.memory_space<vmem>> -> memref<1x80x64xf32, #tpu.memory_space<vmem>>
    %dma_start3A_178 = tpu.memref_squeeze %dma_start3A_177 : memref<1x80x64xf32, #tpu.memory_space<vmem>> -> memref<80x64xf32, #tpu.memory_space<vmem>>
    %dma_start3A_179 = arith.constant 480 : i32
    %dma_start3A_180 = tpu.memref_slice %arg9[%dma_start3A_173, %dma_start3A_179] : memref<2x800xi32, #tpu.memory_space<vmem>> -> memref<1x80xi32, #tpu.memory_space<vmem>>
    %dma_start3A_181 = tpu.memref_squeeze %dma_start3A_180 : memref<1x80xi32, #tpu.memory_space<vmem>> -> memref<80xi32, #tpu.memory_space<vmem>>
    %dma_start3A_182 = arith.constant 0 : i32
    %dma_start3A_183 = arith.constant 0 : i32
    %dma_start3A_184 = tpu.memref_slice %arg5[%dma_start3A_182, %dma_start3A_183] : memref<2000000x64xf32, #tpu.memory_space<hbm>> -> memref<2000000x64xf32, #tpu.memory_space<hbm>>
    tpu.enqueue_indirect_dma source(%dma_start3A_184 : memref<2000000x64xf32, #tpu.memory_space<hbm>>) target(%dma_start3A_178 : memref<80x64xf32, #tpu.memory_space<vmem>>) offsets(%dma_start3A_181 : memref<80xi32, #tpu.memory_space<vmem>>) semaphore(%arg16 : memref<!tpu.dma_semaphore, #tpu.memory_space<semaphore_mem>>)
    %dma_start3A_185 = arith.constant 0 : i32
    %dma_start3A_186 = arith.constant 0 : i32
    %dma_start3A_187 = arith.constant 560 : i32
    %dma_start3A_188 = arith.constant 0 : i32
    %dma_start3A_189 = tpu.memref_slice %arg11[%dma_start3A_186, %dma_start3A_187, %dma_start3A_188] : memref<2x800x64xf32, #tpu.memory_space<vmem>> -> memref<1x80x64xf32, #tpu.memory_space<vmem>>
    %dma_start3A_190 = tpu.memref_squeeze %dma_start3A_189 : memref<1x80x64xf32, #tpu.memory_space<vmem>> -> memref<80x64xf32, #tpu.memory_space<vmem>>
    %dma_start3A_191 = arith.constant 560 : i32
    %dma_start3A_192 = tpu.memref_slice %arg9[%dma_start3A_185, %dma_start3A_191] : memref<2x800xi32, #tpu.memory_space<vmem>> -> memref<1x80xi32, #tpu.memory_space<vmem>>
    %dma_start3A_193 = tpu.memref_squeeze %dma_start3A_192 : memref<1x80xi32, #tpu.memory_space<vmem>> -> memref<80xi32, #tpu.memory_space<vmem>>
    %dma_start3A_194 = arith.constant 0 : i32
    %dma_start3A_195 = arith.constant 0 : i32
    %dma_start3A_196 = tpu.memref_slice %arg5[%dma_start3A_194, %dma_start3A_195] : memref<2000000x64xf32, #tpu.memory_space<hbm>> -> memref<2000000x64xf32, #tpu.memory_space<hbm>>
    tpu.enqueue_indirect_dma source(%dma_start3A_196 : memref<2000000x64xf32, #tpu.memory_space<hbm>>) target(%dma_start3A_190 : memref<80x64xf32, #tpu.memory_space<vmem>>) offsets(%dma_start3A_193 : memref<80xi32, #tpu.memory_space<vmem>>) semaphore(%arg16 : memref<!tpu.dma_semaphore, #tpu.memory_space<semaphore_mem>>)
    %dma_start3A_197 = arith.constant 0 : i32
    %dma_start3A_198 = arith.constant 0 : i32
    %dma_start3A_199 = arith.constant 640 : i32
    %dma_start3A_200 = arith.constant 0 : i32
    %dma_start3A_201 = tpu.memref_slice %arg11[%dma_start3A_198, %dma_start3A_199, %dma_start3A_200] : memref<2x800x64xf32, #tpu.memory_space<vmem>> -> memref<1x80x64xf32, #tpu.memory_space<vmem>>
    %dma_start3A_202 = tpu.memref_squeeze %dma_start3A_201 : memref<1x80x64xf32, #tpu.memory_space<vmem>> -> memref<80x64xf32, #tpu.memory_space<vmem>>
    %dma_start3A_203 = arith.constant 640 : i32
    %dma_start3A_204 = tpu.memref_slice %arg9[%dma_start3A_197, %dma_start3A_203] : memref<2x800xi32, #tpu.memory_space<vmem>> -> memref<1x80xi32, #tpu.memory_space<vmem>>
    %dma_start3A_205 = tpu.memref_squeeze %dma_start3A_204 : memref<1x80xi32, #tpu.memory_space<vmem>> -> memref<80xi32, #tpu.memory_space<vmem>>
    %dma_start3A_206 = arith.constant 0 : i32
    %dma_start3A_207 = arith.constant 0 : i32
    %dma_start3A_208 = tpu.memref_slice %arg5[%dma_start3A_206, %dma_start3A_207] : memref<2000000x64xf32, #tpu.memory_space<hbm>> -> memref<2000000x64xf32, #tpu.memory_space<hbm>>
    tpu.enqueue_indirect_dma source(%dma_start3A_208 : memref<2000000x64xf32, #tpu.memory_space<hbm>>) target(%dma_start3A_202 : memref<80x64xf32, #tpu.memory_space<vmem>>) offsets(%dma_start3A_205 : memref<80xi32, #tpu.memory_space<vmem>>) semaphore(%arg16 : memref<!tpu.dma_semaphore, #tpu.memory_space<semaphore_mem>>)
    %dma_start3A_209 = arith.constant 0 : i32
    %dma_start3A_210 = arith.constant 0 : i32
    %dma_start3A_211 = arith.constant 720 : i32
    %dma_start3A_212 = arith.constant 0 : i32
    %dma_start3A_213 = tpu.memref_slice %arg11[%dma_start3A_210, %dma_start3A_211, %dma_start3A_212] : memref<2x800x64xf32, #tpu.memory_space<vmem>> -> memref<1x80x64xf32, #tpu.memory_space<vmem>>
    %dma_start3A_214 = tpu.memref_squeeze %dma_start3A_213 : memref<1x80x64xf32, #tpu.memory_space<vmem>> -> memref<80x64xf32, #tpu.memory_space<vmem>>
    %dma_start3A_215 = arith.constant 720 : i32
    %dma_start3A_216 = tpu.memref_slice %arg9[%dma_start3A_209, %dma_start3A_215] : memref<2x800xi32, #tpu.memory_space<vmem>> -> memref<1x80xi32, #tpu.memory_space<vmem>>
    %dma_start3A_217 = tpu.memref_squeeze %dma_start3A_216 : memref<1x80xi32, #tpu.memory_space<vmem>> -> memref<80xi32, #tpu.memory_space<vmem>>
    %dma_start3A_218 = arith.constant 0 : i32
    %dma_start3A_219 = arith.constant 0 : i32
    %dma_start3A_220 = tpu.memref_slice %arg5[%dma_start3A_218, %dma_start3A_219] : memref<2000000x64xf32, #tpu.memory_space<hbm>> -> memref<2000000x64xf32, #tpu.memory_space<hbm>>
    tpu.enqueue_indirect_dma source(%dma_start3A_220 : memref<2000000x64xf32, #tpu.memory_space<hbm>>) target(%dma_start3A_214 : memref<80x64xf32, #tpu.memory_space<vmem>>) offsets(%dma_start3A_217 : memref<80xi32, #tpu.memory_space<vmem>>) semaphore(%arg16 : memref<!tpu.dma_semaphore, #tpu.memory_space<semaphore_mem>>)
    %dma_wait3A_221 = arith.constant 1 : i32
    %dma_wait3A_222 = arith.constant 0 : i32
    %dma_wait3A_223 = tpu.memref_slice %arg7[%dma_wait3A_221, %dma_wait3A_222] : memref<2x16xi32, #tpu.memory_space<vmem>> -> memref<1x16xi32, #tpu.memory_space<vmem>>
    %dma_wait3A_224 = tpu.memref_squeeze %dma_wait3A_223 : memref<1x16xi32, #tpu.memory_space<vmem>> -> memref<16xi32, #tpu.memory_space<vmem>>
    %dma_wait3A_225 = arith.constant 0 : i32
    %dma_wait3A_226 = tpu.memref_slice %arg2[%dma_wait3A_225] : memref<16384xi32, #tpu.memory_space<hbm>> -> memref<16xi32, #tpu.memory_space<hbm>>
    %dma_wait3A_227 = arith.constant 0 : i32
    %dma_wait3A_228 = tpu.memref_slice %arg7[%dma_wait3A_221, %dma_wait3A_227] : memref<2x16xi32, #tpu.memory_space<vmem>> -> memref<1x16xi32, #tpu.memory_space<vmem>>
    %dma_wait3A_229 = tpu.memref_squeeze %dma_wait3A_228 : memref<1x16xi32, #tpu.memory_space<vmem>> -> memref<16xi32, #tpu.memory_space<vmem>>
    %dma_wait3A_230 = arith.constant 0 : i32
    %dma_wait3A_231 = tpu.memref_slice %arg2[%dma_wait3A_230] : memref<16384xi32, #tpu.memory_space<hbm>> -> memref<16xi32, #tpu.memory_space<hbm>>
    tpu.wait_dma2 semaphore(%arg15 : memref<!tpu.dma_semaphore, #tpu.memory_space<semaphore_mem>>) src(%dma_wait3A_231 : memref<16xi32, #tpu.memory_space<hbm>>) dst(%dma_wait3A_229 : memref<16xi32, #tpu.memory_space<vmem>>)
    %dma_wait3A_232 = arith.constant 1 : i32
    %dma_wait3A_233 = arith.constant 0 : i32
    %dma_wait3A_234 = arith.constant 0 : i32
    %dma_wait3A_235 = tpu.memref_slice %arg8[%dma_wait3A_232, %dma_wait3A_233, %dma_wait3A_234] : memref<2x50x16xi32, #tpu.memory_space<vmem>> -> memref<1x50x16xi32, #tpu.memory_space<vmem>>
    %dma_wait3A_236 = tpu.memref_squeeze %dma_wait3A_235 : memref<1x50x16xi32, #tpu.memory_space<vmem>> -> memref<50x16xi32, #tpu.memory_space<vmem>>
    %dma_wait3A_237 = arith.constant 0 : i32
    %dma_wait3A_238 = arith.constant 0 : i32
    %dma_wait3A_239 = tpu.memref_slice %arg3[%dma_wait3A_237, %dma_wait3A_238] : memref<50x16384xi32, #tpu.memory_space<hbm>> -> memref<50x16xi32, #tpu.memory_space<hbm>>
    %dma_wait3A_240 = arith.constant 0 : i32
    %dma_wait3A_241 = arith.constant 0 : i32
    %dma_wait3A_242 = tpu.memref_slice %arg8[%dma_wait3A_232, %dma_wait3A_240, %dma_wait3A_241] : memref<2x50x16xi32, #tpu.memory_space<vmem>> -> memref<1x50x16xi32, #tpu.memory_space<vmem>>
    %dma_wait3A_243 = tpu.memref_squeeze %dma_wait3A_242 : memref<1x50x16xi32, #tpu.memory_space<vmem>> -> memref<50x16xi32, #tpu.memory_space<vmem>>
    %dma_wait3A_244 = arith.constant 0 : i32
    %dma_wait3A_245 = arith.constant 0 : i32
    %dma_wait3A_246 = tpu.memref_slice %arg3[%dma_wait3A_244, %dma_wait3A_245] : memref<50x16384xi32, #tpu.memory_space<hbm>> -> memref<50x16xi32, #tpu.memory_space<hbm>>
    tpu.wait_dma2 semaphore(%arg15 : memref<!tpu.dma_semaphore, #tpu.memory_space<semaphore_mem>>) src(%dma_wait3A_246 : memref<50x16xi32, #tpu.memory_space<hbm>>) dst(%dma_wait3A_243 : memref<50x16xi32, #tpu.memory_space<vmem>>)
    %get3A_247 = arith.constant 1 : i32
    %get3A_248 = arith.index_cast %get3A_247 : i32 to index
    %get3A_249 = arith.constant 0 : index
    %get3A_250 = tpu.vector_load %arg7[%get3A_248, %get3A_249] {strides = array<i32>} : memref<2x16xi32, #tpu.memory_space<vmem>>, vector<16xi32>,
    %mul3A_251 = arith.constant 2 : i32
    %mul3A_252 = vector.broadcast %mul3A_251 : i32 to vector<16xi32>
    %mul3A_253 = arith.muli %get3A_250, %mul3A_252 : vector<16xi32>
    %swap3A_254 = arith.constant 1 : i32
    %swap3A_255 = arith.index_cast %swap3A_254 : i32 to index
    %swap3A_256 = arith.constant 0 : index
    %swap3A_257 = tpu.vector_load %arg7[%swap3A_255, %swap3A_256] {strides = array<i32>} : memref<2x16xi32, #tpu.memory_space<vmem>>, vector<16xi32>,
    tpu.vector_store %arg7[%swap3A_255, %swap3A_256], %mul3A_253 {strides = array<i32>} : memref<2x16xi32, #tpu.memory_space<vmem>>, vector<16xi32>,
    %dma_start3A_258 = arith.constant 1 : i32
    %dma_start3A_259 = arith.constant 1 : i32
    %dma_start3A_260 = arith.constant 0 : i32
    %dma_start3A_261 = arith.constant 0 : i32
    %dma_start3A_262 = tpu.memref_slice %arg10[%dma_start3A_259, %dma_start3A_260, %dma_start3A_261] : memref<2x16x64xf32, #tpu.memory_space<vmem>> -> memref<1x16x64xf32, #tpu.memory_space<vmem>>
    %dma_start3A_263 = tpu.memref_squeeze %dma_start3A_262 : memref<1x16x64xf32, #tpu.memory_space<vmem>> -> memref<16x64xf32, #tpu.memory_space<vmem>>
    %dma_start3A_264 = arith.constant 0 : i32
    %dma_start3A_265 = tpu.memref_slice %arg7[%dma_start3A_258, %dma_start3A_264] : memref<2x16xi32, #tpu.memory_space<vmem>> -> memref<1x16xi32, #tpu.memory_space<vmem>>
    %dma_start3A_266 = tpu.memref_squeeze %dma_start3A_265 : memref<1x16xi32, #tpu.memory_space<vmem>> -> memref<16xi32, #tpu.memory_space<vmem>>
    %dma_start3A_267 = arith.constant 0 : i32
    %dma_start3A_268 = arith.constant 0 : i32
    %dma_start3A_269 = tpu.memref_slice %arg4[%dma_start3A_267, %dma_start3A_268] : memref<2000000x64xf32, #tpu.memory_space<hbm>> -> memref<2000000x64xf32, #tpu.memory_space<hbm>>
    tpu.enqueue_indirect_dma source(%dma_start3A_269 : memref<2000000x64xf32, #tpu.memory_space<hbm>>) target(%dma_start3A_263 : memref<16x64xf32, #tpu.memory_space<vmem>>) offsets(%dma_start3A_266 : memref<16xi32, #tpu.memory_space<vmem>>) semaphore(%arg17 : memref<!tpu.dma_semaphore, #tpu.memory_space<semaphore_mem>>)
    %parallel_loop3A_270 = arith.constant 0 : i32
    %parallel_loop3A_271 = arith.constant 50 : i32
    %parallel_loop3A_272 = arith.constant 1 : i32
    scf.for %parallel_loop3A_813 = %parallel_loop3A_270 to %parallel_loop3A_271 step %parallel_loop3A_272  : i32 {
      %parallel_loop3A_814 = arith.constant 1 : i32
      %parallel_loop3A_815 = arith.index_cast %parallel_loop3A_814 : i32 to index
      %parallel_loop3A_816 = arith.index_cast %parallel_loop3A_813 : i32 to index
      %parallel_loop3A_817 = arith.constant 0 : index
      %parallel_loop3A_818 = tpu.vector_load %arg8[%parallel_loop3A_815, %parallel_loop3A_816, %parallel_loop3A_817] {strides = array<i32>} : memref<2x50x16xi32, #tpu.memory_space<vmem>>, vector<16xi32>,
      %parallel_loop3A_819 = arith.constant 2 : i32
      %parallel_loop3A_820 = vector.broadcast %parallel_loop3A_819 : i32 to vector<16xi32>
      %parallel_loop3A_821 = arith.muli %parallel_loop3A_818, %parallel_loop3A_820 : vector<16xi32>
      %parallel_loop3A_822 = arith.constant 16 : i32
      %parallel_loop3A_823 = arith.muli %parallel_loop3A_813, %parallel_loop3A_822 : i32
      %parallel_loop3A_824 = arith.constant 1 : i32
      %parallel_loop3A_825 = arith.index_cast %parallel_loop3A_824 : i32 to index
      %parallel_loop3A_826 = arith.index_cast %parallel_loop3A_823 : i32 to index
      %parallel_loop3A_827 = tpu.vector_load %arg9[%parallel_loop3A_825, %parallel_loop3A_826] {strides = array<i32>} : memref<2x800xi32, #tpu.memory_space<vmem>>, vector<16xi32>,
      tpu.vector_store %arg9[%parallel_loop3A_825, %parallel_loop3A_826], %parallel_loop3A_821 {strides = array<i32>} : memref<2x800xi32, #tpu.memory_space<vmem>>, vector<16xi32>,
    } {sc.loop_unroll_factor = 5 : i64, sc.parallel_access}
    %dma_start3A_273 = arith.constant 1 : i32
    %dma_start3A_274 = arith.constant 1 : i32
    %dma_start3A_275 = arith.constant 0 : i32
    %dma_start3A_276 = arith.constant 0 : i32
    %dma_start3A_277 = tpu.memref_slice %arg11[%dma_start3A_274, %dma_start3A_275, %dma_start3A_276] : memref<2x800x64xf32, #tpu.memory_space<vmem>> -> memref<1x80x64xf32, #tpu.memory_space<vmem>>
    %dma_start3A_278 = tpu.memref_squeeze %dma_start3A_277 : memref<1x80x64xf32, #tpu.memory_space<vmem>> -> memref<80x64xf32, #tpu.memory_space<vmem>>
    %dma_start3A_279 = arith.constant 0 : i32
    %dma_start3A_280 = tpu.memref_slice %arg9[%dma_start3A_273, %dma_start3A_279] : memref<2x800xi32, #tpu.memory_space<vmem>> -> memref<1x80xi32, #tpu.memory_space<vmem>>
    %dma_start3A_281 = tpu.memref_squeeze %dma_start3A_280 : memref<1x80xi32, #tpu.memory_space<vmem>> -> memref<80xi32, #tpu.memory_space<vmem>>
    %dma_start3A_282 = arith.constant 0 : i32
    %dma_start3A_283 = arith.constant 0 : i32
    %dma_start3A_284 = tpu.memref_slice %arg5[%dma_start3A_282, %dma_start3A_283] : memref<2000000x64xf32, #tpu.memory_space<hbm>> -> memref<2000000x64xf32, #tpu.memory_space<hbm>>
    tpu.enqueue_indirect_dma source(%dma_start3A_284 : memref<2000000x64xf32, #tpu.memory_space<hbm>>) target(%dma_start3A_278 : memref<80x64xf32, #tpu.memory_space<vmem>>) offsets(%dma_start3A_281 : memref<80xi32, #tpu.memory_space<vmem>>) semaphore(%arg17 : memref<!tpu.dma_semaphore, #tpu.memory_space<semaphore_mem>>)
    %dma_start3A_285 = arith.constant 1 : i32
    %dma_start3A_286 = arith.constant 1 : i32
    %dma_start3A_287 = arith.constant 80 : i32
    %dma_start3A_288 = arith.constant 0 : i32
    %dma_start3A_289 = tpu.memref_slice %arg11[%dma_start3A_286, %dma_start3A_287, %dma_start3A_288] : memref<2x800x64xf32, #tpu.memory_space<vmem>> -> memref<1x80x64xf32, #tpu.memory_space<vmem>>
    %dma_start3A_290 = tpu.memref_squeeze %dma_start3A_289 : memref<1x80x64xf32, #tpu.memory_space<vmem>> -> memref<80x64xf32, #tpu.memory_space<vmem>>
    %dma_start3A_291 = arith.constant 80 : i32
    %dma_start3A_292 = tpu.memref_slice %arg9[%dma_start3A_285, %dma_start3A_291] : memref<2x800xi32, #tpu.memory_space<vmem>> -> memref<1x80xi32, #tpu.memory_space<vmem>>
    %dma_start3A_293 = tpu.memref_squeeze %dma_start3A_292 : memref<1x80xi32, #tpu.memory_space<vmem>> -> memref<80xi32, #tpu.memory_space<vmem>>
    %dma_start3A_294 = arith.constant 0 : i32
    %dma_start3A_295 = arith.constant 0 : i32
    %dma_start3A_296 = tpu.memref_slice %arg5[%dma_start3A_294, %dma_start3A_295] : memref<2000000x64xf32, #tpu.memory_space<hbm>> -> memref<2000000x64xf32, #tpu.memory_space<hbm>>
    tpu.enqueue_indirect_dma source(%dma_start3A_296 : memref<2000000x64xf32, #tpu.memory_space<hbm>>) target(%dma_start3A_290 : memref<80x64xf32, #tpu.memory_space<vmem>>) offsets(%dma_start3A_293 : memref<80xi32, #tpu.memory_space<vmem>>) semaphore(%arg17 : memref<!tpu.dma_semaphore, #tpu.memory_space<semaphore_mem>>)
    %dma_start3A_297 = arith.constant 1 : i32
    %dma_start3A_298 = arith.constant 1 : i32
    %dma_start3A_299 = arith.constant 160 : i32
    %dma_start3A_300 = arith.constant 0 : i32
    %dma_start3A_301 = tpu.memref_slice %arg11[%dma_start3A_298, %dma_start3A_299, %dma_start3A_300] : memref<2x800x64xf32, #tpu.memory_space<vmem>> -> memref<1x80x64xf32, #tpu.memory_space<vmem>>
    %dma_start3A_302 = tpu.memref_squeeze %dma_start3A_301 : memref<1x80x64xf32, #tpu.memory_space<vmem>> -> memref<80x64xf32, #tpu.memory_space<vmem>>
    %dma_start3A_303 = arith.constant 160 : i32
    %dma_start3A_304 = tpu.memref_slice %arg9[%dma_start3A_297, %dma_start3A_303] : memref<2x800xi32, #tpu.memory_space<vmem>> -> memref<1x80xi32, #tpu.memory_space<vmem>>
    %dma_start3A_305 = tpu.memref_squeeze %dma_start3A_304 : memref<1x80xi32, #tpu.memory_space<vmem>> -> memref<80xi32, #tpu.memory_space<vmem>>
    %dma_start3A_306 = arith.constant 0 : i32
    %dma_start3A_307 = arith.constant 0 : i32
    %dma_start3A_308 = tpu.memref_slice %arg5[%dma_start3A_306, %dma_start3A_307] : memref<2000000x64xf32, #tpu.memory_space<hbm>> -> memref<2000000x64xf32, #tpu.memory_space<hbm>>
    tpu.enqueue_indirect_dma source(%dma_start3A_308 : memref<2000000x64xf32, #tpu.memory_space<hbm>>) target(%dma_start3A_302 : memref<80x64xf32, #tpu.memory_space<vmem>>) offsets(%dma_start3A_305 : memref<80xi32, #tpu.memory_space<vmem>>) semaphore(%arg17 : memref<!tpu.dma_semaphore, #tpu.memory_space<semaphore_mem>>)
    %dma_start3A_309 = arith.constant 1 : i32
    %dma_start3A_310 = arith.constant 1 : i32
    %dma_start3A_311 = arith.constant 240 : i32
    %dma_start3A_312 = arith.constant 0 : i32
    %dma_start3A_313 = tpu.memref_slice %arg11[%dma_start3A_310, %dma_start3A_311, %dma_start3A_312] : memref<2x800x64xf32, #tpu.memory_space<vmem>> -> memref<1x80x64xf32, #tpu.memory_space<vmem>>
    %dma_start3A_314 = tpu.memref_squeeze %dma_start3A_313 : memref<1x80x64xf32, #tpu.memory_space<vmem>> -> memref<80x64xf32, #tpu.memory_space<vmem>>
    %dma_start3A_315 = arith.constant 240 : i32
    %dma_start3A_316 = tpu.memref_slice %arg9[%dma_start3A_309, %dma_start3A_315] : memref<2x800xi32, #tpu.memory_space<vmem>> -> memref<1x80xi32, #tpu.memory_space<vmem>>
    %dma_start3A_317 = tpu.memref_squeeze %dma_start3A_316 : memref<1x80xi32, #tpu.memory_space<vmem>> -> memref<80xi32, #tpu.memory_space<vmem>>
    %dma_start3A_318 = arith.constant 0 : i32
    %dma_start3A_319 = arith.constant 0 : i32
    %dma_start3A_320 = tpu.memref_slice %arg5[%dma_start3A_318, %dma_start3A_319] : memref<2000000x64xf32, #tpu.memory_space<hbm>> -> memref<2000000x64xf32, #tpu.memory_space<hbm>>
    tpu.enqueue_indirect_dma source(%dma_start3A_320 : memref<2000000x64xf32, #tpu.memory_space<hbm>>) target(%dma_start3A_314 : memref<80x64xf32, #tpu.memory_space<vmem>>) offsets(%dma_start3A_317 : memref<80xi32, #tpu.memory_space<vmem>>) semaphore(%arg17 : memref<!tpu.dma_semaphore, #tpu.memory_space<semaphore_mem>>)
    %dma_start3A_321 = arith.constant 1 : i32
    %dma_start3A_322 = arith.constant 1 : i32
    %dma_start3A_323 = arith.constant 320 : i32
    %dma_start3A_324 = arith.constant 0 : i32
    %dma_start3A_325 = tpu.memref_slice %arg11[%dma_start3A_322, %dma_start3A_323, %dma_start3A_324] : memref<2x800x64xf32, #tpu.memory_space<vmem>> -> memref<1x80x64xf32, #tpu.memory_space<vmem>>
    %dma_start3A_326 = tpu.memref_squeeze %dma_start3A_325 : memref<1x80x64xf32, #tpu.memory_space<vmem>> -> memref<80x64xf32, #tpu.memory_space<vmem>>
    %dma_start3A_327 = arith.constant 320 : i32
    %dma_start3A_328 = tpu.memref_slice %arg9[%dma_start3A_321, %dma_start3A_327] : memref<2x800xi32, #tpu.memory_space<vmem>> -> memref<1x80xi32, #tpu.memory_space<vmem>>
    %dma_start3A_329 = tpu.memref_squeeze %dma_start3A_328 : memref<1x80xi32, #tpu.memory_space<vmem>> -> memref<80xi32, #tpu.memory_space<vmem>>
    %dma_start3A_330 = arith.constant 0 : i32
    %dma_start3A_331 = arith.constant 0 : i32
    %dma_start3A_332 = tpu.memref_slice %arg5[%dma_start3A_330, %dma_start3A_331] : memref<2000000x64xf32, #tpu.memory_space<hbm>> -> memref<2000000x64xf32, #tpu.memory_space<hbm>>
    tpu.enqueue_indirect_dma source(%dma_start3A_332 : memref<2000000x64xf32, #tpu.memory_space<hbm>>) target(%dma_start3A_326 : memref<80x64xf32, #tpu.memory_space<vmem>>) offsets(%dma_start3A_329 : memref<80xi32, #tpu.memory_space<vmem>>) semaphore(%arg17 : memref<!tpu.dma_semaphore, #tpu.memory_space<semaphore_mem>>)
    %dma_start3A_333 = arith.constant 1 : i32
    %dma_start3A_334 = arith.constant 1 : i32
    %dma_start3A_335 = arith.constant 400 : i32
    %dma_start3A_336 = arith.constant 0 : i32
    %dma_start3A_337 = tpu.memref_slice %arg11[%dma_start3A_334, %dma_start3A_335, %dma_start3A_336] : memref<2x800x64xf32, #tpu.memory_space<vmem>> -> memref<1x80x64xf32, #tpu.memory_space<vmem>>
    %dma_start3A_338 = tpu.memref_squeeze %dma_start3A_337 : memref<1x80x64xf32, #tpu.memory_space<vmem>> -> memref<80x64xf32, #tpu.memory_space<vmem>>
    %dma_start3A_339 = arith.constant 400 : i32
    %dma_start3A_340 = tpu.memref_slice %arg9[%dma_start3A_333, %dma_start3A_339] : memref<2x800xi32, #tpu.memory_space<vmem>> -> memref<1x80xi32, #tpu.memory_space<vmem>>
    %dma_start3A_341 = tpu.memref_squeeze %dma_start3A_340 : memref<1x80xi32, #tpu.memory_space<vmem>> -> memref<80xi32, #tpu.memory_space<vmem>>
    %dma_start3A_342 = arith.constant 0 : i32
    %dma_start3A_343 = arith.constant 0 : i32
    %dma_start3A_344 = tpu.memref_slice %arg5[%dma_start3A_342, %dma_start3A_343] : memref<2000000x64xf32, #tpu.memory_space<hbm>> -> memref<2000000x64xf32, #tpu.memory_space<hbm>>
    tpu.enqueue_indirect_dma source(%dma_start3A_344 : memref<2000000x64xf32, #tpu.memory_space<hbm>>) target(%dma_start3A_338 : memref<80x64xf32, #tpu.memory_space<vmem>>) offsets(%dma_start3A_341 : memref<80xi32, #tpu.memory_space<vmem>>) semaphore(%arg17 : memref<!tpu.dma_semaphore, #tpu.memory_space<semaphore_mem>>)
    %dma_start3A_345 = arith.constant 1 : i32
    %dma_start3A_346 = arith.constant 1 : i32
    %dma_start3A_347 = arith.constant 480 : i32
    %dma_start3A_348 = arith.constant 0 : i32
    %dma_start3A_349 = tpu.memref_slice %arg11[%dma_start3A_346, %dma_start3A_347, %dma_start3A_348] : memref<2x800x64xf32, #tpu.memory_space<vmem>> -> memref<1x80x64xf32, #tpu.memory_space<vmem>>
    %dma_start3A_350 = tpu.memref_squeeze %dma_start3A_349 : memref<1x80x64xf32, #tpu.memory_space<vmem>> -> memref<80x64xf32, #tpu.memory_space<vmem>>
    %dma_start3A_351 = arith.constant 480 : i32
    %dma_start3A_352 = tpu.memref_slice %arg9[%dma_start3A_345, %dma_start3A_351] : memref<2x800xi32, #tpu.memory_space<vmem>> -> memref<1x80xi32, #tpu.memory_space<vmem>>
    %dma_start3A_353 = tpu.memref_squeeze %dma_start3A_352 : memref<1x80xi32, #tpu.memory_space<vmem>> -> memref<80xi32, #tpu.memory_space<vmem>>
    %dma_start3A_354 = arith.constant 0 : i32
    %dma_start3A_355 = arith.constant 0 : i32
    %dma_start3A_356 = tpu.memref_slice %arg5[%dma_start3A_354, %dma_start3A_355] : memref<2000000x64xf32, #tpu.memory_space<hbm>> -> memref<2000000x64xf32, #tpu.memory_space<hbm>>
    tpu.enqueue_indirect_dma source(%dma_start3A_356 : memref<2000000x64xf32, #tpu.memory_space<hbm>>) target(%dma_start3A_350 : memref<80x64xf32, #tpu.memory_space<vmem>>) offsets(%dma_start3A_353 : memref<80xi32, #tpu.memory_space<vmem>>) semaphore(%arg17 : memref<!tpu.dma_semaphore, #tpu.memory_space<semaphore_mem>>)
    %dma_start3A_357 = arith.constant 1 : i32
    %dma_start3A_358 = arith.constant 1 : i32
    %dma_start3A_359 = arith.constant 560 : i32
    %dma_start3A_360 = arith.constant 0 : i32
    %dma_start3A_361 = tpu.memref_slice %arg11[%dma_start3A_358, %dma_start3A_359, %dma_start3A_360] : memref<2x800x64xf32, #tpu.memory_space<vmem>> -> memref<1x80x64xf32, #tpu.memory_space<vmem>>
    %dma_start3A_362 = tpu.memref_squeeze %dma_start3A_361 : memref<1x80x64xf32, #tpu.memory_space<vmem>> -> memref<80x64xf32, #tpu.memory_space<vmem>>
    %dma_start3A_363 = arith.constant 560 : i32
    %dma_start3A_364 = tpu.memref_slice %arg9[%dma_start3A_357, %dma_start3A_363] : memref<2x800xi32, #tpu.memory_space<vmem>> -> memref<1x80xi32, #tpu.memory_space<vmem>>
    %dma_start3A_365 = tpu.memref_squeeze %dma_start3A_364 : memref<1x80xi32, #tpu.memory_space<vmem>> -> memref<80xi32, #tpu.memory_space<vmem>>
    %dma_start3A_366 = arith.constant 0 : i32
    %dma_start3A_367 = arith.constant 0 : i32
    %dma_start3A_368 = tpu.memref_slice %arg5[%dma_start3A_366, %dma_start3A_367] : memref<2000000x64xf32, #tpu.memory_space<hbm>> -> memref<2000000x64xf32, #tpu.memory_space<hbm>>
    tpu.enqueue_indirect_dma source(%dma_start3A_368 : memref<2000000x64xf32, #tpu.memory_space<hbm>>) target(%dma_start3A_362 : memref<80x64xf32, #tpu.memory_space<vmem>>) offsets(%dma_start3A_365 : memref<80xi32, #tpu.memory_space<vmem>>) semaphore(%arg17 : memref<!tpu.dma_semaphore, #tpu.memory_space<semaphore_mem>>)
    %dma_start3A_369 = arith.constant 1 : i32
    %dma_start3A_370 = arith.constant 1 : i32
    %dma_start3A_371 = arith.constant 640 : i32
    %dma_start3A_372 = arith.constant 0 : i32
    %dma_start3A_373 = tpu.memref_slice %arg11[%dma_start3A_370, %dma_start3A_371, %dma_start3A_372] : memref<2x800x64xf32, #tpu.memory_space<vmem>> -> memref<1x80x64xf32, #tpu.memory_space<vmem>>
    %dma_start3A_374 = tpu.memref_squeeze %dma_start3A_373 : memref<1x80x64xf32, #tpu.memory_space<vmem>> -> memref<80x64xf32, #tpu.memory_space<vmem>>
    %dma_start3A_375 = arith.constant 640 : i32
    %dma_start3A_376 = tpu.memref_slice %arg9[%dma_start3A_369, %dma_start3A_375] : memref<2x800xi32, #tpu.memory_space<vmem>> -> memref<1x80xi32, #tpu.memory_space<vmem>>
    %dma_start3A_377 = tpu.memref_squeeze %dma_start3A_376 : memref<1x80xi32, #tpu.memory_space<vmem>> -> memref<80xi32, #tpu.memory_space<vmem>>
    %dma_start3A_378 = arith.constant 0 : i32
    %dma_start3A_379 = arith.constant 0 : i32
    %dma_start3A_380 = tpu.memref_slice %arg5[%dma_start3A_378, %dma_start3A_379] : memref<2000000x64xf32, #tpu.memory_space<hbm>> -> memref<2000000x64xf32, #tpu.memory_space<hbm>>
    tpu.enqueue_indirect_dma source(%dma_start3A_380 : memref<2000000x64xf32, #tpu.memory_space<hbm>>) target(%dma_start3A_374 : memref<80x64xf32, #tpu.memory_space<vmem>>) offsets(%dma_start3A_377 : memref<80xi32, #tpu.memory_space<vmem>>) semaphore(%arg17 : memref<!tpu.dma_semaphore, #tpu.memory_space<semaphore_mem>>)
    %dma_start3A_381 = arith.constant 1 : i32
    %dma_start3A_382 = arith.constant 1 : i32
    %dma_start3A_383 = arith.constant 720 : i32
    %dma_start3A_384 = arith.constant 0 : i32
    %dma_start3A_385 = tpu.memref_slice %arg11[%dma_start3A_382, %dma_start3A_383, %dma_start3A_384] : memref<2x800x64xf32, #tpu.memory_space<vmem>> -> memref<1x80x64xf32, #tpu.memory_space<vmem>>
    %dma_start3A_386 = tpu.memref_squeeze %dma_start3A_385 : memref<1x80x64xf32, #tpu.memory_space<vmem>> -> memref<80x64xf32, #tpu.memory_space<vmem>>
    %dma_start3A_387 = arith.constant 720 : i32
    %dma_start3A_388 = tpu.memref_slice %arg9[%dma_start3A_381, %dma_start3A_387] : memref<2x800xi32, #tpu.memory_space<vmem>> -> memref<1x80xi32, #tpu.memory_space<vmem>>
    %dma_start3A_389 = tpu.memref_squeeze %dma_start3A_388 : memref<1x80xi32, #tpu.memory_space<vmem>> -> memref<80xi32, #tpu.memory_space<vmem>>
    %dma_start3A_390 = arith.constant 0 : i32
    %dma_start3A_391 = arith.constant 0 : i32
    %dma_start3A_392 = tpu.memref_slice %arg5[%dma_start3A_390, %dma_start3A_391] : memref<2000000x64xf32, #tpu.memory_space<hbm>> -> memref<2000000x64xf32, #tpu.memory_space<hbm>>
    tpu.enqueue_indirect_dma source(%dma_start3A_392 : memref<2000000x64xf32, #tpu.memory_space<hbm>>) target(%dma_start3A_386 : memref<80x64xf32, #tpu.memory_space<vmem>>) offsets(%dma_start3A_389 : memref<80xi32, #tpu.memory_space<vmem>>) semaphore(%arg17 : memref<!tpu.dma_semaphore, #tpu.memory_space<semaphore_mem>>)
    %dma_wait3A_393 = arith.constant 0 : i32
    %dma_wait3A_394 = arith.constant 0 : i32
    %dma_wait3A_395 = arith.constant 0 : i32
    %dma_wait3A_396 = tpu.memref_slice %arg10[%dma_wait3A_393, %dma_wait3A_394, %dma_wait3A_395] : memref<2x16x64xf32, #tpu.memory_space<vmem>> -> memref<1x16x64xf32, #tpu.memory_space<vmem>>
    %dma_wait3A_397 = tpu.memref_squeeze %dma_wait3A_396 : memref<1x16x64xf32, #tpu.memory_space<vmem>> -> memref<16x64xf32, #tpu.memory_space<vmem>>
    %dma_wait3A_398 = arith.constant 0 : i32
    %dma_wait3A_399 = arith.constant 0 : i32
    %dma_wait3A_400 = tpu.memref_slice %arg4[%dma_wait3A_398, %dma_wait3A_399] : memref<2000000x64xf32, #tpu.memory_space<hbm>> -> memref<16x64xf32, #tpu.memory_space<hbm>>
    %dma_wait3A_401 = arith.constant 0 : i32
    %dma_wait3A_402 = arith.constant 0 : i32
    %dma_wait3A_403 = tpu.memref_slice %arg10[%dma_wait3A_393, %dma_wait3A_401, %dma_wait3A_402] : memref<2x16x64xf32, #tpu.memory_space<vmem>> -> memref<1x16x64xf32, #tpu.memory_space<vmem>>
    %dma_wait3A_404 = tpu.memref_squeeze %dma_wait3A_403 : memref<1x16x64xf32, #tpu.memory_space<vmem>> -> memref<16x64xf32, #tpu.memory_space<vmem>>
    %dma_wait3A_405 = arith.constant 0 : i32
    %dma_wait3A_406 = arith.constant 0 : i32
    %dma_wait3A_407 = tpu.memref_slice %arg4[%dma_wait3A_405, %dma_wait3A_406] : memref<2000000x64xf32, #tpu.memory_space<hbm>> -> memref<16x64xf32, #tpu.memory_space<hbm>>
    tpu.wait_dma2 semaphore(%arg16 : memref<!tpu.dma_semaphore, #tpu.memory_space<semaphore_mem>>) src(%dma_wait3A_407 : memref<16x64xf32, #tpu.memory_space<hbm>>) dst(%dma_wait3A_404 : memref<16x64xf32, #tpu.memory_space<vmem>>)
    %dma_wait3A_408 = arith.constant 0 : i32
    %dma_wait3A_409 = arith.constant 0 : i32
    %dma_wait3A_410 = arith.constant 0 : i32
    %dma_wait3A_411 = tpu.memref_slice %arg11[%dma_wait3A_408, %dma_wait3A_409, %dma_wait3A_410] : memref<2x800x64xf32, #tpu.memory_space<vmem>> -> memref<1x800x64xf32, #tpu.memory_space<vmem>>
    %dma_wait3A_412 = tpu.memref_squeeze %dma_wait3A_411 : memref<1x800x64xf32, #tpu.memory_space<vmem>> -> memref<800x64xf32, #tpu.memory_space<vmem>>
    %dma_wait3A_413 = arith.constant 0 : i32
    %dma_wait3A_414 = arith.constant 0 : i32
    %dma_wait3A_415 = tpu.memref_slice %arg5[%dma_wait3A_413, %dma_wait3A_414] : memref<2000000x64xf32, #tpu.memory_space<hbm>> -> memref<800x64xf32, #tpu.memory_space<hbm>>
    %dma_wait3A_416 = arith.constant 0 : i32
    %dma_wait3A_417 = arith.constant 0 : i32
    %dma_wait3A_418 = tpu.memref_slice %arg11[%dma_wait3A_408, %dma_wait3A_416, %dma_wait3A_417] : memref<2x800x64xf32, #tpu.memory_space<vmem>> -> memref<1x800x64xf32, #tpu.memory_space<vmem>>
    %dma_wait3A_419 = tpu.memref_squeeze %dma_wait3A_418 : memref<1x800x64xf32, #tpu.memory_space<vmem>> -> memref<800x64xf32, #tpu.memory_space<vmem>>
    %dma_wait3A_420 = arith.constant 0 : i32
    %dma_wait3A_421 = arith.constant 0 : i32
    %dma_wait3A_422 = tpu.memref_slice %arg5[%dma_wait3A_420, %dma_wait3A_421] : memref<2000000x64xf32, #tpu.memory_space<hbm>> -> memref<800x64xf32, #tpu.memory_space<hbm>>
    tpu.wait_dma2 semaphore(%arg16 : memref<!tpu.dma_semaphore, #tpu.memory_space<semaphore_mem>>) src(%dma_wait3A_422 : memref<800x64xf32, #tpu.memory_space<hbm>>) dst(%dma_wait3A_419 : memref<800x64xf32, #tpu.memory_space<vmem>>)
    %min3A = arith.constant 2 : i32
    %min3A_423 = arith.constant 31 : i32
    %min3A_424 = arith.minsi %min3A, %min3A_423 : i32
    %mul3A_425 = arith.constant 16 : i32
    %mul3A_426 = arith.muli %min3A_424, %mul3A_425 : i32
    %add3A_427 = arith.addi %mul3A_2, %mul3A_426 : i32
    %dma_start3A_428 = arith.constant 0 : i32
    %dma_start3A_429 = arith.constant 0 : i32
    %dma_start3A_430 = tpu.memref_slice %arg7[%dma_start3A_428, %dma_start3A_429] : memref<2x16xi32, #tpu.memory_space<vmem>> -> memref<1x16xi32, #tpu.memory_space<vmem>>
    %dma_start3A_431 = tpu.memref_squeeze %dma_start3A_430 : memref<1x16xi32, #tpu.memory_space<vmem>> -> memref<16xi32, #tpu.memory_space<vmem>>
    %dma_start3A_432 = tpu.memref_slice %arg2[%add3A_427] : memref<16384xi32, #tpu.memory_space<hbm>> -> memref<16xi32, #tpu.memory_space<hbm>>
    %dma_start3A_433 = arith.constant 0 : i32
    %dma_start3A_434 = tpu.memref_slice %arg7[%dma_start3A_428, %dma_start3A_433] : memref<2x16xi32, #tpu.memory_space<vmem>> -> memref<1x16xi32, #tpu.memory_space<vmem>>
    %dma_start3A_435 = tpu.memref_squeeze %dma_start3A_434 : memref<1x16xi32, #tpu.memory_space<vmem>> -> memref<16xi32, #tpu.memory_space<vmem>>
    %dma_start3A_436 = tpu.memref_slice %arg2[%add3A_427] : memref<16384xi32, #tpu.memory_space<hbm>> -> memref<16xi32, #tpu.memory_space<hbm>>
    tpu.enqueue_dma source(%dma_start3A_436 : memref<16xi32, #tpu.memory_space<hbm>>) target(%dma_start3A_435 : memref<16xi32, #tpu.memory_space<vmem>>) target_semaphore(%arg14 : memref<!tpu.dma_semaphore, #tpu.memory_space<semaphore_mem>>)
    %dma_start3A_437 = arith.constant 0 : i32
    %dma_start3A_438 = arith.constant 0 : i32
    %dma_start3A_439 = arith.constant 0 : i32
    %dma_start3A_440 = tpu.memref_slice %arg8[%dma_start3A_437, %dma_start3A_438, %dma_start3A_439] : memref<2x50x16xi32, #tpu.memory_space<vmem>> -> memref<1x50x16xi32, #tpu.memory_space<vmem>>
    %dma_start3A_441 = tpu.memref_squeeze %dma_start3A_440 : memref<1x50x16xi32, #tpu.memory_space<vmem>> -> memref<50x16xi32, #tpu.memory_space<vmem>>
    %dma_start3A_442 = arith.constant 0 : i32
    %dma_start3A_443 = tpu.memref_slice %arg3[%dma_start3A_442, %add3A_427] : memref<50x16384xi32, #tpu.memory_space<hbm>> -> memref<50x16xi32, #tpu.memory_space<hbm>>
    %dma_start3A_444 = arith.constant 0 : i32
    %dma_start3A_445 = arith.constant 0 : i32
    %dma_start3A_446 = tpu.memref_slice %arg8[%dma_start3A_437, %dma_start3A_444, %dma_start3A_445] : memref<2x50x16xi32, #tpu.memory_space<vmem>> -> memref<1x50x16xi32, #tpu.memory_space<vmem>>
    %dma_start3A_447 = tpu.memref_squeeze %dma_start3A_446 : memref<1x50x16xi32, #tpu.memory_space<vmem>> -> memref<50x16xi32, #tpu.memory_space<vmem>>
    %dma_start3A_448 = arith.constant 0 : i32
    %dma_start3A_449 = tpu.memref_slice %arg3[%dma_start3A_448, %add3A_427] : memref<50x16384xi32, #tpu.memory_space<hbm>> -> memref<50x16xi32, #tpu.memory_space<hbm>>
    tpu.enqueue_dma source(%dma_start3A_449 : memref<50x16xi32, #tpu.memory_space<hbm>>) target(%dma_start3A_447 : memref<50x16xi32, #tpu.memory_space<vmem>>) target_semaphore(%arg14 : memref<!tpu.dma_semaphore, #tpu.memory_space<semaphore_mem>>)
    %scan3A = arith.constant 0 : i32
    %scan3A_450 = arith.constant 0 : i32
    %scan3A_451 = arith.constant 16 : i32
    %scan3A_452 = arith.addi %scan3A_450, %scan3A_451 : i32
    %scan3A_453 = arith.constant 1 : i32
    scf.for %scan3A_813 = %scan3A_450 to %scan3A_452 step %scan3A_453  : i32 {
      %get3A_814 = arith.constant 0 : i32
      %get3A_815 = arith.index_cast %get3A_814 : i32 to index
      %get3A_816 = arith.index_cast %scan3A_813 : i32 to index
      %get3A_817 = arith.constant 0 : index
      %get3A_818 = tpu.vector_load %arg10[%get3A_815, %get3A_816, %get3A_817] {strides = array<i32>} : memref<2x16x64xf32, #tpu.memory_space<vmem>>, vector<16xf32>,
      %get3A_819 = arith.constant 0 : i32
      %get3A_820 = arith.index_cast %get3A_819 : i32 to index
      %get3A_821 = arith.index_cast %scan3A_813 : i32 to index
      %get3A_822 = arith.constant 16 : index
      %get3A_823 = tpu.vector_load %arg10[%get3A_820, %get3A_821, %get3A_822] {strides = array<i32>} : memref<2x16x64xf32, #tpu.memory_space<vmem>>, vector<16xf32>,
      %get3A_824 = arith.constant 0 : i32
      %get3A_825 = arith.index_cast %get3A_824 : i32 to index
      %get3A_826 = arith.index_cast %scan3A_813 : i32 to index
      %get3A_827 = arith.constant 32 : index
      %get3A_828 = tpu.vector_load %arg10[%get3A_825, %get3A_826, %get3A_827] {strides = array<i32>} : memref<2x16x64xf32, #tpu.memory_space<vmem>>, vector<16xf32>,
      %get3A_829 = arith.constant 0 : i32
      %get3A_830 = arith.index_cast %get3A_829 : i32 to index
      %get3A_831 = arith.index_cast %scan3A_813 : i32 to index
      %get3A_832 = arith.constant 48 : index
      %get3A_833 = tpu.vector_load %arg10[%get3A_830, %get3A_831, %get3A_832] {strides = array<i32>} : memref<2x16x64xf32, #tpu.memory_space<vmem>>, vector<16xf32>,
      %parallel_loop3A_834 = arith.constant 0 : i32
      %parallel_loop3A_835 = arith.constant 50 : i32
      %parallel_loop3A_836 = arith.constant 1 : i32
      scf.for %parallel_loop3A_840 = %parallel_loop3A_834 to %parallel_loop3A_835 step %parallel_loop3A_836  : i32 {
        %parallel_loop3A_841 = arith.constant 16 : i32
        %parallel_loop3A_842 = arith.muli %parallel_loop3A_840, %parallel_loop3A_841 : i32
        %parallel_loop3A_843 = arith.addi %parallel_loop3A_842, %scan3A_813 : i32
        %parallel_loop3A_844 = arith.constant 0 : i32
        %parallel_loop3A_845 = arith.index_cast %parallel_loop3A_844 : i32 to index
        %parallel_loop3A_846 = arith.index_cast %parallel_loop3A_843 : i32 to index
        %parallel_loop3A_847 = arith.constant 0 : index
        %parallel_loop3A_848 = tpu.vector_load %arg11[%parallel_loop3A_845, %parallel_loop3A_846, %parallel_loop3A_847] {strides = array<i32>} : memref<2x800x64xf32, #tpu.memory_space<vmem>>, vector<16xf32>,
        %parallel_loop3A_849 = arith.mulf %parallel_loop3A_848, %get3A_818 : vector<16xf32>
        %parallel_loop3A_850 = arith.constant 0 : i32
        %parallel_loop3A_851 = arith.index_cast %parallel_loop3A_850 : i32 to index
        %parallel_loop3A_852 = arith.index_cast %parallel_loop3A_843 : i32 to index
        %parallel_loop3A_853 = arith.constant 16 : index
        %parallel_loop3A_854 = tpu.vector_load %arg11[%parallel_loop3A_851, %parallel_loop3A_852, %parallel_loop3A_853] {strides = array<i32>} : memref<2x800x64xf32, #tpu.memory_space<vmem>>, vector<16xf32>,
        %parallel_loop3A_855 = arith.mulf %parallel_loop3A_854, %get3A_823 : vector<16xf32>
        %parallel_loop3A_856 = arith.addf %parallel_loop3A_849, %parallel_loop3A_855 : vector<16xf32>
        %parallel_loop3A_857 = arith.constant 0 : i32
        %parallel_loop3A_858 = arith.index_cast %parallel_loop3A_857 : i32 to index
        %parallel_loop3A_859 = arith.index_cast %parallel_loop3A_843 : i32 to index
        %parallel_loop3A_860 = arith.constant 32 : index
        %parallel_loop3A_861 = tpu.vector_load %arg11[%parallel_loop3A_858, %parallel_loop3A_859, %parallel_loop3A_860] {strides = array<i32>} : memref<2x800x64xf32, #tpu.memory_space<vmem>>, vector<16xf32>,
        %parallel_loop3A_862 = arith.mulf %parallel_loop3A_861, %get3A_828 : vector<16xf32>
        %parallel_loop3A_863 = arith.constant 0 : i32
        %parallel_loop3A_864 = arith.index_cast %parallel_loop3A_863 : i32 to index
        %parallel_loop3A_865 = arith.index_cast %parallel_loop3A_843 : i32 to index
        %parallel_loop3A_866 = arith.constant 48 : index
        %parallel_loop3A_867 = tpu.vector_load %arg11[%parallel_loop3A_864, %parallel_loop3A_865, %parallel_loop3A_866] {strides = array<i32>} : memref<2x800x64xf32, #tpu.memory_space<vmem>>, vector<16xf32>,
        %parallel_loop3A_868 = arith.mulf %parallel_loop3A_867, %get3A_833 : vector<16xf32>
        %parallel_loop3A_869 = arith.addf %parallel_loop3A_862, %parallel_loop3A_868 : vector<16xf32>
        %parallel_loop3A_870 = arith.addf %parallel_loop3A_856, %parallel_loop3A_869 : vector<16xf32>
        %parallel_loop3A_871 = arith.constant 17 : i32
        %parallel_loop3A_872 = arith.muli %parallel_loop3A_840, %parallel_loop3A_871 : i32
        %parallel_loop3A_873 = arith.constant 0 : i32
        %parallel_loop3A_874 = arith.index_cast %parallel_loop3A_873 : i32 to index
        %parallel_loop3A_875 = arith.index_cast %parallel_loop3A_872 : i32 to index
        %parallel_loop3A_876 = tpu.vector_load %arg12[%parallel_loop3A_874, %parallel_loop3A_875] {strides = array<i32>} : memref<2x1104xf32, #tpu.memory_space<vmem>>, vector<16xf32>,
        tpu.vector_store %arg12[%parallel_loop3A_874, %parallel_loop3A_875], %parallel_loop3A_870 {strides = array<i32>} : memref<2x1104xf32, #tpu.memory_space<vmem>>, vector<16xf32>,
      } {sc.loop_unroll_factor = 5 : i64, sc.parallel_access}
      %parallel_loop3A_837 = arith.constant 0 : i32
      %parallel_loop3A_838 = arith.constant 4 : i32
      %parallel_loop3A_839 = arith.constant 1 : i32
      scf.for %parallel_loop3A_840 = %parallel_loop3A_837 to %parallel_loop3A_838 step %parallel_loop3A_839  : i32 {
        %parallel_loop3A_841 = arith.constant 272 : i32
        %parallel_loop3A_842 = arith.muli %parallel_loop3A_840, %parallel_loop3A_841 : i32
        %parallel_loop3A_843 = vector.broadcast %parallel_loop3A_842 : i32 to vector<16xi32>
        %parallel_loop3A_844 = arith.addi %mul3A_5, %parallel_loop3A_843 : vector<16xi32>
        %parallel_loop3A_845 = arith.constant 0 : i32
        %parallel_loop3A_846 = arith.constant 0 : i32
        %parallel_loop3A_847 = tpu.memref_slice %arg12[%parallel_loop3A_845, %parallel_loop3A_846] : memref<2x1104xf32, #tpu.memory_space<vmem>> -> memref<1x1104xf32, #tpu.memory_space<vmem>>
        %parallel_loop3A_848 = tpu.memref_squeeze %parallel_loop3A_847 : memref<1x1104xf32, #tpu.memory_space<vmem>> -> memref<1104xf32, #tpu.memory_space<vmem>>
        %parallel_loop3A_849 = tpu.vector_load_idx %parallel_loop3A_848[%parallel_loop3A_844] : memref<1104xf32, #tpu.memory_space<vmem>>[vector<16xi32>], vector<16xf32>,
        %parallel_loop3A_850 = arith.constant 1 : i32
        %parallel_loop3A_851 = arith.addi %parallel_loop3A_842, %parallel_loop3A_850 : i32
        %parallel_loop3A_852 = vector.broadcast %parallel_loop3A_851 : i32 to vector<16xi32>
        %parallel_loop3A_853 = arith.addi %mul3A_5, %parallel_loop3A_852 : vector<16xi32>
        %parallel_loop3A_854 = arith.constant 0 : i32
        %parallel_loop3A_855 = arith.constant 0 : i32
        %parallel_loop3A_856 = tpu.memref_slice %arg12[%parallel_loop3A_854, %parallel_loop3A_855] : memref<2x1104xf32, #tpu.memory_space<vmem>> -> memref<1x1104xf32, #tpu.memory_space<vmem>>
        %parallel_loop3A_857 = tpu.memref_squeeze %parallel_loop3A_856 : memref<1x1104xf32, #tpu.memory_space<vmem>> -> memref<1104xf32, #tpu.memory_space<vmem>>
        %parallel_loop3A_858 = tpu.vector_load_idx %parallel_loop3A_857[%parallel_loop3A_853] : memref<1104xf32, #tpu.memory_space<vmem>>[vector<16xi32>], vector<16xf32>,
        %parallel_loop3A_859 = arith.addf %parallel_loop3A_849, %parallel_loop3A_858 : vector<16xf32>
        %parallel_loop3A_860 = arith.constant 2 : i32
        %parallel_loop3A_861 = arith.addi %parallel_loop3A_842, %parallel_loop3A_860 : i32
        %parallel_loop3A_862 = vector.broadcast %parallel_loop3A_861 : i32 to vector<16xi32>
        %parallel_loop3A_863 = arith.addi %mul3A_5, %parallel_loop3A_862 : vector<16xi32>
        %parallel_loop3A_864 = arith.constant 0 : i32
        %parallel_loop3A_865 = arith.constant 0 : i32
        %parallel_loop3A_866 = tpu.memref_slice %arg12[%parallel_loop3A_864, %parallel_loop3A_865] : memref<2x1104xf32, #tpu.memory_space<vmem>> -> memref<1x1104xf32, #tpu.memory_space<vmem>>
        %parallel_loop3A_867 = tpu.memref_squeeze %parallel_loop3A_866 : memref<1x1104xf32, #tpu.memory_space<vmem>> -> memref<1104xf32, #tpu.memory_space<vmem>>
        %parallel_loop3A_868 = tpu.vector_load_idx %parallel_loop3A_867[%parallel_loop3A_863] : memref<1104xf32, #tpu.memory_space<vmem>>[vector<16xi32>], vector<16xf32>,
        %parallel_loop3A_869 = arith.addf %parallel_loop3A_859, %parallel_loop3A_868 : vector<16xf32>
        %parallel_loop3A_870 = arith.constant 3 : i32
        %parallel_loop3A_871 = arith.addi %parallel_loop3A_842, %parallel_loop3A_870 : i32
        %parallel_loop3A_872 = vector.broadcast %parallel_loop3A_871 : i32 to vector<16xi32>
        %parallel_loop3A_873 = arith.addi %mul3A_5, %parallel_loop3A_872 : vector<16xi32>
        %parallel_loop3A_874 = arith.constant 0 : i32
        %parallel_loop3A_875 = arith.constant 0 : i32
        %parallel_loop3A_876 = tpu.memref_slice %arg12[%parallel_loop3A_874, %parallel_loop3A_875] : memref<2x1104xf32, #tpu.memory_space<vmem>> -> memref<1x1104xf32, #tpu.memory_space<vmem>>
        %parallel_loop3A_877 = tpu.memref_squeeze %parallel_loop3A_876 : memref<1x1104xf32, #tpu.memory_space<vmem>> -> memref<1104xf32, #tpu.memory_space<vmem>>
        %parallel_loop3A_878 = tpu.vector_load_idx %parallel_loop3A_877[%parallel_loop3A_873] : memref<1104xf32, #tpu.memory_space<vmem>>[vector<16xi32>], vector<16xf32>,
        %parallel_loop3A_879 = arith.addf %parallel_loop3A_869, %parallel_loop3A_878 : vector<16xf32>
        %parallel_loop3A_880 = arith.constant 4 : i32
        %parallel_loop3A_881 = arith.addi %parallel_loop3A_842, %parallel_loop3A_880 : i32
        %parallel_loop3A_882 = vector.broadcast %parallel_loop3A_881 : i32 to vector<16xi32>
        %parallel_loop3A_883 = arith.addi %mul3A_5, %parallel_loop3A_882 : vector<16xi32>
        %parallel_loop3A_884 = arith.constant 0 : i32
        %parallel_loop3A_885 = arith.constant 0 : i32
        %parallel_loop3A_886 = tpu.memref_slice %arg12[%parallel_loop3A_884, %parallel_loop3A_885] : memref<2x1104xf32, #tpu.memory_space<vmem>> -> memref<1x1104xf32, #tpu.memory_space<vmem>>
        %parallel_loop3A_887 = tpu.memref_squeeze %parallel_loop3A_886 : memref<1x1104xf32, #tpu.memory_space<vmem>> -> memref<1104xf32, #tpu.memory_space<vmem>>
        %parallel_loop3A_888 = tpu.vector_load_idx %parallel_loop3A_887[%parallel_loop3A_883] : memref<1104xf32, #tpu.memory_space<vmem>>[vector<16xi32>], vector<16xf32>,
        %parallel_loop3A_889 = arith.addf %parallel_loop3A_879, %parallel_loop3A_888 : vector<16xf32>
        %parallel_loop3A_890 = arith.constant 5 : i32
        %parallel_loop3A_891 = arith.addi %parallel_loop3A_842, %parallel_loop3A_890 : i32
        %parallel_loop3A_892 = vector.broadcast %parallel_loop3A_891 : i32 to vector<16xi32>
        %parallel_loop3A_893 = arith.addi %mul3A_5, %parallel_loop3A_892 : vector<16xi32>
        %parallel_loop3A_894 = arith.constant 0 : i32
        %parallel_loop3A_895 = arith.constant 0 : i32
        %parallel_loop3A_896 = tpu.memref_slice %arg12[%parallel_loop3A_894, %parallel_loop3A_895] : memref<2x1104xf32, #tpu.memory_space<vmem>> -> memref<1x1104xf32, #tpu.memory_space<vmem>>
        %parallel_loop3A_897 = tpu.memref_squeeze %parallel_loop3A_896 : memref<1x1104xf32, #tpu.memory_space<vmem>> -> memref<1104xf32, #tpu.memory_space<vmem>>
        %parallel_loop3A_898 = tpu.vector_load_idx %parallel_loop3A_897[%parallel_loop3A_893] : memref<1104xf32, #tpu.memory_space<vmem>>[vector<16xi32>], vector<16xf32>,
        %parallel_loop3A_899 = arith.addf %parallel_loop3A_889, %parallel_loop3A_898 : vector<16xf32>
        %parallel_loop3A_900 = arith.constant 6 : i32
        %parallel_loop3A_901 = arith.addi %parallel_loop3A_842, %parallel_loop3A_900 : i32
        %parallel_loop3A_902 = vector.broadcast %parallel_loop3A_901 : i32 to vector<16xi32>
        %parallel_loop3A_903 = arith.addi %mul3A_5, %parallel_loop3A_902 : vector<16xi32>
        %parallel_loop3A_904 = arith.constant 0 : i32
        %parallel_loop3A_905 = arith.constant 0 : i32
        %parallel_loop3A_906 = tpu.memref_slice %arg12[%parallel_loop3A_904, %parallel_loop3A_905] : memref<2x1104xf32, #tpu.memory_space<vmem>> -> memref<1x1104xf32, #tpu.memory_space<vmem>>
        %parallel_loop3A_907 = tpu.memref_squeeze %parallel_loop3A_906 : memref<1x1104xf32, #tpu.memory_space<vmem>> -> memref<1104xf32, #tpu.memory_space<vmem>>
        %parallel_loop3A_908 = tpu.vector_load_idx %parallel_loop3A_907[%parallel_loop3A_903] : memref<1104xf32, #tpu.memory_space<vmem>>[vector<16xi32>], vector<16xf32>,
        %parallel_loop3A_909 = arith.addf %parallel_loop3A_899, %parallel_loop3A_908 : vector<16xf32>
        %parallel_loop3A_910 = arith.constant 7 : i32
        %parallel_loop3A_911 = arith.addi %parallel_loop3A_842, %parallel_loop3A_910 : i32
        %parallel_loop3A_912 = vector.broadcast %parallel_loop3A_911 : i32 to vector<16xi32>
        %parallel_loop3A_913 = arith.addi %mul3A_5, %parallel_loop3A_912 : vector<16xi32>
        %parallel_loop3A_914 = arith.constant 0 : i32
        %parallel_loop3A_915 = arith.constant 0 : i32
        %parallel_loop3A_916 = tpu.memref_slice %arg12[%parallel_loop3A_914, %parallel_loop3A_915] : memref<2x1104xf32, #tpu.memory_space<vmem>> -> memref<1x1104xf32, #tpu.memory_space<vmem>>
        %parallel_loop3A_917 = tpu.memref_squeeze %parallel_loop3A_916 : memref<1x1104xf32, #tpu.memory_space<vmem>> -> memref<1104xf32, #tpu.memory_space<vmem>>
        %parallel_loop3A_918 = tpu.vector_load_idx %parallel_loop3A_917[%parallel_loop3A_913] : memref<1104xf32, #tpu.memory_space<vmem>>[vector<16xi32>], vector<16xf32>,
        %parallel_loop3A_919 = arith.addf %parallel_loop3A_909, %parallel_loop3A_918 : vector<16xf32>
        %parallel_loop3A_920 = arith.constant 8 : i32
        %parallel_loop3A_921 = arith.addi %parallel_loop3A_842, %parallel_loop3A_920 : i32
        %parallel_loop3A_922 = vector.broadcast %parallel_loop3A_921 : i32 to vector<16xi32>
        %parallel_loop3A_923 = arith.addi %mul3A_5, %parallel_loop3A_922 : vector<16xi32>
        %parallel_loop3A_924 = arith.constant 0 : i32
        %parallel_loop3A_925 = arith.constant 0 : i32
        %parallel_loop3A_926 = tpu.memref_slice %arg12[%parallel_loop3A_924, %parallel_loop3A_925] : memref<2x1104xf32, #tpu.memory_space<vmem>> -> memref<1x1104xf32, #tpu.memory_space<vmem>>
        %parallel_loop3A_927 = tpu.memref_squeeze %parallel_loop3A_926 : memref<1x1104xf32, #tpu.memory_space<vmem>> -> memref<1104xf32, #tpu.memory_space<vmem>>
        %parallel_loop3A_928 = tpu.vector_load_idx %parallel_loop3A_927[%parallel_loop3A_923] : memref<1104xf32, #tpu.memory_space<vmem>>[vector<16xi32>], vector<16xf32>,
        %parallel_loop3A_929 = arith.addf %parallel_loop3A_919, %parallel_loop3A_928 : vector<16xf32>
        %parallel_loop3A_930 = arith.constant 9 : i32
        %parallel_loop3A_931 = arith.addi %parallel_loop3A_842, %parallel_loop3A_930 : i32
        %parallel_loop3A_932 = vector.broadcast %parallel_loop3A_931 : i32 to vector<16xi32>
        %parallel_loop3A_933 = arith.addi %mul3A_5, %parallel_loop3A_932 : vector<16xi32>
        %parallel_loop3A_934 = arith.constant 0 : i32
        %parallel_loop3A_935 = arith.constant 0 : i32
        %parallel_loop3A_936 = tpu.memref_slice %arg12[%parallel_loop3A_934, %parallel_loop3A_935] : memref<2x1104xf32, #tpu.memory_space<vmem>> -> memref<1x1104xf32, #tpu.memory_space<vmem>>
        %parallel_loop3A_937 = tpu.memref_squeeze %parallel_loop3A_936 : memref<1x1104xf32, #tpu.memory_space<vmem>> -> memref<1104xf32, #tpu.memory_space<vmem>>
        %parallel_loop3A_938 = tpu.vector_load_idx %parallel_loop3A_937[%parallel_loop3A_933] : memref<1104xf32, #tpu.memory_space<vmem>>[vector<16xi32>], vector<16xf32>,
        %parallel_loop3A_939 = arith.addf %parallel_loop3A_929, %parallel_loop3A_938 : vector<16xf32>
        %parallel_loop3A_940 = arith.constant 10 : i32
        %parallel_loop3A_941 = arith.addi %parallel_loop3A_842, %parallel_loop3A_940 : i32
        %parallel_loop3A_942 = vector.broadcast %parallel_loop3A_941 : i32 to vector<16xi32>
        %parallel_loop3A_943 = arith.addi %mul3A_5, %parallel_loop3A_942 : vector<16xi32>
        %parallel_loop3A_944 = arith.constant 0 : i32
        %parallel_loop3A_945 = arith.constant 0 : i32
        %parallel_loop3A_946 = tpu.memref_slice %arg12[%parallel_loop3A_944, %parallel_loop3A_945] : memref<2x1104xf32, #tpu.memory_space<vmem>> -> memref<1x1104xf32, #tpu.memory_space<vmem>>
        %parallel_loop3A_947 = tpu.memref_squeeze %parallel_loop3A_946 : memref<1x1104xf32, #tpu.memory_space<vmem>> -> memref<1104xf32, #tpu.memory_space<vmem>>
        %parallel_loop3A_948 = tpu.vector_load_idx %parallel_loop3A_947[%parallel_loop3A_943] : memref<1104xf32, #tpu.memory_space<vmem>>[vector<16xi32>], vector<16xf32>,
        %parallel_loop3A_949 = arith.addf %parallel_loop3A_939, %parallel_loop3A_948 : vector<16xf32>
        %parallel_loop3A_950 = arith.constant 11 : i32
        %parallel_loop3A_951 = arith.addi %parallel_loop3A_842, %parallel_loop3A_950 : i32
        %parallel_loop3A_952 = vector.broadcast %parallel_loop3A_951 : i32 to vector<16xi32>
        %parallel_loop3A_953 = arith.addi %mul3A_5, %parallel_loop3A_952 : vector<16xi32>
        %parallel_loop3A_954 = arith.constant 0 : i32
        %parallel_loop3A_955 = arith.constant 0 : i32
        %parallel_loop3A_956 = tpu.memref_slice %arg12[%parallel_loop3A_954, %parallel_loop3A_955] : memref<2x1104xf32, #tpu.memory_space<vmem>> -> memref<1x1104xf32, #tpu.memory_space<vmem>>
        %parallel_loop3A_957 = tpu.memref_squeeze %parallel_loop3A_956 : memref<1x1104xf32, #tpu.memory_space<vmem>> -> memref<1104xf32, #tpu.memory_space<vmem>>
        %parallel_loop3A_958 = tpu.vector_load_idx %parallel_loop3A_957[%parallel_loop3A_953] : memref<1104xf32, #tpu.memory_space<vmem>>[vector<16xi32>], vector<16xf32>,
        %parallel_loop3A_959 = arith.addf %parallel_loop3A_949, %parallel_loop3A_958 : vector<16xf32>
        %parallel_loop3A_960 = arith.constant 12 : i32
        %parallel_loop3A_961 = arith.addi %parallel_loop3A_842, %parallel_loop3A_960 : i32
        %parallel_loop3A_962 = vector.broadcast %parallel_loop3A_961 : i32 to vector<16xi32>
        %parallel_loop3A_963 = arith.addi %mul3A_5, %parallel_loop3A_962 : vector<16xi32>
        %parallel_loop3A_964 = arith.constant 0 : i32
        %parallel_loop3A_965 = arith.constant 0 : i32
        %parallel_loop3A_966 = tpu.memref_slice %arg12[%parallel_loop3A_964, %parallel_loop3A_965] : memref<2x1104xf32, #tpu.memory_space<vmem>> -> memref<1x1104xf32, #tpu.memory_space<vmem>>
        %parallel_loop3A_967 = tpu.memref_squeeze %parallel_loop3A_966 : memref<1x1104xf32, #tpu.memory_space<vmem>> -> memref<1104xf32, #tpu.memory_space<vmem>>
        %parallel_loop3A_968 = tpu.vector_load_idx %parallel_loop3A_967[%parallel_loop3A_963] : memref<1104xf32, #tpu.memory_space<vmem>>[vector<16xi32>], vector<16xf32>,
        %parallel_loop3A_969 = arith.addf %parallel_loop3A_959, %parallel_loop3A_968 : vector<16xf32>
        %parallel_loop3A_970 = arith.constant 13 : i32
        %parallel_loop3A_971 = arith.addi %parallel_loop3A_842, %parallel_loop3A_970 : i32
        %parallel_loop3A_972 = vector.broadcast %parallel_loop3A_971 : i32 to vector<16xi32>
        %parallel_loop3A_973 = arith.addi %mul3A_5, %parallel_loop3A_972 : vector<16xi32>
        %parallel_loop3A_974 = arith.constant 0 : i32
        %parallel_loop3A_975 = arith.constant 0 : i32
        %parallel_loop3A_976 = tpu.memref_slice %arg12[%parallel_loop3A_974, %parallel_loop3A_975] : memref<2x1104xf32, #tpu.memory_space<vmem>> -> memref<1x1104xf32, #tpu.memory_space<vmem>>
        %parallel_loop3A_977 = tpu.memref_squeeze %parallel_loop3A_976 : memref<1x1104xf32, #tpu.memory_space<vmem>> -> memref<1104xf32, #tpu.memory_space<vmem>>
        %parallel_loop3A_978 = tpu.vector_load_idx %parallel_loop3A_977[%parallel_loop3A_973] : memref<1104xf32, #tpu.memory_space<vmem>>[vector<16xi32>], vector<16xf32>,
        %parallel_loop3A_979 = arith.addf %parallel_loop3A_969, %parallel_loop3A_978 : vector<16xf32>
        %parallel_loop3A_980 = arith.constant 14 : i32
        %parallel_loop3A_981 = arith.addi %parallel_loop3A_842, %parallel_loop3A_980 : i32
        %parallel_loop3A_982 = vector.broadcast %parallel_loop3A_981 : i32 to vector<16xi32>
        %parallel_loop3A_983 = arith.addi %mul3A_5, %parallel_loop3A_982 : vector<16xi32>
        %parallel_loop3A_984 = arith.constant 0 : i32
        %parallel_loop3A_985 = arith.constant 0 : i32
        %parallel_loop3A_986 = tpu.memref_slice %arg12[%parallel_loop3A_984, %parallel_loop3A_985] : memref<2x1104xf32, #tpu.memory_space<vmem>> -> memref<1x1104xf32, #tpu.memory_space<vmem>>
        %parallel_loop3A_987 = tpu.memref_squeeze %parallel_loop3A_986 : memref<1x1104xf32, #tpu.memory_space<vmem>> -> memref<1104xf32, #tpu.memory_space<vmem>>
        %parallel_loop3A_988 = tpu.vector_load_idx %parallel_loop3A_987[%parallel_loop3A_983] : memref<1104xf32, #tpu.memory_space<vmem>>[vector<16xi32>], vector<16xf32>,
        %parallel_loop3A_989 = arith.addf %parallel_loop3A_979, %parallel_loop3A_988 : vector<16xf32>
        %parallel_loop3A_990 = arith.constant 15 : i32
        %parallel_loop3A_991 = arith.addi %parallel_loop3A_842, %parallel_loop3A_990 : i32
        %parallel_loop3A_992 = vector.broadcast %parallel_loop3A_991 : i32 to vector<16xi32>
        %parallel_loop3A_993 = arith.addi %mul3A_5, %parallel_loop3A_992 : vector<16xi32>
        %parallel_loop3A_994 = arith.constant 0 : i32
        %parallel_loop3A_995 = arith.constant 0 : i32
        %parallel_loop3A_996 = tpu.memref_slice %arg12[%parallel_loop3A_994, %parallel_loop3A_995] : memref<2x1104xf32, #tpu.memory_space<vmem>> -> memref<1x1104xf32, #tpu.memory_space<vmem>>
        %parallel_loop3A_997 = tpu.memref_squeeze %parallel_loop3A_996 : memref<1x1104xf32, #tpu.memory_space<vmem>> -> memref<1104xf32, #tpu.memory_space<vmem>>
        %parallel_loop3A_998 = tpu.vector_load_idx %parallel_loop3A_997[%parallel_loop3A_993] : memref<1104xf32, #tpu.memory_space<vmem>>[vector<16xi32>], vector<16xf32>,
        %parallel_loop3A_999 = arith.addf %parallel_loop3A_989, %parallel_loop3A_998 : vector<16xf32>
        %parallel_loop3A_1000 = arith.constant 16 : i32
        %parallel_loop3A_1001 = arith.muli %parallel_loop3A_840, %parallel_loop3A_1000 : i32
        %parallel_loop3A_1002 = arith.constant 0 : i32
        %parallel_loop3A_1003 = arith.index_cast %parallel_loop3A_1002 : i32 to index
        %parallel_loop3A_1004 = arith.index_cast %scan3A_813 : i32 to index
        %parallel_loop3A_1005 = arith.index_cast %parallel_loop3A_1001 : i32 to index
        %parallel_loop3A_1006 = tpu.vector_load %arg13[%parallel_loop3A_1003, %parallel_loop3A_1004, %parallel_loop3A_1005] {strides = array<i32>} : memref<2x16x64xf32, #tpu.memory_space<vmem>>, vector<16xf32>,
        tpu.vector_store %arg13[%parallel_loop3A_1003, %parallel_loop3A_1004, %parallel_loop3A_1005], %parallel_loop3A_999 {strides = array<i32>} : memref<2x16x64xf32, #tpu.memory_space<vmem>>, vector<16xf32>,
      } {sc.loop_unroll_factor = 1 : i64, sc.parallel_access}
    }
    %scan3A_454 = arith.constant 16 : i32
    %add3A_455 = arith.constant 0 : i32
    %add3A_456 = arith.addi %mul3A_2, %add3A_455 : i32
    %dma_start3A_457 = arith.constant 0 : i32
    %dma_start3A_458 = arith.constant 0 : i32
    %dma_start3A_459 = arith.constant 0 : i32
    %dma_start3A_460 = tpu.memref_slice %arg13[%dma_start3A_457, %dma_start3A_458, %dma_start3A_459] : memref<2x16x64xf32, #tpu.memory_space<vmem>> -> memref<1x16x64xf32, #tpu.memory_space<vmem>>
    %dma_start3A_461 = tpu.memref_squeeze %dma_start3A_460 : memref<1x16x64xf32, #tpu.memory_space<vmem>> -> memref<16x64xf32, #tpu.memory_space<vmem>>
    %dma_start3A_462 = arith.constant 0 : i32
    %dma_start3A_463 = tpu.memref_slice %arg6[%add3A_456, %dma_start3A_462] : memref<16384x64xf32, #tpu.memory_space<hbm>> -> memref<16x64xf32, #tpu.memory_space<hbm>>
    %dma_start3A_464 = arith.constant 0 : i32
    %dma_start3A_465 = tpu.memref_slice %arg6[%add3A_456, %dma_start3A_464] : memref<16384x64xf32, #tpu.memory_space<hbm>> -> memref<16x64xf32, #tpu.memory_space<hbm>>
    %dma_start3A_466 = arith.constant 0 : i32
    %dma_start3A_467 = arith.constant 0 : i32
    %dma_start3A_468 = tpu.memref_slice %arg13[%dma_start3A_457, %dma_start3A_466, %dma_start3A_467] : memref<2x16x64xf32, #tpu.memory_space<vmem>> -> memref<1x16x64xf32, #tpu.memory_space<vmem>>
    %dma_start3A_469 = tpu.memref_squeeze %dma_start3A_468 : memref<1x16x64xf32, #tpu.memory_space<vmem>> -> memref<16x64xf32, #tpu.memory_space<vmem>>
    tpu.enqueue_dma source(%dma_start3A_469 : memref<16x64xf32, #tpu.memory_space<vmem>>) target(%dma_start3A_465 : memref<16x64xf32, #tpu.memory_space<hbm>>) target_semaphore(%arg18 : memref<!tpu.dma_semaphore, #tpu.memory_space<semaphore_mem>>)
    %dma_wait3A_470 = arith.constant 0 : i32
    %dma_wait3A_471 = arith.constant 0 : i32
    %dma_wait3A_472 = tpu.memref_slice %arg7[%dma_wait3A_470, %dma_wait3A_471] : memref<2x16xi32, #tpu.memory_space<vmem>> -> memref<1x16xi32, #tpu.memory_space<vmem>>
    %dma_wait3A_473 = tpu.memref_squeeze %dma_wait3A_472 : memref<1x16xi32, #tpu.memory_space<vmem>> -> memref<16xi32, #tpu.memory_space<vmem>>
    %dma_wait3A_474 = arith.constant 0 : i32
    %dma_wait3A_475 = tpu.memref_slice %arg2[%dma_wait3A_474] : memref<16384xi32, #tpu.memory_space<hbm>> -> memref<16xi32, #tpu.memory_space<hbm>>
    %dma_wait3A_476 = arith.constant 0 : i32
    %dma_wait3A_477 = tpu.memref_slice %arg7[%dma_wait3A_470, %dma_wait3A_476] : memref<2x16xi32, #tpu.memory_space<vmem>> -> memref<1x16xi32, #tpu.memory_space<vmem>>
    %dma_wait3A_478 = tpu.memref_squeeze %dma_wait3A_477 : memref<1x16xi32, #tpu.memory_space<vmem>> -> memref<16xi32, #tpu.memory_space<vmem>>
    %dma_wait3A_479 = arith.constant 0 : i32
    %dma_wait3A_480 = tpu.memref_slice %arg2[%dma_wait3A_479] : memref<16384xi32, #tpu.memory_space<hbm>> -> memref<16xi32, #tpu.memory_space<hbm>>
    tpu.wait_dma2 semaphore(%arg14 : memref<!tpu.dma_semaphore, #tpu.memory_space<semaphore_mem>>) src(%dma_wait3A_480 : memref<16xi32, #tpu.memory_space<hbm>>) dst(%dma_wait3A_478 : memref<16xi32, #tpu.memory_space<vmem>>)
    %dma_wait3A_481 = arith.constant 0 : i32
    %dma_wait3A_482 = arith.constant 0 : i32
    %dma_wait3A_483 = arith.constant 0 : i32
    %dma_wait3A_484 = tpu.memref_slice %arg8[%dma_wait3A_481, %dma_wait3A_482, %dma_wait3A_483] : memref<2x50x16xi32, #tpu.memory_space<vmem>> -> memref<1x50x16xi32, #tpu.memory_space<vmem>>
    %dma_wait3A_485 = tpu.memref_squeeze %dma_wait3A_484 : memref<1x50x16xi32, #tpu.memory_space<vmem>> -> memref<50x16xi32, #tpu.memory_space<vmem>>
    %dma_wait3A_486 = arith.constant 0 : i32
    %dma_wait3A_487 = arith.constant 0 : i32
    %dma_wait3A_488 = tpu.memref_slice %arg3[%dma_wait3A_486, %dma_wait3A_487] : memref<50x16384xi32, #tpu.memory_space<hbm>> -> memref<50x16xi32, #tpu.memory_space<hbm>>
    %dma_wait3A_489 = arith.constant 0 : i32
    %dma_wait3A_490 = arith.constant 0 : i32
    %dma_wait3A_491 = tpu.memref_slice %arg8[%dma_wait3A_481, %dma_wait3A_489, %dma_wait3A_490] : memref<2x50x16xi32, #tpu.memory_space<vmem>> -> memref<1x50x16xi32, #tpu.memory_space<vmem>>
    %dma_wait3A_492 = tpu.memref_squeeze %dma_wait3A_491 : memref<1x50x16xi32, #tpu.memory_space<vmem>> -> memref<50x16xi32, #tpu.memory_space<vmem>>
    %dma_wait3A_493 = arith.constant 0 : i32
    %dma_wait3A_494 = arith.constant 0 : i32
    %dma_wait3A_495 = tpu.memref_slice %arg3[%dma_wait3A_493, %dma_wait3A_494] : memref<50x16384xi32, #tpu.memory_space<hbm>> -> memref<50x16xi32, #tpu.memory_space<hbm>>
    tpu.wait_dma2 semaphore(%arg14 : memref<!tpu.dma_semaphore, #tpu.memory_space<semaphore_mem>>) src(%dma_wait3A_495 : memref<50x16xi32, #tpu.memory_space<hbm>>) dst(%dma_wait3A_492 : memref<50x16xi32, #tpu.memory_space<vmem>>)
    %get3A_496 = arith.constant 0 : i32
    %get3A_497 = arith.index_cast %get3A_496 : i32 to index
    %get3A_498 = arith.constant 0 : index
    %get3A_499 = tpu.vector_load %arg7[%get3A_497, %get3A_498] {strides = array<i32>} : memref<2x16xi32, #tpu.memory_space<vmem>>, vector<16xi32>,
    %mul3A_500 = arith.constant 2 : i32
    %mul3A_501 = vector.broadcast %mul3A_500 : i32 to vector<16xi32>
    %mul3A_502 = arith.muli %get3A_499, %mul3A_501 : vector<16xi32>
    %swap3A_503 = arith.constant 0 : i32
    %swap3A_504 = arith.index_cast %swap3A_503 : i32 to index
    %swap3A_505 = arith.constant 0 : index
    %swap3A_506 = tpu.vector_load %arg7[%swap3A_504, %swap3A_505] {strides = array<i32>} : memref<2x16xi32, #tpu.memory_space<vmem>>, vector<16xi32>,
    tpu.vector_store %arg7[%swap3A_504, %swap3A_505], %mul3A_502 {strides = array<i32>} : memref<2x16xi32, #tpu.memory_space<vmem>>, vector<16xi32>,
    %dma_start3A_507 = arith.constant 0 : i32
    %dma_start3A_508 = arith.constant 0 : i32
    %dma_start3A_509 = arith.constant 0 : i32
    %dma_start3A_510 = arith.constant 0 : i32
    %dma_start3A_511 = tpu.memref_slice %arg10[%dma_start3A_508, %dma_start3A_509, %dma_start3A_510] : memref<2x16x64xf32, #tpu.memory_space<vmem>> -> memref<1x16x64xf32, #tpu.memory_space<vmem>>
    %dma_start3A_512 = tpu.memref_squeeze %dma_start3A_511 : memref<1x16x64xf32, #tpu.memory_space<vmem>> -> memref<16x64xf32, #tpu.memory_space<vmem>>
    %dma_start3A_513 = arith.constant 0 : i32
    %dma_start3A_514 = tpu.memref_slice %arg7[%dma_start3A_507, %dma_start3A_513] : memref<2x16xi32, #tpu.memory_space<vmem>> -> memref<1x16xi32, #tpu.memory_space<vmem>>
    %dma_start3A_515 = tpu.memref_squeeze %dma_start3A_514 : memref<1x16xi32, #tpu.memory_space<vmem>> -> memref<16xi32, #tpu.memory_space<vmem>>
    %dma_start3A_516 = arith.constant 0 : i32
    %dma_start3A_517 = arith.constant 0 : i32
    %dma_start3A_518 = tpu.memref_slice %arg4[%dma_start3A_516, %dma_start3A_517] : memref<2000000x64xf32, #tpu.memory_space<hbm>> -> memref<2000000x64xf32, #tpu.memory_space<hbm>>
    tpu.enqueue_indirect_dma source(%dma_start3A_518 : memref<2000000x64xf32, #tpu.memory_space<hbm>>) target(%dma_start3A_512 : memref<16x64xf32, #tpu.memory_space<vmem>>) offsets(%dma_start3A_515 : memref<16xi32, #tpu.memory_space<vmem>>) semaphore(%arg16 : memref<!tpu.dma_semaphore, #tpu.memory_space<semaphore_mem>>)
    %parallel_loop3A_519 = arith.constant 0 : i32
    %parallel_loop3A_520 = arith.constant 50 : i32
    %parallel_loop3A_521 = arith.constant 1 : i32
    scf.for %parallel_loop3A_813 = %parallel_loop3A_519 to %parallel_loop3A_520 step %parallel_loop3A_521  : i32 {
      %parallel_loop3A_814 = arith.constant 0 : i32
      %parallel_loop3A_815 = arith.index_cast %parallel_loop3A_814 : i32 to index
      %parallel_loop3A_816 = arith.index_cast %parallel_loop3A_813 : i32 to index
      %parallel_loop3A_817 = arith.constant 0 : index
      %parallel_loop3A_818 = tpu.vector_load %arg8[%parallel_loop3A_815, %parallel_loop3A_816, %parallel_loop3A_817] {strides = array<i32>} : memref<2x50x16xi32, #tpu.memory_space<vmem>>, vector<16xi32>,
      %parallel_loop3A_819 = arith.constant 2 : i32
      %parallel_loop3A_820 = vector.broadcast %parallel_loop3A_819 : i32 to vector<16xi32>
      %parallel_loop3A_821 = arith.muli %parallel_loop3A_818, %parallel_loop3A_820 : vector<16xi32>
      %parallel_loop3A_822 = arith.constant 16 : i32
      %parallel_loop3A_823 = arith.muli %parallel_loop3A_813, %parallel_loop3A_822 : i32
      %parallel_loop3A_824 = arith.constant 0 : i32
      %parallel_loop3A_825 = arith.index_cast %parallel_loop3A_824 : i32 to index
      %parallel_loop3A_826 = arith.index_cast %parallel_loop3A_823 : i32 to index
      %parallel_loop3A_827 = tpu.vector_load %arg9[%parallel_loop3A_825, %parallel_loop3A_826] {strides = array<i32>} : memref<2x800xi32, #tpu.memory_space<vmem>>, vector<16xi32>,
      tpu.vector_store %arg9[%parallel_loop3A_825, %parallel_loop3A_826], %parallel_loop3A_821 {strides = array<i32>} : memref<2x800xi32, #tpu.memory_space<vmem>>, vector<16xi32>,
    } {sc.loop_unroll_factor = 5 : i64, sc.parallel_access}
    %dma_start3A_522 = arith.constant 0 : i32
    %dma_start3A_523 = arith.constant 0 : i32
    %dma_start3A_524 = arith.constant 0 : i32
    %dma_start3A_525 = arith.constant 0 : i32
    %dma_start3A_526 = tpu.memref_slice %arg11[%dma_start3A_523, %dma_start3A_524, %dma_start3A_525] : memref<2x800x64xf32, #tpu.memory_space<vmem>> -> memref<1x80x64xf32, #tpu.memory_space<vmem>>
    %dma_start3A_527 = tpu.memref_squeeze %dma_start3A_526 : memref<1x80x64xf32, #tpu.memory_space<vmem>> -> memref<80x64xf32, #tpu.memory_space<vmem>>
    %dma_start3A_528 = arith.constant 0 : i32
    %dma_start3A_529 = tpu.memref_slice %arg9[%dma_start3A_522, %dma_start3A_528] : memref<2x800xi32, #tpu.memory_space<vmem>> -> memref<1x80xi32, #tpu.memory_space<vmem>>
    %dma_start3A_530 = tpu.memref_squeeze %dma_start3A_529 : memref<1x80xi32, #tpu.memory_space<vmem>> -> memref<80xi32, #tpu.memory_space<vmem>>
    %dma_start3A_531 = arith.constant 0 : i32
    %dma_start3A_532 = arith.constant 0 : i32
    %dma_start3A_533 = tpu.memref_slice %arg5[%dma_start3A_531, %dma_start3A_532] : memref<2000000x64xf32, #tpu.memory_space<hbm>> -> memref<2000000x64xf32, #tpu.memory_space<hbm>>
    tpu.enqueue_indirect_dma source(%dma_start3A_533 : memref<2000000x64xf32, #tpu.memory_space<hbm>>) target(%dma_start3A_527 : memref<80x64xf32, #tpu.memory_space<vmem>>) offsets(%dma_start3A_530 : memref<80xi32, #tpu.memory_space<vmem>>) semaphore(%arg16 : memref<!tpu.dma_semaphore, #tpu.memory_space<semaphore_mem>>)
    %dma_start3A_534 = arith.constant 0 : i32
    %dma_start3A_535 = arith.constant 0 : i32
    %dma_start3A_536 = arith.constant 80 : i32
    %dma_start3A_537 = arith.constant 0 : i32
    %dma_start3A_538 = tpu.memref_slice %arg11[%dma_start3A_535, %dma_start3A_536, %dma_start3A_537] : memref<2x800x64xf32, #tpu.memory_space<vmem>> -> memref<1x80x64xf32, #tpu.memory_space<vmem>>
    %dma_start3A_539 = tpu.memref_squeeze %dma_start3A_538 : memref<1x80x64xf32, #tpu.memory_space<vmem>> -> memref<80x64xf32, #tpu.memory_space<vmem>>
    %dma_start3A_540 = arith.constant 80 : i32
    %dma_start3A_541 = tpu.memref_slice %arg9[%dma_start3A_534, %dma_start3A_540] : memref<2x800xi32, #tpu.memory_space<vmem>> -> memref<1x80xi32, #tpu.memory_space<vmem>>
    %dma_start3A_542 = tpu.memref_squeeze %dma_start3A_541 : memref<1x80xi32, #tpu.memory_space<vmem>> -> memref<80xi32, #tpu.memory_space<vmem>>
    %dma_start3A_543 = arith.constant 0 : i32
    %dma_start3A_544 = arith.constant 0 : i32
    %dma_start3A_545 = tpu.memref_slice %arg5[%dma_start3A_543, %dma_start3A_544] : memref<2000000x64xf32, #tpu.memory_space<hbm>> -> memref<2000000x64xf32, #tpu.memory_space<hbm>>
    tpu.enqueue_indirect_dma source(%dma_start3A_545 : memref<2000000x64xf32, #tpu.memory_space<hbm>>) target(%dma_start3A_539 : memref<80x64xf32, #tpu.memory_space<vmem>>) offsets(%dma_start3A_542 : memref<80xi32, #tpu.memory_space<vmem>>) semaphore(%arg16 : memref<!tpu.dma_semaphore, #tpu.memory_space<semaphore_mem>>)
    %dma_start3A_546 = arith.constant 0 : i32
    %dma_start3A_547 = arith.constant 0 : i32
    %dma_start3A_548 = arith.constant 160 : i32
    %dma_start3A_549 = arith.constant 0 : i32
    %dma_start3A_550 = tpu.memref_slice %arg11[%dma_start3A_547, %dma_start3A_548, %dma_start3A_549] : memref<2x800x64xf32, #tpu.memory_space<vmem>> -> memref<1x80x64xf32, #tpu.memory_space<vmem>>
    %dma_start3A_551 = tpu.memref_squeeze %dma_start3A_550 : memref<1x80x64xf32, #tpu.memory_space<vmem>> -> memref<80x64xf32, #tpu.memory_space<vmem>>
    %dma_start3A_552 = arith.constant 160 : i32
    %dma_start3A_553 = tpu.memref_slice %arg9[%dma_start3A_546, %dma_start3A_552] : memref<2x800xi32, #tpu.memory_space<vmem>> -> memref<1x80xi32, #tpu.memory_space<vmem>>
    %dma_start3A_554 = tpu.memref_squeeze %dma_start3A_553 : memref<1x80xi32, #tpu.memory_space<vmem>> -> memref<80xi32, #tpu.memory_space<vmem>>
    %dma_start3A_555 = arith.constant 0 : i32
    %dma_start3A_556 = arith.constant 0 : i32
    %dma_start3A_557 = tpu.memref_slice %arg5[%dma_start3A_555, %dma_start3A_556] : memref<2000000x64xf32, #tpu.memory_space<hbm>> -> memref<2000000x64xf32, #tpu.memory_space<hbm>>
    tpu.enqueue_indirect_dma source(%dma_start3A_557 : memref<2000000x64xf32, #tpu.memory_space<hbm>>) target(%dma_start3A_551 : memref<80x64xf32, #tpu.memory_space<vmem>>) offsets(%dma_start3A_554 : memref<80xi32, #tpu.memory_space<vmem>>) semaphore(%arg16 : memref<!tpu.dma_semaphore, #tpu.memory_space<semaphore_mem>>)
    %dma_start3A_558 = arith.constant 0 : i32
    %dma_start3A_559 = arith.constant 0 : i32
    %dma_start3A_560 = arith.constant 240 : i32
    %dma_start3A_561 = arith.constant 0 : i32
    %dma_start3A_562 = tpu.memref_slice %arg11[%dma_start3A_559, %dma_start3A_560, %dma_start3A_561] : memref<2x800x64xf32, #tpu.memory_space<vmem>> -> memref<1x80x64xf32, #tpu.memory_space<vmem>>
    %dma_start3A_563 = tpu.memref_squeeze %dma_start3A_562 : memref<1x80x64xf32, #tpu.memory_space<vmem>> -> memref<80x64xf32, #tpu.memory_space<vmem>>
    %dma_start3A_564 = arith.constant 240 : i32
    %dma_start3A_565 = tpu.memref_slice %arg9[%dma_start3A_558, %dma_start3A_564] : memref<2x800xi32, #tpu.memory_space<vmem>> -> memref<1x80xi32, #tpu.memory_space<vmem>>
    %dma_start3A_566 = tpu.memref_squeeze %dma_start3A_565 : memref<1x80xi32, #tpu.memory_space<vmem>> -> memref<80xi32, #tpu.memory_space<vmem>>
    %dma_start3A_567 = arith.constant 0 : i32
    %dma_start3A_568 = arith.constant 0 : i32
    %dma_start3A_569 = tpu.memref_slice %arg5[%dma_start3A_567, %dma_start3A_568] : memref<2000000x64xf32, #tpu.memory_space<hbm>> -> memref<2000000x64xf32, #tpu.memory_space<hbm>>
    tpu.enqueue_indirect_dma source(%dma_start3A_569 : memref<2000000x64xf32, #tpu.memory_space<hbm>>) target(%dma_start3A_563 : memref<80x64xf32, #tpu.memory_space<vmem>>) offsets(%dma_start3A_566 : memref<80xi32, #tpu.memory_space<vmem>>) semaphore(%arg16 : memref<!tpu.dma_semaphore, #tpu.memory_space<semaphore_mem>>)
    %dma_start3A_570 = arith.constant 0 : i32
    %dma_start3A_571 = arith.constant 0 : i32
    %dma_start3A_572 = arith.constant 320 : i32
    %dma_start3A_573 = arith.constant 0 : i32
    %dma_start3A_574 = tpu.memref_slice %arg11[%dma_start3A_571, %dma_start3A_572, %dma_start3A_573] : memref<2x800x64xf32, #tpu.memory_space<vmem>> -> memref<1x80x64xf32, #tpu.memory_space<vmem>>
    %dma_start3A_575 = tpu.memref_squeeze %dma_start3A_574 : memref<1x80x64xf32, #tpu.memory_space<vmem>> -> memref<80x64xf32, #tpu.memory_space<vmem>>
    %dma_start3A_576 = arith.constant 320 : i32
    %dma_start3A_577 = tpu.memref_slice %arg9[%dma_start3A_570, %dma_start3A_576] : memref<2x800xi32, #tpu.memory_space<vmem>> -> memref<1x80xi32, #tpu.memory_space<vmem>>
    %dma_start3A_578 = tpu.memref_squeeze %dma_start3A_577 : memref<1x80xi32, #tpu.memory_space<vmem>> -> memref<80xi32, #tpu.memory_space<vmem>>
    %dma_start3A_579 = arith.constant 0 : i32
    %dma_start3A_580 = arith.constant 0 : i32
    %dma_start3A_581 = tpu.memref_slice %arg5[%dma_start3A_579, %dma_start3A_580] : memref<2000000x64xf32, #tpu.memory_space<hbm>> -> memref<2000000x64xf32, #tpu.memory_space<hbm>>
    tpu.enqueue_indirect_dma source(%dma_start3A_581 : memref<2000000x64xf32, #tpu.memory_space<hbm>>) target(%dma_start3A_575 : memref<80x64xf32, #tpu.memory_space<vmem>>) offsets(%dma_start3A_578 : memref<80xi32, #tpu.memory_space<vmem>>) semaphore(%arg16 : memref<!tpu.dma_semaphore, #tpu.memory_space<semaphore_mem>>)
    %dma_start3A_582 = arith.constant 0 : i32
    %dma_start3A_583 = arith.constant 0 : i32
    %dma_start3A_584 = arith.constant 400 : i32
    %dma_start3A_585 = arith.constant 0 : i32
    %dma_start3A_586 = tpu.memref_slice %arg11[%dma_start3A_583, %dma_start3A_584, %dma_start3A_585] : memref<2x800x64xf32, #tpu.memory_space<vmem>> -> memref<1x80x64xf32, #tpu.memory_space<vmem>>
    %dma_start3A_587 = tpu.memref_squeeze %dma_start3A_586 : memref<1x80x64xf32, #tpu.memory_space<vmem>> -> memref<80x64xf32, #tpu.memory_space<vmem>>
    %dma_start3A_588 = arith.constant 400 : i32
    %dma_start3A_589 = tpu.memref_slice %arg9[%dma_start3A_582, %dma_start3A_588] : memref<2x800xi32, #tpu.memory_space<vmem>> -> memref<1x80xi32, #tpu.memory_space<vmem>>
    %dma_start3A_590 = tpu.memref_squeeze %dma_start3A_589 : memref<1x80xi32, #tpu.memory_space<vmem>> -> memref<80xi32, #tpu.memory_space<vmem>>
    %dma_start3A_591 = arith.constant 0 : i32
    %dma_start3A_592 = arith.constant 0 : i32
    %dma_start3A_593 = tpu.memref_slice %arg5[%dma_start3A_591, %dma_start3A_592] : memref<2000000x64xf32, #tpu.memory_space<hbm>> -> memref<2000000x64xf32, #tpu.memory_space<hbm>>
    tpu.enqueue_indirect_dma source(%dma_start3A_593 : memref<2000000x64xf32, #tpu.memory_space<hbm>>) target(%dma_start3A_587 : memref<80x64xf32, #tpu.memory_space<vmem>>) offsets(%dma_start3A_590 : memref<80xi32, #tpu.memory_space<vmem>>) semaphore(%arg16 : memref<!tpu.dma_semaphore, #tpu.memory_space<semaphore_mem>>)
    %dma_start3A_594 = arith.constant 0 : i32
    %dma_start3A_595 = arith.constant 0 : i32
    %dma_start3A_596 = arith.constant 480 : i32
    %dma_start3A_597 = arith.constant 0 : i32
    %dma_start3A_598 = tpu.memref_slice %arg11[%dma_start3A_595, %dma_start3A_596, %dma_start3A_597] : memref<2x800x64xf32, #tpu.memory_space<vmem>> -> memref<1x80x64xf32, #tpu.memory_space<vmem>>
    %dma_start3A_599 = tpu.memref_squeeze %dma_start3A_598 : memref<1x80x64xf32, #tpu.memory_space<vmem>> -> memref<80x64xf32, #tpu.memory_space<vmem>>
    %dma_start3A_600 = arith.constant 480 : i32
    %dma_start3A_601 = tpu.memref_slice %arg9[%dma_start3A_594, %dma_start3A_600] : memref<2x800xi32, #tpu.memory_space<vmem>> -> memref<1x80xi32, #tpu.memory_space<vmem>>
    %dma_start3A_602 = tpu.memref_squeeze %dma_start3A_601 : memref<1x80xi32, #tpu.memory_space<vmem>> -> memref<80xi32, #tpu.memory_space<vmem>>
    %dma_start3A_603 = arith.constant 0 : i32
    %dma_start3A_604 = arith.constant 0 : i32
    %dma_start3A_605 = tpu.memref_slice %arg5[%dma_start3A_603, %dma_start3A_604] : memref<2000000x64xf32, #tpu.memory_space<hbm>> -> memref<2000000x64xf32, #tpu.memory_space<hbm>>
    tpu.enqueue_indirect_dma source(%dma_start3A_605 : memref<2000000x64xf32, #tpu.memory_space<hbm>>) target(%dma_start3A_599 : memref<80x64xf32, #tpu.memory_space<vmem>>) offsets(%dma_start3A_602 : memref<80xi32, #tpu.memory_space<vmem>>) semaphore(%arg16 : memref<!tpu.dma_semaphore, #tpu.memory_space<semaphore_mem>>)
    %dma_start3A_606 = arith.constant 0 : i32
    %dma_start3A_607 = arith.constant 0 : i32
    %dma_start3A_608 = arith.constant 560 : i32
    %dma_start3A_609 = arith.constant 0 : i32
    %dma_start3A_610 = tpu.memref_slice %arg11[%dma_start3A_607, %dma_start3A_608, %dma_start3A_609] : memref<2x800x64xf32, #tpu.memory_space<vmem>> -> memref<1x80x64xf32, #tpu.memory_space<vmem>>
    %dma_start3A_611 = tpu.memref_squeeze %dma_start3A_610 : memref<1x80x64xf32, #tpu.memory_space<vmem>> -> memref<80x64xf32, #tpu.memory_space<vmem>>
    %dma_start3A_612 = arith.constant 560 : i32
    %dma_start3A_613 = tpu.memref_slice %arg9[%dma_start3A_606, %dma_start3A_612] : memref<2x800xi32, #tpu.memory_space<vmem>> -> memref<1x80xi32, #tpu.memory_space<vmem>>
    %dma_start3A_614 = tpu.memref_squeeze %dma_start3A_613 : memref<1x80xi32, #tpu.memory_space<vmem>> -> memref<80xi32, #tpu.memory_space<vmem>>
    %dma_start3A_615 = arith.constant 0 : i32
    %dma_start3A_616 = arith.constant 0 : i32
    %dma_start3A_617 = tpu.memref_slice %arg5[%dma_start3A_615, %dma_start3A_616] : memref<2000000x64xf32, #tpu.memory_space<hbm>> -> memref<2000000x64xf32, #tpu.memory_space<hbm>>
    tpu.enqueue_indirect_dma source(%dma_start3A_617 : memref<2000000x64xf32, #tpu.memory_space<hbm>>) target(%dma_start3A_611 : memref<80x64xf32, #tpu.memory_space<vmem>>) offsets(%dma_start3A_614 : memref<80xi32, #tpu.memory_space<vmem>>) semaphore(%arg16 : memref<!tpu.dma_semaphore, #tpu.memory_space<semaphore_mem>>)
    %dma_start3A_618 = arith.constant 0 : i32
    %dma_start3A_619 = arith.constant 0 : i32
    %dma_start3A_620 = arith.constant 640 : i32
    %dma_start3A_621 = arith.constant 0 : i32
    %dma_start3A_622 = tpu.memref_slice %arg11[%dma_start3A_619, %dma_start3A_620, %dma_start3A_621] : memref<2x800x64xf32, #tpu.memory_space<vmem>> -> memref<1x80x64xf32, #tpu.memory_space<vmem>>
    %dma_start3A_623 = tpu.memref_squeeze %dma_start3A_622 : memref<1x80x64xf32, #tpu.memory_space<vmem>> -> memref<80x64xf32, #tpu.memory_space<vmem>>
    %dma_start3A_624 = arith.constant 640 : i32
    %dma_start3A_625 = tpu.memref_slice %arg9[%dma_start3A_618, %dma_start3A_624] : memref<2x800xi32, #tpu.memory_space<vmem>> -> memref<1x80xi32, #tpu.memory_space<vmem>>
    %dma_start3A_626 = tpu.memref_squeeze %dma_start3A_625 : memref<1x80xi32, #tpu.memory_space<vmem>> -> memref<80xi32, #tpu.memory_space<vmem>>
    %dma_start3A_627 = arith.constant 0 : i32
    %dma_start3A_628 = arith.constant 0 : i32
    %dma_start3A_629 = tpu.memref_slice %arg5[%dma_start3A_627, %dma_start3A_628] : memref<2000000x64xf32, #tpu.memory_space<hbm>> -> memref<2000000x64xf32, #tpu.memory_space<hbm>>
    tpu.enqueue_indirect_dma source(%dma_start3A_629 : memref<2000000x64xf32, #tpu.memory_space<hbm>>) target(%dma_start3A_623 : memref<80x64xf32, #tpu.memory_space<vmem>>) offsets(%dma_start3A_626 : memref<80xi32, #tpu.memory_space<vmem>>) semaphore(%arg16 : memref<!tpu.dma_semaphore, #tpu.memory_space<semaphore_mem>>)
    %dma_start3A_630 = arith.constant 0 : i32
    %dma_start3A_631 = arith.constant 0 : i32
    %dma_start3A_632 = arith.constant 720 : i32
    %dma_start3A_633 = arith.constant 0 : i32
    %dma_start3A_634 = tpu.memref_slice %arg11[%dma_start3A_631, %dma_start3A_632, %dma_start3A_633] : memref<2x800x64xf32, #tpu.memory_space<vmem>> -> memref<1x80x64xf32, #tpu.memory_space<vmem>>
    %dma_start3A_635 = tpu.memref_squeeze %dma_start3A_634 : memref<1x80x64xf32, #tpu.memory_space<vmem>> -> memref<80x64xf32, #tpu.memory_space<vmem>>
    %dma_start3A_636 = arith.constant 720 : i32
    %dma_start3A_637 = tpu.memref_slice %arg9[%dma_start3A_630, %dma_start3A_636] : memref<2x800xi32, #tpu.memory_space<vmem>> -> memref<1x80xi32, #tpu.memory_space<vmem>>
    %dma_start3A_638 = tpu.memref_squeeze %dma_start3A_637 : memref<1x80xi32, #tpu.memory_space<vmem>> -> memref<80xi32, #tpu.memory_space<vmem>>
    %dma_start3A_639 = arith.constant 0 : i32
    %dma_start3A_640 = arith.constant 0 : i32
    %dma_start3A_641 = tpu.memref_slice %arg5[%dma_start3A_639, %dma_start3A_640] : memref<2000000x64xf32, #tpu.memory_space<hbm>> -> memref<2000000x64xf32, #tpu.memory_space<hbm>>
    tpu.enqueue_indirect_dma source(%dma_start3A_641 : memref<2000000x64xf32, #tpu.memory_space<hbm>>) target(%dma_start3A_635 : memref<80x64xf32, #tpu.memory_space<vmem>>) offsets(%dma_start3A_638 : memref<80xi32, #tpu.memory_space<vmem>>) semaphore(%arg16 : memref<!tpu.dma_semaphore, #tpu.memory_space<semaphore_mem>>)
    %dma_wait3A_642 = arith.constant 1 : i32
    %dma_wait3A_643 = arith.constant 0 : i32
    %dma_wait3A_644 = arith.constant 0 : i32
    %dma_wait3A_645 = tpu.memref_slice %arg10[%dma_wait3A_642, %dma_wait3A_643, %dma_wait3A_644] : memref<2x16x64xf32, #tpu.memory_space<vmem>> -> memref<1x16x64xf32, #tpu.memory_space<vmem>>
    %dma_wait3A_646 = tpu.memref_squeeze %dma_wait3A_645 : memref<1x16x64xf32, #tpu.memory_space<vmem>> -> memref<16x64xf32, #tpu.memory_space<vmem>>
    %dma_wait3A_647 = arith.constant 0 : i32
    %dma_wait3A_648 = arith.constant 0 : i32
    %dma_wait3A_649 = tpu.memref_slice %arg4[%dma_wait3A_647, %dma_wait3A_648] : memref<2000000x64xf32, #tpu.memory_space<hbm>> -> memref<16x64xf32, #tpu.memory_space<hbm>>
    %dma_wait3A_650 = arith.constant 0 : i32
    %dma_wait3A_651 = arith.constant 0 : i32
    %dma_wait3A_652 = tpu.memref_slice %arg10[%dma_wait3A_642, %dma_wait3A_650, %dma_wait3A_651] : memref<2x16x64xf32, #tpu.memory_space<vmem>> -> memref<1x16x64xf32, #tpu.memory_space<vmem>>
    %dma_wait3A_653 = tpu.memref_squeeze %dma_wait3A_652 : memref<1x16x64xf32, #tpu.memory_space<vmem>> -> memref<16x64xf32, #tpu.memory_space<vmem>>
    %dma_wait3A_654 = arith.constant 0 : i32
    %dma_wait3A_655 = arith.constant 0 : i32
    %dma_wait3A_656 = tpu.memref_slice %arg4[%dma_wait3A_654, %dma_wait3A_655] : memref<2000000x64xf32, #tpu.memory_space<hbm>> -> memref<16x64xf32, #tpu.memory_space<hbm>>
    tpu.wait_dma2 semaphore(%arg17 : memref<!tpu.dma_semaphore, #tpu.memory_space<semaphore_mem>>) src(%dma_wait3A_656 : memref<16x64xf32, #tpu.memory_space<hbm>>) dst(%dma_wait3A_653 : memref<16x64xf32, #tpu.memory_space<vmem>>)
    %dma_wait3A_657 = arith.constant 1 : i32
    %dma_wait3A_658 = arith.constant 0 : i32
    %dma_wait3A_659 = arith.constant 0 : i32
    %dma_wait3A_660 = tpu.memref_slice %arg11[%dma_wait3A_657, %dma_wait3A_658, %dma_wait3A_659] : memref<2x800x64xf32, #tpu.memory_space<vmem>> -> memref<1x800x64xf32, #tpu.memory_space<vmem>>
    %dma_wait3A_661 = tpu.memref_squeeze %dma_wait3A_660 : memref<1x800x64xf32, #tpu.memory_space<vmem>> -> memref<800x64xf32, #tpu.memory_space<vmem>>
    %dma_wait3A_662 = arith.constant 0 : i32
    %dma_wait3A_663 = arith.constant 0 : i32
    %dma_wait3A_664 = tpu.memref_slice %arg5[%dma_wait3A_662, %dma_wait3A_663] : memref<2000000x64xf32, #tpu.memory_space<hbm>> -> memref<800x64xf32, #tpu.memory_space<hbm>>
    %dma_wait3A_665 = arith.constant 0 : i32
    %dma_wait3A_666 = arith.constant 0 : i32
    %dma_wait3A_667 = tpu.memref_slice %arg11[%dma_wait3A_657, %dma_wait3A_665, %dma_wait3A_666] : memref<2x800x64xf32, #tpu.memory_space<vmem>> -> memref<1x800x64xf32, #tpu.memory_space<vmem>>
    %dma_wait3A_668 = tpu.memref_squeeze %dma_wait3A_667 : memref<1x800x64xf32, #tpu.memory_space<vmem>> -> memref<800x64xf32, #tpu.memory_space<vmem>>
    %dma_wait3A_669 = arith.constant 0 : i32
    %dma_wait3A_670 = arith.constant 0 : i32
    %dma_wait3A_671 = tpu.memref_slice %arg5[%dma_wait3A_669, %dma_wait3A_670] : memref<2000000x64xf32, #tpu.memory_space<hbm>> -> memref<800x64xf32, #tpu.memory_space<hbm>>
    tpu.wait_dma2 semaphore(%arg17 : memref<!tpu.dma_semaphore, #tpu.memory_space<semaphore_mem>>) src(%dma_wait3A_671 : memref<800x64xf32, #tpu.memory_space<hbm>>) dst(%dma_wait3A_668 : memref<800x64xf32, #tpu.memory_space<vmem>>)
    %min3A_672 = arith.constant 3 : i32
    %min3A_673 = arith.constant 31 : i32
    %min3A_674 = arith.minsi %min3A_672, %min3A_673 : i32
    %mul3A_675 = arith.constant 16 : i32
    %mul3A_676 = arith.muli %min3A_674, %mul3A_675 : i32
    %add3A_677 = arith.addi %mul3A_2, %mul3A_676 : i32
    %dma_start3A_678 = arith.constant 1 : i32
    %dma_start3A_679 = arith.constant 0 : i32
    %dma_start3A_680 = tpu.memref_slice %arg7[%dma_start3A_678, %dma_start3A_679] : memref<2x16xi32, #tpu.memory_space<vmem>> -> memref<1x16xi32, #tpu.memory_space<vmem>>
    %dma_start3A_681 = tpu.memref_squeeze %dma_start3A_680 : memref<1x16xi32, #tpu.memory_space<vmem>> -> memref<16xi32, #tpu.memory_space<vmem>>
    %dma_start3A_682 = tpu.memref_slice %arg2[%add3A_677] : memref<16384xi32, #tpu.memory_space<hbm>> -> memref<16xi32, #tpu.memory_space<hbm>>
    %dma_start3A_683 = arith.constant 0 : i32
    %dma_start3A_684 = tpu.memref_slice %arg7[%dma_start3A_678, %dma_start3A_683] : memref<2x16xi32, #tpu.memory_space<vmem>> -> memref<1x16xi32, #tpu.memory_space<vmem>>
    %dma_start3A_685 = tpu.memref_squeeze %dma_start3A_684 : memref<1x16xi32, #tpu.memory_space<vmem>> -> memref<16xi32, #tpu.memory_space<vmem>>
    %dma_start3A_686 = tpu.memref_slice %arg2[%add3A_677] : memref<16384xi32, #tpu.memory_space<hbm>> -> memref<16xi32, #tpu.memory_space<hbm>>
    tpu.enqueue_dma source(%dma_start3A_686 : memref<16xi32, #tpu.memory_space<hbm>>) target(%dma_start3A_685 : memref<16xi32, #tpu.memory_space<vmem>>) target_semaphore(%arg15 : memref<!tpu.dma_semaphore, #tpu.memory_space<semaphore_mem>>)
    %dma_start3A_687 = arith.constant 1 : i32
    %dma_start3A_688 = arith.constant 0 : i32
    %dma_start3A_689 = arith.constant 0 : i32
    %dma_start3A_690 = tpu.memref_slice %arg8[%dma_start3A_687, %dma_start3A_688, %dma_start3A_689] : memref<2x50x16xi32, #tpu.memory_space<vmem>> -> memref<1x50x16xi32, #tpu.memory_space<vmem>>
    %dma_start3A_691 = tpu.memref_squeeze %dma_start3A_690 : memref<1x50x16xi32, #tpu.memory_space<vmem>> -> memref<50x16xi32, #tpu.memory_space<vmem>>
    %dma_start3A_692 = arith.constant 0 : i32
    %dma_start3A_693 = tpu.memref_slice %arg3[%dma_start3A_692, %add3A_677] : memref<50x16384xi32, #tpu.memory_space<hbm>> -> memref<50x16xi32, #tpu.memory_space<hbm>>
    %dma_start3A_694 = arith.constant 0 : i32
    %dma_start3A_695 = arith.constant 0 : i32
    %dma_start3A_696 = tpu.memref_slice %arg8[%dma_start3A_687, %dma_start3A_694, %dma_start3A_695] : memref<2x50x16xi32, #tpu.memory_space<vmem>> -> memref<1x50x16xi32, #tpu.memory_space<vmem>>
    %dma_start3A_697 = tpu.memref_squeeze %dma_start3A_696 : memref<1x50x16xi32, #tpu.memory_space<vmem>> -> memref<50x16xi32, #tpu.memory_space<vmem>>
    %dma_start3A_698 = arith.constant 0 : i32
    %dma_start3A_699 = tpu.memref_slice %arg3[%dma_start3A_698, %add3A_677] : memref<50x16384xi32, #tpu.memory_space<hbm>> -> memref<50x16xi32, #tpu.memory_space<hbm>>
    tpu.enqueue_dma source(%dma_start3A_699 : memref<50x16xi32, #tpu.memory_space<hbm>>) target(%dma_start3A_697 : memref<50x16xi32, #tpu.memory_space<vmem>>) target_semaphore(%arg15 : memref<!tpu.dma_semaphore, #tpu.memory_space<semaphore_mem>>)
    %scan3A_700 = arith.constant 0 : i32
    %scan3A_701 = arith.constant 0 : i32
    %scan3A_702 = arith.constant 16 : i32
    %scan3A_703 = arith.addi %scan3A_701, %scan3A_702 : i32
    %scan3A_704 = arith.constant 1 : i32
    scf.for %scan3A_813 = %scan3A_701 to %scan3A_703 step %scan3A_704  : i32 {
      %get3A_814 = arith.constant 1 : i32
      %get3A_815 = arith.index_cast %get3A_814 : i32 to index
      %get3A_816 = arith.index_cast %scan3A_813 : i32 to index
      %get3A_817 = arith.constant 0 : index
      %get3A_818 = tpu.vector_load %arg10[%get3A_815, %get3A_816, %get3A_817] {strides = array<i32>} : memref<2x16x64xf32, #tpu.memory_space<vmem>>, vector<16xf32>,
      %get3A_819 = arith.constant 1 : i32
      %get3A_820 = arith.index_cast %get3A_819 : i32 to index
      %get3A_821 = arith.index_cast %scan3A_813 : i32 to index
      %get3A_822 = arith.constant 16 : index
      %get3A_823 = tpu.vector_load %arg10[%get3A_820, %get3A_821, %get3A_822] {strides = array<i32>} : memref<2x16x64xf32, #tpu.memory_space<vmem>>, vector<16xf32>,
      %get3A_824 = arith.constant 1 : i32
      %get3A_825 = arith.index_cast %get3A_824 : i32 to index
      %get3A_826 = arith.index_cast %scan3A_813 : i32 to index
      %get3A_827 = arith.constant 32 : index
      %get3A_828 = tpu.vector_load %arg10[%get3A_825, %get3A_826, %get3A_827] {strides = array<i32>} : memref<2x16x64xf32, #tpu.memory_space<vmem>>, vector<16xf32>,
      %get3A_829 = arith.constant 1 : i32
      %get3A_830 = arith.index_cast %get3A_829 : i32 to index
      %get3A_831 = arith.index_cast %scan3A_813 : i32 to index
      %get3A_832 = arith.constant 48 : index
      %get3A_833 = tpu.vector_load %arg10[%get3A_830, %get3A_831, %get3A_832] {strides = array<i32>} : memref<2x16x64xf32, #tpu.memory_space<vmem>>, vector<16xf32>,
      %parallel_loop3A_834 = arith.constant 0 : i32
      %parallel_loop3A_835 = arith.constant 50 : i32
      %parallel_loop3A_836 = arith.constant 1 : i32
      scf.for %parallel_loop3A_840 = %parallel_loop3A_834 to %parallel_loop3A_835 step %parallel_loop3A_836  : i32 {
        %parallel_loop3A_841 = arith.constant 16 : i32
        %parallel_loop3A_842 = arith.muli %parallel_loop3A_840, %parallel_loop3A_841 : i32
        %parallel_loop3A_843 = arith.addi %parallel_loop3A_842, %scan3A_813 : i32
        %parallel_loop3A_844 = arith.constant 1 : i32
        %parallel_loop3A_845 = arith.index_cast %parallel_loop3A_844 : i32 to index
        %parallel_loop3A_846 = arith.index_cast %parallel_loop3A_843 : i32 to index
        %parallel_loop3A_847 = arith.constant 0 : index
        %parallel_loop3A_848 = tpu.vector_load %arg11[%parallel_loop3A_845, %parallel_loop3A_846, %parallel_loop3A_847] {strides = array<i32>} : memref<2x800x64xf32, #tpu.memory_space<vmem>>, vector<16xf32>,
        %parallel_loop3A_849 = arith.mulf %parallel_loop3A_848, %get3A_818 : vector<16xf32>
        %parallel_loop3A_850 = arith.constant 1 : i32
        %parallel_loop3A_851 = arith.index_cast %parallel_loop3A_850 : i32 to index
        %parallel_loop3A_852 = arith.index_cast %parallel_loop3A_843 : i32 to index
        %parallel_loop3A_853 = arith.constant 16 : index
        %parallel_loop3A_854 = tpu.vector_load %arg11[%parallel_loop3A_851, %parallel_loop3A_852, %parallel_loop3A_853] {strides = array<i32>} : memref<2x800x64xf32, #tpu.memory_space<vmem>>, vector<16xf32>,
        %parallel_loop3A_855 = arith.mulf %parallel_loop3A_854, %get3A_823 : vector<16xf32>
        %parallel_loop3A_856 = arith.addf %parallel_loop3A_849, %parallel_loop3A_855 : vector<16xf32>
        %parallel_loop3A_857 = arith.constant 1 : i32
        %parallel_loop3A_858 = arith.index_cast %parallel_loop3A_857 : i32 to index
        %parallel_loop3A_859 = arith.index_cast %parallel_loop3A_843 : i32 to index
        %parallel_loop3A_860 = arith.constant 32 : index
        %parallel_loop3A_861 = tpu.vector_load %arg11[%parallel_loop3A_858, %parallel_loop3A_859, %parallel_loop3A_860] {strides = array<i32>} : memref<2x800x64xf32, #tpu.memory_space<vmem>>, vector<16xf32>,
        %parallel_loop3A_862 = arith.mulf %parallel_loop3A_861, %get3A_828 : vector<16xf32>
        %parallel_loop3A_863 = arith.constant 1 : i32
        %parallel_loop3A_864 = arith.index_cast %parallel_loop3A_863 : i32 to index
        %parallel_loop3A_865 = arith.index_cast %parallel_loop3A_843 : i32 to index
        %parallel_loop3A_866 = arith.constant 48 : index
        %parallel_loop3A_867 = tpu.vector_load %arg11[%parallel_loop3A_864, %parallel_loop3A_865, %parallel_loop3A_866] {strides = array<i32>} : memref<2x800x64xf32, #tpu.memory_space<vmem>>, vector<16xf32>,
        %parallel_loop3A_868 = arith.mulf %parallel_loop3A_867, %get3A_833 : vector<16xf32>
        %parallel_loop3A_869 = arith.addf %parallel_loop3A_862, %parallel_loop3A_868 : vector<16xf32>
        %parallel_loop3A_870 = arith.addf %parallel_loop3A_856, %parallel_loop3A_869 : vector<16xf32>
        %parallel_loop3A_871 = arith.constant 17 : i32
        %parallel_loop3A_872 = arith.muli %parallel_loop3A_840, %parallel_loop3A_871 : i32
        %parallel_loop3A_873 = arith.constant 1 : i32
        %parallel_loop3A_874 = arith.index_cast %parallel_loop3A_873 : i32 to index
        %parallel_loop3A_875 = arith.index_cast %parallel_loop3A_872 : i32 to index
        %parallel_loop3A_876 = tpu.vector_load %arg12[%parallel_loop3A_874, %parallel_loop3A_875] {strides = array<i32>} : memref<2x1104xf32, #tpu.memory_space<vmem>>, vector<16xf32>,
        tpu.vector_store %arg12[%parallel_loop3A_874, %parallel_loop3A_875], %parallel_loop3A_870 {strides = array<i32>} : memref<2x1104xf32, #tpu.memory_space<vmem>>, vector<16xf32>,
      } {sc.loop_unroll_factor = 5 : i64, sc.parallel_access}
      %parallel_loop3A_837 = arith.constant 0 : i32
      %parallel_loop3A_838 = arith.constant 4 : i32
      %parallel_loop3A_839 = arith.constant 1 : i32
      scf.for %parallel_loop3A_840 = %parallel_loop3A_837 to %parallel_loop3A_838 step %parallel_loop3A_839  : i32 {
        %parallel_loop3A_841 = arith.constant 272 : i32
        %parallel_loop3A_842 = arith.muli %parallel_loop3A_840, %parallel_loop3A_841 : i32
        %parallel_loop3A_843 = vector.broadcast %parallel_loop3A_842 : i32 to vector<16xi32>
        %parallel_loop3A_844 = arith.addi %mul3A_5, %parallel_loop3A_843 : vector<16xi32>
        %parallel_loop3A_845 = arith.constant 1 : i32
        %parallel_loop3A_846 = arith.constant 0 : i32
        %parallel_loop3A_847 = tpu.memref_slice %arg12[%parallel_loop3A_845, %parallel_loop3A_846] : memref<2x1104xf32, #tpu.memory_space<vmem>> -> memref<1x1104xf32, #tpu.memory_space<vmem>>
        %parallel_loop3A_848 = tpu.memref_squeeze %parallel_loop3A_847 : memref<1x1104xf32, #tpu.memory_space<vmem>> -> memref<1104xf32, #tpu.memory_space<vmem>>
        %parallel_loop3A_849 = tpu.vector_load_idx %parallel_loop3A_848[%parallel_loop3A_844] : memref<1104xf32, #tpu.memory_space<vmem>>[vector<16xi32>], vector<16xf32>,
        %parallel_loop3A_850 = arith.constant 1 : i32
        %parallel_loop3A_851 = arith.addi %parallel_loop3A_842, %parallel_loop3A_850 : i32
        %parallel_loop3A_852 = vector.broadcast %parallel_loop3A_851 : i32 to vector<16xi32>
        %parallel_loop3A_853 = arith.addi %mul3A_5, %parallel_loop3A_852 : vector<16xi32>
        %parallel_loop3A_854 = arith.constant 1 : i32
        %parallel_loop3A_855 = arith.constant 0 : i32
        %parallel_loop3A_856 = tpu.memref_slice %arg12[%parallel_loop3A_854, %parallel_loop3A_855] : memref<2x1104xf32, #tpu.memory_space<vmem>> -> memref<1x1104xf32, #tpu.memory_space<vmem>>
        %parallel_loop3A_857 = tpu.memref_squeeze %parallel_loop3A_856 : memref<1x1104xf32, #tpu.memory_space<vmem>> -> memref<1104xf32, #tpu.memory_space<vmem>>
        %parallel_loop3A_858 = tpu.vector_load_idx %parallel_loop3A_857[%parallel_loop3A_853] : memref<1104xf32, #tpu.memory_space<vmem>>[vector<16xi32>], vector<16xf32>,
        %parallel_loop3A_859 = arith.addf %parallel_loop3A_849, %parallel_loop3A_858 : vector<16xf32>
        %parallel_loop3A_860 = arith.constant 2 : i32
        %parallel_loop3A_861 = arith.addi %parallel_loop3A_842, %parallel_loop3A_860 : i32
        %parallel_loop3A_862 = vector.broadcast %parallel_loop3A_861 : i32 to vector<16xi32>
        %parallel_loop3A_863 = arith.addi %mul3A_5, %parallel_loop3A_862 : vector<16xi32>
        %parallel_loop3A_864 = arith.constant 1 : i32
        %parallel_loop3A_865 = arith.constant 0 : i32
        %parallel_loop3A_866 = tpu.memref_slice %arg12[%parallel_loop3A_864, %parallel_loop3A_865] : memref<2x1104xf32, #tpu.memory_space<vmem>> -> memref<1x1104xf32, #tpu.memory_space<vmem>>
        %parallel_loop3A_867 = tpu.memref_squeeze %parallel_loop3A_866 : memref<1x1104xf32, #tpu.memory_space<vmem>> -> memref<1104xf32, #tpu.memory_space<vmem>>
        %parallel_loop3A_868 = tpu.vector_load_idx %parallel_loop3A_867[%parallel_loop3A_863] : memref<1104xf32, #tpu.memory_space<vmem>>[vector<16xi32>], vector<16xf32>,
        %parallel_loop3A_869 = arith.addf %parallel_loop3A_859, %parallel_loop3A_868 : vector<16xf32>
        %parallel_loop3A_870 = arith.constant 3 : i32
        %parallel_loop3A_871 = arith.addi %parallel_loop3A_842, %parallel_loop3A_870 : i32
        %parallel_loop3A_872 = vector.broadcast %parallel_loop3A_871 : i32 to vector<16xi32>
        %parallel_loop3A_873 = arith.addi %mul3A_5, %parallel_loop3A_872 : vector<16xi32>
        %parallel_loop3A_874 = arith.constant 1 : i32
        %parallel_loop3A_875 = arith.constant 0 : i32
        %parallel_loop3A_876 = tpu.memref_slice %arg12[%parallel_loop3A_874, %parallel_loop3A_875] : memref<2x1104xf32, #tpu.memory_space<vmem>> -> memref<1x1104xf32, #tpu.memory_space<vmem>>
        %parallel_loop3A_877 = tpu.memref_squeeze %parallel_loop3A_876 : memref<1x1104xf32, #tpu.memory_space<vmem>> -> memref<1104xf32, #tpu.memory_space<vmem>>
        %parallel_loop3A_878 = tpu.vector_load_idx %parallel_loop3A_877[%parallel_loop3A_873] : memref<1104xf32, #tpu.memory_space<vmem>>[vector<16xi32>], vector<16xf32>,
        %parallel_loop3A_879 = arith.addf %parallel_loop3A_869, %parallel_loop3A_878 : vector<16xf32>
        %parallel_loop3A_880 = arith.constant 4 : i32
        %parallel_loop3A_881 = arith.addi %parallel_loop3A_842, %parallel_loop3A_880 : i32
        %parallel_loop3A_882 = vector.broadcast %parallel_loop3A_881 : i32 to vector<16xi32>
        %parallel_loop3A_883 = arith.addi %mul3A_5, %parallel_loop3A_882 : vector<16xi32>
        %parallel_loop3A_884 = arith.constant 1 : i32
        %parallel_loop3A_885 = arith.constant 0 : i32
        %parallel_loop3A_886 = tpu.memref_slice %arg12[%parallel_loop3A_884, %parallel_loop3A_885] : memref<2x1104xf32, #tpu.memory_space<vmem>> -> memref<1x1104xf32, #tpu.memory_space<vmem>>
        %parallel_loop3A_887 = tpu.memref_squeeze %parallel_loop3A_886 : memref<1x1104xf32, #tpu.memory_space<vmem>> -> memref<1104xf32, #tpu.memory_space<vmem>>
        %parallel_loop3A_888 = tpu.vector_load_idx %parallel_loop3A_887[%parallel_loop3A_883] : memref<1104xf32, #tpu.memory_space<vmem>>[vector<16xi32>], vector<16xf32>,
        %parallel_loop3A_889 = arith.addf %parallel_loop3A_879, %parallel_loop3A_888 : vector<16xf32>
        %parallel_loop3A_890 = arith.constant 5 : i32
        %parallel_loop3A_891 = arith.addi %parallel_loop3A_842, %parallel_loop3A_890 : i32
        %parallel_loop3A_892 = vector.broadcast %parallel_loop3A_891 : i32 to vector<16xi32>
        %parallel_loop3A_893 = arith.addi %mul3A_5, %parallel_loop3A_892 : vector<16xi32>
        %parallel_loop3A_894 = arith.constant 1 : i32
        %parallel_loop3A_895 = arith.constant 0 : i32
        %parallel_loop3A_896 = tpu.memref_slice %arg12[%parallel_loop3A_894, %parallel_loop3A_895] : memref<2x1104xf32, #tpu.memory_space<vmem>> -> memref<1x1104xf32, #tpu.memory_space<vmem>>
        %parallel_loop3A_897 = tpu.memref_squeeze %parallel_loop3A_896 : memref<1x1104xf32, #tpu.memory_space<vmem>> -> memref<1104xf32, #tpu.memory_space<vmem>>
        %parallel_loop3A_898 = tpu.vector_load_idx %parallel_loop3A_897[%parallel_loop3A_893] : memref<1104xf32, #tpu.memory_space<vmem>>[vector<16xi32>], vector<16xf32>,
        %parallel_loop3A_899 = arith.addf %parallel_loop3A_889, %parallel_loop3A_898 : vector<16xf32>
        %parallel_loop3A_900 = arith.constant 6 : i32
        %parallel_loop3A_901 = arith.addi %parallel_loop3A_842, %parallel_loop3A_900 : i32
        %parallel_loop3A_902 = vector.broadcast %parallel_loop3A_901 : i32 to vector<16xi32>
        %parallel_loop3A_903 = arith.addi %mul3A_5, %parallel_loop3A_902 : vector<16xi32>
        %parallel_loop3A_904 = arith.constant 1 : i32
        %parallel_loop3A_905 = arith.constant 0 : i32
        %parallel_loop3A_906 = tpu.memref_slice %arg12[%parallel_loop3A_904, %parallel_loop3A_905] : memref<2x1104xf32, #tpu.memory_space<vmem>> -> memref<1x1104xf32, #tpu.memory_space<vmem>>
        %parallel_loop3A_907 = tpu.memref_squeeze %parallel_loop3A_906 : memref<1x1104xf32, #tpu.memory_space<vmem>> -> memref<1104xf32, #tpu.memory_space<vmem>>
        %parallel_loop3A_908 = tpu.vector_load_idx %parallel_loop3A_907[%parallel_loop3A_903] : memref<1104xf32, #tpu.memory_space<vmem>>[vector<16xi32>], vector<16xf32>,
        %parallel_loop3A_909 = arith.addf %parallel_loop3A_899, %parallel_loop3A_908 : vector<16xf32>
        %parallel_loop3A_910 = arith.constant 7 : i32
        %parallel_loop3A_911 = arith.addi %parallel_loop3A_842, %parallel_loop3A_910 : i32
        %parallel_loop3A_912 = vector.broadcast %parallel_loop3A_911 : i32 to vector<16xi32>
        %parallel_loop3A_913 = arith.addi %mul3A_5, %parallel_loop3A_912 : vector<16xi32>
        %parallel_loop3A_914 = arith.constant 1 : i32
        %parallel_loop3A_915 = arith.constant 0 : i32
        %parallel_loop3A_916 = tpu.memref_slice %arg12[%parallel_loop3A_914, %parallel_loop3A_915] : memref<2x1104xf32, #tpu.memory_space<vmem>> -> memref<1x1104xf32, #tpu.memory_space<vmem>>
        %parallel_loop3A_917 = tpu.memref_squeeze %parallel_loop3A_916 : memref<1x1104xf32, #tpu.memory_space<vmem>> -> memref<1104xf32, #tpu.memory_space<vmem>>
        %parallel_loop3A_918 = tpu.vector_load_idx %parallel_loop3A_917[%parallel_loop3A_913] : memref<1104xf32, #tpu.memory_space<vmem>>[vector<16xi32>], vector<16xf32>,
        %parallel_loop3A_919 = arith.addf %parallel_loop3A_909, %parallel_loop3A_918 : vector<16xf32>
        %parallel_loop3A_920 = arith.constant 8 : i32
        %parallel_loop3A_921 = arith.addi %parallel_loop3A_842, %parallel_loop3A_920 : i32
        %parallel_loop3A_922 = vector.broadcast %parallel_loop3A_921 : i32 to vector<16xi32>
        %parallel_loop3A_923 = arith.addi %mul3A_5, %parallel_loop3A_922 : vector<16xi32>
        %parallel_loop3A_924 = arith.constant 1 : i32
        %parallel_loop3A_925 = arith.constant 0 : i32
        %parallel_loop3A_926 = tpu.memref_slice %arg12[%parallel_loop3A_924, %parallel_loop3A_925] : memref<2x1104xf32, #tpu.memory_space<vmem>> -> memref<1x1104xf32, #tpu.memory_space<vmem>>
        %parallel_loop3A_927 = tpu.memref_squeeze %parallel_loop3A_926 : memref<1x1104xf32, #tpu.memory_space<vmem>> -> memref<1104xf32, #tpu.memory_space<vmem>>
        %parallel_loop3A_928 = tpu.vector_load_idx %parallel_loop3A_927[%parallel_loop3A_923] : memref<1104xf32, #tpu.memory_space<vmem>>[vector<16xi32>], vector<16xf32>,
        %parallel_loop3A_929 = arith.addf %parallel_loop3A_919, %parallel_loop3A_928 : vector<16xf32>
        %parallel_loop3A_930 = arith.constant 9 : i32
        %parallel_loop3A_931 = arith.addi %parallel_loop3A_842, %parallel_loop3A_930 : i32
        %parallel_loop3A_932 = vector.broadcast %parallel_loop3A_931 : i32 to vector<16xi32>
        %parallel_loop3A_933 = arith.addi %mul3A_5, %parallel_loop3A_932 : vector<16xi32>
        %parallel_loop3A_934 = arith.constant 1 : i32
        %parallel_loop3A_935 = arith.constant 0 : i32
        %parallel_loop3A_936 = tpu.memref_slice %arg12[%parallel_loop3A_934, %parallel_loop3A_935] : memref<2x1104xf32, #tpu.memory_space<vmem>> -> memref<1x1104xf32, #tpu.memory_space<vmem>>
        %parallel_loop3A_937 = tpu.memref_squeeze %parallel_loop3A_936 : memref<1x1104xf32, #tpu.memory_space<vmem>> -> memref<1104xf32, #tpu.memory_space<vmem>>
        %parallel_loop3A_938 = tpu.vector_load_idx %parallel_loop3A_937[%parallel_loop3A_933] : memref<1104xf32, #tpu.memory_space<vmem>>[vector<16xi32>], vector<16xf32>,
        %parallel_loop3A_939 = arith.addf %parallel_loop3A_929, %parallel_loop3A_938 : vector<16xf32>
        %parallel_loop3A_940 = arith.constant 10 : i32
        %parallel_loop3A_941 = arith.addi %parallel_loop3A_842, %parallel_loop3A_940 : i32
        %parallel_loop3A_942 = vector.broadcast %parallel_loop3A_941 : i32 to vector<16xi32>
        %parallel_loop3A_943 = arith.addi %mul3A_5, %parallel_loop3A_942 : vector<16xi32>
        %parallel_loop3A_944 = arith.constant 1 : i32
        %parallel_loop3A_945 = arith.constant 0 : i32
        %parallel_loop3A_946 = tpu.memref_slice %arg12[%parallel_loop3A_944, %parallel_loop3A_945] : memref<2x1104xf32, #tpu.memory_space<vmem>> -> memref<1x1104xf32, #tpu.memory_space<vmem>>
        %parallel_loop3A_947 = tpu.memref_squeeze %parallel_loop3A_946 : memref<1x1104xf32, #tpu.memory_space<vmem>> -> memref<1104xf32, #tpu.memory_space<vmem>>
        %parallel_loop3A_948 = tpu.vector_load_idx %parallel_loop3A_947[%parallel_loop3A_943] : memref<1104xf32, #tpu.memory_space<vmem>>[vector<16xi32>], vector<16xf32>,
        %parallel_loop3A_949 = arith.addf %parallel_loop3A_939, %parallel_loop3A_948 : vector<16xf32>
        %parallel_loop3A_950 = arith.constant 11 : i32
        %parallel_loop3A_951 = arith.addi %parallel_loop3A_842, %parallel_loop3A_950 : i32
        %parallel_loop3A_952 = vector.broadcast %parallel_loop3A_951 : i32 to vector<16xi32>
        %parallel_loop3A_953 = arith.addi %mul3A_5, %parallel_loop3A_952 : vector<16xi32>
        %parallel_loop3A_954 = arith.constant 1 : i32
        %parallel_loop3A_955 = arith.constant 0 : i32
        %parallel_loop3A_956 = tpu.memref_slice %arg12[%parallel_loop3A_954, %parallel_loop3A_955] : memref<2x1104xf32, #tpu.memory_space<vmem>> -> memref<1x1104xf32, #tpu.memory_space<vmem>>
        %parallel_loop3A_957 = tpu.memref_squeeze %parallel_loop3A_956 : memref<1x1104xf32, #tpu.memory_space<vmem>> -> memref<1104xf32, #tpu.memory_space<vmem>>
        %parallel_loop3A_958 = tpu.vector_load_idx %parallel_loop3A_957[%parallel_loop3A_953] : memref<1104xf32, #tpu.memory_space<vmem>>[vector<16xi32>], vector<16xf32>,
        %parallel_loop3A_959 = arith.addf %parallel_loop3A_949, %parallel_loop3A_958 : vector<16xf32>
        %parallel_loop3A_960 = arith.constant 12 : i32
        %parallel_loop3A_961 = arith.addi %parallel_loop3A_842, %parallel_loop3A_960 : i32
        %parallel_loop3A_962 = vector.broadcast %parallel_loop3A_961 : i32 to vector<16xi32>
        %parallel_loop3A_963 = arith.addi %mul3A_5, %parallel_loop3A_962 : vector<16xi32>
        %parallel_loop3A_964 = arith.constant 1 : i32
        %parallel_loop3A_965 = arith.constant 0 : i32
        %parallel_loop3A_966 = tpu.memref_slice %arg12[%parallel_loop3A_964, %parallel_loop3A_965] : memref<2x1104xf32, #tpu.memory_space<vmem>> -> memref<1x1104xf32, #tpu.memory_space<vmem>>
        %parallel_loop3A_967 = tpu.memref_squeeze %parallel_loop3A_966 : memref<1x1104xf32, #tpu.memory_space<vmem>> -> memref<1104xf32, #tpu.memory_space<vmem>>
        %parallel_loop3A_968 = tpu.vector_load_idx %parallel_loop3A_967[%parallel_loop3A_963] : memref<1104xf32, #tpu.memory_space<vmem>>[vector<16xi32>], vector<16xf32>,
        %parallel_loop3A_969 = arith.addf %parallel_loop3A_959, %parallel_loop3A_968 : vector<16xf32>
        %parallel_loop3A_970 = arith.constant 13 : i32
        %parallel_loop3A_971 = arith.addi %parallel_loop3A_842, %parallel_loop3A_970 : i32
        %parallel_loop3A_972 = vector.broadcast %parallel_loop3A_971 : i32 to vector<16xi32>
        %parallel_loop3A_973 = arith.addi %mul3A_5, %parallel_loop3A_972 : vector<16xi32>
        %parallel_loop3A_974 = arith.constant 1 : i32
        %parallel_loop3A_975 = arith.constant 0 : i32
        %parallel_loop3A_976 = tpu.memref_slice %arg12[%parallel_loop3A_974, %parallel_loop3A_975] : memref<2x1104xf32, #tpu.memory_space<vmem>> -> memref<1x1104xf32, #tpu.memory_space<vmem>>
        %parallel_loop3A_977 = tpu.memref_squeeze %parallel_loop3A_976 : memref<1x1104xf32, #tpu.memory_space<vmem>> -> memref<1104xf32, #tpu.memory_space<vmem>>
        %parallel_loop3A_978 = tpu.vector_load_idx %parallel_loop3A_977[%parallel_loop3A_973] : memref<1104xf32, #tpu.memory_space<vmem>>[vector<16xi32>], vector<16xf32>,
        %parallel_loop3A_979 = arith.addf %parallel_loop3A_969, %parallel_loop3A_978 : vector<16xf32>
        %parallel_loop3A_980 = arith.constant 14 : i32
        %parallel_loop3A_981 = arith.addi %parallel_loop3A_842, %parallel_loop3A_980 : i32
        %parallel_loop3A_982 = vector.broadcast %parallel_loop3A_981 : i32 to vector<16xi32>
        %parallel_loop3A_983 = arith.addi %mul3A_5, %parallel_loop3A_982 : vector<16xi32>
        %parallel_loop3A_984 = arith.constant 1 : i32
        %parallel_loop3A_985 = arith.constant 0 : i32
        %parallel_loop3A_986 = tpu.memref_slice %arg12[%parallel_loop3A_984, %parallel_loop3A_985] : memref<2x1104xf32, #tpu.memory_space<vmem>> -> memref<1x1104xf32, #tpu.memory_space<vmem>>
        %parallel_loop3A_987 = tpu.memref_squeeze %parallel_loop3A_986 : memref<1x1104xf32, #tpu.memory_space<vmem>> -> memref<1104xf32, #tpu.memory_space<vmem>>
        %parallel_loop3A_988 = tpu.vector_load_idx %parallel_loop3A_987[%parallel_loop3A_983] : memref<1104xf32, #tpu.memory_space<vmem>>[vector<16xi32>], vector<16xf32>,
        %parallel_loop3A_989 = arith.addf %parallel_loop3A_979, %parallel_loop3A_988 : vector<16xf32>
        %parallel_loop3A_990 = arith.constant 15 : i32
        %parallel_loop3A_991 = arith.addi %parallel_loop3A_842, %parallel_loop3A_990 : i32
        %parallel_loop3A_992 = vector.broadcast %parallel_loop3A_991 : i32 to vector<16xi32>
        %parallel_loop3A_993 = arith.addi %mul3A_5, %parallel_loop3A_992 : vector<16xi32>
        %parallel_loop3A_994 = arith.constant 1 : i32
        %parallel_loop3A_995 = arith.constant 0 : i32
        %parallel_loop3A_996 = tpu.memref_slice %arg12[%parallel_loop3A_994, %parallel_loop3A_995] : memref<2x1104xf32, #tpu.memory_space<vmem>> -> memref<1x1104xf32, #tpu.memory_space<vmem>>
        %parallel_loop3A_997 = tpu.memref_squeeze %parallel_loop3A_996 : memref<1x1104xf32, #tpu.memory_space<vmem>> -> memref<1104xf32, #tpu.memory_space<vmem>>
        %parallel_loop3A_998 = tpu.vector_load_idx %parallel_loop3A_997[%parallel_loop3A_993] : memref<1104xf32, #tpu.memory_space<vmem>>[vector<16xi32>], vector<16xf32>,
        %parallel_loop3A_999 = arith.addf %parallel_loop3A_989, %parallel_loop3A_998 : vector<16xf32>
        %parallel_loop3A_1000 = arith.constant 16 : i32
        %parallel_loop3A_1001 = arith.muli %parallel_loop3A_840, %parallel_loop3A_1000 : i32
        %parallel_loop3A_1002 = arith.constant 1 : i32
        %parallel_loop3A_1003 = arith.index_cast %parallel_loop3A_1002 : i32 to index
        %parallel_loop3A_1004 = arith.index_cast %scan3A_813 : i32 to index
        %parallel_loop3A_1005 = arith.index_cast %parallel_loop3A_1001 : i32 to index
        %parallel_loop3A_1006 = tpu.vector_load %arg13[%parallel_loop3A_1003, %parallel_loop3A_1004, %parallel_loop3A_1005] {strides = array<i32>} : memref<2x16x64xf32, #tpu.memory_space<vmem>>, vector<16xf32>,
        tpu.vector_store %arg13[%parallel_loop3A_1003, %parallel_loop3A_1004, %parallel_loop3A_1005], %parallel_loop3A_999 {strides = array<i32>} : memref<2x16x64xf32, #tpu.memory_space<vmem>>, vector<16xf32>,
      } {sc.loop_unroll_factor = 1 : i64, sc.parallel_access}
    }
    %scan3A_705 = arith.constant 16 : i32
    %add3A_706 = arith.constant 16 : i32
    %add3A_707 = arith.addi %mul3A_2, %add3A_706 : i32
    %dma_start3A_708 = arith.constant 1 : i32
    %dma_start3A_709 = arith.constant 0 : i32
    %dma_start3A_710 = arith.constant 0 : i32
    %dma_start3A_711 = tpu.memref_slice %arg13[%dma_start3A_708, %dma_start3A_709, %dma_start3A_710] : memref<2x16x64xf32, #tpu.memory_space<vmem>> -> memref<1x16x64xf32, #tpu.memory_space<vmem>>
    %dma_start3A_712 = tpu.memref_squeeze %dma_start3A_711 : memref<1x16x64xf32, #tpu.memory_space<vmem>> -> memref<16x64xf32, #tpu.memory_space<vmem>>
    %dma_start3A_713 = arith.constant 0 : i32
    %dma_start3A_714 = tpu.memref_slice %arg6[%add3A_707, %dma_start3A_713] : memref<16384x64xf32, #tpu.memory_space<hbm>> -> memref<16x64xf32, #tpu.memory_space<hbm>>
    %dma_start3A_715 = arith.constant 0 : i32
    %dma_start3A_716 = tpu.memref_slice %arg6[%add3A_707, %dma_start3A_715] : memref<16384x64xf32, #tpu.memory_space<hbm>> -> memref<16x64xf32, #tpu.memory_space<hbm>>
    %dma_start3A_717 = arith.constant 0 : i32
    %dma_start3A_718 = arith.constant 0 : i32
    %dma_start3A_719 = tpu.memref_slice %arg13[%dma_start3A_708, %dma_start3A_717, %dma_start3A_718] : memref<2x16x64xf32, #tpu.memory_space<vmem>> -> memref<1x16x64xf32, #tpu.memory_space<vmem>>
    %dma_start3A_720 = tpu.memref_squeeze %dma_start3A_719 : memref<1x16x64xf32, #tpu.memory_space<vmem>> -> memref<16x64xf32, #tpu.memory_space<vmem>>
    tpu.enqueue_dma source(%dma_start3A_720 : memref<16x64xf32, #tpu.memory_space<vmem>>) target(%dma_start3A_716 : memref<16x64xf32, #tpu.memory_space<hbm>>) target_semaphore(%arg19 : memref<!tpu.dma_semaphore, #tpu.memory_space<semaphore_mem>>)
    %scan3A_721 = arith.constant 0 : i32
    %scan3A_722 = arith.constant 1 : i32
    %scan3A_723 = arith.constant 15 : i32
    %scan3A_724 = arith.addi %scan3A_722, %scan3A_723 : i32
    %scan3A_725 = arith.constant 1 : i32
    scf.for %scan3A_813 = %scan3A_722 to %scan3A_724 step %scan3A_725  : i32 {
      %mul3A_814 = arith.constant 2 : i32
      %mul3A_815 = arith.muli %mul3A_814, %scan3A_813 : i32
      %dma_wait3A_816 = arith.constant 1 : i32
      %dma_wait3A_817 = arith.constant 0 : i32
      %dma_wait3A_818 = tpu.memref_slice %arg7[%dma_wait3A_816, %dma_wait3A_817] : memref<2x16xi32, #tpu.memory_space<vmem>> -> memref<1x16xi32, #tpu.memory_space<vmem>>
      %dma_wait3A_819 = tpu.memref_squeeze %dma_wait3A_818 : memref<1x16xi32, #tpu.memory_space<vmem>> -> memref<16xi32, #tpu.memory_space<vmem>>
      %dma_wait3A_820 = arith.constant 0 : i32
      %dma_wait3A_821 = tpu.memref_slice %arg2[%dma_wait3A_820] : memref<16384xi32, #tpu.memory_space<hbm>> -> memref<16xi32, #tpu.memory_space<hbm>>
      %dma_wait3A_822 = arith.constant 0 : i32
      %dma_wait3A_823 = tpu.memref_slice %arg7[%dma_wait3A_816, %dma_wait3A_822] : memref<2x16xi32, #tpu.memory_space<vmem>> -> memref<1x16xi32, #tpu.memory_space<vmem>>
      %dma_wait3A_824 = tpu.memref_squeeze %dma_wait3A_823 : memref<1x16xi32, #tpu.memory_space<vmem>> -> memref<16xi32, #tpu.memory_space<vmem>>
      %dma_wait3A_825 = arith.constant 0 : i32
      %dma_wait3A_826 = tpu.memref_slice %arg2[%dma_wait3A_825] : memref<16384xi32, #tpu.memory_space<hbm>> -> memref<16xi32, #tpu.memory_space<hbm>>
      tpu.wait_dma2 semaphore(%arg15 : memref<!tpu.dma_semaphore, #tpu.memory_space<semaphore_mem>>) src(%dma_wait3A_826 : memref<16xi32, #tpu.memory_space<hbm>>) dst(%dma_wait3A_824 : memref<16xi32, #tpu.memory_space<vmem>>)
      %dma_wait3A_827 = arith.constant 1 : i32
      %dma_wait3A_828 = arith.constant 0 : i32
      %dma_wait3A_829 = arith.constant 0 : i32
      %dma_wait3A_830 = tpu.memref_slice %arg8[%dma_wait3A_827, %dma_wait3A_828, %dma_wait3A_829] : memref<2x50x16xi32, #tpu.memory_space<vmem>> -> memref<1x50x16xi32, #tpu.memory_space<vmem>>
      %dma_wait3A_831 = tpu.memref_squeeze %dma_wait3A_830 : memref<1x50x16xi32, #tpu.memory_space<vmem>> -> memref<50x16xi32, #tpu.memory_space<vmem>>
      %dma_wait3A_832 = arith.constant 0 : i32
      %dma_wait3A_833 = arith.constant 0 : i32
      %dma_wait3A_834 = tpu.memref_slice %arg3[%dma_wait3A_832, %dma_wait3A_833] : memref<50x16384xi32, #tpu.memory_space<hbm>> -> memref<50x16xi32, #tpu.memory_space<hbm>>
      %dma_wait3A_835 = arith.constant 0 : i32
      %dma_wait3A_836 = arith.constant 0 : i32
      %dma_wait3A_837 = tpu.memref_slice %arg8[%dma_wait3A_827, %dma_wait3A_835, %dma_wait3A_836] : memref<2x50x16xi32, #tpu.memory_space<vmem>> -> memref<1x50x16xi32, #tpu.memory_space<vmem>>
      %dma_wait3A_838 = tpu.memref_squeeze %dma_wait3A_837 : memref<1x50x16xi32, #tpu.memory_space<vmem>> -> memref<50x16xi32, #tpu.memory_space<vmem>>
      %dma_wait3A_839 = arith.constant 0 : i32
      %dma_wait3A_840 = arith.constant 0 : i32
      %dma_wait3A_841 = tpu.memref_slice %arg3[%dma_wait3A_839, %dma_wait3A_840] : memref<50x16384xi32, #tpu.memory_space<hbm>> -> memref<50x16xi32, #tpu.memory_space<hbm>>
      tpu.wait_dma2 semaphore(%arg15 : memref<!tpu.dma_semaphore, #tpu.memory_space<semaphore_mem>>) src(%dma_wait3A_841 : memref<50x16xi32, #tpu.memory_space<hbm>>) dst(%dma_wait3A_838 : memref<50x16xi32, #tpu.memory_space<vmem>>)
      %get3A_842 = arith.constant 1 : i32
      %get3A_843 = arith.index_cast %get3A_842 : i32 to index
      %get3A_844 = arith.constant 0 : index
      %get3A_845 = tpu.vector_load %arg7[%get3A_843, %get3A_844] {strides = array<i32>} : memref<2x16xi32, #tpu.memory_space<vmem>>, vector<16xi32>,
      %mul3A_846 = arith.constant 2 : i32
      %mul3A_847 = vector.broadcast %mul3A_846 : i32 to vector<16xi32>
      %mul3A_848 = arith.muli %get3A_845, %mul3A_847 : vector<16xi32>
      %swap3A_849 = arith.constant 1 : i32
      %swap3A_850 = arith.index_cast %swap3A_849 : i32 to index
      %swap3A_851 = arith.constant 0 : index
      %swap3A_852 = tpu.vector_load %arg7[%swap3A_850, %swap3A_851] {strides = array<i32>} : memref<2x16xi32, #tpu.memory_space<vmem>>, vector<16xi32>,
      tpu.vector_store %arg7[%swap3A_850, %swap3A_851], %mul3A_848 {strides = array<i32>} : memref<2x16xi32, #tpu.memory_space<vmem>>, vector<16xi32>,
      %dma_start3A_853 = arith.constant 1 : i32
      %dma_start3A_854 = arith.constant 1 : i32
      %dma_start3A_855 = arith.constant 0 : i32
      %dma_start3A_856 = arith.constant 0 : i32
      %dma_start3A_857 = tpu.memref_slice %arg10[%dma_start3A_854, %dma_start3A_855, %dma_start3A_856] : memref<2x16x64xf32, #tpu.memory_space<vmem>> -> memref<1x16x64xf32, #tpu.memory_space<vmem>>
      %dma_start3A_858 = tpu.memref_squeeze %dma_start3A_857 : memref<1x16x64xf32, #tpu.memory_space<vmem>> -> memref<16x64xf32, #tpu.memory_space<vmem>>
      %dma_start3A_859 = arith.constant 0 : i32
      %dma_start3A_860 = tpu.memref_slice %arg7[%dma_start3A_853, %dma_start3A_859] : memref<2x16xi32, #tpu.memory_space<vmem>> -> memref<1x16xi32, #tpu.memory_space<vmem>>
      %dma_start3A_861 = tpu.memref_squeeze %dma_start3A_860 : memref<1x16xi32, #tpu.memory_space<vmem>> -> memref<16xi32, #tpu.memory_space<vmem>>
      %dma_start3A_862 = arith.constant 0 : i32
      %dma_start3A_863 = arith.constant 0 : i32
      %dma_start3A_864 = tpu.memref_slice %arg4[%dma_start3A_862, %dma_start3A_863] : memref<2000000x64xf32, #tpu.memory_space<hbm>> -> memref<2000000x64xf32, #tpu.memory_space<hbm>>
      tpu.enqueue_indirect_dma source(%dma_start3A_864 : memref<2000000x64xf32, #tpu.memory_space<hbm>>) target(%dma_start3A_858 : memref<16x64xf32, #tpu.memory_space<vmem>>) offsets(%dma_start3A_861 : memref<16xi32, #tpu.memory_space<vmem>>) semaphore(%arg17 : memref<!tpu.dma_semaphore, #tpu.memory_space<semaphore_mem>>)
      %parallel_loop3A_865 = arith.constant 0 : i32
      %parallel_loop3A_866 = arith.constant 50 : i32
      %parallel_loop3A_867 = arith.constant 1 : i32
      scf.for %parallel_loop3A_1356 = %parallel_loop3A_865 to %parallel_loop3A_866 step %parallel_loop3A_867  : i32 {
        %parallel_loop3A_1357 = arith.constant 1 : i32
        %parallel_loop3A_1358 = arith.index_cast %parallel_loop3A_1357 : i32 to index
        %parallel_loop3A_1359 = arith.index_cast %parallel_loop3A_1356 : i32 to index
        %parallel_loop3A_1360 = arith.constant 0 : index
        %parallel_loop3A_1361 = tpu.vector_load %arg8[%parallel_loop3A_1358, %parallel_loop3A_1359, %parallel_loop3A_1360] {strides = array<i32>} : memref<2x50x16xi32, #tpu.memory_space<vmem>>, vector<16xi32>,
        %parallel_loop3A_1362 = arith.constant 2 : i32
        %parallel_loop3A_1363 = vector.broadcast %parallel_loop3A_1362 : i32 to vector<16xi32>
        %parallel_loop3A_1364 = arith.muli %parallel_loop3A_1361, %parallel_loop3A_1363 : vector<16xi32>
        %parallel_loop3A_1365 = arith.constant 16 : i32
        %parallel_loop3A_1366 = arith.muli %parallel_loop3A_1356, %parallel_loop3A_1365 : i32
        %parallel_loop3A_1367 = arith.constant 1 : i32
        %parallel_loop3A_1368 = arith.index_cast %parallel_loop3A_1367 : i32 to index
        %parallel_loop3A_1369 = arith.index_cast %parallel_loop3A_1366 : i32 to index
        %parallel_loop3A_1370 = tpu.vector_load %arg9[%parallel_loop3A_1368, %parallel_loop3A_1369] {strides = array<i32>} : memref<2x800xi32, #tpu.memory_space<vmem>>, vector<16xi32>,
        tpu.vector_store %arg9[%parallel_loop3A_1368, %parallel_loop3A_1369], %parallel_loop3A_1364 {strides = array<i32>} : memref<2x800xi32, #tpu.memory_space<vmem>>, vector<16xi32>,
      } {sc.loop_unroll_factor = 5 : i64, sc.parallel_access}
      %dma_start3A_868 = arith.constant 1 : i32
      %dma_start3A_869 = arith.constant 1 : i32
      %dma_start3A_870 = arith.constant 0 : i32
      %dma_start3A_871 = arith.constant 0 : i32
      %dma_start3A_872 = tpu.memref_slice %arg11[%dma_start3A_869, %dma_start3A_870, %dma_start3A_871] : memref<2x800x64xf32, #tpu.memory_space<vmem>> -> memref<1x80x64xf32, #tpu.memory_space<vmem>>
      %dma_start3A_873 = tpu.memref_squeeze %dma_start3A_872 : memref<1x80x64xf32, #tpu.memory_space<vmem>> -> memref<80x64xf32, #tpu.memory_space<vmem>>
      %dma_start3A_874 = arith.constant 0 : i32
      %dma_start3A_875 = tpu.memref_slice %arg9[%dma_start3A_868, %dma_start3A_874] : memref<2x800xi32, #tpu.memory_space<vmem>> -> memref<1x80xi32, #tpu.memory_space<vmem>>
      %dma_start3A_876 = tpu.memref_squeeze %dma_start3A_875 : memref<1x80xi32, #tpu.memory_space<vmem>> -> memref<80xi32, #tpu.memory_space<vmem>>
      %dma_start3A_877 = arith.constant 0 : i32
      %dma_start3A_878 = arith.constant 0 : i32
      %dma_start3A_879 = tpu.memref_slice %arg5[%dma_start3A_877, %dma_start3A_878] : memref<2000000x64xf32, #tpu.memory_space<hbm>> -> memref<2000000x64xf32, #tpu.memory_space<hbm>>
      tpu.enqueue_indirect_dma source(%dma_start3A_879 : memref<2000000x64xf32, #tpu.memory_space<hbm>>) target(%dma_start3A_873 : memref<80x64xf32, #tpu.memory_space<vmem>>) offsets(%dma_start3A_876 : memref<80xi32, #tpu.memory_space<vmem>>) semaphore(%arg17 : memref<!tpu.dma_semaphore, #tpu.memory_space<semaphore_mem>>)
      %dma_start3A_880 = arith.constant 1 : i32
      %dma_start3A_881 = arith.constant 1 : i32
      %dma_start3A_882 = arith.constant 80 : i32
      %dma_start3A_883 = arith.constant 0 : i32
      %dma_start3A_884 = tpu.memref_slice %arg11[%dma_start3A_881, %dma_start3A_882, %dma_start3A_883] : memref<2x800x64xf32, #tpu.memory_space<vmem>> -> memref<1x80x64xf32, #tpu.memory_space<vmem>>
      %dma_start3A_885 = tpu.memref_squeeze %dma_start3A_884 : memref<1x80x64xf32, #tpu.memory_space<vmem>> -> memref<80x64xf32, #tpu.memory_space<vmem>>
      %dma_start3A_886 = arith.constant 80 : i32
      %dma_start3A_887 = tpu.memref_slice %arg9[%dma_start3A_880, %dma_start3A_886] : memref<2x800xi32, #tpu.memory_space<vmem>> -> memref<1x80xi32, #tpu.memory_space<vmem>>
      %dma_start3A_888 = tpu.memref_squeeze %dma_start3A_887 : memref<1x80xi32, #tpu.memory_space<vmem>> -> memref<80xi32, #tpu.memory_space<vmem>>
      %dma_start3A_889 = arith.constant 0 : i32
      %dma_start3A_890 = arith.constant 0 : i32
      %dma_start3A_891 = tpu.memref_slice %arg5[%dma_start3A_889, %dma_start3A_890] : memref<2000000x64xf32, #tpu.memory_space<hbm>> -> memref<2000000x64xf32, #tpu.memory_space<hbm>>
      tpu.enqueue_indirect_dma source(%dma_start3A_891 : memref<2000000x64xf32, #tpu.memory_space<hbm>>) target(%dma_start3A_885 : memref<80x64xf32, #tpu.memory_space<vmem>>) offsets(%dma_start3A_888 : memref<80xi32, #tpu.memory_space<vmem>>) semaphore(%arg17 : memref<!tpu.dma_semaphore, #tpu.memory_space<semaphore_mem>>)
      %dma_start3A_892 = arith.constant 1 : i32
      %dma_start3A_893 = arith.constant 1 : i32
      %dma_start3A_894 = arith.constant 160 : i32
      %dma_start3A_895 = arith.constant 0 : i32
      %dma_start3A_896 = tpu.memref_slice %arg11[%dma_start3A_893, %dma_start3A_894, %dma_start3A_895] : memref<2x800x64xf32, #tpu.memory_space<vmem>> -> memref<1x80x64xf32, #tpu.memory_space<vmem>>
      %dma_start3A_897 = tpu.memref_squeeze %dma_start3A_896 : memref<1x80x64xf32, #tpu.memory_space<vmem>> -> memref<80x64xf32, #tpu.memory_space<vmem>>
      %dma_start3A_898 = arith.constant 160 : i32
      %dma_start3A_899 = tpu.memref_slice %arg9[%dma_start3A_892, %dma_start3A_898] : memref<2x800xi32, #tpu.memory_space<vmem>> -> memref<1x80xi32, #tpu.memory_space<vmem>>
      %dma_start3A_900 = tpu.memref_squeeze %dma_start3A_899 : memref<1x80xi32, #tpu.memory_space<vmem>> -> memref<80xi32, #tpu.memory_space<vmem>>
      %dma_start3A_901 = arith.constant 0 : i32
      %dma_start3A_902 = arith.constant 0 : i32
      %dma_start3A_903 = tpu.memref_slice %arg5[%dma_start3A_901, %dma_start3A_902] : memref<2000000x64xf32, #tpu.memory_space<hbm>> -> memref<2000000x64xf32, #tpu.memory_space<hbm>>
      tpu.enqueue_indirect_dma source(%dma_start3A_903 : memref<2000000x64xf32, #tpu.memory_space<hbm>>) target(%dma_start3A_897 : memref<80x64xf32, #tpu.memory_space<vmem>>) offsets(%dma_start3A_900 : memref<80xi32, #tpu.memory_space<vmem>>) semaphore(%arg17 : memref<!tpu.dma_semaphore, #tpu.memory_space<semaphore_mem>>)
      %dma_start3A_904 = arith.constant 1 : i32
      %dma_start3A_905 = arith.constant 1 : i32
      %dma_start3A_906 = arith.constant 240 : i32
      %dma_start3A_907 = arith.constant 0 : i32
      %dma_start3A_908 = tpu.memref_slice %arg11[%dma_start3A_905, %dma_start3A_906, %dma_start3A_907] : memref<2x800x64xf32, #tpu.memory_space<vmem>> -> memref<1x80x64xf32, #tpu.memory_space<vmem>>
      %dma_start3A_909 = tpu.memref_squeeze %dma_start3A_908 : memref<1x80x64xf32, #tpu.memory_space<vmem>> -> memref<80x64xf32, #tpu.memory_space<vmem>>
      %dma_start3A_910 = arith.constant 240 : i32
      %dma_start3A_911 = tpu.memref_slice %arg9[%dma_start3A_904, %dma_start3A_910] : memref<2x800xi32, #tpu.memory_space<vmem>> -> memref<1x80xi32, #tpu.memory_space<vmem>>
      %dma_start3A_912 = tpu.memref_squeeze %dma_start3A_911 : memref<1x80xi32, #tpu.memory_space<vmem>> -> memref<80xi32, #tpu.memory_space<vmem>>
      %dma_start3A_913 = arith.constant 0 : i32
      %dma_start3A_914 = arith.constant 0 : i32
      %dma_start3A_915 = tpu.memref_slice %arg5[%dma_start3A_913, %dma_start3A_914] : memref<2000000x64xf32, #tpu.memory_space<hbm>> -> memref<2000000x64xf32, #tpu.memory_space<hbm>>
      tpu.enqueue_indirect_dma source(%dma_start3A_915 : memref<2000000x64xf32, #tpu.memory_space<hbm>>) target(%dma_start3A_909 : memref<80x64xf32, #tpu.memory_space<vmem>>) offsets(%dma_start3A_912 : memref<80xi32, #tpu.memory_space<vmem>>) semaphore(%arg17 : memref<!tpu.dma_semaphore, #tpu.memory_space<semaphore_mem>>)
      %dma_start3A_916 = arith.constant 1 : i32
      %dma_start3A_917 = arith.constant 1 : i32
      %dma_start3A_918 = arith.constant 320 : i32
      %dma_start3A_919 = arith.constant 0 : i32
      %dma_start3A_920 = tpu.memref_slice %arg11[%dma_start3A_917, %dma_start3A_918, %dma_start3A_919] : memref<2x800x64xf32, #tpu.memory_space<vmem>> -> memref<1x80x64xf32, #tpu.memory_space<vmem>>
      %dma_start3A_921 = tpu.memref_squeeze %dma_start3A_920 : memref<1x80x64xf32, #tpu.memory_space<vmem>> -> memref<80x64xf32, #tpu.memory_space<vmem>>
      %dma_start3A_922 = arith.constant 320 : i32
      %dma_start3A_923 = tpu.memref_slice %arg9[%dma_start3A_916, %dma_start3A_922] : memref<2x800xi32, #tpu.memory_space<vmem>> -> memref<1x80xi32, #tpu.memory_space<vmem>>
      %dma_start3A_924 = tpu.memref_squeeze %dma_start3A_923 : memref<1x80xi32, #tpu.memory_space<vmem>> -> memref<80xi32, #tpu.memory_space<vmem>>
      %dma_start3A_925 = arith.constant 0 : i32
      %dma_start3A_926 = arith.constant 0 : i32
      %dma_start3A_927 = tpu.memref_slice %arg5[%dma_start3A_925, %dma_start3A_926] : memref<2000000x64xf32, #tpu.memory_space<hbm>> -> memref<2000000x64xf32, #tpu.memory_space<hbm>>
      tpu.enqueue_indirect_dma source(%dma_start3A_927 : memref<2000000x64xf32, #tpu.memory_space<hbm>>) target(%dma_start3A_921 : memref<80x64xf32, #tpu.memory_space<vmem>>) offsets(%dma_start3A_924 : memref<80xi32, #tpu.memory_space<vmem>>) semaphore(%arg17 : memref<!tpu.dma_semaphore, #tpu.memory_space<semaphore_mem>>)
      %dma_start3A_928 = arith.constant 1 : i32
      %dma_start3A_929 = arith.constant 1 : i32
      %dma_start3A_930 = arith.constant 400 : i32
      %dma_start3A_931 = arith.constant 0 : i32
      %dma_start3A_932 = tpu.memref_slice %arg11[%dma_start3A_929, %dma_start3A_930, %dma_start3A_931] : memref<2x800x64xf32, #tpu.memory_space<vmem>> -> memref<1x80x64xf32, #tpu.memory_space<vmem>>
      %dma_start3A_933 = tpu.memref_squeeze %dma_start3A_932 : memref<1x80x64xf32, #tpu.memory_space<vmem>> -> memref<80x64xf32, #tpu.memory_space<vmem>>
      %dma_start3A_934 = arith.constant 400 : i32
      %dma_start3A_935 = tpu.memref_slice %arg9[%dma_start3A_928, %dma_start3A_934] : memref<2x800xi32, #tpu.memory_space<vmem>> -> memref<1x80xi32, #tpu.memory_space<vmem>>
      %dma_start3A_936 = tpu.memref_squeeze %dma_start3A_935 : memref<1x80xi32, #tpu.memory_space<vmem>> -> memref<80xi32, #tpu.memory_space<vmem>>
      %dma_start3A_937 = arith.constant 0 : i32
      %dma_start3A_938 = arith.constant 0 : i32
      %dma_start3A_939 = tpu.memref_slice %arg5[%dma_start3A_937, %dma_start3A_938] : memref<2000000x64xf32, #tpu.memory_space<hbm>> -> memref<2000000x64xf32, #tpu.memory_space<hbm>>
      tpu.enqueue_indirect_dma source(%dma_start3A_939 : memref<2000000x64xf32, #tpu.memory_space<hbm>>) target(%dma_start3A_933 : memref<80x64xf32, #tpu.memory_space<vmem>>) offsets(%dma_start3A_936 : memref<80xi32, #tpu.memory_space<vmem>>) semaphore(%arg17 : memref<!tpu.dma_semaphore, #tpu.memory_space<semaphore_mem>>)
      %dma_start3A_940 = arith.constant 1 : i32
      %dma_start3A_941 = arith.constant 1 : i32
      %dma_start3A_942 = arith.constant 480 : i32
      %dma_start3A_943 = arith.constant 0 : i32
      %dma_start3A_944 = tpu.memref_slice %arg11[%dma_start3A_941, %dma_start3A_942, %dma_start3A_943] : memref<2x800x64xf32, #tpu.memory_space<vmem>> -> memref<1x80x64xf32, #tpu.memory_space<vmem>>
      %dma_start3A_945 = tpu.memref_squeeze %dma_start3A_944 : memref<1x80x64xf32, #tpu.memory_space<vmem>> -> memref<80x64xf32, #tpu.memory_space<vmem>>
      %dma_start3A_946 = arith.constant 480 : i32
      %dma_start3A_947 = tpu.memref_slice %arg9[%dma_start3A_940, %dma_start3A_946] : memref<2x800xi32, #tpu.memory_space<vmem>> -> memref<1x80xi32, #tpu.memory_space<vmem>>
      %dma_start3A_948 = tpu.memref_squeeze %dma_start3A_947 : memref<1x80xi32, #tpu.memory_space<vmem>> -> memref<80xi32, #tpu.memory_space<vmem>>
      %dma_start3A_949 = arith.constant 0 : i32
      %dma_start3A_950 = arith.constant 0 : i32
      %dma_start3A_951 = tpu.memref_slice %arg5[%dma_start3A_949, %dma_start3A_950] : memref<2000000x64xf32, #tpu.memory_space<hbm>> -> memref<2000000x64xf32, #tpu.memory_space<hbm>>
      tpu.enqueue_indirect_dma source(%dma_start3A_951 : memref<2000000x64xf32, #tpu.memory_space<hbm>>) target(%dma_start3A_945 : memref<80x64xf32, #tpu.memory_space<vmem>>) offsets(%dma_start3A_948 : memref<80xi32, #tpu.memory_space<vmem>>) semaphore(%arg17 : memref<!tpu.dma_semaphore, #tpu.memory_space<semaphore_mem>>)
      %dma_start3A_952 = arith.constant 1 : i32
      %dma_start3A_953 = arith.constant 1 : i32
      %dma_start3A_954 = arith.constant 560 : i32
      %dma_start3A_955 = arith.constant 0 : i32
      %dma_start3A_956 = tpu.memref_slice %arg11[%dma_start3A_953, %dma_start3A_954, %dma_start3A_955] : memref<2x800x64xf32, #tpu.memory_space<vmem>> -> memref<1x80x64xf32, #tpu.memory_space<vmem>>
      %dma_start3A_957 = tpu.memref_squeeze %dma_start3A_956 : memref<1x80x64xf32, #tpu.memory_space<vmem>> -> memref<80x64xf32, #tpu.memory_space<vmem>>
      %dma_start3A_958 = arith.constant 560 : i32
      %dma_start3A_959 = tpu.memref_slice %arg9[%dma_start3A_952, %dma_start3A_958] : memref<2x800xi32, #tpu.memory_space<vmem>> -> memref<1x80xi32, #tpu.memory_space<vmem>>
      %dma_start3A_960 = tpu.memref_squeeze %dma_start3A_959 : memref<1x80xi32, #tpu.memory_space<vmem>> -> memref<80xi32, #tpu.memory_space<vmem>>
      %dma_start3A_961 = arith.constant 0 : i32
      %dma_start3A_962 = arith.constant 0 : i32
      %dma_start3A_963 = tpu.memref_slice %arg5[%dma_start3A_961, %dma_start3A_962] : memref<2000000x64xf32, #tpu.memory_space<hbm>> -> memref<2000000x64xf32, #tpu.memory_space<hbm>>
      tpu.enqueue_indirect_dma source(%dma_start3A_963 : memref<2000000x64xf32, #tpu.memory_space<hbm>>) target(%dma_start3A_957 : memref<80x64xf32, #tpu.memory_space<vmem>>) offsets(%dma_start3A_960 : memref<80xi32, #tpu.memory_space<vmem>>) semaphore(%arg17 : memref<!tpu.dma_semaphore, #tpu.memory_space<semaphore_mem>>)
      %dma_start3A_964 = arith.constant 1 : i32
      %dma_start3A_965 = arith.constant 1 : i32
      %dma_start3A_966 = arith.constant 640 : i32
      %dma_start3A_967 = arith.constant 0 : i32
      %dma_start3A_968 = tpu.memref_slice %arg11[%dma_start3A_965, %dma_start3A_966, %dma_start3A_967] : memref<2x800x64xf32, #tpu.memory_space<vmem>> -> memref<1x80x64xf32, #tpu.memory_space<vmem>>
      %dma_start3A_969 = tpu.memref_squeeze %dma_start3A_968 : memref<1x80x64xf32, #tpu.memory_space<vmem>> -> memref<80x64xf32, #tpu.memory_space<vmem>>
      %dma_start3A_970 = arith.constant 640 : i32
      %dma_start3A_971 = tpu.memref_slice %arg9[%dma_start3A_964, %dma_start3A_970] : memref<2x800xi32, #tpu.memory_space<vmem>> -> memref<1x80xi32, #tpu.memory_space<vmem>>
      %dma_start3A_972 = tpu.memref_squeeze %dma_start3A_971 : memref<1x80xi32, #tpu.memory_space<vmem>> -> memref<80xi32, #tpu.memory_space<vmem>>
      %dma_start3A_973 = arith.constant 0 : i32
      %dma_start3A_974 = arith.constant 0 : i32
      %dma_start3A_975 = tpu.memref_slice %arg5[%dma_start3A_973, %dma_start3A_974] : memref<2000000x64xf32, #tpu.memory_space<hbm>> -> memref<2000000x64xf32, #tpu.memory_space<hbm>>
      tpu.enqueue_indirect_dma source(%dma_start3A_975 : memref<2000000x64xf32, #tpu.memory_space<hbm>>) target(%dma_start3A_969 : memref<80x64xf32, #tpu.memory_space<vmem>>) offsets(%dma_start3A_972 : memref<80xi32, #tpu.memory_space<vmem>>) semaphore(%arg17 : memref<!tpu.dma_semaphore, #tpu.memory_space<semaphore_mem>>)
      %dma_start3A_976 = arith.constant 1 : i32
      %dma_start3A_977 = arith.constant 1 : i32
      %dma_start3A_978 = arith.constant 720 : i32
      %dma_start3A_979 = arith.constant 0 : i32
      %dma_start3A_980 = tpu.memref_slice %arg11[%dma_start3A_977, %dma_start3A_978, %dma_start3A_979] : memref<2x800x64xf32, #tpu.memory_space<vmem>> -> memref<1x80x64xf32, #tpu.memory_space<vmem>>
      %dma_start3A_981 = tpu.memref_squeeze %dma_start3A_980 : memref<1x80x64xf32, #tpu.memory_space<vmem>> -> memref<80x64xf32, #tpu.memory_space<vmem>>
      %dma_start3A_982 = arith.constant 720 : i32
      %dma_start3A_983 = tpu.memref_slice %arg9[%dma_start3A_976, %dma_start3A_982] : memref<2x800xi32, #tpu.memory_space<vmem>> -> memref<1x80xi32, #tpu.memory_space<vmem>>
      %dma_start3A_984 = tpu.memref_squeeze %dma_start3A_983 : memref<1x80xi32, #tpu.memory_space<vmem>> -> memref<80xi32, #tpu.memory_space<vmem>>
      %dma_start3A_985 = arith.constant 0 : i32
      %dma_start3A_986 = arith.constant 0 : i32
      %dma_start3A_987 = tpu.memref_slice %arg5[%dma_start3A_985, %dma_start3A_986] : memref<2000000x64xf32, #tpu.memory_space<hbm>> -> memref<2000000x64xf32, #tpu.memory_space<hbm>>
      tpu.enqueue_indirect_dma source(%dma_start3A_987 : memref<2000000x64xf32, #tpu.memory_space<hbm>>) target(%dma_start3A_981 : memref<80x64xf32, #tpu.memory_space<vmem>>) offsets(%dma_start3A_984 : memref<80xi32, #tpu.memory_space<vmem>>) semaphore(%arg17 : memref<!tpu.dma_semaphore, #tpu.memory_space<semaphore_mem>>)
      %dma_wait3A_988 = arith.constant 0 : i32
      %dma_wait3A_989 = arith.constant 0 : i32
      %dma_wait3A_990 = arith.constant 0 : i32
      %dma_wait3A_991 = tpu.memref_slice %arg10[%dma_wait3A_988, %dma_wait3A_989, %dma_wait3A_990] : memref<2x16x64xf32, #tpu.memory_space<vmem>> -> memref<1x16x64xf32, #tpu.memory_space<vmem>>
      %dma_wait3A_992 = tpu.memref_squeeze %dma_wait3A_991 : memref<1x16x64xf32, #tpu.memory_space<vmem>> -> memref<16x64xf32, #tpu.memory_space<vmem>>
      %dma_wait3A_993 = arith.constant 0 : i32
      %dma_wait3A_994 = arith.constant 0 : i32
      %dma_wait3A_995 = tpu.memref_slice %arg4[%dma_wait3A_993, %dma_wait3A_994] : memref<2000000x64xf32, #tpu.memory_space<hbm>> -> memref<16x64xf32, #tpu.memory_space<hbm>>
      %dma_wait3A_996 = arith.constant 0 : i32
      %dma_wait3A_997 = arith.constant 0 : i32
      %dma_wait3A_998 = tpu.memref_slice %arg10[%dma_wait3A_988, %dma_wait3A_996, %dma_wait3A_997] : memref<2x16x64xf32, #tpu.memory_space<vmem>> -> memref<1x16x64xf32, #tpu.memory_space<vmem>>
      %dma_wait3A_999 = tpu.memref_squeeze %dma_wait3A_998 : memref<1x16x64xf32, #tpu.memory_space<vmem>> -> memref<16x64xf32, #tpu.memory_space<vmem>>
      %dma_wait3A_1000 = arith.constant 0 : i32
      %dma_wait3A_1001 = arith.constant 0 : i32
      %dma_wait3A_1002 = tpu.memref_slice %arg4[%dma_wait3A_1000, %dma_wait3A_1001] : memref<2000000x64xf32, #tpu.memory_space<hbm>> -> memref<16x64xf32, #tpu.memory_space<hbm>>
      tpu.wait_dma2 semaphore(%arg16 : memref<!tpu.dma_semaphore, #tpu.memory_space<semaphore_mem>>) src(%dma_wait3A_1002 : memref<16x64xf32, #tpu.memory_space<hbm>>) dst(%dma_wait3A_999 : memref<16x64xf32, #tpu.memory_space<vmem>>)
      %dma_wait3A_1003 = arith.constant 0 : i32
      %dma_wait3A_1004 = arith.constant 0 : i32
      %dma_wait3A_1005 = arith.constant 0 : i32
      %dma_wait3A_1006 = tpu.memref_slice %arg11[%dma_wait3A_1003, %dma_wait3A_1004, %dma_wait3A_1005] : memref<2x800x64xf32, #tpu.memory_space<vmem>> -> memref<1x800x64xf32, #tpu.memory_space<vmem>>
      %dma_wait3A_1007 = tpu.memref_squeeze %dma_wait3A_1006 : memref<1x800x64xf32, #tpu.memory_space<vmem>> -> memref<800x64xf32, #tpu.memory_space<vmem>>
      %dma_wait3A_1008 = arith.constant 0 : i32
      %dma_wait3A_1009 = arith.constant 0 : i32
      %dma_wait3A_1010 = tpu.memref_slice %arg5[%dma_wait3A_1008, %dma_wait3A_1009] : memref<2000000x64xf32, #tpu.memory_space<hbm>> -> memref<800x64xf32, #tpu.memory_space<hbm>>
      %dma_wait3A_1011 = arith.constant 0 : i32
      %dma_wait3A_1012 = arith.constant 0 : i32
      %dma_wait3A_1013 = tpu.memref_slice %arg11[%dma_wait3A_1003, %dma_wait3A_1011, %dma_wait3A_1012] : memref<2x800x64xf32, #tpu.memory_space<vmem>> -> memref<1x800x64xf32, #tpu.memory_space<vmem>>
      %dma_wait3A_1014 = tpu.memref_squeeze %dma_wait3A_1013 : memref<1x800x64xf32, #tpu.memory_space<vmem>> -> memref<800x64xf32, #tpu.memory_space<vmem>>
      %dma_wait3A_1015 = arith.constant 0 : i32
      %dma_wait3A_1016 = arith.constant 0 : i32
      %dma_wait3A_1017 = tpu.memref_slice %arg5[%dma_wait3A_1015, %dma_wait3A_1016] : memref<2000000x64xf32, #tpu.memory_space<hbm>> -> memref<800x64xf32, #tpu.memory_space<hbm>>
      tpu.wait_dma2 semaphore(%arg16 : memref<!tpu.dma_semaphore, #tpu.memory_space<semaphore_mem>>) src(%dma_wait3A_1017 : memref<800x64xf32, #tpu.memory_space<hbm>>) dst(%dma_wait3A_1014 : memref<800x64xf32, #tpu.memory_space<vmem>>)
      %add3A_1018 = arith.constant 2 : i32
      %add3A_1019 = arith.addi %mul3A_815, %add3A_1018 : i32
      %min3A_1020 = arith.constant 31 : i32
      %min3A_1021 = arith.minsi %add3A_1019, %min3A_1020 : i32
      %mul3A_1022 = arith.constant 16 : i32
      %mul3A_1023 = arith.muli %min3A_1021, %mul3A_1022 : i32
      %add3A_1024 = arith.addi %mul3A_2, %mul3A_1023 : i32
      %dma_start3A_1025 = arith.constant 0 : i32
      %dma_start3A_1026 = arith.constant 0 : i32
      %dma_start3A_1027 = tpu.memref_slice %arg7[%dma_start3A_1025, %dma_start3A_1026] : memref<2x16xi32, #tpu.memory_space<vmem>> -> memref<1x16xi32, #tpu.memory_space<vmem>>
      %dma_start3A_1028 = tpu.memref_squeeze %dma_start3A_1027 : memref<1x16xi32, #tpu.memory_space<vmem>> -> memref<16xi32, #tpu.memory_space<vmem>>
      %dma_start3A_1029 = tpu.memref_slice %arg2[%add3A_1024] : memref<16384xi32, #tpu.memory_space<hbm>> -> memref<16xi32, #tpu.memory_space<hbm>>
      %dma_start3A_1030 = arith.constant 0 : i32
      %dma_start3A_1031 = tpu.memref_slice %arg7[%dma_start3A_1025, %dma_start3A_1030] : memref<2x16xi32, #tpu.memory_space<vmem>> -> memref<1x16xi32, #tpu.memory_space<vmem>>
      %dma_start3A_1032 = tpu.memref_squeeze %dma_start3A_1031 : memref<1x16xi32, #tpu.memory_space<vmem>> -> memref<16xi32, #tpu.memory_space<vmem>>
      %dma_start3A_1033 = tpu.memref_slice %arg2[%add3A_1024] : memref<16384xi32, #tpu.memory_space<hbm>> -> memref<16xi32, #tpu.memory_space<hbm>>
      tpu.enqueue_dma source(%dma_start3A_1033 : memref<16xi32, #tpu.memory_space<hbm>>) target(%dma_start3A_1032 : memref<16xi32, #tpu.memory_space<vmem>>) target_semaphore(%arg14 : memref<!tpu.dma_semaphore, #tpu.memory_space<semaphore_mem>>)
      %dma_start3A_1034 = arith.constant 0 : i32
      %dma_start3A_1035 = arith.constant 0 : i32
      %dma_start3A_1036 = arith.constant 0 : i32
      %dma_start3A_1037 = tpu.memref_slice %arg8[%dma_start3A_1034, %dma_start3A_1035, %dma_start3A_1036] : memref<2x50x16xi32, #tpu.memory_space<vmem>> -> memref<1x50x16xi32, #tpu.memory_space<vmem>>
      %dma_start3A_1038 = tpu.memref_squeeze %dma_start3A_1037 : memref<1x50x16xi32, #tpu.memory_space<vmem>> -> memref<50x16xi32, #tpu.memory_space<vmem>>
      %dma_start3A_1039 = arith.constant 0 : i32
      %dma_start3A_1040 = tpu.memref_slice %arg3[%dma_start3A_1039, %add3A_1024] : memref<50x16384xi32, #tpu.memory_space<hbm>> -> memref<50x16xi32, #tpu.memory_space<hbm>>
      %dma_start3A_1041 = arith.constant 0 : i32
      %dma_start3A_1042 = arith.constant 0 : i32
      %dma_start3A_1043 = tpu.memref_slice %arg8[%dma_start3A_1034, %dma_start3A_1041, %dma_start3A_1042] : memref<2x50x16xi32, #tpu.memory_space<vmem>> -> memref<1x50x16xi32, #tpu.memory_space<vmem>>
      %dma_start3A_1044 = tpu.memref_squeeze %dma_start3A_1043 : memref<1x50x16xi32, #tpu.memory_space<vmem>> -> memref<50x16xi32, #tpu.memory_space<vmem>>
      %dma_start3A_1045 = arith.constant 0 : i32
      %dma_start3A_1046 = tpu.memref_slice %arg3[%dma_start3A_1045, %add3A_1024] : memref<50x16384xi32, #tpu.memory_space<hbm>> -> memref<50x16xi32, #tpu.memory_space<hbm>>
      tpu.enqueue_dma source(%dma_start3A_1046 : memref<50x16xi32, #tpu.memory_space<hbm>>) target(%dma_start3A_1044 : memref<50x16xi32, #tpu.memory_space<vmem>>) target_semaphore(%arg14 : memref<!tpu.dma_semaphore, #tpu.memory_space<semaphore_mem>>)
      %dma_wait3A_1047 = arith.constant 0 : i32
      %dma_wait3A_1048 = arith.constant 0 : i32
      %dma_wait3A_1049 = arith.constant 0 : i32
      %dma_wait3A_1050 = tpu.memref_slice %arg13[%dma_wait3A_1047, %dma_wait3A_1048, %dma_wait3A_1049] : memref<2x16x64xf32, #tpu.memory_space<vmem>> -> memref<1x16x64xf32, #tpu.memory_space<vmem>>
      %dma_wait3A_1051 = tpu.memref_squeeze %dma_wait3A_1050 : memref<1x16x64xf32, #tpu.memory_space<vmem>> -> memref<16x64xf32, #tpu.memory_space<vmem>>
      %dma_wait3A_1052 = arith.constant 0 : i32
      %dma_wait3A_1053 = arith.constant 0 : i32
      %dma_wait3A_1054 = tpu.memref_slice %arg6[%dma_wait3A_1052, %dma_wait3A_1053] : memref<16384x64xf32, #tpu.memory_space<hbm>> -> memref<16x64xf32, #tpu.memory_space<hbm>>
      %dma_wait3A_1055 = arith.constant 0 : i32
      %dma_wait3A_1056 = arith.constant 0 : i32
      %dma_wait3A_1057 = tpu.memref_slice %arg6[%dma_wait3A_1055, %dma_wait3A_1056] : memref<16384x64xf32, #tpu.memory_space<hbm>> -> memref<16x64xf32, #tpu.memory_space<hbm>>
      %dma_wait3A_1058 = arith.constant 0 : i32
      %dma_wait3A_1059 = arith.constant 0 : i32
      %dma_wait3A_1060 = tpu.memref_slice %arg13[%dma_wait3A_1047, %dma_wait3A_1058, %dma_wait3A_1059] : memref<2x16x64xf32, #tpu.memory_space<vmem>> -> memref<1x16x64xf32, #tpu.memory_space<vmem>>
      %dma_wait3A_1061 = tpu.memref_squeeze %dma_wait3A_1060 : memref<1x16x64xf32, #tpu.memory_space<vmem>> -> memref<16x64xf32, #tpu.memory_space<vmem>>
      tpu.wait_dma2 semaphore(%arg18 : memref<!tpu.dma_semaphore, #tpu.memory_space<semaphore_mem>>) src(%dma_wait3A_1061 : memref<16x64xf32, #tpu.memory_space<vmem>>) dst(%dma_wait3A_1057 : memref<16x64xf32, #tpu.memory_space<hbm>>)
      %scan3A_1062 = arith.constant 0 : i32
      %scan3A_1063 = arith.constant 0 : i32
      %scan3A_1064 = arith.constant 16 : i32
      %scan3A_1065 = arith.addi %scan3A_1063, %scan3A_1064 : i32
      %scan3A_1066 = arith.constant 1 : i32
      scf.for %scan3A_1356 = %scan3A_1063 to %scan3A_1065 step %scan3A_1066  : i32 {
        %get3A_1357 = arith.constant 0 : i32
        %get3A_1358 = arith.index_cast %get3A_1357 : i32 to index
        %get3A_1359 = arith.index_cast %scan3A_1356 : i32 to index
        %get3A_1360 = arith.constant 0 : index
        %get3A_1361 = tpu.vector_load %arg10[%get3A_1358, %get3A_1359, %get3A_1360] {strides = array<i32>} : memref<2x16x64xf32, #tpu.memory_space<vmem>>, vector<16xf32>,
        %get3A_1362 = arith.constant 0 : i32
        %get3A_1363 = arith.index_cast %get3A_1362 : i32 to index
        %get3A_1364 = arith.index_cast %scan3A_1356 : i32 to index
        %get3A_1365 = arith.constant 16 : index
        %get3A_1366 = tpu.vector_load %arg10[%get3A_1363, %get3A_1364, %get3A_1365] {strides = array<i32>} : memref<2x16x64xf32, #tpu.memory_space<vmem>>, vector<16xf32>,
        %get3A_1367 = arith.constant 0 : i32
        %get3A_1368 = arith.index_cast %get3A_1367 : i32 to index
        %get3A_1369 = arith.index_cast %scan3A_1356 : i32 to index
        %get3A_1370 = arith.constant 32 : index
        %get3A_1371 = tpu.vector_load %arg10[%get3A_1368, %get3A_1369, %get3A_1370] {strides = array<i32>} : memref<2x16x64xf32, #tpu.memory_space<vmem>>, vector<16xf32>,
        %get3A_1372 = arith.constant 0 : i32
        %get3A_1373 = arith.index_cast %get3A_1372 : i32 to index
        %get3A_1374 = arith.index_cast %scan3A_1356 : i32 to index
        %get3A_1375 = arith.constant 48 : index
        %get3A_1376 = tpu.vector_load %arg10[%get3A_1373, %get3A_1374, %get3A_1375] {strides = array<i32>} : memref<2x16x64xf32, #tpu.memory_space<vmem>>, vector<16xf32>,
        %parallel_loop3A_1377 = arith.constant 0 : i32
        %parallel_loop3A_1378 = arith.constant 50 : i32
        %parallel_loop3A_1379 = arith.constant 1 : i32
        scf.for %parallel_loop3A_1383 = %parallel_loop3A_1377 to %parallel_loop3A_1378 step %parallel_loop3A_1379  : i32 {
          %parallel_loop3A_1384 = arith.constant 16 : i32
          %parallel_loop3A_1385 = arith.muli %parallel_loop3A_1383, %parallel_loop3A_1384 : i32
          %parallel_loop3A_1386 = arith.addi %parallel_loop3A_1385, %scan3A_1356 : i32
          %parallel_loop3A_1387 = arith.constant 0 : i32
          %parallel_loop3A_1388 = arith.index_cast %parallel_loop3A_1387 : i32 to index
          %parallel_loop3A_1389 = arith.index_cast %parallel_loop3A_1386 : i32 to index
          %parallel_loop3A_1390 = arith.constant 0 : index
          %parallel_loop3A_1391 = tpu.vector_load %arg11[%parallel_loop3A_1388, %parallel_loop3A_1389, %parallel_loop3A_1390] {strides = array<i32>} : memref<2x800x64xf32, #tpu.memory_space<vmem>>, vector<16xf32>,
          %parallel_loop3A_1392 = arith.mulf %parallel_loop3A_1391, %get3A_1361 : vector<16xf32>
          %parallel_loop3A_1393 = arith.constant 0 : i32
          %parallel_loop3A_1394 = arith.index_cast %parallel_loop3A_1393 : i32 to index
          %parallel_loop3A_1395 = arith.index_cast %parallel_loop3A_1386 : i32 to index
          %parallel_loop3A_1396 = arith.constant 16 : index
          %parallel_loop3A_1397 = tpu.vector_load %arg11[%parallel_loop3A_1394, %parallel_loop3A_1395, %parallel_loop3A_1396] {strides = array<i32>} : memref<2x800x64xf32, #tpu.memory_space<vmem>>, vector<16xf32>,
          %parallel_loop3A_1398 = arith.mulf %parallel_loop3A_1397, %get3A_1366 : vector<16xf32>
          %parallel_loop3A_1399 = arith.addf %parallel_loop3A_1392, %parallel_loop3A_1398 : vector<16xf32>
          %parallel_loop3A_1400 = arith.constant 0 : i32
          %parallel_loop3A_1401 = arith.index_cast %parallel_loop3A_1400 : i32 to index
          %parallel_loop3A_1402 = arith.index_cast %parallel_loop3A_1386 : i32 to index
          %parallel_loop3A_1403 = arith.constant 32 : index
          %parallel_loop3A_1404 = tpu.vector_load %arg11[%parallel_loop3A_1401, %parallel_loop3A_1402, %parallel_loop3A_1403] {strides = array<i32>} : memref<2x800x64xf32, #tpu.memory_space<vmem>>, vector<16xf32>,
          %parallel_loop3A_1405 = arith.mulf %parallel_loop3A_1404, %get3A_1371 : vector<16xf32>
          %parallel_loop3A_1406 = arith.constant 0 : i32
          %parallel_loop3A_1407 = arith.index_cast %parallel_loop3A_1406 : i32 to index
          %parallel_loop3A_1408 = arith.index_cast %parallel_loop3A_1386 : i32 to index
          %parallel_loop3A_1409 = arith.constant 48 : index
          %parallel_loop3A_1410 = tpu.vector_load %arg11[%parallel_loop3A_1407, %parallel_loop3A_1408, %parallel_loop3A_1409] {strides = array<i32>} : memref<2x800x64xf32, #tpu.memory_space<vmem>>, vector<16xf32>,
          %parallel_loop3A_1411 = arith.mulf %parallel_loop3A_1410, %get3A_1376 : vector<16xf32>
          %parallel_loop3A_1412 = arith.addf %parallel_loop3A_1405, %parallel_loop3A_1411 : vector<16xf32>
          %parallel_loop3A_1413 = arith.addf %parallel_loop3A_1399, %parallel_loop3A_1412 : vector<16xf32>
          %parallel_loop3A_1414 = arith.constant 17 : i32
          %parallel_loop3A_1415 = arith.muli %parallel_loop3A_1383, %parallel_loop3A_1414 : i32
          %parallel_loop3A_1416 = arith.constant 0 : i32
          %parallel_loop3A_1417 = arith.index_cast %parallel_loop3A_1416 : i32 to index
          %parallel_loop3A_1418 = arith.index_cast %parallel_loop3A_1415 : i32 to index
          %parallel_loop3A_1419 = tpu.vector_load %arg12[%parallel_loop3A_1417, %parallel_loop3A_1418] {strides = array<i32>} : memref<2x1104xf32, #tpu.memory_space<vmem>>, vector<16xf32>,
          tpu.vector_store %arg12[%parallel_loop3A_1417, %parallel_loop3A_1418], %parallel_loop3A_1413 {strides = array<i32>} : memref<2x1104xf32, #tpu.memory_space<vmem>>, vector<16xf32>,
        } {sc.loop_unroll_factor = 5 : i64, sc.parallel_access}
        %parallel_loop3A_1380 = arith.constant 0 : i32
        %parallel_loop3A_1381 = arith.constant 4 : i32
        %parallel_loop3A_1382 = arith.constant 1 : i32
        scf.for %parallel_loop3A_1383 = %parallel_loop3A_1380 to %parallel_loop3A_1381 step %parallel_loop3A_1382  : i32 {
          %parallel_loop3A_1384 = arith.constant 272 : i32
          %parallel_loop3A_1385 = arith.muli %parallel_loop3A_1383, %parallel_loop3A_1384 : i32
          %parallel_loop3A_1386 = vector.broadcast %parallel_loop3A_1385 : i32 to vector<16xi32>
          %parallel_loop3A_1387 = arith.addi %mul3A_5, %parallel_loop3A_1386 : vector<16xi32>
          %parallel_loop3A_1388 = arith.constant 0 : i32
          %parallel_loop3A_1389 = arith.constant 0 : i32
          %parallel_loop3A_1390 = tpu.memref_slice %arg12[%parallel_loop3A_1388, %parallel_loop3A_1389] : memref<2x1104xf32, #tpu.memory_space<vmem>> -> memref<1x1104xf32, #tpu.memory_space<vmem>>
          %parallel_loop3A_1391 = tpu.memref_squeeze %parallel_loop3A_1390 : memref<1x1104xf32, #tpu.memory_space<vmem>> -> memref<1104xf32, #tpu.memory_space<vmem>>
          %parallel_loop3A_1392 = tpu.vector_load_idx %parallel_loop3A_1391[%parallel_loop3A_1387] : memref<1104xf32, #tpu.memory_space<vmem>>[vector<16xi32>], vector<16xf32>,
          %parallel_loop3A_1393 = arith.constant 1 : i32
          %parallel_loop3A_1394 = arith.addi %parallel_loop3A_1385, %parallel_loop3A_1393 : i32
          %parallel_loop3A_1395 = vector.broadcast %parallel_loop3A_1394 : i32 to vector<16xi32>
          %parallel_loop3A_1396 = arith.addi %mul3A_5, %parallel_loop3A_1395 : vector<16xi32>
          %parallel_loop3A_1397 = arith.constant 0 : i32
          %parallel_loop3A_1398 = arith.constant 0 : i32
          %parallel_loop3A_1399 = tpu.memref_slice %arg12[%parallel_loop3A_1397, %parallel_loop3A_1398] : memref<2x1104xf32, #tpu.memory_space<vmem>> -> memref<1x1104xf32, #tpu.memory_space<vmem>>
          %parallel_loop3A_1400 = tpu.memref_squeeze %parallel_loop3A_1399 : memref<1x1104xf32, #tpu.memory_space<vmem>> -> memref<1104xf32, #tpu.memory_space<vmem>>
          %parallel_loop3A_1401 = tpu.vector_load_idx %parallel_loop3A_1400[%parallel_loop3A_1396] : memref<1104xf32, #tpu.memory_space<vmem>>[vector<16xi32>], vector<16xf32>,
          %parallel_loop3A_1402 = arith.addf %parallel_loop3A_1392, %parallel_loop3A_1401 : vector<16xf32>
          %parallel_loop3A_1403 = arith.constant 2 : i32
          %parallel_loop3A_1404 = arith.addi %parallel_loop3A_1385, %parallel_loop3A_1403 : i32
          %parallel_loop3A_1405 = vector.broadcast %parallel_loop3A_1404 : i32 to vector<16xi32>
          %parallel_loop3A_1406 = arith.addi %mul3A_5, %parallel_loop3A_1405 : vector<16xi32>
          %parallel_loop3A_1407 = arith.constant 0 : i32
          %parallel_loop3A_1408 = arith.constant 0 : i32
          %parallel_loop3A_1409 = tpu.memref_slice %arg12[%parallel_loop3A_1407, %parallel_loop3A_1408] : memref<2x1104xf32, #tpu.memory_space<vmem>> -> memref<1x1104xf32, #tpu.memory_space<vmem>>
          %parallel_loop3A_1410 = tpu.memref_squeeze %parallel_loop3A_1409 : memref<1x1104xf32, #tpu.memory_space<vmem>> -> memref<1104xf32, #tpu.memory_space<vmem>>
          %parallel_loop3A_1411 = tpu.vector_load_idx %parallel_loop3A_1410[%parallel_loop3A_1406] : memref<1104xf32, #tpu.memory_space<vmem>>[vector<16xi32>], vector<16xf32>,
          %parallel_loop3A_1412 = arith.addf %parallel_loop3A_1402, %parallel_loop3A_1411 : vector<16xf32>
          %parallel_loop3A_1413 = arith.constant 3 : i32
          %parallel_loop3A_1414 = arith.addi %parallel_loop3A_1385, %parallel_loop3A_1413 : i32
          %parallel_loop3A_1415 = vector.broadcast %parallel_loop3A_1414 : i32 to vector<16xi32>
          %parallel_loop3A_1416 = arith.addi %mul3A_5, %parallel_loop3A_1415 : vector<16xi32>
          %parallel_loop3A_1417 = arith.constant 0 : i32
          %parallel_loop3A_1418 = arith.constant 0 : i32
          %parallel_loop3A_1419 = tpu.memref_slice %arg12[%parallel_loop3A_1417, %parallel_loop3A_1418] : memref<2x1104xf32, #tpu.memory_space<vmem>> -> memref<1x1104xf32, #tpu.memory_space<vmem>>
          %parallel_loop3A_1420 = tpu.memref_squeeze %parallel_loop3A_1419 : memref<1x1104xf32, #tpu.memory_space<vmem>> -> memref<1104xf32, #tpu.memory_space<vmem>>
          %parallel_loop3A_1421 = tpu.vector_load_idx %parallel_loop3A_1420[%parallel_loop3A_1416] : memref<1104xf32, #tpu.memory_space<vmem>>[vector<16xi32>], vector<16xf32>,
          %parallel_loop3A_1422 = arith.addf %parallel_loop3A_1412, %parallel_loop3A_1421 : vector<16xf32>
          %parallel_loop3A_1423 = arith.constant 4 : i32
          %parallel_loop3A_1424 = arith.addi %parallel_loop3A_1385, %parallel_loop3A_1423 : i32
          %parallel_loop3A_1425 = vector.broadcast %parallel_loop3A_1424 : i32 to vector<16xi32>
          %parallel_loop3A_1426 = arith.addi %mul3A_5, %parallel_loop3A_1425 : vector<16xi32>
          %parallel_loop3A_1427 = arith.constant 0 : i32
          %parallel_loop3A_1428 = arith.constant 0 : i32
          %parallel_loop3A_1429 = tpu.memref_slice %arg12[%parallel_loop3A_1427, %parallel_loop3A_1428] : memref<2x1104xf32, #tpu.memory_space<vmem>> -> memref<1x1104xf32, #tpu.memory_space<vmem>>
          %parallel_loop3A_1430 = tpu.memref_squeeze %parallel_loop3A_1429 : memref<1x1104xf32, #tpu.memory_space<vmem>> -> memref<1104xf32, #tpu.memory_space<vmem>>
          %parallel_loop3A_1431 = tpu.vector_load_idx %parallel_loop3A_1430[%parallel_loop3A_1426] : memref<1104xf32, #tpu.memory_space<vmem>>[vector<16xi32>], vector<16xf32>,
          %parallel_loop3A_1432 = arith.addf %parallel_loop3A_1422, %parallel_loop3A_1431 : vector<16xf32>
          %parallel_loop3A_1433 = arith.constant 5 : i32
          %parallel_loop3A_1434 = arith.addi %parallel_loop3A_1385, %parallel_loop3A_1433 : i32
          %parallel_loop3A_1435 = vector.broadcast %parallel_loop3A_1434 : i32 to vector<16xi32>
          %parallel_loop3A_1436 = arith.addi %mul3A_5, %parallel_loop3A_1435 : vector<16xi32>
          %parallel_loop3A_1437 = arith.constant 0 : i32
          %parallel_loop3A_1438 = arith.constant 0 : i32
          %parallel_loop3A_1439 = tpu.memref_slice %arg12[%parallel_loop3A_1437, %parallel_loop3A_1438] : memref<2x1104xf32, #tpu.memory_space<vmem>> -> memref<1x1104xf32, #tpu.memory_space<vmem>>
          %parallel_loop3A_1440 = tpu.memref_squeeze %parallel_loop3A_1439 : memref<1x1104xf32, #tpu.memory_space<vmem>> -> memref<1104xf32, #tpu.memory_space<vmem>>
          %parallel_loop3A_1441 = tpu.vector_load_idx %parallel_loop3A_1440[%parallel_loop3A_1436] : memref<1104xf32, #tpu.memory_space<vmem>>[vector<16xi32>], vector<16xf32>,
          %parallel_loop3A_1442 = arith.addf %parallel_loop3A_1432, %parallel_loop3A_1441 : vector<16xf32>
          %parallel_loop3A_1443 = arith.constant 6 : i32
          %parallel_loop3A_1444 = arith.addi %parallel_loop3A_1385, %parallel_loop3A_1443 : i32
          %parallel_loop3A_1445 = vector.broadcast %parallel_loop3A_1444 : i32 to vector<16xi32>
          %parallel_loop3A_1446 = arith.addi %mul3A_5, %parallel_loop3A_1445 : vector<16xi32>
          %parallel_loop3A_1447 = arith.constant 0 : i32
          %parallel_loop3A_1448 = arith.constant 0 : i32
          %parallel_loop3A_1449 = tpu.memref_slice %arg12[%parallel_loop3A_1447, %parallel_loop3A_1448] : memref<2x1104xf32, #tpu.memory_space<vmem>> -> memref<1x1104xf32, #tpu.memory_space<vmem>>
          %parallel_loop3A_1450 = tpu.memref_squeeze %parallel_loop3A_1449 : memref<1x1104xf32, #tpu.memory_space<vmem>> -> memref<1104xf32, #tpu.memory_space<vmem>>
          %parallel_loop3A_1451 = tpu.vector_load_idx %parallel_loop3A_1450[%parallel_loop3A_1446] : memref<1104xf32, #tpu.memory_space<vmem>>[vector<16xi32>], vector<16xf32>,
          %parallel_loop3A_1452 = arith.addf %parallel_loop3A_1442, %parallel_loop3A_1451 : vector<16xf32>
          %parallel_loop3A_1453 = arith.constant 7 : i32
          %parallel_loop3A_1454 = arith.addi %parallel_loop3A_1385, %parallel_loop3A_1453 : i32
          %parallel_loop3A_1455 = vector.broadcast %parallel_loop3A_1454 : i32 to vector<16xi32>
          %parallel_loop3A_1456 = arith.addi %mul3A_5, %parallel_loop3A_1455 : vector<16xi32>
          %parallel_loop3A_1457 = arith.constant 0 : i32
          %parallel_loop3A_1458 = arith.constant 0 : i32
          %parallel_loop3A_1459 = tpu.memref_slice %arg12[%parallel_loop3A_1457, %parallel_loop3A_1458] : memref<2x1104xf32, #tpu.memory_space<vmem>> -> memref<1x1104xf32, #tpu.memory_space<vmem>>
          %parallel_loop3A_1460 = tpu.memref_squeeze %parallel_loop3A_1459 : memref<1x1104xf32, #tpu.memory_space<vmem>> -> memref<1104xf32, #tpu.memory_space<vmem>>
          %parallel_loop3A_1461 = tpu.vector_load_idx %parallel_loop3A_1460[%parallel_loop3A_1456] : memref<1104xf32, #tpu.memory_space<vmem>>[vector<16xi32>], vector<16xf32>,
          %parallel_loop3A_1462 = arith.addf %parallel_loop3A_1452, %parallel_loop3A_1461 : vector<16xf32>
          %parallel_loop3A_1463 = arith.constant 8 : i32
          %parallel_loop3A_1464 = arith.addi %parallel_loop3A_1385, %parallel_loop3A_1463 : i32
          %parallel_loop3A_1465 = vector.broadcast %parallel_loop3A_1464 : i32 to vector<16xi32>
          %parallel_loop3A_1466 = arith.addi %mul3A_5, %parallel_loop3A_1465 : vector<16xi32>
          %parallel_loop3A_1467 = arith.constant 0 : i32
          %parallel_loop3A_1468 = arith.constant 0 : i32
          %parallel_loop3A_1469 = tpu.memref_slice %arg12[%parallel_loop3A_1467, %parallel_loop3A_1468] : memref<2x1104xf32, #tpu.memory_space<vmem>> -> memref<1x1104xf32, #tpu.memory_space<vmem>>
          %parallel_loop3A_1470 = tpu.memref_squeeze %parallel_loop3A_1469 : memref<1x1104xf32, #tpu.memory_space<vmem>> -> memref<1104xf32, #tpu.memory_space<vmem>>
          %parallel_loop3A_1471 = tpu.vector_load_idx %parallel_loop3A_1470[%parallel_loop3A_1466] : memref<1104xf32, #tpu.memory_space<vmem>>[vector<16xi32>], vector<16xf32>,
          %parallel_loop3A_1472 = arith.addf %parallel_loop3A_1462, %parallel_loop3A_1471 : vector<16xf32>
          %parallel_loop3A_1473 = arith.constant 9 : i32
          %parallel_loop3A_1474 = arith.addi %parallel_loop3A_1385, %parallel_loop3A_1473 : i32
          %parallel_loop3A_1475 = vector.broadcast %parallel_loop3A_1474 : i32 to vector<16xi32>
          %parallel_loop3A_1476 = arith.addi %mul3A_5, %parallel_loop3A_1475 : vector<16xi32>
          %parallel_loop3A_1477 = arith.constant 0 : i32
          %parallel_loop3A_1478 = arith.constant 0 : i32
          %parallel_loop3A_1479 = tpu.memref_slice %arg12[%parallel_loop3A_1477, %parallel_loop3A_1478] : memref<2x1104xf32, #tpu.memory_space<vmem>> -> memref<1x1104xf32, #tpu.memory_space<vmem>>
          %parallel_loop3A_1480 = tpu.memref_squeeze %parallel_loop3A_1479 : memref<1x1104xf32, #tpu.memory_space<vmem>> -> memref<1104xf32, #tpu.memory_space<vmem>>
          %parallel_loop3A_1481 = tpu.vector_load_idx %parallel_loop3A_1480[%parallel_loop3A_1476] : memref<1104xf32, #tpu.memory_space<vmem>>[vector<16xi32>], vector<16xf32>,
          %parallel_loop3A_1482 = arith.addf %parallel_loop3A_1472, %parallel_loop3A_1481 : vector<16xf32>
          %parallel_loop3A_1483 = arith.constant 10 : i32
          %parallel_loop3A_1484 = arith.addi %parallel_loop3A_1385, %parallel_loop3A_1483 : i32
          %parallel_loop3A_1485 = vector.broadcast %parallel_loop3A_1484 : i32 to vector<16xi32>
          %parallel_loop3A_1486 = arith.addi %mul3A_5, %parallel_loop3A_1485 : vector<16xi32>
          %parallel_loop3A_1487 = arith.constant 0 : i32
          %parallel_loop3A_1488 = arith.constant 0 : i32
          %parallel_loop3A_1489 = tpu.memref_slice %arg12[%parallel_loop3A_1487, %parallel_loop3A_1488] : memref<2x1104xf32, #tpu.memory_space<vmem>> -> memref<1x1104xf32, #tpu.memory_space<vmem>>
          %parallel_loop3A_1490 = tpu.memref_squeeze %parallel_loop3A_1489 : memref<1x1104xf32, #tpu.memory_space<vmem>> -> memref<1104xf32, #tpu.memory_space<vmem>>
          %parallel_loop3A_1491 = tpu.vector_load_idx %parallel_loop3A_1490[%parallel_loop3A_1486] : memref<1104xf32, #tpu.memory_space<vmem>>[vector<16xi32>], vector<16xf32>,
          %parallel_loop3A_1492 = arith.addf %parallel_loop3A_1482, %parallel_loop3A_1491 : vector<16xf32>
          %parallel_loop3A_1493 = arith.constant 11 : i32
          %parallel_loop3A_1494 = arith.addi %parallel_loop3A_1385, %parallel_loop3A_1493 : i32
          %parallel_loop3A_1495 = vector.broadcast %parallel_loop3A_1494 : i32 to vector<16xi32>
          %parallel_loop3A_1496 = arith.addi %mul3A_5, %parallel_loop3A_1495 : vector<16xi32>
          %parallel_loop3A_1497 = arith.constant 0 : i32
          %parallel_loop3A_1498 = arith.constant 0 : i32
          %parallel_loop3A_1499 = tpu.memref_slice %arg12[%parallel_loop3A_1497, %parallel_loop3A_1498] : memref<2x1104xf32, #tpu.memory_space<vmem>> -> memref<1x1104xf32, #tpu.memory_space<vmem>>
          %parallel_loop3A_1500 = tpu.memref_squeeze %parallel_loop3A_1499 : memref<1x1104xf32, #tpu.memory_space<vmem>> -> memref<1104xf32, #tpu.memory_space<vmem>>
          %parallel_loop3A_1501 = tpu.vector_load_idx %parallel_loop3A_1500[%parallel_loop3A_1496] : memref<1104xf32, #tpu.memory_space<vmem>>[vector<16xi32>], vector<16xf32>,
          %parallel_loop3A_1502 = arith.addf %parallel_loop3A_1492, %parallel_loop3A_1501 : vector<16xf32>
          %parallel_loop3A_1503 = arith.constant 12 : i32
          %parallel_loop3A_1504 = arith.addi %parallel_loop3A_1385, %parallel_loop3A_1503 : i32
          %parallel_loop3A_1505 = vector.broadcast %parallel_loop3A_1504 : i32 to vector<16xi32>
          %parallel_loop3A_1506 = arith.addi %mul3A_5, %parallel_loop3A_1505 : vector<16xi32>
          %parallel_loop3A_1507 = arith.constant 0 : i32
          %parallel_loop3A_1508 = arith.constant 0 : i32
          %parallel_loop3A_1509 = tpu.memref_slice %arg12[%parallel_loop3A_1507, %parallel_loop3A_1508] : memref<2x1104xf32, #tpu.memory_space<vmem>> -> memref<1x1104xf32, #tpu.memory_space<vmem>>
          %parallel_loop3A_1510 = tpu.memref_squeeze %parallel_loop3A_1509 : memref<1x1104xf32, #tpu.memory_space<vmem>> -> memref<1104xf32, #tpu.memory_space<vmem>>
          %parallel_loop3A_1511 = tpu.vector_load_idx %parallel_loop3A_1510[%parallel_loop3A_1506] : memref<1104xf32, #tpu.memory_space<vmem>>[vector<16xi32>], vector<16xf32>,
          %parallel_loop3A_1512 = arith.addf %parallel_loop3A_1502, %parallel_loop3A_1511 : vector<16xf32>
          %parallel_loop3A_1513 = arith.constant 13 : i32
          %parallel_loop3A_1514 = arith.addi %parallel_loop3A_1385, %parallel_loop3A_1513 : i32
          %parallel_loop3A_1515 = vector.broadcast %parallel_loop3A_1514 : i32 to vector<16xi32>
          %parallel_loop3A_1516 = arith.addi %mul3A_5, %parallel_loop3A_1515 : vector<16xi32>
          %parallel_loop3A_1517 = arith.constant 0 : i32
          %parallel_loop3A_1518 = arith.constant 0 : i32
          %parallel_loop3A_1519 = tpu.memref_slice %arg12[%parallel_loop3A_1517, %parallel_loop3A_1518] : memref<2x1104xf32, #tpu.memory_space<vmem>> -> memref<1x1104xf32, #tpu.memory_space<vmem>>
          %parallel_loop3A_1520 = tpu.memref_squeeze %parallel_loop3A_1519 : memref<1x1104xf32, #tpu.memory_space<vmem>> -> memref<1104xf32, #tpu.memory_space<vmem>>
          %parallel_loop3A_1521 = tpu.vector_load_idx %parallel_loop3A_1520[%parallel_loop3A_1516] : memref<1104xf32, #tpu.memory_space<vmem>>[vector<16xi32>], vector<16xf32>,
          %parallel_loop3A_1522 = arith.addf %parallel_loop3A_1512, %parallel_loop3A_1521 : vector<16xf32>
          %parallel_loop3A_1523 = arith.constant 14 : i32
          %parallel_loop3A_1524 = arith.addi %parallel_loop3A_1385, %parallel_loop3A_1523 : i32
          %parallel_loop3A_1525 = vector.broadcast %parallel_loop3A_1524 : i32 to vector<16xi32>
          %parallel_loop3A_1526 = arith.addi %mul3A_5, %parallel_loop3A_1525 : vector<16xi32>
          %parallel_loop3A_1527 = arith.constant 0 : i32
          %parallel_loop3A_1528 = arith.constant 0 : i32
          %parallel_loop3A_1529 = tpu.memref_slice %arg12[%parallel_loop3A_1527, %parallel_loop3A_1528] : memref<2x1104xf32, #tpu.memory_space<vmem>> -> memref<1x1104xf32, #tpu.memory_space<vmem>>
          %parallel_loop3A_1530 = tpu.memref_squeeze %parallel_loop3A_1529 : memref<1x1104xf32, #tpu.memory_space<vmem>> -> memref<1104xf32, #tpu.memory_space<vmem>>
          %parallel_loop3A_1531 = tpu.vector_load_idx %parallel_loop3A_1530[%parallel_loop3A_1526] : memref<1104xf32, #tpu.memory_space<vmem>>[vector<16xi32>], vector<16xf32>,
          %parallel_loop3A_1532 = arith.addf %parallel_loop3A_1522, %parallel_loop3A_1531 : vector<16xf32>
          %parallel_loop3A_1533 = arith.constant 15 : i32
          %parallel_loop3A_1534 = arith.addi %parallel_loop3A_1385, %parallel_loop3A_1533 : i32
          %parallel_loop3A_1535 = vector.broadcast %parallel_loop3A_1534 : i32 to vector<16xi32>
          %parallel_loop3A_1536 = arith.addi %mul3A_5, %parallel_loop3A_1535 : vector<16xi32>
          %parallel_loop3A_1537 = arith.constant 0 : i32
          %parallel_loop3A_1538 = arith.constant 0 : i32
          %parallel_loop3A_1539 = tpu.memref_slice %arg12[%parallel_loop3A_1537, %parallel_loop3A_1538] : memref<2x1104xf32, #tpu.memory_space<vmem>> -> memref<1x1104xf32, #tpu.memory_space<vmem>>
          %parallel_loop3A_1540 = tpu.memref_squeeze %parallel_loop3A_1539 : memref<1x1104xf32, #tpu.memory_space<vmem>> -> memref<1104xf32, #tpu.memory_space<vmem>>
          %parallel_loop3A_1541 = tpu.vector_load_idx %parallel_loop3A_1540[%parallel_loop3A_1536] : memref<1104xf32, #tpu.memory_space<vmem>>[vector<16xi32>], vector<16xf32>,
          %parallel_loop3A_1542 = arith.addf %parallel_loop3A_1532, %parallel_loop3A_1541 : vector<16xf32>
          %parallel_loop3A_1543 = arith.constant 16 : i32
          %parallel_loop3A_1544 = arith.muli %parallel_loop3A_1383, %parallel_loop3A_1543 : i32
          %parallel_loop3A_1545 = arith.constant 0 : i32
          %parallel_loop3A_1546 = arith.index_cast %parallel_loop3A_1545 : i32 to index
          %parallel_loop3A_1547 = arith.index_cast %scan3A_1356 : i32 to index
          %parallel_loop3A_1548 = arith.index_cast %parallel_loop3A_1544 : i32 to index
          %parallel_loop3A_1549 = tpu.vector_load %arg13[%parallel_loop3A_1546, %parallel_loop3A_1547, %parallel_loop3A_1548] {strides = array<i32>} : memref<2x16x64xf32, #tpu.memory_space<vmem>>, vector<16xf32>,
          tpu.vector_store %arg13[%parallel_loop3A_1546, %parallel_loop3A_1547, %parallel_loop3A_1548], %parallel_loop3A_1542 {strides = array<i32>} : memref<2x16x64xf32, #tpu.memory_space<vmem>>, vector<16xf32>,
        } {sc.loop_unroll_factor = 1 : i64, sc.parallel_access}
      }
      %scan3A_1067 = arith.constant 16 : i32
      %mul3A_1068 = arith.constant 16 : i32
      %mul3A_1069 = arith.muli %mul3A_815, %mul3A_1068 : i32
      %add3A_1070 = arith.addi %mul3A_2, %mul3A_1069 : i32
      %dma_start3A_1071 = arith.constant 0 : i32
      %dma_start3A_1072 = arith.constant 0 : i32
      %dma_start3A_1073 = arith.constant 0 : i32
      %dma_start3A_1074 = tpu.memref_slice %arg13[%dma_start3A_1071, %dma_start3A_1072, %dma_start3A_1073] : memref<2x16x64xf32, #tpu.memory_space<vmem>> -> memref<1x16x64xf32, #tpu.memory_space<vmem>>
      %dma_start3A_1075 = tpu.memref_squeeze %dma_start3A_1074 : memref<1x16x64xf32, #tpu.memory_space<vmem>> -> memref<16x64xf32, #tpu.memory_space<vmem>>
      %dma_start3A_1076 = arith.constant 0 : i32
      %dma_start3A_1077 = tpu.memref_slice %arg6[%add3A_1070, %dma_start3A_1076] : memref<16384x64xf32, #tpu.memory_space<hbm>> -> memref<16x64xf32, #tpu.memory_space<hbm>>
      %dma_start3A_1078 = arith.constant 0 : i32
      %dma_start3A_1079 = tpu.memref_slice %arg6[%add3A_1070, %dma_start3A_1078] : memref<16384x64xf32, #tpu.memory_space<hbm>> -> memref<16x64xf32, #tpu.memory_space<hbm>>
      %dma_start3A_1080 = arith.constant 0 : i32
      %dma_start3A_1081 = arith.constant 0 : i32
      %dma_start3A_1082 = tpu.memref_slice %arg13[%dma_start3A_1071, %dma_start3A_1080, %dma_start3A_1081] : memref<2x16x64xf32, #tpu.memory_space<vmem>> -> memref<1x16x64xf32, #tpu.memory_space<vmem>>
      %dma_start3A_1083 = tpu.memref_squeeze %dma_start3A_1082 : memref<1x16x64xf32, #tpu.memory_space<vmem>> -> memref<16x64xf32, #tpu.memory_space<vmem>>
      tpu.enqueue_dma source(%dma_start3A_1083 : memref<16x64xf32, #tpu.memory_space<vmem>>) target(%dma_start3A_1079 : memref<16x64xf32, #tpu.memory_space<hbm>>) target_semaphore(%arg18 : memref<!tpu.dma_semaphore, #tpu.memory_space<semaphore_mem>>)
      %mul3A_1084 = arith.constant 2 : i32
      %mul3A_1085 = arith.muli %mul3A_1084, %scan3A_813 : i32
      %add3A_1086 = arith.constant 1 : i32
      %add3A_1087 = arith.addi %mul3A_1085, %add3A_1086 : i32
      %dma_wait3A_1088 = arith.constant 0 : i32
      %dma_wait3A_1089 = arith.constant 0 : i32
      %dma_wait3A_1090 = tpu.memref_slice %arg7[%dma_wait3A_1088, %dma_wait3A_1089] : memref<2x16xi32, #tpu.memory_space<vmem>> -> memref<1x16xi32, #tpu.memory_space<vmem>>
      %dma_wait3A_1091 = tpu.memref_squeeze %dma_wait3A_1090 : memref<1x16xi32, #tpu.memory_space<vmem>> -> memref<16xi32, #tpu.memory_space<vmem>>
      %dma_wait3A_1092 = arith.constant 0 : i32
      %dma_wait3A_1093 = tpu.memref_slice %arg2[%dma_wait3A_1092] : memref<16384xi32, #tpu.memory_space<hbm>> -> memref<16xi32, #tpu.memory_space<hbm>>
      %dma_wait3A_1094 = arith.constant 0 : i32
      %dma_wait3A_1095 = tpu.memref_slice %arg7[%dma_wait3A_1088, %dma_wait3A_1094] : memref<2x16xi32, #tpu.memory_space<vmem>> -> memref<1x16xi32, #tpu.memory_space<vmem>>
      %dma_wait3A_1096 = tpu.memref_squeeze %dma_wait3A_1095 : memref<1x16xi32, #tpu.memory_space<vmem>> -> memref<16xi32, #tpu.memory_space<vmem>>
      %dma_wait3A_1097 = arith.constant 0 : i32
      %dma_wait3A_1098 = tpu.memref_slice %arg2[%dma_wait3A_1097] : memref<16384xi32, #tpu.memory_space<hbm>> -> memref<16xi32, #tpu.memory_space<hbm>>
      tpu.wait_dma2 semaphore(%arg14 : memref<!tpu.dma_semaphore, #tpu.memory_space<semaphore_mem>>) src(%dma_wait3A_1098 : memref<16xi32, #tpu.memory_space<hbm>>) dst(%dma_wait3A_1096 : memref<16xi32, #tpu.memory_space<vmem>>)
      %dma_wait3A_1099 = arith.constant 0 : i32
      %dma_wait3A_1100 = arith.constant 0 : i32
      %dma_wait3A_1101 = arith.constant 0 : i32
      %dma_wait3A_1102 = tpu.memref_slice %arg8[%dma_wait3A_1099, %dma_wait3A_1100, %dma_wait3A_1101] : memref<2x50x16xi32, #tpu.memory_space<vmem>> -> memref<1x50x16xi32, #tpu.memory_space<vmem>>
      %dma_wait3A_1103 = tpu.memref_squeeze %dma_wait3A_1102 : memref<1x50x16xi32, #tpu.memory_space<vmem>> -> memref<50x16xi32, #tpu.memory_space<vmem>>
      %dma_wait3A_1104 = arith.constant 0 : i32
      %dma_wait3A_1105 = arith.constant 0 : i32
      %dma_wait3A_1106 = tpu.memref_slice %arg3[%dma_wait3A_1104, %dma_wait3A_1105] : memref<50x16384xi32, #tpu.memory_space<hbm>> -> memref<50x16xi32, #tpu.memory_space<hbm>>
      %dma_wait3A_1107 = arith.constant 0 : i32
      %dma_wait3A_1108 = arith.constant 0 : i32
      %dma_wait3A_1109 = tpu.memref_slice %arg8[%dma_wait3A_1099, %dma_wait3A_1107, %dma_wait3A_1108] : memref<2x50x16xi32, #tpu.memory_space<vmem>> -> memref<1x50x16xi32, #tpu.memory_space<vmem>>
      %dma_wait3A_1110 = tpu.memref_squeeze %dma_wait3A_1109 : memref<1x50x16xi32, #tpu.memory_space<vmem>> -> memref<50x16xi32, #tpu.memory_space<vmem>>
      %dma_wait3A_1111 = arith.constant 0 : i32
      %dma_wait3A_1112 = arith.constant 0 : i32
      %dma_wait3A_1113 = tpu.memref_slice %arg3[%dma_wait3A_1111, %dma_wait3A_1112] : memref<50x16384xi32, #tpu.memory_space<hbm>> -> memref<50x16xi32, #tpu.memory_space<hbm>>
      tpu.wait_dma2 semaphore(%arg14 : memref<!tpu.dma_semaphore, #tpu.memory_space<semaphore_mem>>) src(%dma_wait3A_1113 : memref<50x16xi32, #tpu.memory_space<hbm>>) dst(%dma_wait3A_1110 : memref<50x16xi32, #tpu.memory_space<vmem>>)
      %get3A_1114 = arith.constant 0 : i32
      %get3A_1115 = arith.index_cast %get3A_1114 : i32 to index
      %get3A_1116 = arith.constant 0 : index
      %get3A_1117 = tpu.vector_load %arg7[%get3A_1115, %get3A_1116] {strides = array<i32>} : memref<2x16xi32, #tpu.memory_space<vmem>>, vector<16xi32>,
      %mul3A_1118 = arith.constant 2 : i32
      %mul3A_1119 = vector.broadcast %mul3A_1118 : i32 to vector<16xi32>
      %mul3A_1120 = arith.muli %get3A_1117, %mul3A_1119 : vector<16xi32>
      %swap3A_1121 = arith.constant 0 : i32
      %swap3A_1122 = arith.index_cast %swap3A_1121 : i32 to index
      %swap3A_1123 = arith.constant 0 : index
      %swap3A_1124 = tpu.vector_load %arg7[%swap3A_1122, %swap3A_1123] {strides = array<i32>} : memref<2x16xi32, #tpu.memory_space<vmem>>, vector<16xi32>,
      tpu.vector_store %arg7[%swap3A_1122, %swap3A_1123], %mul3A_1120 {strides = array<i32>} : memref<2x16xi32, #tpu.memory_space<vmem>>, vector<16xi32>,
      %dma_start3A_1125 = arith.constant 0 : i32
      %dma_start3A_1126 = arith.constant 0 : i32
      %dma_start3A_1127 = arith.constant 0 : i32
      %dma_start3A_1128 = arith.constant 0 : i32
      %dma_start3A_1129 = tpu.memref_slice %arg10[%dma_start3A_1126, %dma_start3A_1127, %dma_start3A_1128] : memref<2x16x64xf32, #tpu.memory_space<vmem>> -> memref<1x16x64xf32, #tpu.memory_space<vmem>>
      %dma_start3A_1130 = tpu.memref_squeeze %dma_start3A_1129 : memref<1x16x64xf32, #tpu.memory_space<vmem>> -> memref<16x64xf32, #tpu.memory_space<vmem>>
      %dma_start3A_1131 = arith.constant 0 : i32
      %dma_start3A_1132 = tpu.memref_slice %arg7[%dma_start3A_1125, %dma_start3A_1131] : memref<2x16xi32, #tpu.memory_space<vmem>> -> memref<1x16xi32, #tpu.memory_space<vmem>>
      %dma_start3A_1133 = tpu.memref_squeeze %dma_start3A_1132 : memref<1x16xi32, #tpu.memory_space<vmem>> -> memref<16xi32, #tpu.memory_space<vmem>>
      %dma_start3A_1134 = arith.constant 0 : i32
      %dma_start3A_1135 = arith.constant 0 : i32
      %dma_start3A_1136 = tpu.memref_slice %arg4[%dma_start3A_1134, %dma_start3A_1135] : memref<2000000x64xf32, #tpu.memory_space<hbm>> -> memref<2000000x64xf32, #tpu.memory_space<hbm>>
      tpu.enqueue_indirect_dma source(%dma_start3A_1136 : memref<2000000x64xf32, #tpu.memory_space<hbm>>) target(%dma_start3A_1130 : memref<16x64xf32, #tpu.memory_space<vmem>>) offsets(%dma_start3A_1133 : memref<16xi32, #tpu.memory_space<vmem>>) semaphore(%arg16 : memref<!tpu.dma_semaphore, #tpu.memory_space<semaphore_mem>>)
      %parallel_loop3A_1137 = arith.constant 0 : i32
      %parallel_loop3A_1138 = arith.constant 50 : i32
      %parallel_loop3A_1139 = arith.constant 1 : i32
      scf.for %parallel_loop3A_1356 = %parallel_loop3A_1137 to %parallel_loop3A_1138 step %parallel_loop3A_1139  : i32 {
        %parallel_loop3A_1357 = arith.constant 0 : i32
        %parallel_loop3A_1358 = arith.index_cast %parallel_loop3A_1357 : i32 to index
        %parallel_loop3A_1359 = arith.index_cast %parallel_loop3A_1356 : i32 to index
        %parallel_loop3A_1360 = arith.constant 0 : index
        %parallel_loop3A_1361 = tpu.vector_load %arg8[%parallel_loop3A_1358, %parallel_loop3A_1359, %parallel_loop3A_1360] {strides = array<i32>} : memref<2x50x16xi32, #tpu.memory_space<vmem>>, vector<16xi32>,
        %parallel_loop3A_1362 = arith.constant 2 : i32
        %parallel_loop3A_1363 = vector.broadcast %parallel_loop3A_1362 : i32 to vector<16xi32>
        %parallel_loop3A_1364 = arith.muli %parallel_loop3A_1361, %parallel_loop3A_1363 : vector<16xi32>
        %parallel_loop3A_1365 = arith.constant 16 : i32
        %parallel_loop3A_1366 = arith.muli %parallel_loop3A_1356, %parallel_loop3A_1365 : i32
        %parallel_loop3A_1367 = arith.constant 0 : i32
        %parallel_loop3A_1368 = arith.index_cast %parallel_loop3A_1367 : i32 to index
        %parallel_loop3A_1369 = arith.index_cast %parallel_loop3A_1366 : i32 to index
        %parallel_loop3A_1370 = tpu.vector_load %arg9[%parallel_loop3A_1368, %parallel_loop3A_1369] {strides = array<i32>} : memref<2x800xi32, #tpu.memory_space<vmem>>, vector<16xi32>,
        tpu.vector_store %arg9[%parallel_loop3A_1368, %parallel_loop3A_1369], %parallel_loop3A_1364 {strides = array<i32>} : memref<2x800xi32, #tpu.memory_space<vmem>>, vector<16xi32>,
      } {sc.loop_unroll_factor = 5 : i64, sc.parallel_access}
      %dma_start3A_1140 = arith.constant 0 : i32
      %dma_start3A_1141 = arith.constant 0 : i32
      %dma_start3A_1142 = arith.constant 0 : i32
      %dma_start3A_1143 = arith.constant 0 : i32
      %dma_start3A_1144 = tpu.memref_slice %arg11[%dma_start3A_1141, %dma_start3A_1142, %dma_start3A_1143] : memref<2x800x64xf32, #tpu.memory_space<vmem>> -> memref<1x80x64xf32, #tpu.memory_space<vmem>>
      %dma_start3A_1145 = tpu.memref_squeeze %dma_start3A_1144 : memref<1x80x64xf32, #tpu.memory_space<vmem>> -> memref<80x64xf32, #tpu.memory_space<vmem>>
      %dma_start3A_1146 = arith.constant 0 : i32
      %dma_start3A_1147 = tpu.memref_slice %arg9[%dma_start3A_1140, %dma_start3A_1146] : memref<2x800xi32, #tpu.memory_space<vmem>> -> memref<1x80xi32, #tpu.memory_space<vmem>>
      %dma_start3A_1148 = tpu.memref_squeeze %dma_start3A_1147 : memref<1x80xi32, #tpu.memory_space<vmem>> -> memref<80xi32, #tpu.memory_space<vmem>>
      %dma_start3A_1149 = arith.constant 0 : i32
      %dma_start3A_1150 = arith.constant 0 : i32
      %dma_start3A_1151 = tpu.memref_slice %arg5[%dma_start3A_1149, %dma_start3A_1150] : memref<2000000x64xf32, #tpu.memory_space<hbm>> -> memref<2000000x64xf32, #tpu.memory_space<hbm>>
      tpu.enqueue_indirect_dma source(%dma_start3A_1151 : memref<2000000x64xf32, #tpu.memory_space<hbm>>) target(%dma_start3A_1145 : memref<80x64xf32, #tpu.memory_space<vmem>>) offsets(%dma_start3A_1148 : memref<80xi32, #tpu.memory_space<vmem>>) semaphore(%arg16 : memref<!tpu.dma_semaphore, #tpu.memory_space<semaphore_mem>>)
      %dma_start3A_1152 = arith.constant 0 : i32
      %dma_start3A_1153 = arith.constant 0 : i32
      %dma_start3A_1154 = arith.constant 80 : i32
      %dma_start3A_1155 = arith.constant 0 : i32
      %dma_start3A_1156 = tpu.memref_slice %arg11[%dma_start3A_1153, %dma_start3A_1154, %dma_start3A_1155] : memref<2x800x64xf32, #tpu.memory_space<vmem>> -> memref<1x80x64xf32, #tpu.memory_space<vmem>>
      %dma_start3A_1157 = tpu.memref_squeeze %dma_start3A_1156 : memref<1x80x64xf32, #tpu.memory_space<vmem>> -> memref<80x64xf32, #tpu.memory_space<vmem>>
      %dma_start3A_1158 = arith.constant 80 : i32
      %dma_start3A_1159 = tpu.memref_slice %arg9[%dma_start3A_1152, %dma_start3A_1158] : memref<2x800xi32, #tpu.memory_space<vmem>> -> memref<1x80xi32, #tpu.memory_space<vmem>>
      %dma_start3A_1160 = tpu.memref_squeeze %dma_start3A_1159 : memref<1x80xi32, #tpu.memory_space<vmem>> -> memref<80xi32, #tpu.memory_space<vmem>>
      %dma_start3A_1161 = arith.constant 0 : i32
      %dma_start3A_1162 = arith.constant 0 : i32
      %dma_start3A_1163 = tpu.memref_slice %arg5[%dma_start3A_1161, %dma_start3A_1162] : memref<2000000x64xf32, #tpu.memory_space<hbm>> -> memref<2000000x64xf32, #tpu.memory_space<hbm>>
      tpu.enqueue_indirect_dma source(%dma_start3A_1163 : memref<2000000x64xf32, #tpu.memory_space<hbm>>) target(%dma_start3A_1157 : memref<80x64xf32, #tpu.memory_space<vmem>>) offsets(%dma_start3A_1160 : memref<80xi32, #tpu.memory_space<vmem>>) semaphore(%arg16 : memref<!tpu.dma_semaphore, #tpu.memory_space<semaphore_mem>>)
      %dma_start3A_1164 = arith.constant 0 : i32
      %dma_start3A_1165 = arith.constant 0 : i32
      %dma_start3A_1166 = arith.constant 160 : i32
      %dma_start3A_1167 = arith.constant 0 : i32
      %dma_start3A_1168 = tpu.memref_slice %arg11[%dma_start3A_1165, %dma_start3A_1166, %dma_start3A_1167] : memref<2x800x64xf32, #tpu.memory_space<vmem>> -> memref<1x80x64xf32, #tpu.memory_space<vmem>>
      %dma_start3A_1169 = tpu.memref_squeeze %dma_start3A_1168 : memref<1x80x64xf32, #tpu.memory_space<vmem>> -> memref<80x64xf32, #tpu.memory_space<vmem>>
      %dma_start3A_1170 = arith.constant 160 : i32
      %dma_start3A_1171 = tpu.memref_slice %arg9[%dma_start3A_1164, %dma_start3A_1170] : memref<2x800xi32, #tpu.memory_space<vmem>> -> memref<1x80xi32, #tpu.memory_space<vmem>>
      %dma_start3A_1172 = tpu.memref_squeeze %dma_start3A_1171 : memref<1x80xi32, #tpu.memory_space<vmem>> -> memref<80xi32, #tpu.memory_space<vmem>>
      %dma_start3A_1173 = arith.constant 0 : i32
      %dma_start3A_1174 = arith.constant 0 : i32
      %dma_start3A_1175 = tpu.memref_slice %arg5[%dma_start3A_1173, %dma_start3A_1174] : memref<2000000x64xf32, #tpu.memory_space<hbm>> -> memref<2000000x64xf32, #tpu.memory_space<hbm>>
      tpu.enqueue_indirect_dma source(%dma_start3A_1175 : memref<2000000x64xf32, #tpu.memory_space<hbm>>) target(%dma_start3A_1169 : memref<80x64xf32, #tpu.memory_space<vmem>>) offsets(%dma_start3A_1172 : memref<80xi32, #tpu.memory_space<vmem>>) semaphore(%arg16 : memref<!tpu.dma_semaphore, #tpu.memory_space<semaphore_mem>>)
      %dma_start3A_1176 = arith.constant 0 : i32
      %dma_start3A_1177 = arith.constant 0 : i32
      %dma_start3A_1178 = arith.constant 240 : i32
      %dma_start3A_1179 = arith.constant 0 : i32
      %dma_start3A_1180 = tpu.memref_slice %arg11[%dma_start3A_1177, %dma_start3A_1178, %dma_start3A_1179] : memref<2x800x64xf32, #tpu.memory_space<vmem>> -> memref<1x80x64xf32, #tpu.memory_space<vmem>>
      %dma_start3A_1181 = tpu.memref_squeeze %dma_start3A_1180 : memref<1x80x64xf32, #tpu.memory_space<vmem>> -> memref<80x64xf32, #tpu.memory_space<vmem>>
      %dma_start3A_1182 = arith.constant 240 : i32
      %dma_start3A_1183 = tpu.memref_slice %arg9[%dma_start3A_1176, %dma_start3A_1182] : memref<2x800xi32, #tpu.memory_space<vmem>> -> memref<1x80xi32, #tpu.memory_space<vmem>>
      %dma_start3A_1184 = tpu.memref_squeeze %dma_start3A_1183 : memref<1x80xi32, #tpu.memory_space<vmem>> -> memref<80xi32, #tpu.memory_space<vmem>>
      %dma_start3A_1185 = arith.constant 0 : i32
      %dma_start3A_1186 = arith.constant 0 : i32
      %dma_start3A_1187 = tpu.memref_slice %arg5[%dma_start3A_1185, %dma_start3A_1186] : memref<2000000x64xf32, #tpu.memory_space<hbm>> -> memref<2000000x64xf32, #tpu.memory_space<hbm>>
      tpu.enqueue_indirect_dma source(%dma_start3A_1187 : memref<2000000x64xf32, #tpu.memory_space<hbm>>) target(%dma_start3A_1181 : memref<80x64xf32, #tpu.memory_space<vmem>>) offsets(%dma_start3A_1184 : memref<80xi32, #tpu.memory_space<vmem>>) semaphore(%arg16 : memref<!tpu.dma_semaphore, #tpu.memory_space<semaphore_mem>>)
      %dma_start3A_1188 = arith.constant 0 : i32
      %dma_start3A_1189 = arith.constant 0 : i32
      %dma_start3A_1190 = arith.constant 320 : i32
      %dma_start3A_1191 = arith.constant 0 : i32
      %dma_start3A_1192 = tpu.memref_slice %arg11[%dma_start3A_1189, %dma_start3A_1190, %dma_start3A_1191] : memref<2x800x64xf32, #tpu.memory_space<vmem>> -> memref<1x80x64xf32, #tpu.memory_space<vmem>>
      %dma_start3A_1193 = tpu.memref_squeeze %dma_start3A_1192 : memref<1x80x64xf32, #tpu.memory_space<vmem>> -> memref<80x64xf32, #tpu.memory_space<vmem>>
      %dma_start3A_1194 = arith.constant 320 : i32
      %dma_start3A_1195 = tpu.memref_slice %arg9[%dma_start3A_1188, %dma_start3A_1194] : memref<2x800xi32, #tpu.memory_space<vmem>> -> memref<1x80xi32, #tpu.memory_space<vmem>>
      %dma_start3A_1196 = tpu.memref_squeeze %dma_start3A_1195 : memref<1x80xi32, #tpu.memory_space<vmem>> -> memref<80xi32, #tpu.memory_space<vmem>>
      %dma_start3A_1197 = arith.constant 0 : i32
      %dma_start3A_1198 = arith.constant 0 : i32
      %dma_start3A_1199 = tpu.memref_slice %arg5[%dma_start3A_1197, %dma_start3A_1198] : memref<2000000x64xf32, #tpu.memory_space<hbm>> -> memref<2000000x64xf32, #tpu.memory_space<hbm>>
      tpu.enqueue_indirect_dma source(%dma_start3A_1199 : memref<2000000x64xf32, #tpu.memory_space<hbm>>) target(%dma_start3A_1193 : memref<80x64xf32, #tpu.memory_space<vmem>>) offsets(%dma_start3A_1196 : memref<80xi32, #tpu.memory_space<vmem>>) semaphore(%arg16 : memref<!tpu.dma_semaphore, #tpu.memory_space<semaphore_mem>>)
      %dma_start3A_1200 = arith.constant 0 : i32
      %dma_start3A_1201 = arith.constant 0 : i32
      %dma_start3A_1202 = arith.constant 400 : i32
      %dma_start3A_1203 = arith.constant 0 : i32
      %dma_start3A_1204 = tpu.memref_slice %arg11[%dma_start3A_1201, %dma_start3A_1202, %dma_start3A_1203] : memref<2x800x64xf32, #tpu.memory_space<vmem>> -> memref<1x80x64xf32, #tpu.memory_space<vmem>>
      %dma_start3A_1205 = tpu.memref_squeeze %dma_start3A_1204 : memref<1x80x64xf32, #tpu.memory_space<vmem>> -> memref<80x64xf32, #tpu.memory_space<vmem>>
      %dma_start3A_1206 = arith.constant 400 : i32
      %dma_start3A_1207 = tpu.memref_slice %arg9[%dma_start3A_1200, %dma_start3A_1206] : memref<2x800xi32, #tpu.memory_space<vmem>> -> memref<1x80xi32, #tpu.memory_space<vmem>>
      %dma_start3A_1208 = tpu.memref_squeeze %dma_start3A_1207 : memref<1x80xi32, #tpu.memory_space<vmem>> -> memref<80xi32, #tpu.memory_space<vmem>>
      %dma_start3A_1209 = arith.constant 0 : i32
      %dma_start3A_1210 = arith.constant 0 : i32
      %dma_start3A_1211 = tpu.memref_slice %arg5[%dma_start3A_1209, %dma_start3A_1210] : memref<2000000x64xf32, #tpu.memory_space<hbm>> -> memref<2000000x64xf32, #tpu.memory_space<hbm>>
      tpu.enqueue_indirect_dma source(%dma_start3A_1211 : memref<2000000x64xf32, #tpu.memory_space<hbm>>) target(%dma_start3A_1205 : memref<80x64xf32, #tpu.memory_space<vmem>>) offsets(%dma_start3A_1208 : memref<80xi32, #tpu.memory_space<vmem>>) semaphore(%arg16 : memref<!tpu.dma_semaphore, #tpu.memory_space<semaphore_mem>>)
      %dma_start3A_1212 = arith.constant 0 : i32
      %dma_start3A_1213 = arith.constant 0 : i32
      %dma_start3A_1214 = arith.constant 480 : i32
      %dma_start3A_1215 = arith.constant 0 : i32
      %dma_start3A_1216 = tpu.memref_slice %arg11[%dma_start3A_1213, %dma_start3A_1214, %dma_start3A_1215] : memref<2x800x64xf32, #tpu.memory_space<vmem>> -> memref<1x80x64xf32, #tpu.memory_space<vmem>>
      %dma_start3A_1217 = tpu.memref_squeeze %dma_start3A_1216 : memref<1x80x64xf32, #tpu.memory_space<vmem>> -> memref<80x64xf32, #tpu.memory_space<vmem>>
      %dma_start3A_1218 = arith.constant 480 : i32
      %dma_start3A_1219 = tpu.memref_slice %arg9[%dma_start3A_1212, %dma_start3A_1218] : memref<2x800xi32, #tpu.memory_space<vmem>> -> memref<1x80xi32, #tpu.memory_space<vmem>>
      %dma_start3A_1220 = tpu.memref_squeeze %dma_start3A_1219 : memref<1x80xi32, #tpu.memory_space<vmem>> -> memref<80xi32, #tpu.memory_space<vmem>>
      %dma_start3A_1221 = arith.constant 0 : i32
      %dma_start3A_1222 = arith.constant 0 : i32
      %dma_start3A_1223 = tpu.memref_slice %arg5[%dma_start3A_1221, %dma_start3A_1222] : memref<2000000x64xf32, #tpu.memory_space<hbm>> -> memref<2000000x64xf32, #tpu.memory_space<hbm>>
      tpu.enqueue_indirect_dma source(%dma_start3A_1223 : memref<2000000x64xf32, #tpu.memory_space<hbm>>) target(%dma_start3A_1217 : memref<80x64xf32, #tpu.memory_space<vmem>>) offsets(%dma_start3A_1220 : memref<80xi32, #tpu.memory_space<vmem>>) semaphore(%arg16 : memref<!tpu.dma_semaphore, #tpu.memory_space<semaphore_mem>>)
      %dma_start3A_1224 = arith.constant 0 : i32
      %dma_start3A_1225 = arith.constant 0 : i32
      %dma_start3A_1226 = arith.constant 560 : i32
      %dma_start3A_1227 = arith.constant 0 : i32
      %dma_start3A_1228 = tpu.memref_slice %arg11[%dma_start3A_1225, %dma_start3A_1226, %dma_start3A_1227] : memref<2x800x64xf32, #tpu.memory_space<vmem>> -> memref<1x80x64xf32, #tpu.memory_space<vmem>>
      %dma_start3A_1229 = tpu.memref_squeeze %dma_start3A_1228 : memref<1x80x64xf32, #tpu.memory_space<vmem>> -> memref<80x64xf32, #tpu.memory_space<vmem>>
      %dma_start3A_1230 = arith.constant 560 : i32
      %dma_start3A_1231 = tpu.memref_slice %arg9[%dma_start3A_1224, %dma_start3A_1230] : memref<2x800xi32, #tpu.memory_space<vmem>> -> memref<1x80xi32, #tpu.memory_space<vmem>>
      %dma_start3A_1232 = tpu.memref_squeeze %dma_start3A_1231 : memref<1x80xi32, #tpu.memory_space<vmem>> -> memref<80xi32, #tpu.memory_space<vmem>>
      %dma_start3A_1233 = arith.constant 0 : i32
      %dma_start3A_1234 = arith.constant 0 : i32
      %dma_start3A_1235 = tpu.memref_slice %arg5[%dma_start3A_1233, %dma_start3A_1234] : memref<2000000x64xf32, #tpu.memory_space<hbm>> -> memref<2000000x64xf32, #tpu.memory_space<hbm>>
      tpu.enqueue_indirect_dma source(%dma_start3A_1235 : memref<2000000x64xf32, #tpu.memory_space<hbm>>) target(%dma_start3A_1229 : memref<80x64xf32, #tpu.memory_space<vmem>>) offsets(%dma_start3A_1232 : memref<80xi32, #tpu.memory_space<vmem>>) semaphore(%arg16 : memref<!tpu.dma_semaphore, #tpu.memory_space<semaphore_mem>>)
      %dma_start3A_1236 = arith.constant 0 : i32
      %dma_start3A_1237 = arith.constant 0 : i32
      %dma_start3A_1238 = arith.constant 640 : i32
      %dma_start3A_1239 = arith.constant 0 : i32
      %dma_start3A_1240 = tpu.memref_slice %arg11[%dma_start3A_1237, %dma_start3A_1238, %dma_start3A_1239] : memref<2x800x64xf32, #tpu.memory_space<vmem>> -> memref<1x80x64xf32, #tpu.memory_space<vmem>>
      %dma_start3A_1241 = tpu.memref_squeeze %dma_start3A_1240 : memref<1x80x64xf32, #tpu.memory_space<vmem>> -> memref<80x64xf32, #tpu.memory_space<vmem>>
      %dma_start3A_1242 = arith.constant 640 : i32
      %dma_start3A_1243 = tpu.memref_slice %arg9[%dma_start3A_1236, %dma_start3A_1242] : memref<2x800xi32, #tpu.memory_space<vmem>> -> memref<1x80xi32, #tpu.memory_space<vmem>>
      %dma_start3A_1244 = tpu.memref_squeeze %dma_start3A_1243 : memref<1x80xi32, #tpu.memory_space<vmem>> -> memref<80xi32, #tpu.memory_space<vmem>>
      %dma_start3A_1245 = arith.constant 0 : i32
      %dma_start3A_1246 = arith.constant 0 : i32
      %dma_start3A_1247 = tpu.memref_slice %arg5[%dma_start3A_1245, %dma_start3A_1246] : memref<2000000x64xf32, #tpu.memory_space<hbm>> -> memref<2000000x64xf32, #tpu.memory_space<hbm>>
      tpu.enqueue_indirect_dma source(%dma_start3A_1247 : memref<2000000x64xf32, #tpu.memory_space<hbm>>) target(%dma_start3A_1241 : memref<80x64xf32, #tpu.memory_space<vmem>>) offsets(%dma_start3A_1244 : memref<80xi32, #tpu.memory_space<vmem>>) semaphore(%arg16 : memref<!tpu.dma_semaphore, #tpu.memory_space<semaphore_mem>>)
      %dma_start3A_1248 = arith.constant 0 : i32
      %dma_start3A_1249 = arith.constant 0 : i32
      %dma_start3A_1250 = arith.constant 720 : i32
      %dma_start3A_1251 = arith.constant 0 : i32
      %dma_start3A_1252 = tpu.memref_slice %arg11[%dma_start3A_1249, %dma_start3A_1250, %dma_start3A_1251] : memref<2x800x64xf32, #tpu.memory_space<vmem>> -> memref<1x80x64xf32, #tpu.memory_space<vmem>>
      %dma_start3A_1253 = tpu.memref_squeeze %dma_start3A_1252 : memref<1x80x64xf32, #tpu.memory_space<vmem>> -> memref<80x64xf32, #tpu.memory_space<vmem>>
      %dma_start3A_1254 = arith.constant 720 : i32
      %dma_start3A_1255 = tpu.memref_slice %arg9[%dma_start3A_1248, %dma_start3A_1254] : memref<2x800xi32, #tpu.memory_space<vmem>> -> memref<1x80xi32, #tpu.memory_space<vmem>>
      %dma_start3A_1256 = tpu.memref_squeeze %dma_start3A_1255 : memref<1x80xi32, #tpu.memory_space<vmem>> -> memref<80xi32, #tpu.memory_space<vmem>>
      %dma_start3A_1257 = arith.constant 0 : i32
      %dma_start3A_1258 = arith.constant 0 : i32
      %dma_start3A_1259 = tpu.memref_slice %arg5[%dma_start3A_1257, %dma_start3A_1258] : memref<2000000x64xf32, #tpu.memory_space<hbm>> -> memref<2000000x64xf32, #tpu.memory_space<hbm>>
      tpu.enqueue_indirect_dma source(%dma_start3A_1259 : memref<2000000x64xf32, #tpu.memory_space<hbm>>) target(%dma_start3A_1253 : memref<80x64xf32, #tpu.memory_space<vmem>>) offsets(%dma_start3A_1256 : memref<80xi32, #tpu.memory_space<vmem>>) semaphore(%arg16 : memref<!tpu.dma_semaphore, #tpu.memory_space<semaphore_mem>>)
      %dma_wait3A_1260 = arith.constant 1 : i32
      %dma_wait3A_1261 = arith.constant 0 : i32
      %dma_wait3A_1262 = arith.constant 0 : i32
      %dma_wait3A_1263 = tpu.memref_slice %arg10[%dma_wait3A_1260, %dma_wait3A_1261, %dma_wait3A_1262] : memref<2x16x64xf32, #tpu.memory_space<vmem>> -> memref<1x16x64xf32, #tpu.memory_space<vmem>>
      %dma_wait3A_1264 = tpu.memref_squeeze %dma_wait3A_1263 : memref<1x16x64xf32, #tpu.memory_space<vmem>> -> memref<16x64xf32, #tpu.memory_space<vmem>>
      %dma_wait3A_1265 = arith.constant 0 : i32
      %dma_wait3A_1266 = arith.constant 0 : i32
      %dma_wait3A_1267 = tpu.memref_slice %arg4[%dma_wait3A_1265, %dma_wait3A_1266] : memref<2000000x64xf32, #tpu.memory_space<hbm>> -> memref<16x64xf32, #tpu.memory_space<hbm>>
      %dma_wait3A_1268 = arith.constant 0 : i32
      %dma_wait3A_1269 = arith.constant 0 : i32
      %dma_wait3A_1270 = tpu.memref_slice %arg10[%dma_wait3A_1260, %dma_wait3A_1268, %dma_wait3A_1269] : memref<2x16x64xf32, #tpu.memory_space<vmem>> -> memref<1x16x64xf32, #tpu.memory_space<vmem>>
      %dma_wait3A_1271 = tpu.memref_squeeze %dma_wait3A_1270 : memref<1x16x64xf32, #tpu.memory_space<vmem>> -> memref<16x64xf32, #tpu.memory_space<vmem>>
      %dma_wait3A_1272 = arith.constant 0 : i32
      %dma_wait3A_1273 = arith.constant 0 : i32
      %dma_wait3A_1274 = tpu.memref_slice %arg4[%dma_wait3A_1272, %dma_wait3A_1273] : memref<2000000x64xf32, #tpu.memory_space<hbm>> -> memref<16x64xf32, #tpu.memory_space<hbm>>
      tpu.wait_dma2 semaphore(%arg17 : memref<!tpu.dma_semaphore, #tpu.memory_space<semaphore_mem>>) src(%dma_wait3A_1274 : memref<16x64xf32, #tpu.memory_space<hbm>>) dst(%dma_wait3A_1271 : memref<16x64xf32, #tpu.memory_space<vmem>>)
      %dma_wait3A_1275 = arith.constant 1 : i32
      %dma_wait3A_1276 = arith.constant 0 : i32
      %dma_wait3A_1277 = arith.constant 0 : i32
      %dma_wait3A_1278 = tpu.memref_slice %arg11[%dma_wait3A_1275, %dma_wait3A_1276, %dma_wait3A_1277] : memref<2x800x64xf32, #tpu.memory_space<vmem>> -> memref<1x800x64xf32, #tpu.memory_space<vmem>>
      %dma_wait3A_1279 = tpu.memref_squeeze %dma_wait3A_1278 : memref<1x800x64xf32, #tpu.memory_space<vmem>> -> memref<800x64xf32, #tpu.memory_space<vmem>>
      %dma_wait3A_1280 = arith.constant 0 : i32
      %dma_wait3A_1281 = arith.constant 0 : i32
      %dma_wait3A_1282 = tpu.memref_slice %arg5[%dma_wait3A_1280, %dma_wait3A_1281] : memref<2000000x64xf32, #tpu.memory_space<hbm>> -> memref<800x64xf32, #tpu.memory_space<hbm>>
      %dma_wait3A_1283 = arith.constant 0 : i32
      %dma_wait3A_1284 = arith.constant 0 : i32
      %dma_wait3A_1285 = tpu.memref_slice %arg11[%dma_wait3A_1275, %dma_wait3A_1283, %dma_wait3A_1284] : memref<2x800x64xf32, #tpu.memory_space<vmem>> -> memref<1x800x64xf32, #tpu.memory_space<vmem>>
      %dma_wait3A_1286 = tpu.memref_squeeze %dma_wait3A_1285 : memref<1x800x64xf32, #tpu.memory_space<vmem>> -> memref<800x64xf32, #tpu.memory_space<vmem>>
      %dma_wait3A_1287 = arith.constant 0 : i32
      %dma_wait3A_1288 = arith.constant 0 : i32
      %dma_wait3A_1289 = tpu.memref_slice %arg5[%dma_wait3A_1287, %dma_wait3A_1288] : memref<2000000x64xf32, #tpu.memory_space<hbm>> -> memref<800x64xf32, #tpu.memory_space<hbm>>
      tpu.wait_dma2 semaphore(%arg17 : memref<!tpu.dma_semaphore, #tpu.memory_space<semaphore_mem>>) src(%dma_wait3A_1289 : memref<800x64xf32, #tpu.memory_space<hbm>>) dst(%dma_wait3A_1286 : memref<800x64xf32, #tpu.memory_space<vmem>>)
      %add3A_1290 = arith.constant 2 : i32
      %add3A_1291 = arith.addi %add3A_1087, %add3A_1290 : i32
      %min3A_1292 = arith.constant 31 : i32
      %min3A_1293 = arith.minsi %add3A_1291, %min3A_1292 : i32
      %mul3A_1294 = arith.constant 16 : i32
      %mul3A_1295 = arith.muli %min3A_1293, %mul3A_1294 : i32
      %add3A_1296 = arith.addi %mul3A_2, %mul3A_1295 : i32
      %dma_start3A_1297 = arith.constant 1 : i32
      %dma_start3A_1298 = arith.constant 0 : i32
      %dma_start3A_1299 = tpu.memref_slice %arg7[%dma_start3A_1297, %dma_start3A_1298] : memref<2x16xi32, #tpu.memory_space<vmem>> -> memref<1x16xi32, #tpu.memory_space<vmem>>
      %dma_start3A_1300 = tpu.memref_squeeze %dma_start3A_1299 : memref<1x16xi32, #tpu.memory_space<vmem>> -> memref<16xi32, #tpu.memory_space<vmem>>
      %dma_start3A_1301 = tpu.memref_slice %arg2[%add3A_1296] : memref<16384xi32, #tpu.memory_space<hbm>> -> memref<16xi32, #tpu.memory_space<hbm>>
      %dma_start3A_1302 = arith.constant 0 : i32
      %dma_start3A_1303 = tpu.memref_slice %arg7[%dma_start3A_1297, %dma_start3A_1302] : memref<2x16xi32, #tpu.memory_space<vmem>> -> memref<1x16xi32, #tpu.memory_space<vmem>>
      %dma_start3A_1304 = tpu.memref_squeeze %dma_start3A_1303 : memref<1x16xi32, #tpu.memory_space<vmem>> -> memref<16xi32, #tpu.memory_space<vmem>>
      %dma_start3A_1305 = tpu.memref_slice %arg2[%add3A_1296] : memref<16384xi32, #tpu.memory_space<hbm>> -> memref<16xi32, #tpu.memory_space<hbm>>
      tpu.enqueue_dma source(%dma_start3A_1305 : memref<16xi32, #tpu.memory_space<hbm>>) target(%dma_start3A_1304 : memref<16xi32, #tpu.memory_space<vmem>>) target_semaphore(%arg15 : memref<!tpu.dma_semaphore, #tpu.memory_space<semaphore_mem>>)
      %dma_start3A_1306 = arith.constant 1 : i32
      %dma_start3A_1307 = arith.constant 0 : i32
      %dma_start3A_1308 = arith.constant 0 : i32
      %dma_start3A_1309 = tpu.memref_slice %arg8[%dma_start3A_1306, %dma_start3A_1307, %dma_start3A_1308] : memref<2x50x16xi32, #tpu.memory_space<vmem>> -> memref<1x50x16xi32, #tpu.memory_space<vmem>>
      %dma_start3A_1310 = tpu.memref_squeeze %dma_start3A_1309 : memref<1x50x16xi32, #tpu.memory_space<vmem>> -> memref<50x16xi32, #tpu.memory_space<vmem>>
      %dma_start3A_1311 = arith.constant 0 : i32
      %dma_start3A_1312 = tpu.memref_slice %arg3[%dma_start3A_1311, %add3A_1296] : memref<50x16384xi32, #tpu.memory_space<hbm>> -> memref<50x16xi32, #tpu.memory_space<hbm>>
      %dma_start3A_1313 = arith.constant 0 : i32
      %dma_start3A_1314 = arith.constant 0 : i32
      %dma_start3A_1315 = tpu.memref_slice %arg8[%dma_start3A_1306, %dma_start3A_1313, %dma_start3A_1314] : memref<2x50x16xi32, #tpu.memory_space<vmem>> -> memref<1x50x16xi32, #tpu.memory_space<vmem>>
      %dma_start3A_1316 = tpu.memref_squeeze %dma_start3A_1315 : memref<1x50x16xi32, #tpu.memory_space<vmem>> -> memref<50x16xi32, #tpu.memory_space<vmem>>
      %dma_start3A_1317 = arith.constant 0 : i32
      %dma_start3A_1318 = tpu.memref_slice %arg3[%dma_start3A_1317, %add3A_1296] : memref<50x16384xi32, #tpu.memory_space<hbm>> -> memref<50x16xi32, #tpu.memory_space<hbm>>
      tpu.enqueue_dma source(%dma_start3A_1318 : memref<50x16xi32, #tpu.memory_space<hbm>>) target(%dma_start3A_1316 : memref<50x16xi32, #tpu.memory_space<vmem>>) target_semaphore(%arg15 : memref<!tpu.dma_semaphore, #tpu.memory_space<semaphore_mem>>)
      %dma_wait3A_1319 = arith.constant 1 : i32
      %dma_wait3A_1320 = arith.constant 0 : i32
      %dma_wait3A_1321 = arith.constant 0 : i32
      %dma_wait3A_1322 = tpu.memref_slice %arg13[%dma_wait3A_1319, %dma_wait3A_1320, %dma_wait3A_1321] : memref<2x16x64xf32, #tpu.memory_space<vmem>> -> memref<1x16x64xf32, #tpu.memory_space<vmem>>
      %dma_wait3A_1323 = tpu.memref_squeeze %dma_wait3A_1322 : memref<1x16x64xf32, #tpu.memory_space<vmem>> -> memref<16x64xf32, #tpu.memory_space<vmem>>
      %dma_wait3A_1324 = arith.constant 0 : i32
      %dma_wait3A_1325 = arith.constant 0 : i32
      %dma_wait3A_1326 = tpu.memref_slice %arg6[%dma_wait3A_1324, %dma_wait3A_1325] : memref<16384x64xf32, #tpu.memory_space<hbm>> -> memref<16x64xf32, #tpu.memory_space<hbm>>
      %dma_wait3A_1327 = arith.constant 0 : i32
      %dma_wait3A_1328 = arith.constant 0 : i32
      %dma_wait3A_1329 = tpu.memref_slice %arg6[%dma_wait3A_1327, %dma_wait3A_1328] : memref<16384x64xf32, #tpu.memory_space<hbm>> -> memref<16x64xf32, #tpu.memory_space<hbm>>
      %dma_wait3A_1330 = arith.constant 0 : i32
      %dma_wait3A_1331 = arith.constant 0 : i32
      %dma_wait3A_1332 = tpu.memref_slice %arg13[%dma_wait3A_1319, %dma_wait3A_1330, %dma_wait3A_1331] : memref<2x16x64xf32, #tpu.memory_space<vmem>> -> memref<1x16x64xf32, #tpu.memory_space<vmem>>
      %dma_wait3A_1333 = tpu.memref_squeeze %dma_wait3A_1332 : memref<1x16x64xf32, #tpu.memory_space<vmem>> -> memref<16x64xf32, #tpu.memory_space<vmem>>
      tpu.wait_dma2 semaphore(%arg19 : memref<!tpu.dma_semaphore, #tpu.memory_space<semaphore_mem>>) src(%dma_wait3A_1333 : memref<16x64xf32, #tpu.memory_space<vmem>>) dst(%dma_wait3A_1329 : memref<16x64xf32, #tpu.memory_space<hbm>>)
      %scan3A_1334 = arith.constant 0 : i32
      %scan3A_1335 = arith.constant 0 : i32
      %scan3A_1336 = arith.constant 16 : i32
      %scan3A_1337 = arith.addi %scan3A_1335, %scan3A_1336 : i32
      %scan3A_1338 = arith.constant 1 : i32
      scf.for %scan3A_1356 = %scan3A_1335 to %scan3A_1337 step %scan3A_1338  : i32 {
        %get3A_1357 = arith.constant 1 : i32
        %get3A_1358 = arith.index_cast %get3A_1357 : i32 to index
        %get3A_1359 = arith.index_cast %scan3A_1356 : i32 to index
        %get3A_1360 = arith.constant 0 : index
        %get3A_1361 = tpu.vector_load %arg10[%get3A_1358, %get3A_1359, %get3A_1360] {strides = array<i32>} : memref<2x16x64xf32, #tpu.memory_space<vmem>>, vector<16xf32>,
        %get3A_1362 = arith.constant 1 : i32
        %get3A_1363 = arith.index_cast %get3A_1362 : i32 to index
        %get3A_1364 = arith.index_cast %scan3A_1356 : i32 to index
        %get3A_1365 = arith.constant 16 : index
        %get3A_1366 = tpu.vector_load %arg10[%get3A_1363, %get3A_1364, %get3A_1365] {strides = array<i32>} : memref<2x16x64xf32, #tpu.memory_space<vmem>>, vector<16xf32>,
        %get3A_1367 = arith.constant 1 : i32
        %get3A_1368 = arith.index_cast %get3A_1367 : i32 to index
        %get3A_1369 = arith.index_cast %scan3A_1356 : i32 to index
        %get3A_1370 = arith.constant 32 : index
        %get3A_1371 = tpu.vector_load %arg10[%get3A_1368, %get3A_1369, %get3A_1370] {strides = array<i32>} : memref<2x16x64xf32, #tpu.memory_space<vmem>>, vector<16xf32>,
        %get3A_1372 = arith.constant 1 : i32
        %get3A_1373 = arith.index_cast %get3A_1372 : i32 to index
        %get3A_1374 = arith.index_cast %scan3A_1356 : i32 to index
        %get3A_1375 = arith.constant 48 : index
        %get3A_1376 = tpu.vector_load %arg10[%get3A_1373, %get3A_1374, %get3A_1375] {strides = array<i32>} : memref<2x16x64xf32, #tpu.memory_space<vmem>>, vector<16xf32>,
        %parallel_loop3A_1377 = arith.constant 0 : i32
        %parallel_loop3A_1378 = arith.constant 50 : i32
        %parallel_loop3A_1379 = arith.constant 1 : i32
        scf.for %parallel_loop3A_1383 = %parallel_loop3A_1377 to %parallel_loop3A_1378 step %parallel_loop3A_1379  : i32 {
          %parallel_loop3A_1384 = arith.constant 16 : i32
          %parallel_loop3A_1385 = arith.muli %parallel_loop3A_1383, %parallel_loop3A_1384 : i32
          %parallel_loop3A_1386 = arith.addi %parallel_loop3A_1385, %scan3A_1356 : i32
          %parallel_loop3A_1387 = arith.constant 1 : i32
          %parallel_loop3A_1388 = arith.index_cast %parallel_loop3A_1387 : i32 to index
          %parallel_loop3A_1389 = arith.index_cast %parallel_loop3A_1386 : i32 to index
          %parallel_loop3A_1390 = arith.constant 0 : index
          %parallel_loop3A_1391 = tpu.vector_load %arg11[%parallel_loop3A_1388, %parallel_loop3A_1389, %parallel_loop3A_1390] {strides = array<i32>} : memref<2x800x64xf32, #tpu.memory_space<vmem>>, vector<16xf32>,
          %parallel_loop3A_1392 = arith.mulf %parallel_loop3A_1391, %get3A_1361 : vector<16xf32>
          %parallel_loop3A_1393 = arith.constant 1 : i32
          %parallel_loop3A_1394 = arith.index_cast %parallel_loop3A_1393 : i32 to index
          %parallel_loop3A_1395 = arith.index_cast %parallel_loop3A_1386 : i32 to index
          %parallel_loop3A_1396 = arith.constant 16 : index
          %parallel_loop3A_1397 = tpu.vector_load %arg11[%parallel_loop3A_1394, %parallel_loop3A_1395, %parallel_loop3A_1396] {strides = array<i32>} : memref<2x800x64xf32, #tpu.memory_space<vmem>>, vector<16xf32>,
          %parallel_loop3A_1398 = arith.mulf %parallel_loop3A_1397, %get3A_1366 : vector<16xf32>
          %parallel_loop3A_1399 = arith.addf %parallel_loop3A_1392, %parallel_loop3A_1398 : vector<16xf32>
          %parallel_loop3A_1400 = arith.constant 1 : i32
          %parallel_loop3A_1401 = arith.index_cast %parallel_loop3A_1400 : i32 to index
          %parallel_loop3A_1402 = arith.index_cast %parallel_loop3A_1386 : i32 to index
          %parallel_loop3A_1403 = arith.constant 32 : index
          %parallel_loop3A_1404 = tpu.vector_load %arg11[%parallel_loop3A_1401, %parallel_loop3A_1402, %parallel_loop3A_1403] {strides = array<i32>} : memref<2x800x64xf32, #tpu.memory_space<vmem>>, vector<16xf32>,
          %parallel_loop3A_1405 = arith.mulf %parallel_loop3A_1404, %get3A_1371 : vector<16xf32>
          %parallel_loop3A_1406 = arith.constant 1 : i32
          %parallel_loop3A_1407 = arith.index_cast %parallel_loop3A_1406 : i32 to index
          %parallel_loop3A_1408 = arith.index_cast %parallel_loop3A_1386 : i32 to index
          %parallel_loop3A_1409 = arith.constant 48 : index
          %parallel_loop3A_1410 = tpu.vector_load %arg11[%parallel_loop3A_1407, %parallel_loop3A_1408, %parallel_loop3A_1409] {strides = array<i32>} : memref<2x800x64xf32, #tpu.memory_space<vmem>>, vector<16xf32>,
          %parallel_loop3A_1411 = arith.mulf %parallel_loop3A_1410, %get3A_1376 : vector<16xf32>
          %parallel_loop3A_1412 = arith.addf %parallel_loop3A_1405, %parallel_loop3A_1411 : vector<16xf32>
          %parallel_loop3A_1413 = arith.addf %parallel_loop3A_1399, %parallel_loop3A_1412 : vector<16xf32>
          %parallel_loop3A_1414 = arith.constant 17 : i32
          %parallel_loop3A_1415 = arith.muli %parallel_loop3A_1383, %parallel_loop3A_1414 : i32
          %parallel_loop3A_1416 = arith.constant 1 : i32
          %parallel_loop3A_1417 = arith.index_cast %parallel_loop3A_1416 : i32 to index
          %parallel_loop3A_1418 = arith.index_cast %parallel_loop3A_1415 : i32 to index
          %parallel_loop3A_1419 = tpu.vector_load %arg12[%parallel_loop3A_1417, %parallel_loop3A_1418] {strides = array<i32>} : memref<2x1104xf32, #tpu.memory_space<vmem>>, vector<16xf32>,
          tpu.vector_store %arg12[%parallel_loop3A_1417, %parallel_loop3A_1418], %parallel_loop3A_1413 {strides = array<i32>} : memref<2x1104xf32, #tpu.memory_space<vmem>>, vector<16xf32>,
        } {sc.loop_unroll_factor = 5 : i64, sc.parallel_access}
        %parallel_loop3A_1380 = arith.constant 0 : i32
        %parallel_loop3A_1381 = arith.constant 4 : i32
        %parallel_loop3A_1382 = arith.constant 1 : i32
        scf.for %parallel_loop3A_1383 = %parallel_loop3A_1380 to %parallel_loop3A_1381 step %parallel_loop3A_1382  : i32 {
          %parallel_loop3A_1384 = arith.constant 272 : i32
          %parallel_loop3A_1385 = arith.muli %parallel_loop3A_1383, %parallel_loop3A_1384 : i32
          %parallel_loop3A_1386 = vector.broadcast %parallel_loop3A_1385 : i32 to vector<16xi32>
          %parallel_loop3A_1387 = arith.addi %mul3A_5, %parallel_loop3A_1386 : vector<16xi32>
          %parallel_loop3A_1388 = arith.constant 1 : i32
          %parallel_loop3A_1389 = arith.constant 0 : i32
          %parallel_loop3A_1390 = tpu.memref_slice %arg12[%parallel_loop3A_1388, %parallel_loop3A_1389] : memref<2x1104xf32, #tpu.memory_space<vmem>> -> memref<1x1104xf32, #tpu.memory_space<vmem>>
          %parallel_loop3A_1391 = tpu.memref_squeeze %parallel_loop3A_1390 : memref<1x1104xf32, #tpu.memory_space<vmem>> -> memref<1104xf32, #tpu.memory_space<vmem>>
          %parallel_loop3A_1392 = tpu.vector_load_idx %parallel_loop3A_1391[%parallel_loop3A_1387] : memref<1104xf32, #tpu.memory_space<vmem>>[vector<16xi32>], vector<16xf32>,
          %parallel_loop3A_1393 = arith.constant 1 : i32
          %parallel_loop3A_1394 = arith.addi %parallel_loop3A_1385, %parallel_loop3A_1393 : i32
          %parallel_loop3A_1395 = vector.broadcast %parallel_loop3A_1394 : i32 to vector<16xi32>
          %parallel_loop3A_1396 = arith.addi %mul3A_5, %parallel_loop3A_1395 : vector<16xi32>
          %parallel_loop3A_1397 = arith.constant 1 : i32
          %parallel_loop3A_1398 = arith.constant 0 : i32
          %parallel_loop3A_1399 = tpu.memref_slice %arg12[%parallel_loop3A_1397, %parallel_loop3A_1398] : memref<2x1104xf32, #tpu.memory_space<vmem>> -> memref<1x1104xf32, #tpu.memory_space<vmem>>
          %parallel_loop3A_1400 = tpu.memref_squeeze %parallel_loop3A_1399 : memref<1x1104xf32, #tpu.memory_space<vmem>> -> memref<1104xf32, #tpu.memory_space<vmem>>
          %parallel_loop3A_1401 = tpu.vector_load_idx %parallel_loop3A_1400[%parallel_loop3A_1396] : memref<1104xf32, #tpu.memory_space<vmem>>[vector<16xi32>], vector<16xf32>,
          %parallel_loop3A_1402 = arith.addf %parallel_loop3A_1392, %parallel_loop3A_1401 : vector<16xf32>
          %parallel_loop3A_1403 = arith.constant 2 : i32
          %parallel_loop3A_1404 = arith.addi %parallel_loop3A_1385, %parallel_loop3A_1403 : i32
          %parallel_loop3A_1405 = vector.broadcast %parallel_loop3A_1404 : i32 to vector<16xi32>
          %parallel_loop3A_1406 = arith.addi %mul3A_5, %parallel_loop3A_1405 : vector<16xi32>
          %parallel_loop3A_1407 = arith.constant 1 : i32
          %parallel_loop3A_1408 = arith.constant 0 : i32
          %parallel_loop3A_1409 = tpu.memref_slice %arg12[%parallel_loop3A_1407, %parallel_loop3A_1408] : memref<2x1104xf32, #tpu.memory_space<vmem>> -> memref<1x1104xf32, #tpu.memory_space<vmem>>
          %parallel_loop3A_1410 = tpu.memref_squeeze %parallel_loop3A_1409 : memref<1x1104xf32, #tpu.memory_space<vmem>> -> memref<1104xf32, #tpu.memory_space<vmem>>
          %parallel_loop3A_1411 = tpu.vector_load_idx %parallel_loop3A_1410[%parallel_loop3A_1406] : memref<1104xf32, #tpu.memory_space<vmem>>[vector<16xi32>], vector<16xf32>,
          %parallel_loop3A_1412 = arith.addf %parallel_loop3A_1402, %parallel_loop3A_1411 : vector<16xf32>
          %parallel_loop3A_1413 = arith.constant 3 : i32
          %parallel_loop3A_1414 = arith.addi %parallel_loop3A_1385, %parallel_loop3A_1413 : i32
          %parallel_loop3A_1415 = vector.broadcast %parallel_loop3A_1414 : i32 to vector<16xi32>
          %parallel_loop3A_1416 = arith.addi %mul3A_5, %parallel_loop3A_1415 : vector<16xi32>
          %parallel_loop3A_1417 = arith.constant 1 : i32
          %parallel_loop3A_1418 = arith.constant 0 : i32
          %parallel_loop3A_1419 = tpu.memref_slice %arg12[%parallel_loop3A_1417, %parallel_loop3A_1418] : memref<2x1104xf32, #tpu.memory_space<vmem>> -> memref<1x1104xf32, #tpu.memory_space<vmem>>
          %parallel_loop3A_1420 = tpu.memref_squeeze %parallel_loop3A_1419 : memref<1x1104xf32, #tpu.memory_space<vmem>> -> memref<1104xf32, #tpu.memory_space<vmem>>
          %parallel_loop3A_1421 = tpu.vector_load_idx %parallel_loop3A_1420[%parallel_loop3A_1416] : memref<1104xf32, #tpu.memory_space<vmem>>[vector<16xi32>], vector<16xf32>,
          %parallel_loop3A_1422 = arith.addf %parallel_loop3A_1412, %parallel_loop3A_1421 : vector<16xf32>
          %parallel_loop3A_1423 = arith.constant 4 : i32
          %parallel_loop3A_1424 = arith.addi %parallel_loop3A_1385, %parallel_loop3A_1423 : i32
          %parallel_loop3A_1425 = vector.broadcast %parallel_loop3A_1424 : i32 to vector<16xi32>
          %parallel_loop3A_1426 = arith.addi %mul3A_5, %parallel_loop3A_1425 : vector<16xi32>
          %parallel_loop3A_1427 = arith.constant 1 : i32
          %parallel_loop3A_1428 = arith.constant 0 : i32
          %parallel_loop3A_1429 = tpu.memref_slice %arg12[%parallel_loop3A_1427, %parallel_loop3A_1428] : memref<2x1104xf32, #tpu.memory_space<vmem>> -> memref<1x1104xf32, #tpu.memory_space<vmem>>
          %parallel_loop3A_1430 = tpu.memref_squeeze %parallel_loop3A_1429 : memref<1x1104xf32, #tpu.memory_space<vmem>> -> memref<1104xf32, #tpu.memory_space<vmem>>
          %parallel_loop3A_1431 = tpu.vector_load_idx %parallel_loop3A_1430[%parallel_loop3A_1426] : memref<1104xf32, #tpu.memory_space<vmem>>[vector<16xi32>], vector<16xf32>,
          %parallel_loop3A_1432 = arith.addf %parallel_loop3A_1422, %parallel_loop3A_1431 : vector<16xf32>
          %parallel_loop3A_1433 = arith.constant 5 : i32
          %parallel_loop3A_1434 = arith.addi %parallel_loop3A_1385, %parallel_loop3A_1433 : i32
          %parallel_loop3A_1435 = vector.broadcast %parallel_loop3A_1434 : i32 to vector<16xi32>
          %parallel_loop3A_1436 = arith.addi %mul3A_5, %parallel_loop3A_1435 : vector<16xi32>
          %parallel_loop3A_1437 = arith.constant 1 : i32
          %parallel_loop3A_1438 = arith.constant 0 : i32
          %parallel_loop3A_1439 = tpu.memref_slice %arg12[%parallel_loop3A_1437, %parallel_loop3A_1438] : memref<2x1104xf32, #tpu.memory_space<vmem>> -> memref<1x1104xf32, #tpu.memory_space<vmem>>
          %parallel_loop3A_1440 = tpu.memref_squeeze %parallel_loop3A_1439 : memref<1x1104xf32, #tpu.memory_space<vmem>> -> memref<1104xf32, #tpu.memory_space<vmem>>
          %parallel_loop3A_1441 = tpu.vector_load_idx %parallel_loop3A_1440[%parallel_loop3A_1436] : memref<1104xf32, #tpu.memory_space<vmem>>[vector<16xi32>], vector<16xf32>,
          %parallel_loop3A_1442 = arith.addf %parallel_loop3A_1432, %parallel_loop3A_1441 : vector<16xf32>
          %parallel_loop3A_1443 = arith.constant 6 : i32
          %parallel_loop3A_1444 = arith.addi %parallel_loop3A_1385, %parallel_loop3A_1443 : i32
          %parallel_loop3A_1445 = vector.broadcast %parallel_loop3A_1444 : i32 to vector<16xi32>
          %parallel_loop3A_1446 = arith.addi %mul3A_5, %parallel_loop3A_1445 : vector<16xi32>
          %parallel_loop3A_1447 = arith.constant 1 : i32
          %parallel_loop3A_1448 = arith.constant 0 : i32
          %parallel_loop3A_1449 = tpu.memref_slice %arg12[%parallel_loop3A_1447, %parallel_loop3A_1448] : memref<2x1104xf32, #tpu.memory_space<vmem>> -> memref<1x1104xf32, #tpu.memory_space<vmem>>
          %parallel_loop3A_1450 = tpu.memref_squeeze %parallel_loop3A_1449 : memref<1x1104xf32, #tpu.memory_space<vmem>> -> memref<1104xf32, #tpu.memory_space<vmem>>
          %parallel_loop3A_1451 = tpu.vector_load_idx %parallel_loop3A_1450[%parallel_loop3A_1446] : memref<1104xf32, #tpu.memory_space<vmem>>[vector<16xi32>], vector<16xf32>,
          %parallel_loop3A_1452 = arith.addf %parallel_loop3A_1442, %parallel_loop3A_1451 : vector<16xf32>
          %parallel_loop3A_1453 = arith.constant 7 : i32
          %parallel_loop3A_1454 = arith.addi %parallel_loop3A_1385, %parallel_loop3A_1453 : i32
          %parallel_loop3A_1455 = vector.broadcast %parallel_loop3A_1454 : i32 to vector<16xi32>
          %parallel_loop3A_1456 = arith.addi %mul3A_5, %parallel_loop3A_1455 : vector<16xi32>
          %parallel_loop3A_1457 = arith.constant 1 : i32
          %parallel_loop3A_1458 = arith.constant 0 : i32
          %parallel_loop3A_1459 = tpu.memref_slice %arg12[%parallel_loop3A_1457, %parallel_loop3A_1458] : memref<2x1104xf32, #tpu.memory_space<vmem>> -> memref<1x1104xf32, #tpu.memory_space<vmem>>
          %parallel_loop3A_1460 = tpu.memref_squeeze %parallel_loop3A_1459 : memref<1x1104xf32, #tpu.memory_space<vmem>> -> memref<1104xf32, #tpu.memory_space<vmem>>
          %parallel_loop3A_1461 = tpu.vector_load_idx %parallel_loop3A_1460[%parallel_loop3A_1456] : memref<1104xf32, #tpu.memory_space<vmem>>[vector<16xi32>], vector<16xf32>,
          %parallel_loop3A_1462 = arith.addf %parallel_loop3A_1452, %parallel_loop3A_1461 : vector<16xf32>
          %parallel_loop3A_1463 = arith.constant 8 : i32
          %parallel_loop3A_1464 = arith.addi %parallel_loop3A_1385, %parallel_loop3A_1463 : i32
          %parallel_loop3A_1465 = vector.broadcast %parallel_loop3A_1464 : i32 to vector<16xi32>
          %parallel_loop3A_1466 = arith.addi %mul3A_5, %parallel_loop3A_1465 : vector<16xi32>
          %parallel_loop3A_1467 = arith.constant 1 : i32
          %parallel_loop3A_1468 = arith.constant 0 : i32
          %parallel_loop3A_1469 = tpu.memref_slice %arg12[%parallel_loop3A_1467, %parallel_loop3A_1468] : memref<2x1104xf32, #tpu.memory_space<vmem>> -> memref<1x1104xf32, #tpu.memory_space<vmem>>
          %parallel_loop3A_1470 = tpu.memref_squeeze %parallel_loop3A_1469 : memref<1x1104xf32, #tpu.memory_space<vmem>> -> memref<1104xf32, #tpu.memory_space<vmem>>
          %parallel_loop3A_1471 = tpu.vector_load_idx %parallel_loop3A_1470[%parallel_loop3A_1466] : memref<1104xf32, #tpu.memory_space<vmem>>[vector<16xi32>], vector<16xf32>,
          %parallel_loop3A_1472 = arith.addf %parallel_loop3A_1462, %parallel_loop3A_1471 : vector<16xf32>
          %parallel_loop3A_1473 = arith.constant 9 : i32
          %parallel_loop3A_1474 = arith.addi %parallel_loop3A_1385, %parallel_loop3A_1473 : i32
          %parallel_loop3A_1475 = vector.broadcast %parallel_loop3A_1474 : i32 to vector<16xi32>
          %parallel_loop3A_1476 = arith.addi %mul3A_5, %parallel_loop3A_1475 : vector<16xi32>
          %parallel_loop3A_1477 = arith.constant 1 : i32
          %parallel_loop3A_1478 = arith.constant 0 : i32
          %parallel_loop3A_1479 = tpu.memref_slice %arg12[%parallel_loop3A_1477, %parallel_loop3A_1478] : memref<2x1104xf32, #tpu.memory_space<vmem>> -> memref<1x1104xf32, #tpu.memory_space<vmem>>
          %parallel_loop3A_1480 = tpu.memref_squeeze %parallel_loop3A_1479 : memref<1x1104xf32, #tpu.memory_space<vmem>> -> memref<1104xf32, #tpu.memory_space<vmem>>
          %parallel_loop3A_1481 = tpu.vector_load_idx %parallel_loop3A_1480[%parallel_loop3A_1476] : memref<1104xf32, #tpu.memory_space<vmem>>[vector<16xi32>], vector<16xf32>,
          %parallel_loop3A_1482 = arith.addf %parallel_loop3A_1472, %parallel_loop3A_1481 : vector<16xf32>
          %parallel_loop3A_1483 = arith.constant 10 : i32
          %parallel_loop3A_1484 = arith.addi %parallel_loop3A_1385, %parallel_loop3A_1483 : i32
          %parallel_loop3A_1485 = vector.broadcast %parallel_loop3A_1484 : i32 to vector<16xi32>
          %parallel_loop3A_1486 = arith.addi %mul3A_5, %parallel_loop3A_1485 : vector<16xi32>
          %parallel_loop3A_1487 = arith.constant 1 : i32
          %parallel_loop3A_1488 = arith.constant 0 : i32
          %parallel_loop3A_1489 = tpu.memref_slice %arg12[%parallel_loop3A_1487, %parallel_loop3A_1488] : memref<2x1104xf32, #tpu.memory_space<vmem>> -> memref<1x1104xf32, #tpu.memory_space<vmem>>
          %parallel_loop3A_1490 = tpu.memref_squeeze %parallel_loop3A_1489 : memref<1x1104xf32, #tpu.memory_space<vmem>> -> memref<1104xf32, #tpu.memory_space<vmem>>
          %parallel_loop3A_1491 = tpu.vector_load_idx %parallel_loop3A_1490[%parallel_loop3A_1486] : memref<1104xf32, #tpu.memory_space<vmem>>[vector<16xi32>], vector<16xf32>,
          %parallel_loop3A_1492 = arith.addf %parallel_loop3A_1482, %parallel_loop3A_1491 : vector<16xf32>
          %parallel_loop3A_1493 = arith.constant 11 : i32
          %parallel_loop3A_1494 = arith.addi %parallel_loop3A_1385, %parallel_loop3A_1493 : i32
          %parallel_loop3A_1495 = vector.broadcast %parallel_loop3A_1494 : i32 to vector<16xi32>
          %parallel_loop3A_1496 = arith.addi %mul3A_5, %parallel_loop3A_1495 : vector<16xi32>
          %parallel_loop3A_1497 = arith.constant 1 : i32
          %parallel_loop3A_1498 = arith.constant 0 : i32
          %parallel_loop3A_1499 = tpu.memref_slice %arg12[%parallel_loop3A_1497, %parallel_loop3A_1498] : memref<2x1104xf32, #tpu.memory_space<vmem>> -> memref<1x1104xf32, #tpu.memory_space<vmem>>
          %parallel_loop3A_1500 = tpu.memref_squeeze %parallel_loop3A_1499 : memref<1x1104xf32, #tpu.memory_space<vmem>> -> memref<1104xf32, #tpu.memory_space<vmem>>
          %parallel_loop3A_1501 = tpu.vector_load_idx %parallel_loop3A_1500[%parallel_loop3A_1496] : memref<1104xf32, #tpu.memory_space<vmem>>[vector<16xi32>], vector<16xf32>,
          %parallel_loop3A_1502 = arith.addf %parallel_loop3A_1492, %parallel_loop3A_1501 : vector<16xf32>
          %parallel_loop3A_1503 = arith.constant 12 : i32
          %parallel_loop3A_1504 = arith.addi %parallel_loop3A_1385, %parallel_loop3A_1503 : i32
          %parallel_loop3A_1505 = vector.broadcast %parallel_loop3A_1504 : i32 to vector<16xi32>
          %parallel_loop3A_1506 = arith.addi %mul3A_5, %parallel_loop3A_1505 : vector<16xi32>
          %parallel_loop3A_1507 = arith.constant 1 : i32
          %parallel_loop3A_1508 = arith.constant 0 : i32
          %parallel_loop3A_1509 = tpu.memref_slice %arg12[%parallel_loop3A_1507, %parallel_loop3A_1508] : memref<2x1104xf32, #tpu.memory_space<vmem>> -> memref<1x1104xf32, #tpu.memory_space<vmem>>
          %parallel_loop3A_1510 = tpu.memref_squeeze %parallel_loop3A_1509 : memref<1x1104xf32, #tpu.memory_space<vmem>> -> memref<1104xf32, #tpu.memory_space<vmem>>
          %parallel_loop3A_1511 = tpu.vector_load_idx %parallel_loop3A_1510[%parallel_loop3A_1506] : memref<1104xf32, #tpu.memory_space<vmem>>[vector<16xi32>], vector<16xf32>,
          %parallel_loop3A_1512 = arith.addf %parallel_loop3A_1502, %parallel_loop3A_1511 : vector<16xf32>
          %parallel_loop3A_1513 = arith.constant 13 : i32
          %parallel_loop3A_1514 = arith.addi %parallel_loop3A_1385, %parallel_loop3A_1513 : i32
          %parallel_loop3A_1515 = vector.broadcast %parallel_loop3A_1514 : i32 to vector<16xi32>
          %parallel_loop3A_1516 = arith.addi %mul3A_5, %parallel_loop3A_1515 : vector<16xi32>
          %parallel_loop3A_1517 = arith.constant 1 : i32
          %parallel_loop3A_1518 = arith.constant 0 : i32
          %parallel_loop3A_1519 = tpu.memref_slice %arg12[%parallel_loop3A_1517, %parallel_loop3A_1518] : memref<2x1104xf32, #tpu.memory_space<vmem>> -> memref<1x1104xf32, #tpu.memory_space<vmem>>
          %parallel_loop3A_1520 = tpu.memref_squeeze %parallel_loop3A_1519 : memref<1x1104xf32, #tpu.memory_space<vmem>> -> memref<1104xf32, #tpu.memory_space<vmem>>
          %parallel_loop3A_1521 = tpu.vector_load_idx %parallel_loop3A_1520[%parallel_loop3A_1516] : memref<1104xf32, #tpu.memory_space<vmem>>[vector<16xi32>], vector<16xf32>,
          %parallel_loop3A_1522 = arith.addf %parallel_loop3A_1512, %parallel_loop3A_1521 : vector<16xf32>
          %parallel_loop3A_1523 = arith.constant 14 : i32
          %parallel_loop3A_1524 = arith.addi %parallel_loop3A_1385, %parallel_loop3A_1523 : i32
          %parallel_loop3A_1525 = vector.broadcast %parallel_loop3A_1524 : i32 to vector<16xi32>
          %parallel_loop3A_1526 = arith.addi %mul3A_5, %parallel_loop3A_1525 : vector<16xi32>
          %parallel_loop3A_1527 = arith.constant 1 : i32
          %parallel_loop3A_1528 = arith.constant 0 : i32
          %parallel_loop3A_1529 = tpu.memref_slice %arg12[%parallel_loop3A_1527, %parallel_loop3A_1528] : memref<2x1104xf32, #tpu.memory_space<vmem>> -> memref<1x1104xf32, #tpu.memory_space<vmem>>
          %parallel_loop3A_1530 = tpu.memref_squeeze %parallel_loop3A_1529 : memref<1x1104xf32, #tpu.memory_space<vmem>> -> memref<1104xf32, #tpu.memory_space<vmem>>
          %parallel_loop3A_1531 = tpu.vector_load_idx %parallel_loop3A_1530[%parallel_loop3A_1526] : memref<1104xf32, #tpu.memory_space<vmem>>[vector<16xi32>], vector<16xf32>,
          %parallel_loop3A_1532 = arith.addf %parallel_loop3A_1522, %parallel_loop3A_1531 : vector<16xf32>
          %parallel_loop3A_1533 = arith.constant 15 : i32
          %parallel_loop3A_1534 = arith.addi %parallel_loop3A_1385, %parallel_loop3A_1533 : i32
          %parallel_loop3A_1535 = vector.broadcast %parallel_loop3A_1534 : i32 to vector<16xi32>
          %parallel_loop3A_1536 = arith.addi %mul3A_5, %parallel_loop3A_1535 : vector<16xi32>
          %parallel_loop3A_1537 = arith.constant 1 : i32
          %parallel_loop3A_1538 = arith.constant 0 : i32
          %parallel_loop3A_1539 = tpu.memref_slice %arg12[%parallel_loop3A_1537, %parallel_loop3A_1538] : memref<2x1104xf32, #tpu.memory_space<vmem>> -> memref<1x1104xf32, #tpu.memory_space<vmem>>
          %parallel_loop3A_1540 = tpu.memref_squeeze %parallel_loop3A_1539 : memref<1x1104xf32, #tpu.memory_space<vmem>> -> memref<1104xf32, #tpu.memory_space<vmem>>
          %parallel_loop3A_1541 = tpu.vector_load_idx %parallel_loop3A_1540[%parallel_loop3A_1536] : memref<1104xf32, #tpu.memory_space<vmem>>[vector<16xi32>], vector<16xf32>,
          %parallel_loop3A_1542 = arith.addf %parallel_loop3A_1532, %parallel_loop3A_1541 : vector<16xf32>
          %parallel_loop3A_1543 = arith.constant 16 : i32
          %parallel_loop3A_1544 = arith.muli %parallel_loop3A_1383, %parallel_loop3A_1543 : i32
          %parallel_loop3A_1545 = arith.constant 1 : i32
          %parallel_loop3A_1546 = arith.index_cast %parallel_loop3A_1545 : i32 to index
          %parallel_loop3A_1547 = arith.index_cast %scan3A_1356 : i32 to index
          %parallel_loop3A_1548 = arith.index_cast %parallel_loop3A_1544 : i32 to index
          %parallel_loop3A_1549 = tpu.vector_load %arg13[%parallel_loop3A_1546, %parallel_loop3A_1547, %parallel_loop3A_1548] {strides = array<i32>} : memref<2x16x64xf32, #tpu.memory_space<vmem>>, vector<16xf32>,
          tpu.vector_store %arg13[%parallel_loop3A_1546, %parallel_loop3A_1547, %parallel_loop3A_1548], %parallel_loop3A_1542 {strides = array<i32>} : memref<2x16x64xf32, #tpu.memory_space<vmem>>, vector<16xf32>,
        } {sc.loop_unroll_factor = 1 : i64, sc.parallel_access}
      }
      %scan3A_1339 = arith.constant 16 : i32
      %mul3A_1340 = arith.constant 16 : i32
      %mul3A_1341 = arith.muli %add3A_1087, %mul3A_1340 : i32
      %add3A_1342 = arith.addi %mul3A_2, %mul3A_1341 : i32
      %dma_start3A_1343 = arith.constant 1 : i32
      %dma_start3A_1344 = arith.constant 0 : i32
      %dma_start3A_1345 = arith.constant 0 : i32
      %dma_start3A_1346 = tpu.memref_slice %arg13[%dma_start3A_1343, %dma_start3A_1344, %dma_start3A_1345] : memref<2x16x64xf32, #tpu.memory_space<vmem>> -> memref<1x16x64xf32, #tpu.memory_space<vmem>>
      %dma_start3A_1347 = tpu.memref_squeeze %dma_start3A_1346 : memref<1x16x64xf32, #tpu.memory_space<vmem>> -> memref<16x64xf32, #tpu.memory_space<vmem>>
      %dma_start3A_1348 = arith.constant 0 : i32
      %dma_start3A_1349 = tpu.memref_slice %arg6[%add3A_1342, %dma_start3A_1348] : memref<16384x64xf32, #tpu.memory_space<hbm>> -> memref<16x64xf32, #tpu.memory_space<hbm>>
      %dma_start3A_1350 = arith.constant 0 : i32
      %dma_start3A_1351 = tpu.memref_slice %arg6[%add3A_1342, %dma_start3A_1350] : memref<16384x64xf32, #tpu.memory_space<hbm>> -> memref<16x64xf32, #tpu.memory_space<hbm>>
      %dma_start3A_1352 = arith.constant 0 : i32
      %dma_start3A_1353 = arith.constant 0 : i32
      %dma_start3A_1354 = tpu.memref_slice %arg13[%dma_start3A_1343, %dma_start3A_1352, %dma_start3A_1353] : memref<2x16x64xf32, #tpu.memory_space<vmem>> -> memref<1x16x64xf32, #tpu.memory_space<vmem>>
      %dma_start3A_1355 = tpu.memref_squeeze %dma_start3A_1354 : memref<1x16x64xf32, #tpu.memory_space<vmem>> -> memref<16x64xf32, #tpu.memory_space<vmem>>
      tpu.enqueue_dma source(%dma_start3A_1355 : memref<16x64xf32, #tpu.memory_space<vmem>>) target(%dma_start3A_1351 : memref<16x64xf32, #tpu.memory_space<hbm>>) target_semaphore(%arg19 : memref<!tpu.dma_semaphore, #tpu.memory_space<semaphore_mem>>)
    }
    %scan3A_726 = arith.constant 15 : i32
    %dma_wait3A_727 = arith.constant 1 : i32
    %dma_wait3A_728 = arith.constant 0 : i32
    %dma_wait3A_729 = tpu.memref_slice %arg7[%dma_wait3A_727, %dma_wait3A_728] : memref<2x16xi32, #tpu.memory_space<vmem>> -> memref<1x16xi32, #tpu.memory_space<vmem>>
    %dma_wait3A_730 = tpu.memref_squeeze %dma_wait3A_729 : memref<1x16xi32, #tpu.memory_space<vmem>> -> memref<16xi32, #tpu.memory_space<vmem>>
    %dma_wait3A_731 = arith.constant 0 : i32
    %dma_wait3A_732 = tpu.memref_slice %arg2[%dma_wait3A_731] : memref<16384xi32, #tpu.memory_space<hbm>> -> memref<16xi32, #tpu.memory_space<hbm>>
    %dma_wait3A_733 = arith.constant 0 : i32
    %dma_wait3A_734 = tpu.memref_slice %arg7[%dma_wait3A_727, %dma_wait3A_733] : memref<2x16xi32, #tpu.memory_space<vmem>> -> memref<1x16xi32, #tpu.memory_space<vmem>>
    %dma_wait3A_735 = tpu.memref_squeeze %dma_wait3A_734 : memref<1x16xi32, #tpu.memory_space<vmem>> -> memref<16xi32, #tpu.memory_space<vmem>>
    %dma_wait3A_736 = arith.constant 0 : i32
    %dma_wait3A_737 = tpu.memref_slice %arg2[%dma_wait3A_736] : memref<16384xi32, #tpu.memory_space<hbm>> -> memref<16xi32, #tpu.memory_space<hbm>>
    tpu.wait_dma2 semaphore(%arg15 : memref<!tpu.dma_semaphore, #tpu.memory_space<semaphore_mem>>) src(%dma_wait3A_737 : memref<16xi32, #tpu.memory_space<hbm>>) dst(%dma_wait3A_735 : memref<16xi32, #tpu.memory_space<vmem>>)
    %dma_wait3A_738 = arith.constant 1 : i32
    %dma_wait3A_739 = arith.constant 0 : i32
    %dma_wait3A_740 = arith.constant 0 : i32
    %dma_wait3A_741 = tpu.memref_slice %arg8[%dma_wait3A_738, %dma_wait3A_739, %dma_wait3A_740] : memref<2x50x16xi32, #tpu.memory_space<vmem>> -> memref<1x50x16xi32, #tpu.memory_space<vmem>>
    %dma_wait3A_742 = tpu.memref_squeeze %dma_wait3A_741 : memref<1x50x16xi32, #tpu.memory_space<vmem>> -> memref<50x16xi32, #tpu.memory_space<vmem>>
    %dma_wait3A_743 = arith.constant 0 : i32
    %dma_wait3A_744 = arith.constant 0 : i32
    %dma_wait3A_745 = tpu.memref_slice %arg3[%dma_wait3A_743, %dma_wait3A_744] : memref<50x16384xi32, #tpu.memory_space<hbm>> -> memref<50x16xi32, #tpu.memory_space<hbm>>
    %dma_wait3A_746 = arith.constant 0 : i32
    %dma_wait3A_747 = arith.constant 0 : i32
    %dma_wait3A_748 = tpu.memref_slice %arg8[%dma_wait3A_738, %dma_wait3A_746, %dma_wait3A_747] : memref<2x50x16xi32, #tpu.memory_space<vmem>> -> memref<1x50x16xi32, #tpu.memory_space<vmem>>
    %dma_wait3A_749 = tpu.memref_squeeze %dma_wait3A_748 : memref<1x50x16xi32, #tpu.memory_space<vmem>> -> memref<50x16xi32, #tpu.memory_space<vmem>>
    %dma_wait3A_750 = arith.constant 0 : i32
    %dma_wait3A_751 = arith.constant 0 : i32
    %dma_wait3A_752 = tpu.memref_slice %arg3[%dma_wait3A_750, %dma_wait3A_751] : memref<50x16384xi32, #tpu.memory_space<hbm>> -> memref<50x16xi32, #tpu.memory_space<hbm>>
    tpu.wait_dma2 semaphore(%arg15 : memref<!tpu.dma_semaphore, #tpu.memory_space<semaphore_mem>>) src(%dma_wait3A_752 : memref<50x16xi32, #tpu.memory_space<hbm>>) dst(%dma_wait3A_749 : memref<50x16xi32, #tpu.memory_space<vmem>>)
    %dma_wait3A_753 = arith.constant 0 : i32
    %dma_wait3A_754 = arith.constant 0 : i32
    %dma_wait3A_755 = arith.constant 0 : i32
    %dma_wait3A_756 = tpu.memref_slice %arg10[%dma_wait3A_753, %dma_wait3A_754, %dma_wait3A_755] : memref<2x16x64xf32, #tpu.memory_space<vmem>> -> memref<1x16x64xf32, #tpu.memory_space<vmem>>
    %dma_wait3A_757 = tpu.memref_squeeze %dma_wait3A_756 : memref<1x16x64xf32, #tpu.memory_space<vmem>> -> memref<16x64xf32, #tpu.memory_space<vmem>>
    %dma_wait3A_758 = arith.constant 0 : i32
    %dma_wait3A_759 = arith.constant 0 : i32
    %dma_wait3A_760 = tpu.memref_slice %arg4[%dma_wait3A_758, %dma_wait3A_759] : memref<2000000x64xf32, #tpu.memory_space<hbm>> -> memref<16x64xf32, #tpu.memory_space<hbm>>
    %dma_wait3A_761 = arith.constant 0 : i32
    %dma_wait3A_762 = arith.constant 0 : i32
    %dma_wait3A_763 = tpu.memref_slice %arg10[%dma_wait3A_753, %dma_wait3A_761, %dma_wait3A_762] : memref<2x16x64xf32, #tpu.memory_space<vmem>> -> memref<1x16x64xf32, #tpu.memory_space<vmem>>
    %dma_wait3A_764 = tpu.memref_squeeze %dma_wait3A_763 : memref<1x16x64xf32, #tpu.memory_space<vmem>> -> memref<16x64xf32, #tpu.memory_space<vmem>>
    %dma_wait3A_765 = arith.constant 0 : i32
    %dma_wait3A_766 = arith.constant 0 : i32
    %dma_wait3A_767 = tpu.memref_slice %arg4[%dma_wait3A_765, %dma_wait3A_766] : memref<2000000x64xf32, #tpu.memory_space<hbm>> -> memref<16x64xf32, #tpu.memory_space<hbm>>
    tpu.wait_dma2 semaphore(%arg16 : memref<!tpu.dma_semaphore, #tpu.memory_space<semaphore_mem>>) src(%dma_wait3A_767 : memref<16x64xf32, #tpu.memory_space<hbm>>) dst(%dma_wait3A_764 : memref<16x64xf32, #tpu.memory_space<vmem>>)
    %dma_wait3A_768 = arith.constant 0 : i32
    %dma_wait3A_769 = arith.constant 0 : i32
    %dma_wait3A_770 = arith.constant 0 : i32
    %dma_wait3A_771 = tpu.memref_slice %arg11[%dma_wait3A_768, %dma_wait3A_769, %dma_wait3A_770] : memref<2x800x64xf32, #tpu.memory_space<vmem>> -> memref<1x800x64xf32, #tpu.memory_space<vmem>>
    %dma_wait3A_772 = tpu.memref_squeeze %dma_wait3A_771 : memref<1x800x64xf32, #tpu.memory_space<vmem>> -> memref<800x64xf32, #tpu.memory_space<vmem>>
    %dma_wait3A_773 = arith.constant 0 : i32
    %dma_wait3A_774 = arith.constant 0 : i32
    %dma_wait3A_775 = tpu.memref_slice %arg5[%dma_wait3A_773, %dma_wait3A_774] : memref<2000000x64xf32, #tpu.memory_space<hbm>> -> memref<800x64xf32, #tpu.memory_space<hbm>>
    %dma_wait3A_776 = arith.constant 0 : i32
    %dma_wait3A_777 = arith.constant 0 : i32
    %dma_wait3A_778 = tpu.memref_slice %arg11[%dma_wait3A_768, %dma_wait3A_776, %dma_wait3A_777] : memref<2x800x64xf32, #tpu.memory_space<vmem>> -> memref<1x800x64xf32, #tpu.memory_space<vmem>>
    %dma_wait3A_779 = tpu.memref_squeeze %dma_wait3A_778 : memref<1x800x64xf32, #tpu.memory_space<vmem>> -> memref<800x64xf32, #tpu.memory_space<vmem>>
    %dma_wait3A_780 = arith.constant 0 : i32
    %dma_wait3A_781 = arith.constant 0 : i32
    %dma_wait3A_782 = tpu.memref_slice %arg5[%dma_wait3A_780, %dma_wait3A_781] : memref<2000000x64xf32, #tpu.memory_space<hbm>> -> memref<800x64xf32, #tpu.memory_space<hbm>>
    tpu.wait_dma2 semaphore(%arg16 : memref<!tpu.dma_semaphore, #tpu.memory_space<semaphore_mem>>) src(%dma_wait3A_782 : memref<800x64xf32, #tpu.memory_space<hbm>>) dst(%dma_wait3A_779 : memref<800x64xf32, #tpu.memory_space<vmem>>)
    %dma_wait3A_783 = arith.constant 0 : i32
    %dma_wait3A_784 = arith.constant 0 : i32
    %dma_wait3A_785 = arith.constant 0 : i32
    %dma_wait3A_786 = tpu.memref_slice %arg13[%dma_wait3A_783, %dma_wait3A_784, %dma_wait3A_785] : memref<2x16x64xf32, #tpu.memory_space<vmem>> -> memref<1x16x64xf32, #tpu.memory_space<vmem>>
    %dma_wait3A_787 = tpu.memref_squeeze %dma_wait3A_786 : memref<1x16x64xf32, #tpu.memory_space<vmem>> -> memref<16x64xf32, #tpu.memory_space<vmem>>
    %dma_wait3A_788 = arith.constant 0 : i32
    %dma_wait3A_789 = arith.constant 0 : i32
    %dma_wait3A_790 = tpu.memref_slice %arg6[%dma_wait3A_788, %dma_wait3A_789] : memref<16384x64xf32, #tpu.memory_space<hbm>> -> memref<16x64xf32, #tpu.memory_space<hbm>>
    %dma_wait3A_791 = arith.constant 0 : i32
    %dma_wait3A_792 = arith.constant 0 : i32
    %dma_wait3A_793 = tpu.memref_slice %arg6[%dma_wait3A_791, %dma_wait3A_792] : memref<16384x64xf32, #tpu.memory_space<hbm>> -> memref<16x64xf32, #tpu.memory_space<hbm>>
    %dma_wait3A_794 = arith.constant 0 : i32
    %dma_wait3A_795 = arith.constant 0 : i32
    %dma_wait3A_796 = tpu.memref_slice %arg13[%dma_wait3A_783, %dma_wait3A_794, %dma_wait3A_795] : memref<2x16x64xf32, #tpu.memory_space<vmem>> -> memref<1x16x64xf32, #tpu.memory_space<vmem>>
    %dma_wait3A_797 = tpu.memref_squeeze %dma_wait3A_796 : memref<1x16x64xf32, #tpu.memory_space<vmem>> -> memref<16x64xf32, #tpu.memory_space<vmem>>
    tpu.wait_dma2 semaphore(%arg18 : memref<!tpu.dma_semaphore, #tpu.memory_space<semaphore_mem>>) src(%dma_wait3A_797 : memref<16x64xf32, #tpu.memory_space<vmem>>) dst(%dma_wait3A_793 : memref<16x64xf32, #tpu.memory_space<hbm>>)
    %dma_wait3A_798 = arith.constant 1 : i32
    %dma_wait3A_799 = arith.constant 0 : i32
    %dma_wait3A_800 = arith.constant 0 : i32
    %dma_wait3A_801 = tpu.memref_slice %arg13[%dma_wait3A_798, %dma_wait3A_799, %dma_wait3A_800] : memref<2x16x64xf32, #tpu.memory_space<vmem>> -> memref<1x16x64xf32, #tpu.memory_space<vmem>>
    %dma_wait3A_802 = tpu.memref_squeeze %dma_wait3A_801 : memref<1x16x64xf32, #tpu.memory_space<vmem>> -> memref<16x64xf32, #tpu.memory_space<vmem>>
    %dma_wait3A_803 = arith.constant 0 : i32
    %dma_wait3A_804 = arith.constant 0 : i32
    %dma_wait3A_805 = tpu.memref_slice %arg6[%dma_wait3A_803, %dma_wait3A_804] : memref<16384x64xf32, #tpu.memory_space<hbm>> -> memref<16x64xf32, #tpu.memory_space<hbm>>
    %dma_wait3A_806 = arith.constant 0 : i32
    %dma_wait3A_807 = arith.constant 0 : i32
    %dma_wait3A_808 = tpu.memref_slice %arg6[%dma_wait3A_806, %dma_wait3A_807] : memref<16384x64xf32, #tpu.memory_space<hbm>> -> memref<16x64xf32, #tpu.memory_space<hbm>>
    %dma_wait3A_809 = arith.constant 0 : i32
    %dma_wait3A_810 = arith.constant 0 : i32
    %dma_wait3A_811 = tpu.memref_slice %arg13[%dma_wait3A_798, %dma_wait3A_809, %dma_wait3A_810] : memref<2x16x64xf32, #tpu.memory_space<vmem>> -> memref<1x16x64xf32, #tpu.memory_space<vmem>>
    %dma_wait3A_812 = tpu.memref_squeeze %dma_wait3A_811 : memref<1x16x64xf32, #tpu.memory_space<vmem>> -> memref<16x64xf32, #tpu.memory_space<vmem>>
    tpu.wait_dma2 semaphore(%arg19 : memref<!tpu.dma_semaphore, #tpu.memory_space<semaphore_mem>>) src(%dma_wait3A_812 : memref<16x64xf32, #tpu.memory_space<vmem>>) dst(%dma_wait3A_808 : memref<16x64xf32, #tpu.memory_space<hbm>>)
    return
  }
}

</mosaic_0001>

<sc_bundles>
// kernel: kernel.3.cloned.1.call-start
scs
__scs_entry_jumppad:
0x0: {  	(pc) =	sbr.rel $0x88, $3  }
0x1: {  	(tag) =	ssettag $0x0;
	lr =	simm.s32 $0x1  }
0x2: {  	[smem:$0x3F9D] =	sst lr;
	_ =	strace $0xD0000000  }
0x3: {  	_ = 	snop  }
0x4: {  	_ = 	snop  }
0x5: {  	_ = 	snop  }
0x6: {  	_ = 	snop  }
0x7: {  	_ = 	snop  }
__scs_overlays_trampoline_lowered:
0x8: {  	[smem:$0x3FAC] =	sst s0  }
0x9: {  	[smem:$0x3FAD] =	sst s1  }
0xa: {  	[smem:$0x3FAE] =	sst s2  }
0xb: {  	[smem:$0x3FAF] =	sst s3  }
0xc: {  	[smem:$0x3FB0] =	sst s4  }
0xd: {  	[smem:$0x3FB1] =	sst s5  }
0xe: {  	[smem:$0x3FB2] =	sst s6  }
0xf: {  	[smem:$0x3FB3] =	sst s7  }
0x10: {  	[smem:$0x3FB4] =	sst s8  }
0x11: {  	[smem:$0x3FB5] =	sst s9;
	s0 =	simm.s32 @!p0 $0x0  }
0x12: {  	s1 =	sld [smem:$0x3F9B];
	s0 =	simm.s32 @p0 $0x1  }
0x13: {  	[smem:$0x3FB6] =	sst s0;
	s0 =	simm.s32 @!p1 $0x0  }
0x14: {  	s2 =	sld [smem:$0x3F9A];
	s0 =	simm.s32 @p1 $0x1  }
0x15: {  	[smem:$0x3FB7] =	sst s0;
	s0 =	simm.s32 @!p2 $0x0  }
0x16: {  	s3 =	sld [smem:$0x3FDB];
	s0 =	simm.s32 @p2 $0x1  }
0x17: {  	s4 =	simm.s32 $0x1BF5;
	[smem:$0x3FB9] =	sst s0  }
0x18: {  	s0 =	sld [smem:$0x3F9C];
	_ =	swait.ge [sflag:s4], $0x0  }
0x19: {  	s7 =	sld [smem:$0x3F9D]  }
0x1a: {  	s8 =	sadd.s32 $0xFFFFE003, lr  }
0x1b: {  	s9 =	sadd.s32 $0xFFFFFEF7, lr;
	s5 =	simm.s32 $0xFFFFFFFF;
	p2 =	slt.u32 s8, $0xFFFFF086  }
0x1c: {  	p1 =	slt.u32 s9, $0xF7A;
	s5 =	simm.s32 @!p2 $0x0  }
0x1d: {  	s5 =	simm.s32 @p1 $0x1;
	p0 =	seq.s32 s7, s2  }
0x1e: {  	s7 =	smul.u32 @!p0 $0xF7A, s2;
	p2 =	seq.s32 @!p0 s5, $0x0  }
0x1f: {  	s9 =	smul.u32 $0xF7A, s1;
	s8 =	simm.s32 @!p0 $0x1BF5;
	p2 =	por !p2, p0  }
0x20: {  	[sflag:s8] =	ssyncset.s32 @!p0 $0xFFFFF086;
	s6 =	sadd.s32 @!p0 s3, s7;
	s7 =	simm.s32 @!p0 $0x108  }
0x21: {  	s3 =	sadd.s32 s3, s9;
	s6 =	sadd.s32 @!p0 $0x88, s6;
	s7 =	simm.s32 @p2 $0x1082  }
0x22: {  	[simem:s7], [sflag:s8] =	dma.local @!p0 [hbm:s6], $0xF7A  }
0x23: {  	s9 =	sor.u32 $0xD0000000, s2;
	s6 =	simm.s32 $0x108;
	_ =	swait.ge @!p0 [sflag:s8], $0x0  }
0x24: {  	s3 =	sadd.s32 $0x88, s3;
	s6 =	simm.s32 @!p1 $0x1082;
	[sflag:s4] =	ssyncset.s32 $0xFFFFF086  }
0x25: {  	[simem:s6], [sflag:s4] =	dma.local [hbm:s3], $0xF7A  }
0x26: {  	[smem:$0x3F9D] =	sst s1;
	(tag) =	ssettag s2;
	_ =	strace s9  }
0x27: {  	s1 =	sld [smem:$0x3FAD]  }
0x28: {  	s2 =	sld [smem:$0x3FAE]  }
0x29: {  	s4 =	sld [smem:$0x3FB0]  }
0x2a: {  	p0 =	seq.s32 s5, $0x0;
	s5 =	sld [smem:$0x3FB1]  }
0x2b: {  	s6 =	sld [smem:$0x3FB2]  }
0x2c: {  	s7 =	sld [smem:$0x3FB3]  }
0x2d: {  	s3 =	simm.s32 $0x108;
	s8 =	sld [smem:$0x3FB4]  }
0x2e: {  	s3 =	simm.s32 @!p0 $0x1082;
	s9 =	sld [smem:$0x3FB5]  }
0x2f: {  	lr =	sadd.s32 s0, s3;
	s0 =	sld [smem:$0x3FAC]  }
0x30: {  	s3 =	sld [smem:$0x3FAF]  }
0x31: {  	[smem:$0x3FB8] =	sst s10  }
0x32: {  	s10 =	sld [smem:$0x3FB6];
	_ =	sdelay $0x3  }
0x33: {  	p0 =	seq.s32 s10, $0x1;
	s10 =	sld [smem:$0x3FB8];
	_ =	sdelay $0x3  }
0x34: {  	[smem:$0x3FB8] =	sst s10  }
0x35: {  	s10 =	sld [smem:$0x3FB7];
	_ =	sdelay $0x3  }
0x36: {  	p1 =	seq.s32 s10, $0x1;
	s10 =	sld [smem:$0x3FB8];
	_ =	sdelay $0x3  }
0x37: {  	[smem:$0x3FB8] =	sst s10  }
0x38: {  	s10 =	sld [smem:$0x3FB9]  }
0x39: {  	_ = 	snop;
	(pc) =	sbr.ind lr, $3  }
0x3a: {  	_ = 	snop  }
0x3b: {  	_ = 	snop  }
0x3c: {  	p2 =	seq.s32 s10, $0x1;
	s10 =	sld [smem:$0x3FB8]  }
0x3d: {  	_ =	shalt  }
0x3e: {  	_ =	shalt  }
0x3f: {  	_ =	shalt  }
0x40: {  	_ =	shalt  }
0x41: {  	_ =	shalt  }
0x42: {  	_ =	shalt  }
0x43: {  	_ =	shalt  }
0x44: {  	_ =	shalt  }
0x45: {  	_ =	shalt  }
0x46: {  	_ =	shalt  }
0x47: {  	_ =	shalt  }
0x48: {  	_ =	shalt  }
0x49: {  	_ =	shalt  }
0x4a: {  	_ =	shalt  }
0x4b: {  	_ =	shalt  }
0x4c: {  	_ =	shalt  }
0x4d: {  	_ =	shalt  }
0x4e: {  	_ =	shalt  }
0x4f: {  	_ =	shalt  }
0x50: {  	_ =	shalt  }
0x51: {  	_ =	shalt  }
0x52: {  	_ =	shalt  }
0x53: {  	_ =	shalt  }
0x54: {  	_ =	shalt  }
0x55: {  	_ =	shalt  }
0x56: {  	_ =	shalt  }
0x57: {  	_ =	shalt  }
0x58: {  	_ =	shalt  }
0x59: {  	_ =	shalt  }
0x5a: {  	_ =	shalt  }
0x5b: {  	_ =	shalt  }
0x5c: {  	_ =	shalt  }
0x5d: {  	_ =	shalt  }
0x5e: {  	_ =	shalt  }
0x5f: {  	_ =	shalt  }
0x60: {  	_ =	shalt  }
0x61: {  	_ =	shalt  }
0x62: {  	_ =	shalt  }
0x63: {  	_ =	shalt  }
0x64: {  	_ =	shalt  }
0x65: {  	_ =	shalt  }
0x66: {  	_ =	shalt  }
0x67: {  	_ =	shalt  }
0x68: {  	_ =	shalt  }
0x69: {  	_ =	shalt  }
0x6a: {  	_ =	shalt  }
0x6b: {  	_ =	shalt  }
0x6c: {  	_ =	shalt  }
0x6d: {  	_ =	shalt  }
0x6e: {  	_ =	shalt  }
0x6f: {  	_ =	shalt  }
0x70: {  	_ =	shalt  }
0x71: {  	_ =	shalt  }
0x72: {  	_ =	shalt  }
0x73: {  	_ =	shalt  }
0x74: {  	_ =	shalt  }
0x75: {  	_ =	shalt  }
0x76: {  	_ =	shalt  }
0x77: {  	_ =	shalt  }
0x78: {  	_ =	shalt  }
0x79: {  	_ =	shalt  }
0x7a: {  	_ =	shalt  }
0x7b: {  	_ =	shalt  }
0x7c: {  	_ =	shalt  }
0x7d: {  	_ =	shalt  }
0x7e: {  	_ =	shalt  }
0x7f: {  	_ =	shalt  }
0x80: {  	_ =	shalt  }
0x81: {  	_ =	shalt  }
0x82: {  	_ =	shalt  }
0x83: {  	_ =	shalt  }
0x84: {  	_ =	shalt  }
0x85: {  	_ =	shalt  }
0x86: {  	_ =	shalt  }
0x87: {  	_ =	shalt  }
.Lfunc_end0:
.L_simem_size_0:
called_computation.2_lowered:
.L_overlay_start_0:
0x88: {  	s2 =	sld [smem:$0x3FD9]  }
0x89: {  	s3 =	sld [smem:$0x3FFE];
	_ =	sdelay $0x1  }
0x8a: {  	s1 =	srdreg.scid  }
0x8b: {  	s0 =	sand.u32 $0x1, s1  }
0x8c: {  	s17 =	sshll.u32 s0, $0xA;
	s2 =	sadd.s32 s3, s2  }
0x8d: {  	s2 =	sadd.s32 s2, s17  }
0x8e: {  	[smem:$0x3FC4] =	sst s2  }
0x8f: {  	_ = 	snop  }
0x90: {  	s2 =	sld [smem:$0x3FC9]  }
0x91: {  	s18 =	sld [smem:$0x3FD0];
	(tm) =	ssettm $0x1  }
0x92: {  	s4 =	sld [smem:$0x3FFB];
	_ =	sdelay $0x3  }
0x93: {  	_ =	strace s4  }
0x94: {  	s4 =	sld [smem:$0x3FFC];
	_ =	sdelay $0x3  }
0x95: {  	_ =	strace s4  }
0x96: {  	s4 =	sld [smem:$0x3FFD];
	_ =	sdelay $0x3  }
0x97: {  	_ =	strace s4  }
0x98: {  	_ =	strace $0x8FFFFFFF  }
0x99: {  	s19 =	sld [smem:$0x3FDB];
	_ =	sdelay $0x1  }
0x9a: {  	s5 =	simm.s32 $_scs_section_size  }
0x9b: {  	s6 =	simm.s32 $_size__tile_overlayer_lowered;
	s7 =	simm.s32 $_tile_overlayer_lowered  }
0x9c: {  	s22 =	simm.s32 $0x1BFF;
	s21 =	sshll.u32 s7, $0x1;
	s4 =	sadd.s32 s5, s19  }
0x9d: {  	s8 =	simm.s32 $0x0;
	s20 =	sshll.u32 s6, $0x1;
	s6 =	sadd.s32 s21, s4  }
0x9e: {  	[timem:s8], [sflag:s22] =	dma.local [hbm:s6], s20  }
0x9f: {  	_ =	swait.ge [sflag:s22], s20  }
0xa0: {  	s5 =	ssub.s32 $0x0, s20;
	[sflag:s22] =	ssyncset.done $0x0  }
0xa1: {  	[sflag:s22] =	ssyncadd.s32 s5;
	_ =	sdelay $0x1  }
0xa2: {  	s23 =	simm.s32 $0x1B8B  }
0xa3: {  	_ =	swait.ge [sflag:s23], $0x1  }
0xa4: {  	[sflag:s23] =	ssyncset.done $0x0  }
0xa5: {  	s25 =	simm.s32 $0x1B8E;
	s24 =	sld [smem:$0x3FFE];
	[sflag:s23] =	ssyncadd.s32 $0xFFFFFFFF  }
0xa6: {  	s26 =	simm.s32 $execute0_lowered;
	[smem:$0x3FD2] =	sst s25  }
0xa7: {  	s6 =	sshll.u32 s26, $0x1;
	_ =	strace $0x8000004C;
	[dreg:$0x1] =	wrdreg $0xFFFFFFFF  }
0xa8: {  	s28 =	simm.s32 $_size_execute0_lowered;
	s4 =	sadd.s32 s4, s6;
	[dreg:$0x0] =	wrdreg $0x0  }
0xa9: {  	s6 =	sshll.u32 s28, $0x1;
	[dreg:$0x2] =	wrdreg s4  }
0xaa: {  	[dreg:$0x3] =	wrdreg s6  }
0xab: {  	[dreg:$0x4] =	wrdreg $0xC0  }
0xac: {  	_ =	task [dreg:s8], $0x5FFFF  }
0xad: {  	[dreg:$0x1] =	wrdreg $0xFFFFFFFF  }
0xae: {  	[dreg:$0x0] =	wrdreg $0x60  }
0xaf: {  	[dreg:$0x2] =	wrdreg s2  }
0xb0: {  	[dreg:$0x3] =	wrdreg s18  }
0xb1: {  	[dreg:$0x4] =	wrdreg s24  }
0xb2: {  	[dreg:$0x5] =	wrdreg $0x9  }
0xb3: {  	_ =	task.clear_ibuf [dreg:s8], $0x6FFFF;
	_ =	strace $0x9000004C  }
0xb4: {  	s29 =	simm.s32 $0x9;
	_ =	strace $0x8000004E  }
0xb5: {  	_ =	swait.ge [sflag:s29], $0x1  }
0xb6: {  	[sflag:s29] =	ssyncadd.s32 $0xFFFFFFFF  }
0xb7: {  	_ =	strace $0x9000004E  }
0xb8: {  	_ =	sfence  }
0xb9: {  	s30 =	sld [smem:$0x0];
	_ =	sdelay $0x2  }
0xba: {  	s31 =	sshll.u32 s1, $0xD;
	s1 =	sshrl.u32 s1, $0x2  }
0xbb: {  	s3 =	sand.u32 $0x4000, s31;
	s1 =	sadd.s32 s1, s30  }
0xbc: {  	s0 =	sor.u32 s3, s0;
	s1 =	sshll.u32 s1, $0x11  }
0xbd: {  	s0 =	sor.u32 s1, s0  }
0xbe: {  	s0 =	sadd.s32 $0x8F2B, s0  }
0xbf: {  	[sflag:s0] =	ssyncadd.remote.s32 $0x1  }
0xc0: {  	_ =	sfence.sel $0xFFFF  }
0xc1: {  	[dreg:$0x0] =	wrdreg $0xFFFFFFFF;
	(pc) =	sbr.abs _section_cstart, $3  }
0xc2: {  	[dreg:$0x1] =	wrdreg $0xFFFFFFFF  }
0xc3: {  	_ =	task.clear_ibuf [dreg:s8], $0x2FFFF;
	_ =	strace $0x9FFFFFFF  }
0xc4: {  	(tm) =	ssettm $0x7FFFFFFF  }
0xc5: {  	_ =	shalt  }
tec
execute0_lowered:
.L_overlay_start_1:
0x0: {  	(tag) =	ssettag $0x1  }
0x1: {  	s17 =	rddreg [dreg:$0x0]  }
0x2: {  	s10 =	rddreg [dreg:$0x1]  }
0x3: {  	s0 =	rddreg [dreg:$0x2];
	s3 =	simm.s32 $0x0;
	s1 =	srdreg.scid  }
0x4: {  	s2 =	stileid.u32;
	s28 =	simm.s32 $0x50;
	s31 =	simm.s32 $0x2  }
0x5: {  	[smem:$0x7FF] =	sst s3;
	s5 =	sadd.s32 $0xE00, s0;
	s1 =	sand.u32 $0x1, s1  }
0x6: {  	s6 =	sadd.s32 $0x1E85600, s0;
	s2 =	sshll.u32 s2, $0xA;
	s4 =	sshll.u32 s1, $0x9  }
0x7: {  	s0 =	sadd.s32 $0xF43200, s0;
	s1 =	ssub.s32 $0x2, s1;
	s2 =	sor.u32 s4, s2  }
0x8: {  	_ =	strace $0x8000004D;
	s15 =	sshrl.u32 s1, $0x1;
	s7 =	sshrl.u32 s2, $0x3  }
0x9: {  	s8 =	sor.u32 $0x10, s2;
	s1 =	ssub.s32 s1, s15;
	s25 =	sor.u32 $0x20, s2  }
0xa: {  	s22 =	sshll.u32 s2, $0x3;
	s26 =	sor.u32 $0x30, s2;
	[dreg:$0xd] =	wrdreg s25  }
0xb: {  	s2 =	simm.s32 $0x0;
	s16 =	sadd.s32 s17, s7;
	[dreg:$0xe] =	wrdreg s26  }
0xc: {  	s18 =	sshrl.u32 s8, $0x3;
	s9 =	sadd.s32 s10, s7;
	[dreg:$0x4] =	wrdreg s16  }
0xd: {  	s20 =	sor.u32 $0x4, s7;
	s29 =	smax.u32 s1, $0x1;
	[dreg:$0x5] =	wrdreg s9  }
0xe: {  	s13 =	sadd.s32 s0, s22;
	s19 =	sadd.s32 s17, s18;
	[dreg:$0xf] =	wrdreg s29  }
0xf: {  	s23 =	sor.u32 $0x6, s7;
	s4 =	sadd.s32 s10, s18;
	[dreg:$0x6] =	wrdreg s19  }
0x10: {  	s24 =	sshll.u32 s8, $0x3;
	s21 =	sadd.s32 s17, s20;
	[dreg:$0x7] =	wrdreg s4  }
0x11: {  	s22 =	simm.s32 $0x4000;
	s9 =	sadd.s32 s10, s20;
	[dreg:$0x8] =	wrdreg s21  }
0x12: {  	s25 =	simm.s32 $0x1;
	s7 =	sadd.s32 s17, s23;
	[dreg:$0x9] =	wrdreg s9  }
0x13: {  	s8 =	simm.s32 $0x1A8F0;
	s0 =	sadd.s32 s0, s24;
	[dreg:$0xa] =	wrdreg s7  }
0x14: {  	s20 =	smov.u32 s10;
	s30 =	sadd.s32 $0x80, s13;
	[dreg:$0xc] =	wrdreg s0  }
0x15: {  	s4 =	sadd.s32 s10, s23;
	[dreg:$0x10] =	wrdreg s30;
	s21 =	simm.s32 $0x10  }
0x16: {  	v1 =	vlaneseq.u32;
	s0 =	simm.s32 $0x3;
	s7 =	simm.s32 $0x4;
	s9 =	simm.s32 $0x5  }
0x17: {  	v0 =	vmul.u32 $0x11, v1;
	v1 =	vand.u32 $0x7, v1;
	s10 =	simm.s32 $0x6;
	[dreg:$0xb] =	wrdreg s4;
	s4 =	simm.s32 $0x1A4A0  }
.LBB2_1:
0x18: {  	[dreg:$0x11] =	wrdreg s2  }
0x19: {  	s1 =	rddreg [dreg:$0x4]  }
0x1a: {  	[tilespmem:s3], [sflag:$0x1] =	stream.linear.gather [hbm4b:s1+s3], $0x10, $0x38;
	[tilespmem:$0x1B540] =	vst v63  }
0x1b: {  	s18 =	rddreg [dreg:$0x5];
	s19 =	simm.s32 $0x20  }
0x1c: {  	[tilespmem:s19], [sflag:$0x1] =	stream.strided.gather [hbm4b:s18+s21], $0x320, s22, s21, $0x38;
	[tilespmem:$0x1B540] =	vst v63  }
0x1d: {  	s23 =	rddreg [dreg:$0x6]  }
0x1e: {  	[tilespmem:s21], [sflag:$0x2] =	stream.linear.gather [hbm4b:s23+s3], $0x10, $0x38;
	[tilespmem:$0x1B540] =	vst v63  }
0x1f: {  	s24 =	rddreg [dreg:$0x7];
	s26 =	simm.s32 $0x340  }
0x20: {  	[tilespmem:s26], [sflag:$0x2] =	stream.strided.gather [hbm4b:s24+s21], $0x320, s22, s21, $0x38;
	[tilespmem:$0x1B540] =	vst v63  }
0x21: {  	_ =	swait.ge [sflag:s25], $0x10  }
0x22: {  	[sflag:s25] =	ssyncset.done $0x0  }
0x23: {  	[sflag:s25] =	ssyncadd.s32 $0xFFFFFFF0  }
0x24: {  	_ =	swait.ge [sflag:s25], $0x320  }
0x25: {  	[sflag:s25] =	ssyncset.done $0x0  }
0x26: {  	[sflag:s25] =	ssyncadd.s32 $0xFFFFFCE0  }
0x27: {  	v2 =	vld [tilespmem:$0x0];
	_ =	sdelay $0x4  }
0x28: {  	v2 =	vshll.u32 v2, $0x1  }
0x29: {  	s29 =	simm.s32 $0xCA0;
	s30 =	simm.s32 $0x40;
	[tilespmem:$0x0] =	vst v2  }
0x2a: {  	[tilespmem:s29], [sflag:$0x3] =	stream.indirect.gather [hbm4b:s5+s21], $0x40, s3, s21, $0xb8;
	[tilespmem:$0x1B540] =	vst v63  }
0x2b: {  	v2 =	vld [tilespmem:s30+$0xFFFFFFE0]  }
0x2c: {  	v4 =	vld [tilespmem:s30+$0x10]  }
0x2d: {  	v3 =	vld [tilespmem:s30+$0x20]  }
0x2e: {  	v5 =	vld [tilespmem:s30+$0x0]  }
0x2f: {  	v6 =	vld [tilespmem:s30+$0xFFFFFFF0]  }
0x30: {  	s2 =	simm.s32 $0x90;
	s1 =	simm.s32 $0x680;
	v7 =	vshll.u32 v2, $0x1  }
0x31: {  	v2 =	vld [tilespmem:s2+$0xFFFFFFE0];
	v8 =	vshll.u32 v4, $0x1;
	[tilespmem:s1+$0xFFFFFFE0] =	vst v7  }
0x32: {  	v4 =	vld [tilespmem:s2+$0x10];
	v7 =	vshll.u32 v3, $0x1;
	[tilespmem:s1+$0x10] =	vst v8  }
0x33: {  	v3 =	vld [tilespmem:s2+$0x20];
	[tilespmem:s1+$0x20] =	vst v7;
	v7 =	vshll.u32 v5, $0x1  }
0x34: {  	s11 =	simm.s32 $0x5;
	v6 =	vshll.u32 v6, $0x1;
	v5 =	vld [tilespmem:s2+$0x0];
	[tilespmem:s1+$0x0] =	vst v7  }
.LBB2_2:
0x35: {  	s11 =	sadd.s32 $0x5, s11  }
0x36: {  	v7 =	vld [tilespmem:s2+$0xFFFFFFF0];
	[tilespmem:s1+$0xFFFFFFF0] =	vst v6;
	s1 =	sadd.s32 $0x50, s1;
	p0 =	slt.u32 s11, $0x2D  }
.Ltmp0:
0x37: {  	s2 =	sadd.s32 $0x50, s2;
	v6 =	vshll.u32 v2, $0x1;
	(pc) =	sbr.rel @p0 .LBB2_2-.Ltmp0, $4  }
0x38: {  	v2 =	vld [tilespmem:s2+$0xFFFFFFE0];
	[tilespmem:s1+$0xFFFFFFE0] =	vst v6;
	v6 =	vshll.u32 v3, $0x1  }
0x39: {  	v3 =	vld [tilespmem:s2+$0x20];
	v8 =	vshll.u32 v4, $0x1;
	[tilespmem:s1+$0x20] =	vst v6  }
0x3a: {  	v4 =	vld [tilespmem:s2+$0x10];
	v9 =	vshll.u32 v5, $0x1;
	[tilespmem:s1+$0x10] =	vst v8  }
0x3b: {  	v5 =	vld [tilespmem:s2+$0x0];
	v6 =	vshll.u32 v7, $0x1;
	[tilespmem:s1+$0x0] =	vst v9  }
0x3c: {  	v7 =	vld [tilespmem:s2+$0xFFFFFFF0]  }
0x3d: {  	[tilespmem:s1+$0xFFFFFFF0] =	vst v6;
	s12 =	sadd.s32 $0x50, s1;
	v2 =	vshll.u32 v2, $0x1  }
0x3e: {  	[tilespmem:s12+$0xFFFFFFE0] =	vst v2;
	v2 =	vshll.u32 v3, $0x1  }
0x3f: {  	v3 =	vshll.u32 v4, $0x1;
	[tilespmem:s12+$0x20] =	vst v2  }
0x40: {  	v2 =	vshll.u32 v5, $0x1;
	[tilespmem:s12+$0x10] =	vst v3  }
0x41: {  	v3 =	vshll.u32 v7, $0x1;
	[tilespmem:s12+$0x0] =	vst v2  }
0x42: {  	s14 =	simm.s32 $0x660;
	s15 =	simm.s32 $0x14A0;
	[tilespmem:s12+$0xFFFFFFF0] =	vst v3  }
0x43: {  	[tilespmem:s15], [sflag:$0x3] =	stream.indirect.gather [hbm4b:s6+s28], $0x40, s14, s28, $0xb8;
	[tilespmem:$0x1B540] =	vst v63  }
0x44: {  	s16 =	simm.s32 $0x6B0;
	s18 =	simm.s32 $0x28A0  }
0x45: {  	[tilespmem:s18], [sflag:$0x3] =	stream.indirect.gather [hbm4b:s6+s28], $0x40, s16, s28, $0xb8;
	[tilespmem:$0x1B540] =	vst v63  }
0x46: {  	s19 =	simm.s32 $0x700;
	s23 =	simm.s32 $0x3CA0  }
0x47: {  	[tilespmem:s23], [sflag:$0x3] =	stream.indirect.gather [hbm4b:s6+s28], $0x40, s19, s28, $0xb8;
	[tilespmem:$0x1B540] =	vst v63  }
0x48: {  	s24 =	simm.s32 $0x750;
	s26 =	simm.s32 $0x50A0  }
0x49: {  	[tilespmem:s26], [sflag:$0x3] =	stream.indirect.gather [hbm4b:s6+s28], $0x40, s24, s28, $0xb8;
	[tilespmem:$0x1B540] =	vst v63  }
0x4a: {  	s29 =	simm.s32 $0x7A0;
	s30 =	simm.s32 $0x64A0  }
0x4b: {  	[tilespmem:s30], [sflag:$0x3] =	stream.indirect.gather [hbm4b:s6+s28], $0x40, s29, s28, $0xb8;
	[tilespmem:$0x1B540] =	vst v63  }
0x4c: {  	s11 =	simm.s32 $0x7F0;
	s12 =	simm.s32 $0x78A0  }
0x4d: {  	[tilespmem:s12], [sflag:$0x3] =	stream.indirect.gather [hbm4b:s6+s28], $0x40, s11, s28, $0xb8;
	[tilespmem:$0x1B540] =	vst v63  }
0x4e: {  	s14 =	simm.s32 $0x840;
	s15 =	simm.s32 $0x8CA0  }
0x4f: {  	[tilespmem:s15], [sflag:$0x3] =	stream.indirect.gather [hbm4b:s6+s28], $0x40, s14, s28, $0xb8;
	[tilespmem:$0x1B540] =	vst v63  }
0x50: {  	s16 =	simm.s32 $0x890;
	s18 =	simm.s32 $0xA0A0  }
0x51: {  	[tilespmem:s18], [sflag:$0x3] =	stream.indirect.gather [hbm4b:s6+s28], $0x40, s16, s28, $0xb8;
	[tilespmem:$0x1B540] =	vst v63  }
0x52: {  	s19 =	simm.s32 $0x8E0;
	s23 =	simm.s32 $0xB4A0  }
0x53: {  	[tilespmem:s23], [sflag:$0x3] =	stream.indirect.gather [hbm4b:s6+s28], $0x40, s19, s28, $0xb8;
	[tilespmem:$0x1B540] =	vst v63  }
0x54: {  	s24 =	simm.s32 $0x930;
	s26 =	simm.s32 $0xC8A0  }
0x55: {  	[tilespmem:s26], [sflag:$0x3] =	stream.indirect.gather [hbm4b:s6+s28], $0x40, s24, s28, $0xb8;
	[tilespmem:$0x1B540] =	vst v63  }
0x56: {  	_ =	swait.ge [sflag:s31], $0x10  }
0x57: {  	[sflag:s31] =	ssyncset.done $0x0  }
0x58: {  	[sflag:s31] =	ssyncadd.s32 $0xFFFFFFF0  }
0x59: {  	_ =	swait.ge [sflag:s31], $0x320  }
0x5a: {  	[sflag:s31] =	ssyncset.done $0x0  }
0x5b: {  	[sflag:s31] =	ssyncadd.s32 $0xFFFFFCE0  }
0x5c: {  	v2 =	vld [tilespmem:$0x10];
	_ =	sdelay $0x4  }
0x5d: {  	v2 =	vshll.u32 v2, $0x1  }
0x5e: {  	s29 =	simm.s32 $0x10A0;
	s30 =	simm.s32 $0x380;
	[tilespmem:$0x10] =	vst v2  }
0x5f: {  	[tilespmem:s29], [sflag:$0x4] =	stream.indirect.gather [hbm4b:s5+s21], $0x40, s21, s21, $0xb8;
	[tilespmem:$0x1B540] =	vst v63  }
0x60: {  	v2 =	vld [tilespmem:s30+$0xFFFFFFC0]  }
0x61: {  	v4 =	vld [tilespmem:s30+$0xFFFFFFF0]  }
0x62: {  	v3 =	vld [tilespmem:s30+$0x0]  }
0x63: {  	v5 =	vld [tilespmem:s30+$0xFFFFFFE0]  }
0x64: {  	v6 =	vld [tilespmem:s30+$0xFFFFFFD0]  }
0x65: {  	s1 =	simm.s32 $0x9C0;
	s2 =	simm.s32 $0x3D0;
	v7 =	vshll.u32 v2, $0x1  }
0x66: {  	v2 =	vld [tilespmem:s2+$0xFFFFFFC0];
	v8 =	vshll.u32 v4, $0x1;
	[tilespmem:s1+$0xFFFFFFC0] =	vst v7  }
0x67: {  	v4 =	vld [tilespmem:s2+$0xFFFFFFF0];
	v7 =	vshll.u32 v3, $0x1;
	[tilespmem:s1+$0xFFFFFFF0] =	vst v8  }
0x68: {  	v3 =	vld [tilespmem:s2+$0x0];
	[tilespmem:s1+$0x0] =	vst v7;
	v7 =	vshll.u32 v5, $0x1  }
0x69: {  	s11 =	simm.s32 $0x5;
	v6 =	vshll.u32 v6, $0x1;
	v5 =	vld [tilespmem:s2+$0xFFFFFFE0];
	[tilespmem:s1+$0xFFFFFFE0] =	vst v7  }
.LBB2_4:
0x6a: {  	s11 =	sadd.s32 $0x5, s11  }
0x6b: {  	v7 =	vld [tilespmem:s2+$0xFFFFFFD0];
	[tilespmem:s1+$0xFFFFFFD0] =	vst v6;
	s1 =	sadd.s32 $0x50, s1;
	p0 =	slt.u32 s11, $0x2D  }
.Ltmp1:
0x6c: {  	s2 =	sadd.s32 $0x50, s2;
	v6 =	vshll.u32 v2, $0x1;
	(pc) =	sbr.rel @p0 .LBB2_4-.Ltmp1, $4  }
0x6d: {  	v2 =	vld [tilespmem:s2+$0xFFFFFFC0];
	[tilespmem:s1+$0xFFFFFFC0] =	vst v6;
	v6 =	vshll.u32 v3, $0x1  }
0x6e: {  	v3 =	vld [tilespmem:s2+$0x0];
	v8 =	vshll.u32 v4, $0x1;
	[tilespmem:s1+$0x0] =	vst v6  }
0x6f: {  	v4 =	vld [tilespmem:s2+$0xFFFFFFF0];
	v9 =	vshll.u32 v5, $0x1;
	[tilespmem:s1+$0xFFFFFFF0] =	vst v8  }
0x70: {  	v5 =	vld [tilespmem:s2+$0xFFFFFFE0];
	v6 =	vshll.u32 v7, $0x1;
	[tilespmem:s1+$0xFFFFFFE0] =	vst v9  }
0x71: {  	v7 =	vld [tilespmem:s2+$0xFFFFFFD0]  }
0x72: {  	[tilespmem:s1+$0xFFFFFFD0] =	vst v6;
	s12 =	sadd.s32 $0x50, s1;
	v2 =	vshll.u32 v2, $0x1  }
0x73: {  	[tilespmem:s12+$0xFFFFFFC0] =	vst v2;
	v2 =	vshll.u32 v3, $0x1  }
0x74: {  	v3 =	vshll.u32 v4, $0x1;
	[tilespmem:s12+$0x0] =	vst v2  }
0x75: {  	v2 =	vshll.u32 v5, $0x1;
	[tilespmem:s12+$0xFFFFFFF0] =	vst v3  }
0x76: {  	v3 =	vshll.u32 v7, $0x1;
	[tilespmem:s12+$0xFFFFFFE0] =	vst v2  }
0x77: {  	s14 =	simm.s32 $0x980;
	s15 =	simm.s32 $0xDCA0;
	[tilespmem:s12+$0xFFFFFFD0] =	vst v3  }
0x78: {  	[tilespmem:s15], [sflag:$0x4] =	stream.indirect.gather [hbm4b:s6+s28], $0x40, s14, s28, $0xb8;
	[tilespmem:$0x1B540] =	vst v63  }
0x79: {  	s16 =	simm.s32 $0x9D0;
	s18 =	simm.s32 $0xF0A0  }
0x7a: {  	[tilespmem:s18], [sflag:$0x4] =	stream.indirect.gather [hbm4b:s6+s28], $0x40, s16, s28, $0xb8;
	[tilespmem:$0x1B540] =	vst v63  }
0x7b: {  	s19 =	simm.s32 $0xA20;
	s23 =	simm.s32 $0x104A0  }
0x7c: {  	[tilespmem:s23], [sflag:$0x4] =	stream.indirect.gather [hbm4b:s6+s28], $0x40, s19, s28, $0xb8;
	[tilespmem:$0x1B540] =	vst v63  }
0x7d: {  	s24 =	simm.s32 $0xA70;
	s26 =	simm.s32 $0x118A0  }
0x7e: {  	[tilespmem:s26], [sflag:$0x4] =	stream.indirect.gather [hbm4b:s6+s28], $0x40, s24, s28, $0xb8;
	[tilespmem:$0x1B540] =	vst v63  }
0x7f: {  	s29 =	simm.s32 $0xAC0;
	s30 =	simm.s32 $0x12CA0  }
0x80: {  	[tilespmem:s30], [sflag:$0x4] =	stream.indirect.gather [hbm4b:s6+s28], $0x40, s29, s28, $0xb8;
	[tilespmem:$0x1B540] =	vst v63  }
0x81: {  	s2 =	simm.s32 $0xB10;
	s11 =	simm.s32 $0x140A0  }
0x82: {  	[tilespmem:s11], [sflag:$0x4] =	stream.indirect.gather [hbm4b:s6+s28], $0x40, s2, s28, $0xb8;
	[tilespmem:$0x1B540] =	vst v63  }
0x83: {  	s12 =	simm.s32 $0xB60;
	s14 =	simm.s32 $0x154A0  }
0x84: {  	[tilespmem:s14], [sflag:$0x4] =	stream.indirect.gather [hbm4b:s6+s28], $0x40, s12, s28, $0xb8;
	[tilespmem:$0x1B540] =	vst v63  }
0x85: {  	s15 =	simm.s32 $0xBB0;
	s16 =	simm.s32 $0x168A0  }
0x86: {  	[tilespmem:s16], [sflag:$0x4] =	stream.indirect.gather [hbm4b:s6+s28], $0x40, s15, s28, $0xb8;
	[tilespmem:$0x1B540] =	vst v63  }
0x87: {  	s18 =	simm.s32 $0xC00;
	s19 =	simm.s32 $0x17CA0  }
0x88: {  	[tilespmem:s19], [sflag:$0x4] =	stream.indirect.gather [hbm4b:s6+s28], $0x40, s18, s28, $0xb8;
	[tilespmem:$0x1B540] =	vst v63  }
0x89: {  	s23 =	simm.s32 $0xC50;
	s24 =	simm.s32 $0x190A0  }
0x8a: {  	[tilespmem:s24], [sflag:$0x4] =	stream.indirect.gather [hbm4b:s6+s28], $0x40, s23, s28, $0xb8;
	[tilespmem:$0x1B540] =	vst v63  }
0x8b: {  	_ =	swait.ge [sflag:s0], $0x400  }
0x8c: {  	[sflag:s0] =	ssyncset.done $0x0  }
0x8d: {  	[sflag:s0] =	ssyncadd.s32 $0xFFFFFC00  }
0x8e: {  	_ =	swait.ge [sflag:s0], $0xC800  }
0x8f: {  	s30 =	simm.s32 $0x20;
	[sflag:s0] =	ssyncset.done $0x0  }
0x90: {  	s11 =	simm.s32 $0x0;
	s26 =	rddreg [dreg:$0x8];
	[sflag:s0] =	ssyncadd.s32 $0xFFFF3800  }
0x91: {  	[tilespmem:s11], [sflag:$0x1] =	stream.linear.gather [hbm4b:s26+s11], $0x10, $0x38;
	[tilespmem:$0x1B540] =	vst v63  }
0x92: {  	s12 =	simm.s32 $0x1CC0;
	s14 =	simm.s32 $0x1AD40;
	s29 =	rddreg [dreg:$0x9]  }
0x93: {  	[tilespmem:s30], [sflag:$0x1] =	stream.strided.gather [hbm4b:s29+s21], $0x320, s22, s21, $0x38;
	[tilespmem:$0x1B540] =	vst v63  }
.LBB2_6:
0x94: {  	v6 =	vld [tilespmem:s12+$0x7E0]  }
0x95: {  	v7 =	vld [tilespmem:s12+$0x7F0]  }
0x96: {  	v8 =	vld [tilespmem:s12+$0x800]  }
0x97: {  	v9 =	vld [tilespmem:s12+$0x810]  }
0x98: {  	v11 =	vld [tilespmem:s12+$0xFFFFF7F0]  }
0x99: {  	v10 =	vld [tilespmem:s12+$0xFFFFF800]  }
0x9a: {  	s1 =	sshll.u32 s11, $0x6;
	v12 =	vld [tilespmem:s12+$0xFFFFF810]  }
0x9b: {  	v2 =	vld [tilespmem:s1+$0xCA0]  }
0x9c: {  	v3 =	vld [tilespmem:s1+$0xCB0]  }
0x9d: {  	v4 =	vld [tilespmem:s1+$0xCC0]  }
0x9e: {  	v5 =	vld [tilespmem:s1+$0xCD0]  }
0x9f: {  	v13 =	vld [tilespmem:s12+$0xFFFFFBE0]  }
0xa0: {  	v14 =	vld [tilespmem:s12+$0xFFFFFBF0]  }
0xa1: {  	v15 =	vld [tilespmem:s12+$0xFFFFFC00]  }
0xa2: {  	v16 =	vld [tilespmem:s12+$0xFFFFFC10];
	v6 =	vmul.f32 v6, v2;
	v7 =	vmul.f32 v7, v3  }
0xa3: {  	v17 =	vld [tilespmem:s12+$0xFFFFFFE0];
	v8 =	vmul.f32 v8, v4;
	v9 =	vmul.f32 v9, v5  }
0xa4: {  	v18 =	vld [tilespmem:s12+$0xFFFFFFF0]  }
0xa5: {  	v19 =	vld [tilespmem:s12+$0x0];
	v6 =	vadd.f32 v7, v6;
	v7 =	vadd.f32 v9, v8  }
0xa6: {  	v20 =	vld [tilespmem:s12+$0x10];
	v9 =	vmul.f32 v13, v2;
	v13 =	vmul.f32 v14, v3  }
0xa7: {  	v8 =	vld [tilespmem:s12+$0x3E0];
	v21 =	vadd.f32 v7, v6;
	v6 =	vmul.f32 v15, v4;
	v7 =	vmul.f32 v16, v5  }
0xa8: {  	v12 =	vmul.f32 v12, v5;
	v14 =	vmul.f32 v10, v4;
	v13 =	vadd.f32 v13, v9;
	v9 =	vld [tilespmem:s12+$0x3F0]  }
0xa9: {  	v10 =	vld [tilespmem:s12+$0x400];
	v16 =	vmul.f32 v17, v2;
	v17 =	vmul.f32 v18, v3;
	v15 =	vadd.f32 v7, v6  }
0xaa: {  	s16 =	simm.s32 $0x1A4C2;
	v6 =	vmul.f32 v11, v3;
	v7 =	vadd.f32 v12, v14;
	v14 =	vmul.f32 v19, v4;
	v12 =	vld [tilespmem:s12+$0x410]  }
0xab: {  	s19 =	simm.s32 $0x0;
	s15 =	simm.s32 $0xF;
	s23 =	sadd.s32 $0x1400, s12;
	[tilespmem:s16+$0x22] =	vst v21;
	v11 =	vld [tilespmem:s12+$0xFFFFF7E0];
	v15 =	vadd.f32 v15, v13;
	v13 =	vadd.f32 v17, v16;
	v16 =	vmul.f32 v20, v5  }
.LBB2_7:
0xac: {  	v17 =	vld [tilespmem:s23+$0x7E0];
	v8 =	vmul.f32 v8, v2  }
0xad: {  	v18 =	vld [tilespmem:s23+$0x7F0];
	[tilespmem:s16+$0xFFFFFFEF] =	vst v15;
	v14 =	vadd.f32 v16, v14;
	v9 =	vmul.f32 v9, v3  }
0xae: {  	v15 =	vld [tilespmem:s23+$0x800];
	v10 =	vmul.f32 v10, v4  }
0xaf: {  	s19 =	sadd.s32 $0x5, s19;
	v16 =	vld [tilespmem:s23+$0x810];
	v13 =	vadd.f32 v14, v13;
	v8 =	vadd.f32 v9, v8;
	v9 =	vmul.f32 v12, v5  }
0xb0: {  	p0 =	slt.u32 s19, $0x2D;
	v12 =	vld [tilespmem:s23+$0xFFFFF7F0];
	v11 =	vmul.f32 v11, v2  }
0xb1: {  	v14 =	vld [tilespmem:s23+$0xFFFFF800];
	[tilespmem:s16+$0x0] =	vst v13;
	v9 =	vadd.f32 v9, v10  }
0xb2: {  	v10 =	vld [tilespmem:s23+$0xFFFFF810];
	v6 =	vadd.f32 v6, v11  }
0xb3: {  	v13 =	vmul.f32 v17, v2;
	v17 =	vmul.f32 v18, v3;
	v11 =	vld [tilespmem:s23+$0xFFFFFBE0];
	v8 =	vadd.f32 v9, v8  }
0xb4: {  	v15 =	vmul.f32 v15, v4;
	v9 =	vld [tilespmem:s23+$0xFFFFFBF0];
	v16 =	vmul.f32 v16, v5;
	v7 =	vadd.f32 v7, v6  }
0xb5: {  	v6 =	vmul.f32 v12, v3;
	v12 =	vld [tilespmem:s23+$0xFFFFFC00];
	[tilespmem:s16+$0x11] =	vst v8  }
0xb6: {  	v13 =	vadd.f32 v17, v13;
	v8 =	vmul.f32 v14, v4;
	v14 =	vld [tilespmem:s23+$0xFFFFFC10];
	v15 =	vadd.f32 v16, v15;
	[tilespmem:s16+$0xFFFFFFDE] =	vst v7  }
0xb7: {  	v7 =	vmul.f32 v10, v5;
	v10 =	vld [tilespmem:s23+$0xFFFFFFE0]  }
0xb8: {  	v11 =	vmul.f32 v11, v2;
	v16 =	vld [tilespmem:s23+$0xFFFFFFF0];
	v13 =	vadd.f32 v15, v13  }
0xb9: {  	s16 =	sadd.s32 $0x55, s16;
	v7 =	vadd.f32 v7, v8;
	v8 =	vmul.f32 v9, v3;
	v15 =	vld [tilespmem:s23+$0x0]  }
0xba: {  	v12 =	vmul.f32 v12, v4;
	v17 =	vld [tilespmem:s23+$0x10];
	[tilespmem:s16+$0x22] =	vst v13  }
.Ltmp2:
0xbb: {  	v13 =	vadd.f32 v8, v11;
	v11 =	vmul.f32 v14, v5;
	v8 =	vld [tilespmem:s23+$0x3E0];
	(pc) =	sbr.rel @p0 .LBB2_7-.Ltmp2, $4  }
0xbc: {  	v18 =	vmul.f32 v10, v2;
	v9 =	vld [tilespmem:s23+$0x3F0]  }
0xbd: {  	v19 =	vadd.f32 v11, v12;
	v16 =	vmul.f32 v16, v3;
	v10 =	vld [tilespmem:s23+$0x400]  }
0xbe: {  	v14 =	vmul.f32 v15, v4;
	v12 =	vld [tilespmem:s23+$0x410]  }
0xbf: {  	v11 =	vld [tilespmem:s23+$0xFFFFF7E0];
	v15 =	vadd.f32 v19, v13;
	v13 =	vadd.f32 v16, v18;
	v16 =	vmul.f32 v17, v5;
	s23 =	sadd.s32 $0x1400, s23  }
0xc0: {  	_ =	sdelay $0x1  }
0xc1: {  	v8 =	vmul.f32 v8, v2;
	v3 =	vmul.f32 v9, v3  }
0xc2: {  	s1 =	simm.s32 $0x0;
	v4 =	vmul.f32 v10, v4;
	v5 =	vmul.f32 v12, v5  }
0xc3: {  	v9 =	vadd.f32 v16, v14;
	v10 =	vadd.s32 s1, v0;
	v2 =	vmul.f32 v11, v2  }
0xc4: {  	v3 =	vadd.f32 v3, v8;
	v4 =	vadd.f32 v5, v4;
	v5 =	vand.u32 $0x7F8, v10  }
0xc5: {  	s18 =	simm.s32 $0x1;
	v8 =	vadd.f32 v9, v13;
	v2 =	vadd.f32 v6, v2;
	v5 =	vor.u32 v1, v5  }
0xc6: {  	[tilespmem:s16+$0xFFFFFFEF] =	vst v15;
	v3 =	vadd.f32 v4, v3;
	v4 =	vadd.s32 s18, v0  }
0xc7: {  	s19 =	simm.s32 $0x2;
	[tilespmem:s16+$0x0] =	vst v8;
	v2 =	vadd.f32 v7, v2  }
0xc8: {  	[tilespmem:s16+$0x11] =	vst v3;
	v3 =	vadd.s32 s19, v0  }
0xc9: {  	s23 =	simm.s32 $0x3;
	[tilespmem:s16+$0xFFFFFFDE] =	vst v2  }
0xca: {  	v2 =	vadd.s32 s23, v0;
	v5 =	vld.idx.msk [tilespmem:v5+s4+$0x0], $0xffff  }
0xcb: {  	s24 =	simm.s32 $0x4;
	v4 =	vld.idx.msk [tilespmem:v4+s4+$0x0], $0xffff  }
0xcc: {  	v6 =	vadd.s32 s24, v0  }
0xcd: {  	s26 =	simm.s32 $0x5;
	v3 =	vld.idx.msk [tilespmem:v3+s4+$0x0], $0xffff  }
0xce: {  	v7 =	vadd.s32 s26, v0  }
0xcf: {  	s29 =	simm.s32 $0x6;
	v2 =	vld.idx.msk [tilespmem:v2+s4+$0x0], $0xffff  }
0xd0: {  	v8 =	vadd.s32 s29, v0;
	v4 =	vadd.f32 v4, v5  }
0xd1: {  	s30 =	simm.s32 $0x7;
	s2 =	simm.s32 $0x8;
	v5 =	vld.idx.msk [tilespmem:v6+s4+$0x0], $0xffff  }
0xd2: {  	v9 =	vadd.s32 s2, v0;
	v6 =	vadd.s32 s30, v0;
	v3 =	vadd.f32 v3, v4  }
0xd3: {  	v4 =	vld.idx.msk [tilespmem:v7+s4+$0x0], $0xffff;
	v7 =	vand.u32 $0x7F8, v9  }
0xd4: {  	v7 =	vor.u32 v1, v7;
	v2 =	vadd.f32 v2, v3  }
0xd5: {  	s16 =	simm.s32 $0x9;
	v3 =	vld.idx.msk [tilespmem:v8+s4+$0x0], $0xffff  }
0xd6: {  	v8 =	vadd.s32 s16, v0;
	v2 =	vadd.f32 v5, v2  }
0xd7: {  	s18 =	simm.s32 $0xA;
	v5 =	vld.idx.msk [tilespmem:v6+s4+$0x0], $0xffff  }
0xd8: {  	s19 =	simm.s32 $0xB;
	s23 =	simm.s32 $0x110;
	v6 =	vadd.s32 s18, v0;
	v2 =	vadd.f32 v4, v2  }
0xd9: {  	s24 =	simm.s32 $0xC;
	v9 =	vadd.s32 s23, v0;
	v4 =	vld.idx.msk [tilespmem:v7+s4+$0x0], $0xffff;
	v7 =	vadd.s32 s19, v0  }
0xda: {  	v10 =	vadd.s32 s24, v0;
	v9 =	vand.u32 $0x7F8, v9;
	v2 =	vadd.f32 v3, v2  }
0xdb: {  	s26 =	simm.s32 $0x111;
	v3 =	vld.idx.msk [tilespmem:v8+s4+$0x0], $0xffff;
	v8 =	vor.u32 v1, v9  }
0xdc: {  	s29 =	simm.s32 $0xD;
	v9 =	vadd.s32 s26, v0;
	v2 =	vadd.f32 v5, v2  }
0xdd: {  	s30 =	simm.s32 $0x112;
	v5 =	vld.idx.msk [tilespmem:v6+s4+$0x0], $0xffff;
	v6 =	vadd.s32 s29, v0  }
0xde: {  	v11 =	vadd.s32 s30, v0;
	s18 =	simm.s32 $0x113;
	v7 =	vld.idx.msk [tilespmem:v7+s4+$0x0], $0xffff;
	v2 =	vadd.f32 v4, v2  }
0xdf: {  	s16 =	simm.s32 $0xE;
	v59 =	vadd.s32 s18, v0;
	v4 =	vld.idx.msk [tilespmem:v10+s4+$0x0], $0xffff  }
0xe0: {  	v10 =	vadd.s32 s16, v0;
	v8 =	vld.idx.msk [tilespmem:v8+s4+$0x0], $0xffff;
	v2 =	vadd.f32 v3, v2  }
0xe1: {  	s19 =	simm.s32 $0x114;
	v9 =	vld.idx.msk [tilespmem:v9+s4+$0x0], $0xffff;
	v3 =	vadd.s32 s15, v0  }
0xe2: {  	s23 =	simm.s32 $0x115;
	v60 =	vadd.s32 s19, v0;
	v61 =	vld.idx.msk [tilespmem:v6+s4+$0x0], $0xffff;
	v2 =	vadd.f32 v5, v2  }
0xe3: {  	s24 =	simm.s32 $0x116;
	v5 =	vld.idx.msk [tilespmem:v11+s4+$0x0], $0xffff;
	v11 =	vadd.s32 s23, v0  }
0xe4: {  	v62 =	vadd.s32 s24, v0;
	s26 =	simm.s32 $0x117;
	v12 =	vld.idx.msk [tilespmem:v59+s4+$0x0], $0xffff;
	v6 =	vadd.f32 v7, v2  }
0xe5: {  	v63 =	vadd.s32 s26, v0;
	s29 =	simm.s32 $0x118;
	v10 =	vld.idx.msk [tilespmem:v10+s4+$0x0], $0xffff  }
0xe6: {  	v7 =	vadd.f32 v9, v8;
	v8 =	vadd.s32 s29, v0;
	v2 =	vld.idx.msk [tilespmem:v3+s4+$0x0], $0xffff;
	v3 =	vadd.f32 v4, v6  }
0xe7: {  	v8 =	vand.u32 $0x7F8, v8;
	v6 =	vld.idx.msk [tilespmem:v60+s4+$0x0], $0xffff  }
0xe8: {  	v9 =	vor.u32 v1, v8;
	v4 =	vld.idx.msk [tilespmem:v11+s4+$0x0], $0xffff;
	v5 =	vadd.f32 v5, v7;
	v11 =	vadd.f32 v61, v3  }
0xe9: {  	s1 =	simm.s32 $0x11A;
	s30 =	simm.s32 $0x119;
	s19 =	simm.s32 $0x11F;
	v3 =	vld.idx.msk [tilespmem:v62+s4+$0x0], $0xffff  }
0xea: {  	s16 =	smov.u32 s14;
	s15 =	smov.u32 s14;
	s23 =	simm.s32 $0x22F;
	v8 =	vadd.s32 s30, v0;
	v7 =	vadd.f32 v10, v11;
	v10 =	vadd.f32 v12, v5;
	v5 =	vld.idx.msk [tilespmem:v63+s4+$0x0], $0xffff  }
.LBB2_9:
0xeb: {  	p0 =	sne.s32 s23, $0x33F  }
0xec: {  	v11 =	vadd.s32 s1, v0;
	v2 =	vadd.f32 v2, v7;
	s15 =	sadd.s32 $0x10, s15;
	s1 =	smov.u32 s23;
	s23 =	sadd.s32 $0x110, s23  }
0xed: {  	s2 =	sadd.s32 $0xFFFFFFFC, s19;
	v6 =	vadd.f32 v6, v10;
	v7 =	vld.idx.msk [tilespmem:v9+s4+$0x0], $0xffff  }
0xee: {  	s24 =	sadd.s32 $0xFFFFFFF1, s1;
	v9 =	vadd.s32 s2, v0;
	[tilespmem:s16+$0x0] =	vst v2;
	s16 =	smov.u32 s15  }
0xef: {  	s2 =	sadd.s32 $0xFFFFFFFD, s19;
	v2 =	vadd.s32 s24, v0;
	v4 =	vadd.f32 v4, v6;
	v6 =	vld.idx.msk [tilespmem:v8+s4+$0x0], $0xffff  }
0xf0: {  	s24 =	sadd.s32 $0xFFFFFFF2, s1;
	v2 =	vand.u32 $0x7F8, v2;
	v8 =	vadd.s32 s2, v0  }
0xf1: {  	v10 =	vadd.s32 s24, v0;
	s2 =	sadd.s32 $0xFFFFFFFE, s19;
	v2 =	vor.u32 v1, v2;
	v3 =	vadd.f32 v3, v4;
	v4 =	vld.idx.msk [tilespmem:v11+s4+$0x0], $0xffff  }
0xf2: {  	s24 =	sadd.s32 $0xFFFFFFF3, s1;
	v11 =	vadd.s32 s2, v0  }
0xf3: {  	v12 =	vadd.s32 s24, v0;
	v3 =	vadd.f32 v5, v3;
	v5 =	vld.idx.msk [tilespmem:v9+s4+$0x0], $0xffff  }
0xf4: {  	s24 =	sadd.s32 $0xFFFFFFFF, s19;
	s2 =	sadd.s32 $0xFFFFFFF4, s1  }
0xf5: {  	v9 =	vadd.s32 s2, v0;
	v3 =	vadd.f32 v7, v3;
	v7 =	vld.idx.msk [tilespmem:v8+s4+$0x0], $0xffff;
	v8 =	vadd.s32 s24, v0  }
0xf6: {  	s2 =	sadd.s32 $0xFFFFFFF5, s1;
	v13 =	vld.idx.msk [tilespmem:v2+s4+$0x0], $0xffff  }
0xf7: {  	v14 =	vadd.s32 s2, v0;
	v2 =	vadd.f32 v6, v3;
	v3 =	vld.idx.msk [tilespmem:v11+s4+$0x0], $0xffff;
	v6 =	vadd.s32 s19, v0;
	s19 =	smov.u32 s1  }
0xf8: {  	v10 =	vld.idx.msk [tilespmem:v10+s4+$0x0], $0xffff;
	s1 =	sadd.s32 $0xFFFFFFF6, s19  }
0xf9: {  	v11 =	vld.idx.msk [tilespmem:v12+s4+$0x0], $0xffff;
	v12 =	vadd.s32 s1, v0;
	v2 =	vadd.f32 v4, v2  }
0xfa: {  	s1 =	sadd.s32 $0xFFFFFFF7, s19;
	v15 =	vld.idx.msk [tilespmem:v8+s4+$0x0], $0xffff  }
0xfb: {  	v8 =	vadd.s32 s1, v0;
	v16 =	vld.idx.msk [tilespmem:v9+s4+$0x0], $0xffff;
	v4 =	vadd.f32 v5, v2  }
0xfc: {  	s2 =	sadd.s32 $0xFFFFFFF9, s19;
	s1 =	sadd.s32 $0xFFFFFFF8, s19;
	v2 =	vld.idx.msk [tilespmem:v6+s4+$0x0], $0xffff  }
0xfd: {  	v5 =	vadd.s32 s1, v0;
	v9 =	vadd.s32 s2, v0;
	v6 =	vld.idx.msk [tilespmem:v14+s4+$0x0], $0xffff;
	v7 =	vadd.f32 v7, v4  }
.Ltmp3:
0xfe: {  	v9 =	vand.u32 $0x7F8, v9;
	v10 =	vadd.f32 v10, v13;
	v4 =	vld.idx.msk [tilespmem:v12+s4+$0x0], $0xffff;
	(pc) =	sbr.rel @p0 .LBB2_9-.Ltmp3, $4  }
0xff: {  	v9 =	vor.u32 v1, v9;
	v7 =	vadd.f32 v3, v7  }
0x100: {  	s1 =	sadd.s32 $0xFFFFFFFA, s19;
	v10 =	vadd.f32 v11, v10;
	v3 =	vld.idx.msk [tilespmem:v8+s4+$0x0], $0xffff  }
0x101: {  	v8 =	vadd.s32 s1, v0;
	v7 =	vadd.f32 v15, v7  }
0x102: {  	s1 =	sadd.s32 $0xFFFFFFFB, s19;
	v10 =	vadd.f32 v16, v10;
	v5 =	vld.idx.msk [tilespmem:v5+s4+$0x0], $0xffff  }
0x103: {  	_ = 	snop  }
0x104: {  	v6 =	vadd.f32 v6, v10;
	_ =	sdelay $0x1  }
0x105: {  	v50 =	vadd.s32 s1, v0;
	v4 =	vadd.f32 v4, v6  }
0x106: {  	v51 =	vld.idx.msk [tilespmem:v9+s4+$0x0], $0xffff;
	s23 =	sadd.s32 $0xFFFFFFFC, s19  }
0x107: {  	v52 =	vadd.s32 s23, v0;
	v3 =	vadd.f32 v3, v4  }
0x108: {  	v53 =	vld.idx.msk [tilespmem:v8+s4+$0x0], $0xffff;
	s24 =	sadd.s32 $0xFFFFFFFD, s19  }
0x109: {  	v54 =	vadd.s32 s24, v0;
	v3 =	vadd.f32 v5, v3  }
0x10a: {  	s26 =	sadd.s32 $0xFFFFFFFE, s19;
	v55 =	vld.idx.msk [tilespmem:v50+s4+$0x0], $0xffff  }
0x10b: {  	v56 =	vadd.s32 s26, v0;
	v3 =	vadd.f32 v51, v3  }
0x10c: {  	s29 =	sadd.s32 $0xFFFFFFFF, s19;
	v57 =	vld.idx.msk [tilespmem:v52+s4+$0x0], $0xffff  }
0x10d: {  	v58 =	vadd.s32 s29, v0;
	v3 =	vadd.f32 v53, v3  }
0x10e: {  	v59 =	vld.idx.msk [tilespmem:v54+s4+$0x0], $0xffff  }
0x10f: {  	v60 =	vadd.s32 s19, v0;
	v3 =	vadd.f32 v55, v3  }
0x110: {  	v61 =	vld.idx.msk [tilespmem:v56+s4+$0x0], $0xffff  }
0x111: {  	v3 =	vadd.f32 v57, v3  }
0x112: {  	v62 =	vld.idx.msk [tilespmem:v58+s4+$0x0], $0xffff  }
0x113: {  	v3 =	vadd.f32 v59, v3  }
0x114: {  	v63 =	vld.idx.msk [tilespmem:v60+s4+$0x0], $0xffff  }
0x115: {  	s11 =	sadd.s32 $0x1, s11;
	v3 =	vadd.f32 v61, v3  }
0x116: {  	p0 =	sne.s32 s11, $0x10  }
.Ltmp4:
0x117: {  	v3 =	vadd.f32 v62, v3;
	(pc) =	sbr.rel @p0 .LBB2_6-.Ltmp4, $4  }
0x118: {  	v2 =	vadd.f32 v2, v7  }
0x119: {  	v3 =	vadd.f32 v63, v3  }
0x11a: {  	s30 =	sadd.s32 $0x10, s15;
	[tilespmem:s16+$0x0] =	vst v2  }
0x11b: {  	s12 =	sadd.s32 $0x40, s12;
	s14 =	sadd.s32 $0x40, s14;
	[tilespmem:s30+$0x0] =	vst v3  }
0x11c: {  	s1 =	simm.s32 $0x1AD40  }
0x11d: {  	[hbm4b:s13+s3] =	stream.linear.scatter [tilespmem:s1], [sflag:$0x5], $0x400, $0x38;
	[tilespmem:$0x1B540] =	vst v63  }
0x11e: {  	_ =	swait.ge [sflag:s25], $0x10  }
0x11f: {  	[sflag:s25] =	ssyncset.done $0x0  }
0x120: {  	[sflag:s25] =	ssyncadd.s32 $0xFFFFFFF0  }
0x121: {  	_ =	swait.ge [sflag:s25], $0x320  }
0x122: {  	[sflag:s25] =	ssyncset.done $0x0  }
0x123: {  	[sflag:s25] =	ssyncadd.s32 $0xFFFFFCE0  }
0x124: {  	v2 =	vld [tilespmem:$0x0];
	_ =	sdelay $0x4  }
0x125: {  	v2 =	vshll.u32 v2, $0x1  }
0x126: {  	s29 =	simm.s32 $0xCA0;
	s30 =	simm.s32 $0x40;
	[tilespmem:$0x0] =	vst v2  }
0x127: {  	[tilespmem:s29], [sflag:$0x3] =	stream.indirect.gather [hbm4b:s5+s21], $0x40, s3, s21, $0xb8;
	[tilespmem:$0x1B540] =	vst v63  }
0x128: {  	v2 =	vld [tilespmem:s30+$0xFFFFFFE0]  }
0x129: {  	v4 =	vld [tilespmem:s30+$0x10]  }
0x12a: {  	v3 =	vld [tilespmem:s30+$0x20]  }
0x12b: {  	v5 =	vld [tilespmem:s30+$0x0]  }
0x12c: {  	v6 =	vld [tilespmem:s30+$0xFFFFFFF0]  }
0x12d: {  	s2 =	simm.s32 $0x90;
	s1 =	simm.s32 $0x680;
	v7 =	vshll.u32 v2, $0x1  }
0x12e: {  	v2 =	vld [tilespmem:s2+$0xFFFFFFE0];
	v8 =	vshll.u32 v4, $0x1;
	[tilespmem:s1+$0xFFFFFFE0] =	vst v7  }
0x12f: {  	v4 =	vld [tilespmem:s2+$0x10];
	v7 =	vshll.u32 v3, $0x1;
	[tilespmem:s1+$0x10] =	vst v8  }
0x130: {  	v3 =	vld [tilespmem:s2+$0x20];
	[tilespmem:s1+$0x20] =	vst v7;
	v7 =	vshll.u32 v5, $0x1  }
0x131: {  	s11 =	simm.s32 $0x5;
	v6 =	vshll.u32 v6, $0x1;
	v5 =	vld [tilespmem:s2+$0x0];
	[tilespmem:s1+$0x0] =	vst v7  }
.LBB2_12:
0x132: {  	s11 =	sadd.s32 $0x5, s11  }
0x133: {  	v7 =	vld [tilespmem:s2+$0xFFFFFFF0];
	[tilespmem:s1+$0xFFFFFFF0] =	vst v6;
	s1 =	sadd.s32 $0x50, s1;
	p0 =	slt.u32 s11, $0x2D  }
.Ltmp5:
0x134: {  	s2 =	sadd.s32 $0x50, s2;
	v6 =	vshll.u32 v2, $0x1;
	(pc) =	sbr.rel @p0 .LBB2_12-.Ltmp5, $4  }
0x135: {  	v2 =	vld [tilespmem:s2+$0xFFFFFFE0];
	[tilespmem:s1+$0xFFFFFFE0] =	vst v6;
	v6 =	vshll.u32 v3, $0x1  }
0x136: {  	v3 =	vld [tilespmem:s2+$0x20];
	v8 =	vshll.u32 v4, $0x1;
	[tilespmem:s1+$0x20] =	vst v6  }
0x137: {  	v4 =	vld [tilespmem:s2+$0x10];
	v9 =	vshll.u32 v5, $0x1;
	[tilespmem:s1+$0x10] =	vst v8  }
0x138: {  	v5 =	vld [tilespmem:s2+$0x0];
	v6 =	vshll.u32 v7, $0x1;
	[tilespmem:s1+$0x0] =	vst v9  }
0x139: {  	v7 =	vld [tilespmem:s2+$0xFFFFFFF0]  }
0x13a: {  	[tilespmem:s1+$0xFFFFFFF0] =	vst v6;
	s12 =	sadd.s32 $0x50, s1;
	v2 =	vshll.u32 v2, $0x1  }
0x13b: {  	[tilespmem:s12+$0xFFFFFFE0] =	vst v2;
	v2 =	vshll.u32 v3, $0x1  }
0x13c: {  	v3 =	vshll.u32 v4, $0x1;
	[tilespmem:s12+$0x20] =	vst v2  }
0x13d: {  	v2 =	vshll.u32 v5, $0x1;
	[tilespmem:s12+$0x10] =	vst v3  }
0x13e: {  	v3 =	vshll.u32 v7, $0x1;
	[tilespmem:s12+$0x0] =	vst v2  }
0x13f: {  	s14 =	simm.s32 $0x660;
	s15 =	simm.s32 $0x14A0;
	[tilespmem:s12+$0xFFFFFFF0] =	vst v3  }
0x140: {  	[tilespmem:s15], [sflag:$0x3] =	stream.indirect.gather [hbm4b:s6+s28], $0x40, s14, s28, $0xb8;
	[tilespmem:$0x1B540] =	vst v63  }
0x141: {  	s16 =	simm.s32 $0x6B0;
	s18 =	simm.s32 $0x28A0  }
0x142: {  	[tilespmem:s18], [sflag:$0x3] =	stream.indirect.gather [hbm4b:s6+s28], $0x40, s16, s28, $0xb8;
	[tilespmem:$0x1B540] =	vst v63  }
0x143: {  	s19 =	simm.s32 $0x700;
	s23 =	simm.s32 $0x3CA0  }
0x144: {  	[tilespmem:s23], [sflag:$0x3] =	stream.indirect.gather [hbm4b:s6+s28], $0x40, s19, s28, $0xb8;
	[tilespmem:$0x1B540] =	vst v63  }
0x145: {  	s24 =	simm.s32 $0x750;
	s26 =	simm.s32 $0x50A0  }
0x146: {  	[tilespmem:s26], [sflag:$0x3] =	stream.indirect.gather [hbm4b:s6+s28], $0x40, s24, s28, $0xb8;
	[tilespmem:$0x1B540] =	vst v63  }
0x147: {  	s29 =	simm.s32 $0x7A0;
	s30 =	simm.s32 $0x64A0  }
0x148: {  	[tilespmem:s30], [sflag:$0x3] =	stream.indirect.gather [hbm4b:s6+s28], $0x40, s29, s28, $0xb8;
	[tilespmem:$0x1B540] =	vst v63  }
0x149: {  	s2 =	simm.s32 $0x7F0;
	s11 =	simm.s32 $0x78A0  }
0x14a: {  	[tilespmem:s11], [sflag:$0x3] =	stream.indirect.gather [hbm4b:s6+s28], $0x40, s2, s28, $0xb8;
	[tilespmem:$0x1B540] =	vst v63  }
0x14b: {  	s12 =	simm.s32 $0x840;
	s14 =	simm.s32 $0x8CA0  }
0x14c: {  	[tilespmem:s14], [sflag:$0x3] =	stream.indirect.gather [hbm4b:s6+s28], $0x40, s12, s28, $0xb8;
	[tilespmem:$0x1B540] =	vst v63  }
0x14d: {  	s15 =	simm.s32 $0x890;
	s16 =	simm.s32 $0xA0A0  }
0x14e: {  	[tilespmem:s16], [sflag:$0x3] =	stream.indirect.gather [hbm4b:s6+s28], $0x40, s15, s28, $0xb8;
	[tilespmem:$0x1B540] =	vst v63  }
0x14f: {  	s18 =	simm.s32 $0x8E0;
	s19 =	simm.s32 $0xB4A0  }
0x150: {  	[tilespmem:s19], [sflag:$0x3] =	stream.indirect.gather [hbm4b:s6+s28], $0x40, s18, s28, $0xb8;
	[tilespmem:$0x1B540] =	vst v63  }
0x151: {  	s23 =	simm.s32 $0x930;
	s24 =	simm.s32 $0xC8A0  }
0x152: {  	[tilespmem:s24], [sflag:$0x3] =	stream.indirect.gather [hbm4b:s6+s28], $0x40, s23, s28, $0xb8;
	[tilespmem:$0x1B540] =	vst v63  }
0x153: {  	_ =	swait.ge [sflag:s7], $0x400  }
0x154: {  	[sflag:s7] =	ssyncset.done $0x0  }
0x155: {  	[sflag:s7] =	ssyncadd.s32 $0xFFFFFC00  }
0x156: {  	_ =	swait.ge [sflag:s7], $0xC800  }
0x157: {  	s30 =	simm.s32 $0x340;
	[sflag:s7] =	ssyncset.done $0x0  }
0x158: {  	s11 =	simm.s32 $0x0;
	s26 =	rddreg [dreg:$0xa];
	[sflag:s7] =	ssyncadd.s32 $0xFFFF3800  }
0x159: {  	[tilespmem:s21], [sflag:$0x2] =	stream.linear.gather [hbm4b:s26+s11], $0x10, $0x38;
	[tilespmem:$0x1B540] =	vst v63  }
0x15a: {  	s12 =	simm.s32 $0xECD0;
	s14 =	simm.s32 $0x1B140;
	s29 =	rddreg [dreg:$0xb]  }
0x15b: {  	[tilespmem:s30], [sflag:$0x2] =	stream.strided.gather [hbm4b:s29+s21], $0x320, s22, s21, $0x38;
	[tilespmem:$0x1B540] =	vst v63  }
.LBB2_14:
0x15c: {  	v6 =	vld [tilespmem:s12+$0xFFFFFFD0]  }
0x15d: {  	v7 =	vld [tilespmem:s12+$0xFFFFFFE0]  }
0x15e: {  	v8 =	vld [tilespmem:s12+$0xFFFFFFF0]  }
0x15f: {  	v9 =	vld [tilespmem:s12+$0x0]  }
0x160: {  	v11 =	vld [tilespmem:s12+$0xFFFFEFE0]  }
0x161: {  	v10 =	vld [tilespmem:s12+$0xFFFFEFF0]  }
0x162: {  	s1 =	sshll.u32 s11, $0x6;
	v12 =	vld [tilespmem:s12+$0xFFFFF000]  }
0x163: {  	v2 =	vld [tilespmem:s1+$0x10A0]  }
0x164: {  	v3 =	vld [tilespmem:s1+$0x10B0]  }
0x165: {  	v4 =	vld [tilespmem:s1+$0x10C0]  }
0x166: {  	v5 =	vld [tilespmem:s1+$0x10D0]  }
0x167: {  	v13 =	vld [tilespmem:s12+$0xFFFFF3D0]  }
0x168: {  	v14 =	vld [tilespmem:s12+$0xFFFFF3E0]  }
0x169: {  	v15 =	vld [tilespmem:s12+$0xFFFFF3F0]  }
0x16a: {  	v16 =	vld [tilespmem:s12+$0xFFFFF400];
	v6 =	vmul.f32 v6, v2;
	v7 =	vmul.f32 v7, v3  }
0x16b: {  	v17 =	vld [tilespmem:s12+$0xFFFFF7D0];
	v8 =	vmul.f32 v8, v4;
	v9 =	vmul.f32 v9, v5  }
0x16c: {  	v18 =	vld [tilespmem:s12+$0xFFFFF7E0]  }
0x16d: {  	v19 =	vld [tilespmem:s12+$0xFFFFF7F0];
	v6 =	vadd.f32 v7, v6;
	v7 =	vadd.f32 v9, v8  }
0x16e: {  	v20 =	vld [tilespmem:s12+$0xFFFFF800];
	v9 =	vmul.f32 v13, v2;
	v13 =	vmul.f32 v14, v3  }
0x16f: {  	v8 =	vld [tilespmem:s12+$0xFFFFFBD0];
	v21 =	vadd.f32 v7, v6;
	v6 =	vmul.f32 v15, v4;
	v7 =	vmul.f32 v16, v5  }
0x170: {  	s16 =	simm.s32 $0x44;
	s19 =	simm.s32 $0x0;
	s30 =	simm.s32 $0x0;
	v12 =	vmul.f32 v12, v5;
	v14 =	vmul.f32 v10, v4;
	v13 =	vadd.f32 v13, v9;
	v9 =	vld [tilespmem:s12+$0xFFFFFBE0]  }
0x171: {  	s2 =	simm.s32 $0x11;
	s24 =	simm.s32 $0x22;
	s26 =	simm.s32 $0x33;
	v10 =	vld [tilespmem:s12+$0xFFFFFBF0];
	v16 =	vmul.f32 v17, v2;
	v17 =	vmul.f32 v18, v3;
	v15 =	vadd.f32 v7, v6  }
0x172: {  	s15 =	sand.u32 $0xFFF, s16;
	s23 =	sand.u32 $0x7FF, s30;
	s1 =	sand.u32 $0xFFF, s2;
	v6 =	vmul.f32 v11, v3;
	v7 =	vadd.f32 v12, v14;
	v14 =	vmul.f32 v19, v4;
	v12 =	vld [tilespmem:s12+$0xFFFFFC00]  }
0x173: {  	s29 =	sand.u32 $0xFFF, s24;
	s26 =	sand.u32 $0xFFF, s26;
	s24 =	sadd.s32 $0x1400, s12;
	[tilespmem:s15+$0x1A8F0] =	vst v21;
	v11 =	vld [tilespmem:s12+$0xFFFFEFD0];
	v15 =	vadd.f32 v15, v13;
	v13 =	vadd.f32 v17, v16;
	v16 =	vmul.f32 v20, v5  }
.LBB2_15:
0x174: {  	v17 =	vld [tilespmem:s24+$0xFFFFFFD0];
	v8 =	vmul.f32 v8, v2  }
0x175: {  	v18 =	vld [tilespmem:s24+$0xFFFFFFE0];
	[tilespmem:s1+$0x1A8F0] =	vst v15;
	v14 =	vadd.f32 v16, v14;
	v9 =	vmul.f32 v9, v3  }
0x176: {  	v15 =	vld [tilespmem:s24+$0xFFFFFFF0];
	v10 =	vmul.f32 v10, v4  }
0x177: {  	s19 =	sadd.s32 $0x5, s19;
	v16 =	vld [tilespmem:s24+$0x0];
	v13 =	vadd.f32 v14, v13;
	v8 =	vadd.f32 v9, v8;
	v9 =	vmul.f32 v12, v5  }
0x178: {  	p0 =	slt.u32 s19, $0x2D;
	v12 =	vld [tilespmem:s24+$0xFFFFEFE0];
	v11 =	vmul.f32 v11, v2  }
0x179: {  	v14 =	vld [tilespmem:s24+$0xFFFFEFF0];
	[tilespmem:s29+$0x1A8F0] =	vst v13;
	v9 =	vadd.f32 v9, v10  }
0x17a: {  	v10 =	vld [tilespmem:s24+$0xFFFFF000];
	v6 =	vadd.f32 v6, v11  }
0x17b: {  	v13 =	vmul.f32 v17, v2;
	v17 =	vmul.f32 v18, v3;
	v11 =	vld [tilespmem:s24+$0xFFFFF3D0];
	v8 =	vadd.f32 v9, v8  }
0x17c: {  	v15 =	vmul.f32 v15, v4;
	v9 =	vld [tilespmem:s24+$0xFFFFF3E0];
	v16 =	vmul.f32 v16, v5;
	v7 =	vadd.f32 v7, v6  }
0x17d: {  	v6 =	vmul.f32 v12, v3;
	v12 =	vld [tilespmem:s24+$0xFFFFF3F0];
	[tilespmem:s26+$0x1A8F0] =	vst v8  }
0x17e: {  	v13 =	vadd.f32 v17, v13;
	v8 =	vmul.f32 v14, v4;
	v14 =	vld [tilespmem:s24+$0xFFFFF400];
	v15 =	vadd.f32 v16, v15;
	[tilespmem:s23+$0x1A8F0] =	vst v7  }
0x17f: {  	s16 =	sadd.s32 $0x55, s16;
	v7 =	vmul.f32 v10, v5;
	v10 =	vld [tilespmem:s24+$0xFFFFF7D0]  }
0x180: {  	s15 =	simm.s32 $0xF;
	s1 =	sadd.s32 $0xFFFFFFBC, s16;
	v11 =	vmul.f32 v11, v2;
	v16 =	vld [tilespmem:s24+$0xFFFFF7E0];
	v13 =	vadd.f32 v15, v13  }
0x181: {  	s2 =	sadd.s32 $0xFFFFFFCD, s16;
	s29 =	sadd.s32 $0xFFFFFFDE, s16;
	s26 =	sand.u32 $0xFFF, s16;
	v7 =	vadd.f32 v7, v8;
	v8 =	vmul.f32 v9, v3;
	v15 =	vld [tilespmem:s24+$0xFFFFF7F0]  }
0x182: {  	s30 =	sadd.s32 $0xFFFFFFEF, s16;
	s29 =	sand.u32 $0xFFF, s29;
	s23 =	sand.u32 $0x7FF, s1;
	v12 =	vmul.f32 v12, v4;
	v17 =	vld [tilespmem:s24+$0xFFFFF800];
	[tilespmem:s26+$0x1A8F0] =	vst v13  }
.Ltmp6:
0x183: {  	s1 =	sand.u32 $0xFFF, s2;
	s26 =	sand.u32 $0xFFF, s30;
	v13 =	vadd.f32 v8, v11;
	v11 =	vmul.f32 v14, v5;
	v8 =	vld [tilespmem:s24+$0xFFFFFBD0];
	(pc) =	sbr.rel @p0 .LBB2_15-.Ltmp6, $4  }
0x184: {  	v18 =	vmul.f32 v10, v2;
	v9 =	vld [tilespmem:s24+$0xFFFFFBE0]  }
0x185: {  	v19 =	vadd.f32 v11, v12;
	v16 =	vmul.f32 v16, v3;
	v10 =	vld [tilespmem:s24+$0xFFFFFBF0]  }
0x186: {  	v14 =	vmul.f32 v15, v4;
	v12 =	vld [tilespmem:s24+$0xFFFFFC00]  }
0x187: {  	v11 =	vld [tilespmem:s24+$0xFFFFEFD0];
	v15 =	vadd.f32 v19, v13;
	v13 =	vadd.f32 v16, v18;
	v16 =	vmul.f32 v17, v5;
	s24 =	sadd.s32 $0x1400, s24  }
0x188: {  	_ =	sdelay $0x1  }
0x189: {  	v8 =	vmul.f32 v8, v2;
	v3 =	vmul.f32 v9, v3  }
0x18a: {  	s2 =	simm.s32 $0x0;
	v4 =	vmul.f32 v10, v4;
	v5 =	vmul.f32 v12, v5  }
0x18b: {  	v9 =	vadd.f32 v16, v14;
	v10 =	vadd.s32 s2, v0;
	v2 =	vmul.f32 v11, v2  }
0x18c: {  	v3 =	vadd.f32 v3, v8;
	v4 =	vadd.f32 v5, v4;
	v5 =	vand.u32 $0x7F8, v10  }
0x18d: {  	s16 =	simm.s32 $0x1;
	v8 =	vadd.f32 v9, v13;
	v2 =	vadd.f32 v6, v2;
	v5 =	vor.u32 v1, v5  }
0x18e: {  	[tilespmem:s1+$0x1A8F0] =	vst v15;
	v3 =	vadd.f32 v4, v3;
	v4 =	vadd.s32 s16, v0  }
0x18f: {  	s18 =	simm.s32 $0x2;
	[tilespmem:s29+$0x1A8F0] =	vst v8;
	v2 =	vadd.f32 v7, v2  }
0x190: {  	[tilespmem:s26+$0x1A8F0] =	vst v3;
	v3 =	vadd.s32 s18, v0  }
0x191: {  	s19 =	simm.s32 $0x3;
	[tilespmem:s23+$0x1A8F0] =	vst v2  }
0x192: {  	v2 =	vadd.s32 s19, v0;
	v5 =	vld.idx.msk [tilespmem:v5+s8+$0x0], $0xffff  }
0x193: {  	s23 =	simm.s32 $0x4;
	v4 =	vld.idx.msk [tilespmem:v4+s8+$0x0], $0xffff  }
0x194: {  	v6 =	vadd.s32 s23, v0  }
0x195: {  	s24 =	simm.s32 $0x5;
	v3 =	vld.idx.msk [tilespmem:v3+s8+$0x0], $0xffff  }
0x196: {  	v7 =	vadd.s32 s24, v0  }
0x197: {  	s26 =	simm.s32 $0x6;
	v2 =	vld.idx.msk [tilespmem:v2+s8+$0x0], $0xffff  }
0x198: {  	v8 =	vadd.s32 s26, v0;
	v4 =	vadd.f32 v4, v5  }
0x199: {  	s30 =	simm.s32 $0x8;
	s29 =	simm.s32 $0x7;
	v5 =	vld.idx.msk [tilespmem:v6+s8+$0x0], $0xffff  }
0x19a: {  	v9 =	vadd.s32 s30, v0;
	v6 =	vadd.s32 s29, v0;
	v3 =	vadd.f32 v3, v4  }
0x19b: {  	v4 =	vld.idx.msk [tilespmem:v7+s8+$0x0], $0xffff;
	v7 =	vand.u32 $0x7F8, v9  }
0x19c: {  	v7 =	vor.u32 v1, v7;
	v2 =	vadd.f32 v2, v3  }
0x19d: {  	s16 =	simm.s32 $0x9;
	v3 =	vld.idx.msk [tilespmem:v8+s8+$0x0], $0xffff  }
0x19e: {  	v8 =	vadd.s32 s16, v0;
	v2 =	vadd.f32 v5, v2  }
0x19f: {  	s18 =	simm.s32 $0xA;
	v5 =	vld.idx.msk [tilespmem:v6+s8+$0x0], $0xffff  }
0x1a0: {  	s19 =	simm.s32 $0xB;
	s23 =	simm.s32 $0x110;
	v6 =	vadd.s32 s18, v0;
	v2 =	vadd.f32 v4, v2  }
0x1a1: {  	s24 =	simm.s32 $0xC;
	v9 =	vadd.s32 s23, v0;
	v4 =	vld.idx.msk [tilespmem:v7+s8+$0x0], $0xffff;
	v7 =	vadd.s32 s19, v0  }
0x1a2: {  	v10 =	vadd.s32 s24, v0;
	v9 =	vand.u32 $0x7F8, v9;
	v2 =	vadd.f32 v3, v2  }
0x1a3: {  	s26 =	simm.s32 $0x111;
	v3 =	vld.idx.msk [tilespmem:v8+s8+$0x0], $0xffff;
	v8 =	vor.u32 v1, v9  }
0x1a4: {  	s29 =	simm.s32 $0xD;
	v9 =	vadd.s32 s26, v0;
	v2 =	vadd.f32 v5, v2  }
0x1a5: {  	s30 =	simm.s32 $0x112;
	v5 =	vld.idx.msk [tilespmem:v6+s8+$0x0], $0xffff;
	v6 =	vadd.s32 s29, v0  }
0x1a6: {  	v11 =	vadd.s32 s30, v0;
	s18 =	simm.s32 $0x113;
	v7 =	vld.idx.msk [tilespmem:v7+s8+$0x0], $0xffff;
	v2 =	vadd.f32 v4, v2  }
0x1a7: {  	s16 =	simm.s32 $0xE;
	v59 =	vadd.s32 s18, v0;
	v4 =	vld.idx.msk [tilespmem:v10+s8+$0x0], $0xffff  }
0x1a8: {  	v10 =	vadd.s32 s16, v0;
	v8 =	vld.idx.msk [tilespmem:v8+s8+$0x0], $0xffff;
	v2 =	vadd.f32 v3, v2  }
0x1a9: {  	s19 =	simm.s32 $0x114;
	v9 =	vld.idx.msk [tilespmem:v9+s8+$0x0], $0xffff;
	v3 =	vadd.s32 s15, v0  }
0x1aa: {  	s23 =	simm.s32 $0x115;
	v60 =	vadd.s32 s19, v0;
	v61 =	vld.idx.msk [tilespmem:v6+s8+$0x0], $0xffff;
	v2 =	vadd.f32 v5, v2  }
0x1ab: {  	s24 =	simm.s32 $0x116;
	v5 =	vld.idx.msk [tilespmem:v11+s8+$0x0], $0xffff;
	v11 =	vadd.s32 s23, v0  }
0x1ac: {  	v62 =	vadd.s32 s24, v0;
	s26 =	simm.s32 $0x117;
	v12 =	vld.idx.msk [tilespmem:v59+s8+$0x0], $0xffff;
	v6 =	vadd.f32 v7, v2  }
0x1ad: {  	v63 =	vadd.s32 s26, v0;
	s29 =	simm.s32 $0x118;
	v10 =	vld.idx.msk [tilespmem:v10+s8+$0x0], $0xffff  }
0x1ae: {  	v7 =	vadd.f32 v9, v8;
	v8 =	vadd.s32 s29, v0;
	v2 =	vld.idx.msk [tilespmem:v3+s8+$0x0], $0xffff;
	v3 =	vadd.f32 v4, v6  }
0x1af: {  	v8 =	vand.u32 $0x7F8, v8;
	v6 =	vld.idx.msk [tilespmem:v60+s8+$0x0], $0xffff  }
0x1b0: {  	v9 =	vor.u32 v1, v8;
	v4 =	vld.idx.msk [tilespmem:v11+s8+$0x0], $0xffff;
	v5 =	vadd.f32 v5, v7;
	v11 =	vadd.f32 v61, v3  }
0x1b1: {  	s1 =	simm.s32 $0x11A;
	s30 =	simm.s32 $0x119;
	s19 =	simm.s32 $0x11F;
	v3 =	vld.idx.msk [tilespmem:v62+s8+$0x0], $0xffff  }
0x1b2: {  	s16 =	smov.u32 s14;
	s15 =	smov.u32 s14;
	s23 =	simm.s32 $0x22F;
	v8 =	vadd.s32 s30, v0;
	v7 =	vadd.f32 v10, v11;
	v10 =	vadd.f32 v12, v5;
	v5 =	vld.idx.msk [tilespmem:v63+s8+$0x0], $0xffff  }
.LBB2_17:
0x1b3: {  	p0 =	sne.s32 s23, $0x33F  }
0x1b4: {  	v11 =	vadd.s32 s1, v0;
	v2 =	vadd.f32 v2, v7;
	s15 =	sadd.s32 $0x10, s15;
	s1 =	smov.u32 s23;
	s23 =	sadd.s32 $0x110, s23  }
0x1b5: {  	s2 =	sadd.s32 $0xFFFFFFFC, s19;
	v6 =	vadd.f32 v6, v10;
	v7 =	vld.idx.msk [tilespmem:v9+s8+$0x0], $0xffff  }
0x1b6: {  	s24 =	sadd.s32 $0xFFFFFFF1, s1;
	v9 =	vadd.s32 s2, v0;
	[tilespmem:s16+$0x0] =	vst v2;
	s16 =	smov.u32 s15  }
0x1b7: {  	s2 =	sadd.s32 $0xFFFFFFFD, s19;
	v2 =	vadd.s32 s24, v0;
	v4 =	vadd.f32 v4, v6;
	v6 =	vld.idx.msk [tilespmem:v8+s8+$0x0], $0xffff  }
0x1b8: {  	s24 =	sadd.s32 $0xFFFFFFF2, s1;
	v2 =	vand.u32 $0x7F8, v2;
	v8 =	vadd.s32 s2, v0  }
0x1b9: {  	v10 =	vadd.s32 s24, v0;
	s2 =	sadd.s32 $0xFFFFFFFE, s19;
	v2 =	vor.u32 v1, v2;
	v3 =	vadd.f32 v3, v4;
	v4 =	vld.idx.msk [tilespmem:v11+s8+$0x0], $0xffff  }
0x1ba: {  	s24 =	sadd.s32 $0xFFFFFFF3, s1;
	v11 =	vadd.s32 s2, v0  }
0x1bb: {  	v12 =	vadd.s32 s24, v0;
	v3 =	vadd.f32 v5, v3;
	v5 =	vld.idx.msk [tilespmem:v9+s8+$0x0], $0xffff  }
0x1bc: {  	s24 =	sadd.s32 $0xFFFFFFFF, s19;
	s2 =	sadd.s32 $0xFFFFFFF4, s1  }
0x1bd: {  	v9 =	vadd.s32 s2, v0;
	v3 =	vadd.f32 v7, v3;
	v7 =	vld.idx.msk [tilespmem:v8+s8+$0x0], $0xffff;
	v8 =	vadd.s32 s24, v0  }
0x1be: {  	s2 =	sadd.s32 $0xFFFFFFF5, s1;
	v13 =	vld.idx.msk [tilespmem:v2+s8+$0x0], $0xffff  }
0x1bf: {  	v14 =	vadd.s32 s2, v0;
	v2 =	vadd.f32 v6, v3;
	v3 =	vld.idx.msk [tilespmem:v11+s8+$0x0], $0xffff;
	v6 =	vadd.s32 s19, v0;
	s19 =	smov.u32 s1  }
0x1c0: {  	v10 =	vld.idx.msk [tilespmem:v10+s8+$0x0], $0xffff;
	s1 =	sadd.s32 $0xFFFFFFF6, s19  }
0x1c1: {  	v11 =	vld.idx.msk [tilespmem:v12+s8+$0x0], $0xffff;
	v12 =	vadd.s32 s1, v0;
	v2 =	vadd.f32 v4, v2  }
0x1c2: {  	s1 =	sadd.s32 $0xFFFFFFF7, s19;
	v15 =	vld.idx.msk [tilespmem:v8+s8+$0x0], $0xffff  }
0x1c3: {  	v8 =	vadd.s32 s1, v0;
	v16 =	vld.idx.msk [tilespmem:v9+s8+$0x0], $0xffff;
	v4 =	vadd.f32 v5, v2  }
0x1c4: {  	s2 =	sadd.s32 $0xFFFFFFF9, s19;
	s1 =	sadd.s32 $0xFFFFFFF8, s19;
	v2 =	vld.idx.msk [tilespmem:v6+s8+$0x0], $0xffff  }
0x1c5: {  	v5 =	vadd.s32 s1, v0;
	v9 =	vadd.s32 s2, v0;
	v6 =	vld.idx.msk [tilespmem:v14+s8+$0x0], $0xffff;
	v7 =	vadd.f32 v7, v4  }
.Ltmp7:
0x1c6: {  	v9 =	vand.u32 $0x7F8, v9;
	v10 =	vadd.f32 v10, v13;
	v4 =	vld.idx.msk [tilespmem:v12+s8+$0x0], $0xffff;
	(pc) =	sbr.rel @p0 .LBB2_17-.Ltmp7, $4  }
0x1c7: {  	v9 =	vor.u32 v1, v9;
	v7 =	vadd.f32 v3, v7  }
0x1c8: {  	s1 =	sadd.s32 $0xFFFFFFFA, s19;
	v10 =	vadd.f32 v11, v10;
	v3 =	vld.idx.msk [tilespmem:v8+s8+$0x0], $0xffff  }
0x1c9: {  	v8 =	vadd.s32 s1, v0;
	v7 =	vadd.f32 v15, v7  }
0x1ca: {  	s1 =	sadd.s32 $0xFFFFFFFB, s19;
	v10 =	vadd.f32 v16, v10;
	v5 =	vld.idx.msk [tilespmem:v5+s8+$0x0], $0xffff  }
0x1cb: {  	_ = 	snop  }
0x1cc: {  	v6 =	vadd.f32 v6, v10;
	_ =	sdelay $0x1  }
0x1cd: {  	v50 =	vadd.s32 s1, v0;
	v4 =	vadd.f32 v4, v6  }
0x1ce: {  	v51 =	vld.idx.msk [tilespmem:v9+s8+$0x0], $0xffff;
	s23 =	sadd.s32 $0xFFFFFFFC, s19  }
0x1cf: {  	v52 =	vadd.s32 s23, v0;
	v3 =	vadd.f32 v3, v4  }
0x1d0: {  	v53 =	vld.idx.msk [tilespmem:v8+s8+$0x0], $0xffff;
	s24 =	sadd.s32 $0xFFFFFFFD, s19  }
0x1d1: {  	v54 =	vadd.s32 s24, v0;
	v3 =	vadd.f32 v5, v3  }
0x1d2: {  	s26 =	sadd.s32 $0xFFFFFFFE, s19;
	v55 =	vld.idx.msk [tilespmem:v50+s8+$0x0], $0xffff  }
0x1d3: {  	v56 =	vadd.s32 s26, v0;
	v3 =	vadd.f32 v51, v3  }
0x1d4: {  	s29 =	sadd.s32 $0xFFFFFFFF, s19;
	v57 =	vld.idx.msk [tilespmem:v52+s8+$0x0], $0xffff  }
0x1d5: {  	v58 =	vadd.s32 s29, v0;
	v3 =	vadd.f32 v53, v3  }
0x1d6: {  	v59 =	vld.idx.msk [tilespmem:v54+s8+$0x0], $0xffff  }
0x1d7: {  	v60 =	vadd.s32 s19, v0;
	v3 =	vadd.f32 v55, v3  }
0x1d8: {  	v61 =	vld.idx.msk [tilespmem:v56+s8+$0x0], $0xffff  }
0x1d9: {  	v3 =	vadd.f32 v57, v3  }
0x1da: {  	v62 =	vld.idx.msk [tilespmem:v58+s8+$0x0], $0xffff  }
0x1db: {  	v3 =	vadd.f32 v59, v3  }
0x1dc: {  	v63 =	vld.idx.msk [tilespmem:v60+s8+$0x0], $0xffff  }
0x1dd: {  	s11 =	sadd.s32 $0x1, s11;
	v3 =	vadd.f32 v61, v3  }
0x1de: {  	p0 =	sne.s32 s11, $0x10  }
.Ltmp8:
0x1df: {  	v3 =	vadd.f32 v62, v3;
	(pc) =	sbr.rel @p0 .LBB2_14-.Ltmp8, $4  }
0x1e0: {  	v2 =	vadd.f32 v2, v7  }
0x1e1: {  	v3 =	vadd.f32 v63, v3  }
0x1e2: {  	s30 =	sadd.s32 $0x10, s15;
	[tilespmem:s16+$0x0] =	vst v2  }
0x1e3: {  	s12 =	sadd.s32 $0x40, s12;
	s14 =	sadd.s32 $0x40, s14;
	[tilespmem:s30+$0x0] =	vst v3  }
0x1e4: {  	s1 =	rddreg [dreg:$0xc];
	s2 =	simm.s32 $0x1B140;
	s11 =	simm.s32 $0x1  }
0x1e5: {  	[hbm4b:s1+s3] =	stream.linear.scatter [tilespmem:s2], [sflag:$0x6], $0x400, $0x38;
	[tilespmem:$0x1B540] =	vst v63  }
.LBB2_20:
0x1e6: {  	_ =	swait.ge [sflag:s31], $0x10  }
0x1e7: {  	[sflag:s31] =	ssyncset.done $0x0  }
0x1e8: {  	[sflag:s31] =	ssyncadd.s32 $0xFFFFFFF0  }
0x1e9: {  	_ =	swait.ge [sflag:s31], $0x320  }
0x1ea: {  	[sflag:s31] =	ssyncset.done $0x0  }
0x1eb: {  	[sflag:s31] =	ssyncadd.s32 $0xFFFFFCE0  }
0x1ec: {  	v2 =	vld [tilespmem:$0x10];
	_ =	sdelay $0x4  }
0x1ed: {  	v2 =	vshll.u32 v2, $0x1  }
0x1ee: {  	s1 =	simm.s32 $0x10A0;
	s30 =	simm.s32 $0x380;
	[tilespmem:$0x10] =	vst v2  }
0x1ef: {  	[tilespmem:s1], [sflag:$0x4] =	stream.indirect.gather [hbm4b:s5+s21], $0x40, s21, s21, $0xb8;
	[tilespmem:$0x1B540] =	vst v63  }
0x1f0: {  	v2 =	vld [tilespmem:s30+$0xFFFFFFC0]  }
0x1f1: {  	v4 =	vld [tilespmem:s30+$0xFFFFFFF0]  }
0x1f2: {  	v3 =	vld [tilespmem:s30+$0x0]  }
0x1f3: {  	v5 =	vld [tilespmem:s30+$0xFFFFFFE0]  }
0x1f4: {  	v6 =	vld [tilespmem:s30+$0xFFFFFFD0]  }
0x1f5: {  	s2 =	simm.s32 $0x3D0;
	s1 =	simm.s32 $0x9C0;
	v7 =	vshll.u32 v2, $0x1  }
0x1f6: {  	v2 =	vld [tilespmem:s2+$0xFFFFFFC0];
	v8 =	vshll.u32 v4, $0x1;
	[tilespmem:s1+$0xFFFFFFC0] =	vst v7  }
0x1f7: {  	v4 =	vld [tilespmem:s2+$0xFFFFFFF0];
	v7 =	vshll.u32 v3, $0x1;
	[tilespmem:s1+$0xFFFFFFF0] =	vst v8  }
0x1f8: {  	v3 =	vld [tilespmem:s2+$0x0];
	[tilespmem:s1+$0x0] =	vst v7;
	v7 =	vshll.u32 v5, $0x1  }
0x1f9: {  	s12 =	simm.s32 $0x5;
	v6 =	vshll.u32 v6, $0x1;
	v5 =	vld [tilespmem:s2+$0xFFFFFFE0];
	[tilespmem:s1+$0xFFFFFFE0] =	vst v7  }
.LBB2_21:
0x1fa: {  	s12 =	sadd.s32 $0x5, s12  }
0x1fb: {  	v7 =	vld [tilespmem:s2+$0xFFFFFFD0];
	[tilespmem:s1+$0xFFFFFFD0] =	vst v6;
	s1 =	sadd.s32 $0x50, s1;
	p0 =	slt.u32 s12, $0x2D  }
.Ltmp9:
0x1fc: {  	s2 =	sadd.s32 $0x50, s2;
	v6 =	vshll.u32 v2, $0x1;
	(pc) =	sbr.rel @p0 .LBB2_21-.Ltmp9, $4  }
0x1fd: {  	v2 =	vld [tilespmem:s2+$0xFFFFFFC0];
	[tilespmem:s1+$0xFFFFFFC0] =	vst v6;
	v6 =	vshll.u32 v3, $0x1  }
0x1fe: {  	v3 =	vld [tilespmem:s2+$0x0];
	v8 =	vshll.u32 v4, $0x1;
	[tilespmem:s1+$0x0] =	vst v6  }
0x1ff: {  	v4 =	vld [tilespmem:s2+$0xFFFFFFF0];
	v9 =	vshll.u32 v5, $0x1;
	[tilespmem:s1+$0xFFFFFFF0] =	vst v8  }
0x200: {  	v5 =	vld [tilespmem:s2+$0xFFFFFFE0];
	v6 =	vshll.u32 v7, $0x1;
	[tilespmem:s1+$0xFFFFFFE0] =	vst v9  }
0x201: {  	v7 =	vld [tilespmem:s2+$0xFFFFFFD0]  }
0x202: {  	[tilespmem:s1+$0xFFFFFFD0] =	vst v6;
	s30 =	sadd.s32 $0x50, s1;
	v2 =	vshll.u32 v2, $0x1  }
0x203: {  	[tilespmem:s30+$0xFFFFFFC0] =	vst v2;
	v2 =	vshll.u32 v3, $0x1  }
0x204: {  	v3 =	vshll.u32 v4, $0x1;
	[tilespmem:s30+$0x0] =	vst v2  }
0x205: {  	v2 =	vshll.u32 v5, $0x1;
	[tilespmem:s30+$0xFFFFFFF0] =	vst v3  }
0x206: {  	v3 =	vshll.u32 v7, $0x1;
	[tilespmem:s30+$0xFFFFFFE0] =	vst v2  }
0x207: {  	s2 =	simm.s32 $0x980;
	s12 =	simm.s32 $0xDCA0;
	[tilespmem:s30+$0xFFFFFFD0] =	vst v3  }
0x208: {  	[tilespmem:s12], [sflag:$0x4] =	stream.indirect.gather [hbm4b:s6+s28], $0x40, s2, s28, $0xb8;
	[tilespmem:$0x1B540] =	vst v63  }
0x209: {  	s14 =	simm.s32 $0x9D0;
	s15 =	simm.s32 $0xF0A0  }
0x20a: {  	[tilespmem:s15], [sflag:$0x4] =	stream.indirect.gather [hbm4b:s6+s28], $0x40, s14, s28, $0xb8;
	[tilespmem:$0x1B540] =	vst v63  }
0x20b: {  	s16 =	simm.s32 $0xA20;
	s18 =	simm.s32 $0x104A0  }
0x20c: {  	[tilespmem:s18], [sflag:$0x4] =	stream.indirect.gather [hbm4b:s6+s28], $0x40, s16, s28, $0xb8;
	[tilespmem:$0x1B540] =	vst v63  }
0x20d: {  	s19 =	simm.s32 $0xA70;
	s23 =	simm.s32 $0x118A0  }
0x20e: {  	[tilespmem:s23], [sflag:$0x4] =	stream.indirect.gather [hbm4b:s6+s28], $0x40, s19, s28, $0xb8;
	[tilespmem:$0x1B540] =	vst v63  }
0x20f: {  	s24 =	simm.s32 $0xAC0;
	s26 =	simm.s32 $0x12CA0  }
0x210: {  	[tilespmem:s26], [sflag:$0x4] =	stream.indirect.gather [hbm4b:s6+s28], $0x40, s24, s28, $0xb8;
	[tilespmem:$0x1B540] =	vst v63  }
0x211: {  	s29 =	simm.s32 $0xB10;
	s30 =	simm.s32 $0x140A0  }
0x212: {  	[tilespmem:s30], [sflag:$0x4] =	stream.indirect.gather [hbm4b:s6+s28], $0x40, s29, s28, $0xb8;
	[tilespmem:$0x1B540] =	vst v63  }
0x213: {  	s2 =	simm.s32 $0xB60;
	s12 =	simm.s32 $0x154A0  }
0x214: {  	[tilespmem:s12], [sflag:$0x4] =	stream.indirect.gather [hbm4b:s6+s28], $0x40, s2, s28, $0xb8;
	[tilespmem:$0x1B540] =	vst v63  }
0x215: {  	s14 =	simm.s32 $0xBB0;
	s15 =	simm.s32 $0x168A0  }
0x216: {  	[tilespmem:s15], [sflag:$0x4] =	stream.indirect.gather [hbm4b:s6+s28], $0x40, s14, s28, $0xb8;
	[tilespmem:$0x1B540] =	vst v63  }
0x217: {  	s16 =	simm.s32 $0xC00;
	s18 =	simm.s32 $0x17CA0  }
0x218: {  	[tilespmem:s18], [sflag:$0x4] =	stream.indirect.gather [hbm4b:s6+s28], $0x40, s16, s28, $0xb8;
	[tilespmem:$0x1B540] =	vst v63  }
0x219: {  	s19 =	simm.s32 $0xC50;
	s23 =	simm.s32 $0x190A0  }
0x21a: {  	[tilespmem:s23], [sflag:$0x4] =	stream.indirect.gather [hbm4b:s6+s28], $0x40, s19, s28, $0xb8;
	[tilespmem:$0x1B540] =	vst v63  }
0x21b: {  	_ =	swait.ge [sflag:s0], $0x400  }
0x21c: {  	[sflag:s0] =	ssyncset.done $0x0  }
0x21d: {  	s14 =	sshll.u32 s11, $0x1;
	[sflag:s0] =	ssyncadd.s32 $0xFFFFFC00  }
0x21e: {  	s24 =	smin.u32 s14, $0x1D;
	_ =	swait.ge [sflag:s0], $0xC800  }
0x21f: {  	s1 =	sshll.u32 s24, $0x4;
	s26 =	rddreg [dreg:$0xd]  }
0x220: {  	s1 =	sadd.s32 s1, s26  }
0x221: {  	[sflag:s0] =	ssyncset.done $0x0;
	s1 =	sshrl.u32 s1, $0x3  }
0x222: {  	s12 =	simm.s32 $0x0;
	[sflag:s0] =	ssyncadd.s32 $0xFFFF3800;
	s29 =	sadd.s32 s17, s1  }
0x223: {  	[tilespmem:s12], [sflag:$0x1] =	stream.linear.gather [hbm4b:s29+s12], $0x10, $0x38;
	[tilespmem:$0x1B540] =	vst v63  }
0x224: {  	s30 =	simm.s32 $0x20;
	s1 =	sadd.s32 s20, s1  }
0x225: {  	[tilespmem:s30], [sflag:$0x1] =	stream.strided.gather [hbm4b:s1+s21], $0x320, s22, s21, $0x38;
	[tilespmem:$0x1B540] =	vst v63  }
0x226: {  	_ =	swait.ge [sflag:s9], $0x400  }
0x227: {  	[sflag:s9] =	ssyncset.done $0x0  }
0x228: {  	s15 =	simm.s32 $0x1CC0;
	s23 =	simm.s32 $0x1AD40;
	[sflag:s9] =	ssyncadd.s32 $0xFFFFFC00  }
.LBB2_23:
0x229: {  	v6 =	vld [tilespmem:s15+$0x7E0]  }
0x22a: {  	v7 =	vld [tilespmem:s15+$0x7F0]  }
0x22b: {  	v8 =	vld [tilespmem:s15+$0x800]  }
0x22c: {  	v9 =	vld [tilespmem:s15+$0x810]  }
0x22d: {  	v10 =	vld [tilespmem:s15+$0xFFFFF7F0]  }
0x22e: {  	v11 =	vld [tilespmem:s15+$0xFFFFF800]  }
0x22f: {  	s1 =	sshll.u32 s12, $0x6;
	v12 =	vld [tilespmem:s15+$0xFFFFF810]  }
0x230: {  	v2 =	vld [tilespmem:s1+$0xCA0]  }
0x231: {  	v3 =	vld [tilespmem:s1+$0xCB0]  }
0x232: {  	v4 =	vld [tilespmem:s1+$0xCC0]  }
0x233: {  	v5 =	vld [tilespmem:s1+$0xCD0]  }
0x234: {  	v13 =	vld [tilespmem:s15+$0xFFFFFBE0]  }
0x235: {  	v14 =	vld [tilespmem:s15+$0xFFFFFBF0]  }
0x236: {  	v15 =	vld [tilespmem:s15+$0xFFFFFC00]  }
0x237: {  	v16 =	vld [tilespmem:s15+$0xFFFFFC10];
	v6 =	vmul.f32 v6, v2;
	v7 =	vmul.f32 v7, v3  }
0x238: {  	v17 =	vld [tilespmem:s15+$0xFFFFFFE0];
	v8 =	vmul.f32 v8, v4;
	v9 =	vmul.f32 v9, v5  }
0x239: {  	v18 =	vld [tilespmem:s15+$0xFFFFFFF0]  }
0x23a: {  	v19 =	vld [tilespmem:s15+$0x0];
	v6 =	vadd.f32 v7, v6;
	v7 =	vadd.f32 v9, v8  }
0x23b: {  	v20 =	vld [tilespmem:s15+$0x10];
	v9 =	vmul.f32 v13, v2;
	v13 =	vmul.f32 v14, v3  }
0x23c: {  	v8 =	vld [tilespmem:s15+$0x3E0];
	v14 =	vadd.f32 v7, v6;
	v6 =	vmul.f32 v15, v4;
	v7 =	vmul.f32 v16, v5  }
0x23d: {  	v12 =	vmul.f32 v12, v5;
	v15 =	vmul.f32 v11, v4;
	v13 =	vadd.f32 v13, v9;
	v9 =	vld [tilespmem:s15+$0x3F0]  }
0x23e: {  	v18 =	vmul.f32 v18, v3;
	v16 =	vmul.f32 v17, v2;
	v11 =	vld [tilespmem:s15+$0x400];
	v17 =	vadd.f32 v7, v6  }
0x23f: {  	s16 =	simm.s32 $0x1A4C2;
	v6 =	vmul.f32 v10, v3;
	v7 =	vadd.f32 v12, v15;
	v15 =	vmul.f32 v19, v4;
	v12 =	vld [tilespmem:s15+$0x410]  }
0x240: {  	s24 =	simm.s32 $0x0;
	s26 =	sadd.s32 $0x1400, s15;
	[tilespmem:s16+$0x22] =	vst v14;
	v10 =	vld [tilespmem:s15+$0xFFFFF7E0];
	v14 =	vadd.f32 v17, v13;
	v13 =	vadd.f32 v18, v16;
	v16 =	vmul.f32 v20, v5  }
.LBB2_24:
0x241: {  	v17 =	vld [tilespmem:s26+$0x7E0];
	v8 =	vmul.f32 v8, v2  }
0x242: {  	v18 =	vld [tilespmem:s26+$0x7F0];
	[tilespmem:s16+$0xFFFFFFEF] =	vst v14;
	v14 =	vadd.f32 v16, v15;
	v9 =	vmul.f32 v9, v3  }
0x243: {  	v15 =	vld [tilespmem:s26+$0x800];
	v11 =	vmul.f32 v11, v4  }
0x244: {  	s24 =	sadd.s32 $0x5, s24;
	v16 =	vld [tilespmem:s26+$0x810];
	v13 =	vadd.f32 v14, v13;
	v8 =	vadd.f32 v9, v8;
	v9 =	vmul.f32 v12, v5  }
0x245: {  	p0 =	slt.u32 s24, $0x2D;
	v12 =	vld [tilespmem:s26+$0xFFFFF7F0];
	v10 =	vmul.f32 v10, v2  }
0x246: {  	v14 =	vld [tilespmem:s26+$0xFFFFF800];
	[tilespmem:s16+$0x0] =	vst v13;
	v9 =	vadd.f32 v9, v11  }
0x247: {  	v11 =	vld [tilespmem:s26+$0xFFFFF810];
	v6 =	vadd.f32 v6, v10  }
0x248: {  	v13 =	vmul.f32 v17, v2;
	v17 =	vmul.f32 v18, v3;
	v10 =	vld [tilespmem:s26+$0xFFFFFBE0];
	v8 =	vadd.f32 v9, v8  }
0x249: {  	v15 =	vmul.f32 v15, v4;
	v9 =	vld [tilespmem:s26+$0xFFFFFBF0];
	v16 =	vmul.f32 v16, v5;
	v7 =	vadd.f32 v7, v6  }
0x24a: {  	v6 =	vmul.f32 v12, v3;
	v12 =	vld [tilespmem:s26+$0xFFFFFC00];
	[tilespmem:s16+$0x11] =	vst v8  }
0x24b: {  	v13 =	vadd.f32 v17, v13;
	v8 =	vmul.f32 v14, v4;
	v14 =	vld [tilespmem:s26+$0xFFFFFC10];
	v15 =	vadd.f32 v16, v15;
	[tilespmem:s16+$0xFFFFFFDE] =	vst v7  }
0x24c: {  	v7 =	vmul.f32 v11, v5;
	v11 =	vld [tilespmem:s26+$0xFFFFFFE0]  }
0x24d: {  	v10 =	vmul.f32 v10, v2;
	v16 =	vld [tilespmem:s26+$0xFFFFFFF0];
	v13 =	vadd.f32 v15, v13  }
0x24e: {  	s16 =	sadd.s32 $0x55, s16;
	v7 =	vadd.f32 v7, v8;
	v8 =	vmul.f32 v9, v3;
	v15 =	vld [tilespmem:s26+$0x0]  }
0x24f: {  	s19 =	simm.s32 $0xF;
	v12 =	vmul.f32 v12, v4;
	v17 =	vld [tilespmem:s26+$0x10];
	[tilespmem:s16+$0x22] =	vst v13  }
.Ltmp10:
0x250: {  	v13 =	vadd.f32 v8, v10;
	v10 =	vmul.f32 v14, v5;
	v8 =	vld [tilespmem:s26+$0x3E0];
	(pc) =	sbr.rel @p0 .LBB2_24-.Ltmp10, $4  }
0x251: {  	v18 =	vmul.f32 v11, v2;
	v9 =	vld [tilespmem:s26+$0x3F0]  }
0x252: {  	v14 =	vadd.f32 v10, v12;
	v16 =	vmul.f32 v16, v3;
	v11 =	vld [tilespmem:s26+$0x400]  }
0x253: {  	v15 =	vmul.f32 v15, v4;
	v12 =	vld [tilespmem:s26+$0x410]  }
0x254: {  	v10 =	vld [tilespmem:s26+$0xFFFFF7E0];
	v14 =	vadd.f32 v14, v13;
	v13 =	vadd.f32 v16, v18;
	v16 =	vmul.f32 v17, v5;
	s26 =	sadd.s32 $0x1400, s26  }
0x255: {  	_ =	sdelay $0x1  }
0x256: {  	v8 =	vmul.f32 v8, v2;
	v3 =	vmul.f32 v9, v3  }
0x257: {  	s1 =	simm.s32 $0x0;
	v4 =	vmul.f32 v11, v4;
	v5 =	vmul.f32 v12, v5  }
0x258: {  	v9 =	vadd.f32 v16, v15;
	v2 =	vmul.f32 v10, v2;
	v10 =	vadd.s32 s1, v0  }
0x259: {  	v3 =	vadd.f32 v3, v8;
	v4 =	vadd.f32 v5, v4;
	v5 =	vand.u32 $0x7F8, v10  }
0x25a: {  	s30 =	simm.s32 $0x1;
	v8 =	vadd.f32 v9, v13;
	v2 =	vadd.f32 v6, v2;
	v5 =	vor.u32 v1, v5  }
0x25b: {  	[tilespmem:s16+$0xFFFFFFEF] =	vst v14;
	v3 =	vadd.f32 v4, v3;
	v4 =	vadd.s32 s30, v0  }
0x25c: {  	s2 =	simm.s32 $0x2;
	[tilespmem:s16+$0x0] =	vst v8;
	v2 =	vadd.f32 v7, v2  }
0x25d: {  	[tilespmem:s16+$0x11] =	vst v3;
	v3 =	vadd.s32 s2, v0  }
0x25e: {  	[tilespmem:s16+$0xFFFFFFDE] =	vst v2;
	s16 =	simm.s32 $0x3  }
0x25f: {  	v2 =	vadd.s32 s16, v0;
	v5 =	vld.idx.msk [tilespmem:v5+s4+$0x0], $0xffff  }
0x260: {  	s18 =	simm.s32 $0x4;
	v4 =	vld.idx.msk [tilespmem:v4+s4+$0x0], $0xffff  }
0x261: {  	v6 =	vadd.s32 s18, v0  }
0x262: {  	s24 =	simm.s32 $0x5;
	v3 =	vld.idx.msk [tilespmem:v3+s4+$0x0], $0xffff  }
0x263: {  	v7 =	vadd.s32 s24, v0  }
0x264: {  	s26 =	simm.s32 $0x6;
	v2 =	vld.idx.msk [tilespmem:v2+s4+$0x0], $0xffff  }
0x265: {  	v8 =	vadd.s32 s26, v0;
	v4 =	vadd.f32 v4, v5  }
0x266: {  	s29 =	simm.s32 $0x7;
	s2 =	simm.s32 $0x8;
	v5 =	vld.idx.msk [tilespmem:v6+s4+$0x0], $0xffff  }
0x267: {  	v9 =	vadd.s32 s2, v0;
	v6 =	vadd.s32 s29, v0;
	v3 =	vadd.f32 v3, v4  }
0x268: {  	v4 =	vld.idx.msk [tilespmem:v7+s4+$0x0], $0xffff;
	v7 =	vand.u32 $0x7F8, v9  }
0x269: {  	v7 =	vor.u32 v1, v7;
	v2 =	vadd.f32 v2, v3  }
0x26a: {  	s30 =	simm.s32 $0x9;
	v3 =	vld.idx.msk [tilespmem:v8+s4+$0x0], $0xffff  }
0x26b: {  	v8 =	vadd.s32 s30, v0;
	v2 =	vadd.f32 v5, v2  }
0x26c: {  	s2 =	simm.s32 $0xA;
	v5 =	vld.idx.msk [tilespmem:v6+s4+$0x0], $0xffff  }
0x26d: {  	s18 =	simm.s32 $0x110;
	s16 =	simm.s32 $0xB;
	v6 =	vadd.s32 s2, v0;
	v2 =	vadd.f32 v4, v2  }
0x26e: {  	s24 =	simm.s32 $0xC;
	v9 =	vadd.s32 s18, v0;
	v4 =	vld.idx.msk [tilespmem:v7+s4+$0x0], $0xffff;
	v7 =	vadd.s32 s16, v0  }
0x26f: {  	v10 =	vadd.s32 s24, v0;
	v9 =	vand.u32 $0x7F8, v9;
	v2 =	vadd.f32 v3, v2  }
0x270: {  	s26 =	simm.s32 $0x111;
	v3 =	vld.idx.msk [tilespmem:v8+s4+$0x0], $0xffff;
	v8 =	vor.u32 v1, v9  }
0x271: {  	s29 =	simm.s32 $0xD;
	v9 =	vadd.s32 s26, v0;
	v2 =	vadd.f32 v5, v2  }
0x272: {  	s30 =	simm.s32 $0x112;
	v5 =	vld.idx.msk [tilespmem:v6+s4+$0x0], $0xffff;
	v6 =	vadd.s32 s29, v0  }
0x273: {  	v11 =	vadd.s32 s30, v0;
	s16 =	simm.s32 $0x113;
	v7 =	vld.idx.msk [tilespmem:v7+s4+$0x0], $0xffff;
	v2 =	vadd.f32 v4, v2  }
0x274: {  	s2 =	simm.s32 $0xE;
	v60 =	vadd.s32 s16, v0;
	v4 =	vld.idx.msk [tilespmem:v10+s4+$0x0], $0xffff  }
0x275: {  	v10 =	vadd.s32 s2, v0;
	v8 =	vld.idx.msk [tilespmem:v8+s4+$0x0], $0xffff;
	v2 =	vadd.f32 v3, v2  }
0x276: {  	s18 =	simm.s32 $0x114;
	v9 =	vld.idx.msk [tilespmem:v9+s4+$0x0], $0xffff;
	v3 =	vadd.s32 s19, v0  }
0x277: {  	v61 =	vadd.s32 s18, v0;
	s19 =	simm.s32 $0x115;
	v14 =	vld.idx.msk [tilespmem:v6+s4+$0x0], $0xffff;
	v2 =	vadd.f32 v5, v2  }
0x278: {  	s24 =	simm.s32 $0x116;
	v5 =	vld.idx.msk [tilespmem:v11+s4+$0x0], $0xffff;
	v11 =	vadd.s32 s19, v0  }
0x279: {  	v62 =	vadd.s32 s24, v0;
	s26 =	simm.s32 $0x117;
	v12 =	vld.idx.msk [tilespmem:v60+s4+$0x0], $0xffff;
	v6 =	vadd.f32 v7, v2  }
0x27a: {  	v63 =	vadd.s32 s26, v0;
	s29 =	simm.s32 $0x118;
	v10 =	vld.idx.msk [tilespmem:v10+s4+$0x0], $0xffff  }
0x27b: {  	v7 =	vadd.f32 v9, v8;
	v8 =	vadd.s32 s29, v0;
	v2 =	vld.idx.msk [tilespmem:v3+s4+$0x0], $0xffff;
	v3 =	vadd.f32 v4, v6  }
0x27c: {  	v8 =	vand.u32 $0x7F8, v8;
	v6 =	vld.idx.msk [tilespmem:v61+s4+$0x0], $0xffff  }
0x27d: {  	v9 =	vor.u32 v1, v8;
	v4 =	vld.idx.msk [tilespmem:v11+s4+$0x0], $0xffff;
	v5 =	vadd.f32 v5, v7;
	v11 =	vadd.f32 v14, v3  }
0x27e: {  	s1 =	simm.s32 $0x11A;
	s24 =	simm.s32 $0x11F;
	s30 =	simm.s32 $0x119;
	v3 =	vld.idx.msk [tilespmem:v62+s4+$0x0], $0xffff  }
0x27f: {  	s16 =	smov.u32 s23;
	s26 =	simm.s32 $0x22F;
	s19 =	smov.u32 s23;
	v8 =	vadd.s32 s30, v0;
	v7 =	vadd.f32 v10, v11;
	v10 =	vadd.f32 v12, v5;
	v5 =	vld.idx.msk [tilespmem:v63+s4+$0x0], $0xffff  }
.LBB2_26:
0x280: {  	p0 =	sne.s32 s26, $0x33F  }
0x281: {  	v11 =	vadd.s32 s1, v0;
	v2 =	vadd.f32 v2, v7;
	s16 =	sadd.s32 $0x10, s16;
	s1 =	smov.u32 s26;
	s26 =	sadd.s32 $0x110, s26  }
0x282: {  	s2 =	sadd.s32 $0xFFFFFFFC, s24;
	v6 =	vadd.f32 v6, v10;
	v7 =	vld.idx.msk [tilespmem:v9+s4+$0x0], $0xffff  }
0x283: {  	s29 =	sadd.s32 $0xFFFFFFF1, s1;
	v9 =	vadd.s32 s2, v0;
	[tilespmem:s19+$0x0] =	vst v2;
	s19 =	smov.u32 s16  }
0x284: {  	s2 =	sadd.s32 $0xFFFFFFFD, s24;
	v2 =	vadd.s32 s29, v0;
	v4 =	vadd.f32 v4, v6;
	v6 =	vld.idx.msk [tilespmem:v8+s4+$0x0], $0xffff  }
0x285: {  	s29 =	sadd.s32 $0xFFFFFFF2, s1;
	v2 =	vand.u32 $0x7F8, v2;
	v8 =	vadd.s32 s2, v0  }
0x286: {  	v10 =	vadd.s32 s29, v0;
	s2 =	sadd.s32 $0xFFFFFFFE, s24;
	v2 =	vor.u32 v1, v2;
	v3 =	vadd.f32 v3, v4;
	v4 =	vld.idx.msk [tilespmem:v11+s4+$0x0], $0xffff  }
0x287: {  	s29 =	sadd.s32 $0xFFFFFFF3, s1;
	v11 =	vadd.s32 s2, v0  }
0x288: {  	v12 =	vadd.s32 s29, v0;
	v3 =	vadd.f32 v5, v3;
	v5 =	vld.idx.msk [tilespmem:v9+s4+$0x0], $0xffff  }
0x289: {  	s29 =	sadd.s32 $0xFFFFFFFF, s24;
	s2 =	sadd.s32 $0xFFFFFFF4, s1  }
0x28a: {  	v9 =	vadd.s32 s2, v0;
	v3 =	vadd.f32 v7, v3;
	v7 =	vld.idx.msk [tilespmem:v8+s4+$0x0], $0xffff;
	v8 =	vadd.s32 s29, v0  }
0x28b: {  	s2 =	sadd.s32 $0xFFFFFFF5, s1;
	v13 =	vld.idx.msk [tilespmem:v2+s4+$0x0], $0xffff  }
0x28c: {  	v14 =	vadd.s32 s2, v0;
	v2 =	vadd.f32 v6, v3;
	v3 =	vld.idx.msk [tilespmem:v11+s4+$0x0], $0xffff;
	v6 =	vadd.s32 s24, v0;
	s24 =	smov.u32 s1  }
0x28d: {  	v10 =	vld.idx.msk [tilespmem:v10+s4+$0x0], $0xffff;
	s1 =	sadd.s32 $0xFFFFFFF6, s24  }
0x28e: {  	v11 =	vld.idx.msk [tilespmem:v12+s4+$0x0], $0xffff;
	v12 =	vadd.s32 s1, v0;
	v2 =	vadd.f32 v4, v2  }
0x28f: {  	s1 =	sadd.s32 $0xFFFFFFF7, s24;
	v15 =	vld.idx.msk [tilespmem:v8+s4+$0x0], $0xffff  }
0x290: {  	v8 =	vadd.s32 s1, v0;
	v16 =	vld.idx.msk [tilespmem:v9+s4+$0x0], $0xffff;
	v4 =	vadd.f32 v5, v2  }
0x291: {  	s2 =	sadd.s32 $0xFFFFFFF9, s24;
	s1 =	sadd.s32 $0xFFFFFFF8, s24;
	v2 =	vld.idx.msk [tilespmem:v6+s4+$0x0], $0xffff  }
0x292: {  	v5 =	vadd.s32 s1, v0;
	v9 =	vadd.s32 s2, v0;
	v6 =	vld.idx.msk [tilespmem:v14+s4+$0x0], $0xffff;
	v7 =	vadd.f32 v7, v4  }
.Ltmp11:
0x293: {  	v9 =	vand.u32 $0x7F8, v9;
	v10 =	vadd.f32 v10, v13;
	v4 =	vld.idx.msk [tilespmem:v12+s4+$0x0], $0xffff;
	(pc) =	sbr.rel @p0 .LBB2_26-.Ltmp11, $4  }
0x294: {  	v9 =	vor.u32 v1, v9;
	v7 =	vadd.f32 v3, v7  }
0x295: {  	s1 =	sadd.s32 $0xFFFFFFFA, s24;
	v10 =	vadd.f32 v11, v10;
	v3 =	vld.idx.msk [tilespmem:v8+s4+$0x0], $0xffff  }
0x296: {  	v8 =	vadd.s32 s1, v0;
	v7 =	vadd.f32 v15, v7  }
0x297: {  	s1 =	sadd.s32 $0xFFFFFFFB, s24;
	v10 =	vadd.f32 v16, v10;
	v5 =	vld.idx.msk [tilespmem:v5+s4+$0x0], $0xffff  }
0x298: {  	_ = 	snop  }
0x299: {  	v6 =	vadd.f32 v6, v10;
	_ =	sdelay $0x1  }
0x29a: {  	v50 =	vadd.s32 s1, v0;
	v4 =	vadd.f32 v4, v6  }
0x29b: {  	v51 =	vld.idx.msk [tilespmem:v9+s4+$0x0], $0xffff;
	s2 =	sadd.s32 $0xFFFFFFFC, s24  }
0x29c: {  	v52 =	vadd.s32 s2, v0;
	v3 =	vadd.f32 v3, v4  }
0x29d: {  	v53 =	vld.idx.msk [tilespmem:v8+s4+$0x0], $0xffff;
	s18 =	sadd.s32 $0xFFFFFFFD, s24  }
0x29e: {  	v54 =	vadd.s32 s18, v0;
	v3 =	vadd.f32 v5, v3  }
0x29f: {  	s26 =	sadd.s32 $0xFFFFFFFE, s24;
	v55 =	vld.idx.msk [tilespmem:v50+s4+$0x0], $0xffff  }
0x2a0: {  	v56 =	vadd.s32 s26, v0;
	v3 =	vadd.f32 v51, v3  }
0x2a1: {  	s29 =	sadd.s32 $0xFFFFFFFF, s24;
	v57 =	vld.idx.msk [tilespmem:v52+s4+$0x0], $0xffff  }
0x2a2: {  	v58 =	vadd.s32 s29, v0;
	v3 =	vadd.f32 v53, v3  }
0x2a3: {  	v59 =	vld.idx.msk [tilespmem:v54+s4+$0x0], $0xffff  }
0x2a4: {  	v60 =	vadd.s32 s24, v0;
	v3 =	vadd.f32 v55, v3  }
0x2a5: {  	v61 =	vld.idx.msk [tilespmem:v56+s4+$0x0], $0xffff  }
0x2a6: {  	v3 =	vadd.f32 v57, v3  }
0x2a7: {  	v62 =	vld.idx.msk [tilespmem:v58+s4+$0x0], $0xffff  }
0x2a8: {  	v3 =	vadd.f32 v59, v3  }
0x2a9: {  	v63 =	vld.idx.msk [tilespmem:v60+s4+$0x0], $0xffff  }
0x2aa: {  	s12 =	sadd.s32 $0x1, s12;
	v3 =	vadd.f32 v61, v3  }
0x2ab: {  	p0 =	sne.s32 s12, $0x10  }
.Ltmp12:
0x2ac: {  	v3 =	vadd.f32 v62, v3;
	(pc) =	sbr.rel @p0 .LBB2_23-.Ltmp12, $4  }
0x2ad: {  	v2 =	vadd.f32 v2, v7  }
0x2ae: {  	v3 =	vadd.f32 v63, v3  }
0x2af: {  	s30 =	sadd.s32 $0x10, s16;
	[tilespmem:s19+$0x0] =	vst v2  }
0x2b0: {  	s15 =	sadd.s32 $0x40, s15;
	s23 =	sadd.s32 $0x40, s23;
	[tilespmem:s30+$0x0] =	vst v3  }
0x2b1: {  	s12 =	sshll.u32 s11, $0x8  }
0x2b2: {  	s2 =	simm.s32 $0x1AD40;
	s1 =	sadd.s32 s12, s13  }
0x2b3: {  	[hbm4b:s1+s3] =	stream.linear.scatter [tilespmem:s2], [sflag:$0x5], $0x400, $0x38;
	[tilespmem:$0x1B540] =	vst v63  }
0x2b4: {  	_ =	swait.ge [sflag:s25], $0x10  }
0x2b5: {  	[sflag:s25] =	ssyncset.done $0x0  }
0x2b6: {  	[sflag:s25] =	ssyncadd.s32 $0xFFFFFFF0  }
0x2b7: {  	_ =	swait.ge [sflag:s25], $0x320  }
0x2b8: {  	[sflag:s25] =	ssyncset.done $0x0  }
0x2b9: {  	[sflag:s25] =	ssyncadd.s32 $0xFFFFFCE0  }
0x2ba: {  	v2 =	vld [tilespmem:$0x0];
	_ =	sdelay $0x4  }
0x2bb: {  	v2 =	vshll.u32 v2, $0x1  }
0x2bc: {  	s29 =	simm.s32 $0xCA0;
	s30 =	simm.s32 $0x40;
	[tilespmem:$0x0] =	vst v2  }
0x2bd: {  	[tilespmem:s29], [sflag:$0x3] =	stream.indirect.gather [hbm4b:s5+s21], $0x40, s3, s21, $0xb8;
	[tilespmem:$0x1B540] =	vst v63  }
0x2be: {  	v2 =	vld [tilespmem:s30+$0xFFFFFFE0]  }
0x2bf: {  	v4 =	vld [tilespmem:s30+$0x10]  }
0x2c0: {  	v3 =	vld [tilespmem:s30+$0x20]  }
0x2c1: {  	v5 =	vld [tilespmem:s30+$0x0]  }
0x2c2: {  	v6 =	vld [tilespmem:s30+$0xFFFFFFF0]  }
0x2c3: {  	s1 =	simm.s32 $0x680;
	s2 =	simm.s32 $0x90;
	v7 =	vshll.u32 v2, $0x1  }
0x2c4: {  	v2 =	vld [tilespmem:s2+$0xFFFFFFE0];
	v8 =	vshll.u32 v4, $0x1;
	[tilespmem:s1+$0xFFFFFFE0] =	vst v7  }
0x2c5: {  	v4 =	vld [tilespmem:s2+$0x10];
	v7 =	vshll.u32 v3, $0x1;
	[tilespmem:s1+$0x10] =	vst v8  }
0x2c6: {  	v3 =	vld [tilespmem:s2+$0x20];
	[tilespmem:s1+$0x20] =	vst v7;
	v7 =	vshll.u32 v5, $0x1  }
0x2c7: {  	s15 =	simm.s32 $0x5;
	v6 =	vshll.u32 v6, $0x1;
	v5 =	vld [tilespmem:s2+$0x0];
	[tilespmem:s1+$0x0] =	vst v7  }
.LBB2_29:
0x2c8: {  	s15 =	sadd.s32 $0x5, s15  }
0x2c9: {  	v7 =	vld [tilespmem:s2+$0xFFFFFFF0];
	[tilespmem:s1+$0xFFFFFFF0] =	vst v6;
	s1 =	sadd.s32 $0x50, s1;
	p0 =	slt.u32 s15, $0x2D  }
.Ltmp13:
0x2ca: {  	s2 =	sadd.s32 $0x50, s2;
	v6 =	vshll.u32 v2, $0x1;
	(pc) =	sbr.rel @p0 .LBB2_29-.Ltmp13, $4  }
0x2cb: {  	v2 =	vld [tilespmem:s2+$0xFFFFFFE0];
	[tilespmem:s1+$0xFFFFFFE0] =	vst v6;
	v6 =	vshll.u32 v3, $0x1  }
0x2cc: {  	v3 =	vld [tilespmem:s2+$0x20];
	v8 =	vshll.u32 v4, $0x1;
	[tilespmem:s1+$0x20] =	vst v6  }
0x2cd: {  	v4 =	vld [tilespmem:s2+$0x10];
	v9 =	vshll.u32 v5, $0x1;
	[tilespmem:s1+$0x10] =	vst v8  }
0x2ce: {  	v5 =	vld [tilespmem:s2+$0x0];
	v6 =	vshll.u32 v7, $0x1;
	[tilespmem:s1+$0x0] =	vst v9  }
0x2cf: {  	v7 =	vld [tilespmem:s2+$0xFFFFFFF0]  }
0x2d0: {  	[tilespmem:s1+$0xFFFFFFF0] =	vst v6;
	s23 =	sadd.s32 $0x50, s1;
	v2 =	vshll.u32 v2, $0x1  }
0x2d1: {  	[tilespmem:s23+$0xFFFFFFE0] =	vst v2;
	v2 =	vshll.u32 v3, $0x1  }
0x2d2: {  	v3 =	vshll.u32 v4, $0x1;
	[tilespmem:s23+$0x20] =	vst v2  }
0x2d3: {  	v2 =	vshll.u32 v5, $0x1;
	[tilespmem:s23+$0x10] =	vst v3  }
0x2d4: {  	v3 =	vshll.u32 v7, $0x1;
	[tilespmem:s23+$0x0] =	vst v2  }
0x2d5: {  	s24 =	simm.s32 $0x660;
	s26 =	simm.s32 $0x14A0;
	[tilespmem:s23+$0xFFFFFFF0] =	vst v3  }
0x2d6: {  	[tilespmem:s26], [sflag:$0x3] =	stream.indirect.gather [hbm4b:s6+s28], $0x40, s24, s28, $0xb8;
	[tilespmem:$0x1B540] =	vst v63  }
0x2d7: {  	s29 =	simm.s32 $0x6B0;
	s30 =	simm.s32 $0x28A0  }
0x2d8: {  	[tilespmem:s30], [sflag:$0x3] =	stream.indirect.gather [hbm4b:s6+s28], $0x40, s29, s28, $0xb8;
	[tilespmem:$0x1B540] =	vst v63  }
0x2d9: {  	s2 =	simm.s32 $0x700;
	s15 =	simm.s32 $0x3CA0  }
0x2da: {  	[tilespmem:s15], [sflag:$0x3] =	stream.indirect.gather [hbm4b:s6+s28], $0x40, s2, s28, $0xb8;
	[tilespmem:$0x1B540] =	vst v63  }
0x2db: {  	s16 =	simm.s32 $0x750;
	s18 =	simm.s32 $0x50A0  }
0x2dc: {  	[tilespmem:s18], [sflag:$0x3] =	stream.indirect.gather [hbm4b:s6+s28], $0x40, s16, s28, $0xb8;
	[tilespmem:$0x1B540] =	vst v63  }
0x2dd: {  	s19 =	simm.s32 $0x7A0;
	s23 =	simm.s32 $0x64A0  }
0x2de: {  	[tilespmem:s23], [sflag:$0x3] =	stream.indirect.gather [hbm4b:s6+s28], $0x40, s19, s28, $0xb8;
	[tilespmem:$0x1B540] =	vst v63  }
0x2df: {  	s24 =	simm.s32 $0x7F0;
	s26 =	simm.s32 $0x78A0  }
0x2e0: {  	[tilespmem:s26], [sflag:$0x3] =	stream.indirect.gather [hbm4b:s6+s28], $0x40, s24, s28, $0xb8;
	[tilespmem:$0x1B540] =	vst v63  }
0x2e1: {  	s29 =	simm.s32 $0x840;
	s30 =	simm.s32 $0x8CA0  }
0x2e2: {  	[tilespmem:s30], [sflag:$0x3] =	stream.indirect.gather [hbm4b:s6+s28], $0x40, s29, s28, $0xb8;
	[tilespmem:$0x1B540] =	vst v63  }
0x2e3: {  	s2 =	simm.s32 $0x890;
	s15 =	simm.s32 $0xA0A0  }
0x2e4: {  	[tilespmem:s15], [sflag:$0x3] =	stream.indirect.gather [hbm4b:s6+s28], $0x40, s2, s28, $0xb8;
	[tilespmem:$0x1B540] =	vst v63  }
0x2e5: {  	s16 =	simm.s32 $0x8E0;
	s18 =	simm.s32 $0xB4A0  }
0x2e6: {  	[tilespmem:s18], [sflag:$0x3] =	stream.indirect.gather [hbm4b:s6+s28], $0x40, s16, s28, $0xb8;
	[tilespmem:$0x1B540] =	vst v63  }
0x2e7: {  	s19 =	simm.s32 $0x930;
	s23 =	simm.s32 $0xC8A0  }
0x2e8: {  	[tilespmem:s23], [sflag:$0x3] =	stream.indirect.gather [hbm4b:s6+s28], $0x40, s19, s28, $0xb8;
	[tilespmem:$0x1B540] =	vst v63  }
0x2e9: {  	_ =	swait.ge [sflag:s7], $0x400  }
0x2ea: {  	[sflag:s7] =	ssyncset.done $0x0  }
0x2eb: {  	[sflag:s7] =	ssyncadd.s32 $0xFFFFFC00  }
0x2ec: {  	s24 =	smin.u32 s14, $0x1C;
	_ =	swait.ge [sflag:s7], $0xC800  }
0x2ed: {  	s1 =	sshll.u32 s24, $0x4;
	s26 =	rddreg [dreg:$0xe]  }
0x2ee: {  	s1 =	sadd.s32 s1, s26  }
0x2ef: {  	[sflag:s7] =	ssyncset.done $0x0;
	s1 =	sshrl.u32 s1, $0x3  }
0x2f0: {  	s14 =	simm.s32 $0x0;
	[sflag:s7] =	ssyncadd.s32 $0xFFFF3800;
	s29 =	sadd.s32 s17, s1  }
0x2f1: {  	[tilespmem:s21], [sflag:$0x2] =	stream.linear.gather [hbm4b:s29+s14], $0x10, $0x38;
	[tilespmem:$0x1B540] =	vst v63  }
0x2f2: {  	s30 =	simm.s32 $0x340;
	s1 =	sadd.s32 s20, s1  }
0x2f3: {  	[tilespmem:s30], [sflag:$0x2] =	stream.strided.gather [hbm4b:s1+s21], $0x320, s22, s21, $0x38;
	[tilespmem:$0x1B540] =	vst v63  }
0x2f4: {  	_ =	swait.ge [sflag:s10], $0x400  }
0x2f5: {  	s15 =	simm.s32 $0xECD0;
	[sflag:s10] =	ssyncset.done $0x0  }
0x2f6: {  	s18 =	smov.u32 s17;
	s16 =	simm.s32 $0x1B140;
	[sflag:s10] =	ssyncadd.s32 $0xFFFFFC00  }
.LBB2_31:
0x2f7: {  	v6 =	vld [tilespmem:s15+$0xFFFFFFD0]  }
0x2f8: {  	v7 =	vld [tilespmem:s15+$0xFFFFFFE0]  }
0x2f9: {  	v8 =	vld [tilespmem:s15+$0xFFFFFFF0]  }
0x2fa: {  	v9 =	vld [tilespmem:s15+$0x0]  }
0x2fb: {  	v11 =	vld [tilespmem:s15+$0xFFFFEFE0]  }
0x2fc: {  	v10 =	vld [tilespmem:s15+$0xFFFFEFF0]  }
0x2fd: {  	s1 =	sshll.u32 s14, $0x6;
	v12 =	vld [tilespmem:s15+$0xFFFFF000]  }
0x2fe: {  	v2 =	vld [tilespmem:s1+$0x10A0]  }
0x2ff: {  	v3 =	vld [tilespmem:s1+$0x10B0]  }
0x300: {  	v4 =	vld [tilespmem:s1+$0x10C0]  }
0x301: {  	v5 =	vld [tilespmem:s1+$0x10D0]  }
0x302: {  	v13 =	vld [tilespmem:s15+$0xFFFFF3D0]  }
0x303: {  	v14 =	vld [tilespmem:s15+$0xFFFFF3E0]  }
0x304: {  	v15 =	vld [tilespmem:s15+$0xFFFFF3F0]  }
0x305: {  	v16 =	vld [tilespmem:s15+$0xFFFFF400];
	v6 =	vmul.f32 v6, v2;
	v7 =	vmul.f32 v7, v3  }
0x306: {  	v17 =	vld [tilespmem:s15+$0xFFFFF7D0];
	v8 =	vmul.f32 v8, v4;
	v9 =	vmul.f32 v9, v5  }
0x307: {  	v18 =	vld [tilespmem:s15+$0xFFFFF7E0]  }
0x308: {  	v19 =	vld [tilespmem:s15+$0xFFFFF7F0];
	v6 =	vadd.f32 v7, v6;
	v7 =	vadd.f32 v9, v8  }
0x309: {  	v20 =	vld [tilespmem:s15+$0xFFFFF800];
	v9 =	vmul.f32 v13, v2;
	v13 =	vmul.f32 v14, v3  }
0x30a: {  	v8 =	vld [tilespmem:s15+$0xFFFFFBD0];
	v21 =	vadd.f32 v7, v6;
	v6 =	vmul.f32 v15, v4;
	v7 =	vmul.f32 v16, v5  }
0x30b: {  	s23 =	simm.s32 $0x44;
	s24 =	simm.s32 $0x0;
	s26 =	simm.s32 $0x0;
	v12 =	vmul.f32 v12, v5;
	v14 =	vmul.f32 v10, v4;
	v13 =	vadd.f32 v13, v9;
	v9 =	vld [tilespmem:s15+$0xFFFFFBE0]  }
0x30c: {  	s2 =	simm.s32 $0x11;
	s17 =	simm.s32 $0x22;
	s29 =	simm.s32 $0x33;
	v10 =	vld [tilespmem:s15+$0xFFFFFBF0];
	v16 =	vmul.f32 v17, v2;
	v17 =	vmul.f32 v18, v3;
	v15 =	vadd.f32 v7, v6  }
0x30d: {  	s19 =	sand.u32 $0xFFF, s23;
	s26 =	sand.u32 $0x7FF, s26;
	s2 =	sand.u32 $0xFFF, s2;
	v6 =	vmul.f32 v11, v3;
	v7 =	vadd.f32 v12, v14;
	v14 =	vmul.f32 v19, v4;
	v12 =	vld [tilespmem:s15+$0xFFFFFC00]  }
0x30e: {  	s1 =	sand.u32 $0xFFF, s17;
	s30 =	sand.u32 $0xFFF, s29;
	s29 =	sadd.s32 $0x1400, s15;
	[tilespmem:s19+$0x1A8F0] =	vst v21;
	v11 =	vld [tilespmem:s15+$0xFFFFEFD0];
	v15 =	vadd.f32 v15, v13;
	v13 =	vadd.f32 v17, v16;
	v16 =	vmul.f32 v20, v5  }
.LBB2_32:
0x30f: {  	v17 =	vld [tilespmem:s29+$0xFFFFFFD0];
	v8 =	vmul.f32 v8, v2  }
0x310: {  	v18 =	vld [tilespmem:s29+$0xFFFFFFE0];
	[tilespmem:s2+$0x1A8F0] =	vst v15;
	v14 =	vadd.f32 v16, v14;
	v9 =	vmul.f32 v9, v3  }
0x311: {  	v15 =	vld [tilespmem:s29+$0xFFFFFFF0];
	v10 =	vmul.f32 v10, v4  }
0x312: {  	s24 =	sadd.s32 $0x5, s24;
	v16 =	vld [tilespmem:s29+$0x0];
	v13 =	vadd.f32 v14, v13;
	v8 =	vadd.f32 v9, v8;
	v9 =	vmul.f32 v12, v5  }
0x313: {  	p0 =	slt.u32 s24, $0x2D;
	v12 =	vld [tilespmem:s29+$0xFFFFEFE0];
	v11 =	vmul.f32 v11, v2  }
0x314: {  	v14 =	vld [tilespmem:s29+$0xFFFFEFF0];
	[tilespmem:s1+$0x1A8F0] =	vst v13;
	v9 =	vadd.f32 v9, v10  }
0x315: {  	v10 =	vld [tilespmem:s29+$0xFFFFF000];
	v6 =	vadd.f32 v6, v11  }
0x316: {  	v13 =	vmul.f32 v17, v2;
	v17 =	vmul.f32 v18, v3;
	v11 =	vld [tilespmem:s29+$0xFFFFF3D0];
	v8 =	vadd.f32 v9, v8  }
0x317: {  	v15 =	vmul.f32 v15, v4;
	v9 =	vld [tilespmem:s29+$0xFFFFF3E0];
	v16 =	vmul.f32 v16, v5;
	v7 =	vadd.f32 v7, v6  }
0x318: {  	v6 =	vmul.f32 v12, v3;
	v12 =	vld [tilespmem:s29+$0xFFFFF3F0];
	[tilespmem:s30+$0x1A8F0] =	vst v8  }
0x319: {  	v13 =	vadd.f32 v17, v13;
	v8 =	vmul.f32 v14, v4;
	v14 =	vld [tilespmem:s29+$0xFFFFF400];
	v15 =	vadd.f32 v16, v15;
	[tilespmem:s26+$0x1A8F0] =	vst v7  }
0x31a: {  	s23 =	sadd.s32 $0x55, s23;
	v7 =	vmul.f32 v10, v5;
	v10 =	vld [tilespmem:s29+$0xFFFFF7D0]  }
0x31b: {  	s19 =	simm.s32 $0xF;
	s2 =	sadd.s32 $0xFFFFFFCD, s23;
	v11 =	vmul.f32 v11, v2;
	v16 =	vld [tilespmem:s29+$0xFFFFF7E0];
	v13 =	vadd.f32 v15, v13  }
0x31c: {  	s17 =	sadd.s32 $0xFFFFFFEF, s23;
	s1 =	sadd.s32 $0xFFFFFFBC, s23;
	s30 =	sand.u32 $0xFFF, s23;
	v7 =	vadd.f32 v7, v8;
	v8 =	vmul.f32 v9, v3;
	v15 =	vld [tilespmem:s29+$0xFFFFF7F0]  }
0x31d: {  	s2 =	sand.u32 $0xFFF, s2;
	s26 =	sand.u32 $0x7FF, s1;
	s1 =	sadd.s32 $0xFFFFFFDE, s23;
	v12 =	vmul.f32 v12, v4;
	v17 =	vld [tilespmem:s29+$0xFFFFF800];
	[tilespmem:s30+$0x1A8F0] =	vst v13  }
.Ltmp14:
0x31e: {  	s1 =	sand.u32 $0xFFF, s1;
	s30 =	sand.u32 $0xFFF, s17;
	v13 =	vadd.f32 v8, v11;
	v11 =	vmul.f32 v14, v5;
	v8 =	vld [tilespmem:s29+$0xFFFFFBD0];
	(pc) =	sbr.rel @p0 .LBB2_32-.Ltmp14, $4  }
0x31f: {  	v18 =	vmul.f32 v10, v2;
	v9 =	vld [tilespmem:s29+$0xFFFFFBE0]  }
0x320: {  	v19 =	vadd.f32 v11, v12;
	v16 =	vmul.f32 v16, v3;
	v10 =	vld [tilespmem:s29+$0xFFFFFBF0]  }
0x321: {  	v14 =	vmul.f32 v15, v4;
	v12 =	vld [tilespmem:s29+$0xFFFFFC00]  }
0x322: {  	v11 =	vld [tilespmem:s29+$0xFFFFEFD0];
	v15 =	vadd.f32 v19, v13;
	v13 =	vadd.f32 v16, v18;
	v16 =	vmul.f32 v17, v5;
	s29 =	sadd.s32 $0x1400, s29  }
0x323: {  	_ =	sdelay $0x1  }
0x324: {  	v8 =	vmul.f32 v8, v2;
	v3 =	vmul.f32 v9, v3  }
0x325: {  	s17 =	simm.s32 $0x0;
	v4 =	vmul.f32 v10, v4;
	v5 =	vmul.f32 v12, v5  }
0x326: {  	v9 =	vadd.f32 v16, v14;
	v10 =	vadd.s32 s17, v0;
	v2 =	vmul.f32 v11, v2  }
0x327: {  	v3 =	vadd.f32 v3, v8;
	v4 =	vadd.f32 v5, v4;
	v5 =	vand.u32 $0x7F8, v10  }
0x328: {  	s23 =	simm.s32 $0x1;
	v8 =	vadd.f32 v9, v13;
	v2 =	vadd.f32 v6, v2;
	v5 =	vor.u32 v1, v5  }
0x329: {  	[tilespmem:s2+$0x1A8F0] =	vst v15;
	v3 =	vadd.f32 v4, v3;
	v4 =	vadd.s32 s23, v0  }
0x32a: {  	s24 =	simm.s32 $0x2;
	[tilespmem:s1+$0x1A8F0] =	vst v8;
	v2 =	vadd.f32 v7, v2  }
0x32b: {  	[tilespmem:s30+$0x1A8F0] =	vst v3;
	v3 =	vadd.s32 s24, v0  }
0x32c: {  	[tilespmem:s26+$0x1A8F0] =	vst v2;
	s26 =	simm.s32 $0x3  }
0x32d: {  	v2 =	vadd.s32 s26, v0;
	v5 =	vld.idx.msk [tilespmem:v5+s8+$0x0], $0xffff  }
0x32e: {  	s29 =	simm.s32 $0x4;
	v4 =	vld.idx.msk [tilespmem:v4+s8+$0x0], $0xffff  }
0x32f: {  	v6 =	vadd.s32 s29, v0  }
0x330: {  	s30 =	simm.s32 $0x5;
	v3 =	vld.idx.msk [tilespmem:v3+s8+$0x0], $0xffff  }
0x331: {  	v7 =	vadd.s32 s30, v0  }
0x332: {  	s2 =	simm.s32 $0x6;
	v2 =	vld.idx.msk [tilespmem:v2+s8+$0x0], $0xffff  }
0x333: {  	v8 =	vadd.s32 s2, v0;
	v4 =	vadd.f32 v4, v5  }
0x334: {  	s17 =	simm.s32 $0x7;
	s23 =	simm.s32 $0x8;
	v5 =	vld.idx.msk [tilespmem:v6+s8+$0x0], $0xffff  }
0x335: {  	v9 =	vadd.s32 s23, v0;
	v6 =	vadd.s32 s17, v0;
	v3 =	vadd.f32 v3, v4  }
0x336: {  	v4 =	vld.idx.msk [tilespmem:v7+s8+$0x0], $0xffff;
	v7 =	vand.u32 $0x7F8, v9  }
0x337: {  	v7 =	vor.u32 v1, v7;
	v2 =	vadd.f32 v2, v3  }
0x338: {  	s24 =	simm.s32 $0x9;
	v3 =	vld.idx.msk [tilespmem:v8+s8+$0x0], $0xffff  }
0x339: {  	v8 =	vadd.s32 s24, v0;
	v2 =	vadd.f32 v5, v2  }
0x33a: {  	s26 =	simm.s32 $0xA;
	v5 =	vld.idx.msk [tilespmem:v6+s8+$0x0], $0xffff  }
0x33b: {  	s29 =	simm.s32 $0xB;
	s30 =	simm.s32 $0x110;
	v6 =	vadd.s32 s26, v0;
	v2 =	vadd.f32 v4, v2  }
0x33c: {  	s17 =	simm.s32 $0xC;
	v9 =	vadd.s32 s30, v0;
	v4 =	vld.idx.msk [tilespmem:v7+s8+$0x0], $0xffff;
	v7 =	vadd.s32 s29, v0  }
0x33d: {  	v10 =	vadd.s32 s17, v0;
	v9 =	vand.u32 $0x7F8, v9;
	v2 =	vadd.f32 v3, v2  }
0x33e: {  	s23 =	simm.s32 $0x111;
	v3 =	vld.idx.msk [tilespmem:v8+s8+$0x0], $0xffff;
	v8 =	vor.u32 v1, v9  }
0x33f: {  	s24 =	simm.s32 $0xD;
	v9 =	vadd.s32 s23, v0;
	v2 =	vadd.f32 v5, v2  }
0x340: {  	s26 =	simm.s32 $0x112;
	v5 =	vld.idx.msk [tilespmem:v6+s8+$0x0], $0xffff;
	v6 =	vadd.s32 s24, v0  }
0x341: {  	s30 =	simm.s32 $0x113;
	v11 =	vadd.s32 s26, v0;
	v7 =	vld.idx.msk [tilespmem:v7+s8+$0x0], $0xffff;
	v2 =	vadd.f32 v4, v2  }
0x342: {  	v59 =	vadd.s32 s30, v0;
	s29 =	simm.s32 $0xE;
	v4 =	vld.idx.msk [tilespmem:v10+s8+$0x0], $0xffff  }
0x343: {  	v10 =	vadd.s32 s29, v0;
	v8 =	vld.idx.msk [tilespmem:v8+s8+$0x0], $0xffff;
	v2 =	vadd.f32 v3, v2  }
0x344: {  	s17 =	simm.s32 $0x114;
	v9 =	vld.idx.msk [tilespmem:v9+s8+$0x0], $0xffff;
	v3 =	vadd.s32 s19, v0  }
0x345: {  	v60 =	vadd.s32 s17, v0;
	s23 =	simm.s32 $0x115;
	v61 =	vld.idx.msk [tilespmem:v6+s8+$0x0], $0xffff;
	v2 =	vadd.f32 v5, v2  }
0x346: {  	s24 =	simm.s32 $0x116;
	v5 =	vld.idx.msk [tilespmem:v11+s8+$0x0], $0xffff;
	v11 =	vadd.s32 s23, v0  }
0x347: {  	s26 =	simm.s32 $0x117;
	v12 =	vld.idx.msk [tilespmem:v59+s8+$0x0], $0xffff;
	v62 =	vadd.s32 s24, v0;
	v6 =	vadd.f32 v7, v2  }
0x348: {  	v63 =	vadd.s32 s26, v0;
	s29 =	simm.s32 $0x118;
	v10 =	vld.idx.msk [tilespmem:v10+s8+$0x0], $0xffff  }
0x349: {  	v7 =	vadd.f32 v9, v8;
	v8 =	vadd.s32 s29, v0;
	v2 =	vld.idx.msk [tilespmem:v3+s8+$0x0], $0xffff;
	v3 =	vadd.f32 v4, v6  }
0x34a: {  	v8 =	vand.u32 $0x7F8, v8;
	v6 =	vld.idx.msk [tilespmem:v60+s8+$0x0], $0xffff  }
0x34b: {  	v9 =	vor.u32 v1, v8;
	v4 =	vld.idx.msk [tilespmem:v11+s8+$0x0], $0xffff;
	v5 =	vadd.f32 v5, v7;
	v11 =	vadd.f32 v61, v3  }
0x34c: {  	s1 =	simm.s32 $0x11A;
	s30 =	simm.s32 $0x119;
	s26 =	simm.s32 $0x22F;
	v3 =	vld.idx.msk [tilespmem:v62+s8+$0x0], $0xffff  }
0x34d: {  	s24 =	simm.s32 $0x11F;
	s19 =	smov.u32 s16;
	s23 =	smov.u32 s16;
	v8 =	vadd.s32 s30, v0;
	v7 =	vadd.f32 v10, v11;
	v10 =	vadd.f32 v12, v5;
	v5 =	vld.idx.msk [tilespmem:v63+s8+$0x0], $0xffff  }
.LBB2_34:
0x34e: {  	p0 =	sne.s32 s26, $0x33F  }
0x34f: {  	v11 =	vadd.s32 s1, v0;
	v2 =	vadd.f32 v2, v7;
	s19 =	sadd.s32 $0x10, s19;
	s1 =	smov.u32 s26;
	s26 =	sadd.s32 $0x110, s26  }
0x350: {  	s2 =	sadd.s32 $0xFFFFFFFC, s24;
	v6 =	vadd.f32 v6, v10;
	v7 =	vld.idx.msk [tilespmem:v9+s8+$0x0], $0xffff  }
0x351: {  	s17 =	sadd.s32 $0xFFFFFFF1, s1;
	v9 =	vadd.s32 s2, v0;
	[tilespmem:s23+$0x0] =	vst v2;
	s23 =	smov.u32 s19  }
0x352: {  	s2 =	sadd.s32 $0xFFFFFFFD, s24;
	v2 =	vadd.s32 s17, v0;
	v4 =	vadd.f32 v4, v6;
	v6 =	vld.idx.msk [tilespmem:v8+s8+$0x0], $0xffff  }
0x353: {  	s17 =	sadd.s32 $0xFFFFFFF2, s1;
	v2 =	vand.u32 $0x7F8, v2;
	v8 =	vadd.s32 s2, v0  }
0x354: {  	v10 =	vadd.s32 s17, v0;
	s2 =	sadd.s32 $0xFFFFFFFE, s24;
	v2 =	vor.u32 v1, v2;
	v3 =	vadd.f32 v3, v4;
	v4 =	vld.idx.msk [tilespmem:v11+s8+$0x0], $0xffff  }
0x355: {  	s17 =	sadd.s32 $0xFFFFFFF3, s1;
	v11 =	vadd.s32 s2, v0  }
0x356: {  	v12 =	vadd.s32 s17, v0;
	v3 =	vadd.f32 v5, v3;
	v5 =	vld.idx.msk [tilespmem:v9+s8+$0x0], $0xffff  }
0x357: {  	s17 =	sadd.s32 $0xFFFFFFFF, s24;
	s2 =	sadd.s32 $0xFFFFFFF4, s1  }
0x358: {  	v9 =	vadd.s32 s2, v0;
	v3 =	vadd.f32 v7, v3;
	v7 =	vld.idx.msk [tilespmem:v8+s8+$0x0], $0xffff;
	v8 =	vadd.s32 s17, v0  }
0x359: {  	s2 =	sadd.s32 $0xFFFFFFF5, s1;
	v13 =	vld.idx.msk [tilespmem:v2+s8+$0x0], $0xffff  }
0x35a: {  	v14 =	vadd.s32 s2, v0;
	v2 =	vadd.f32 v6, v3;
	v3 =	vld.idx.msk [tilespmem:v11+s8+$0x0], $0xffff;
	v6 =	vadd.s32 s24, v0;
	s24 =	smov.u32 s1  }
0x35b: {  	v10 =	vld.idx.msk [tilespmem:v10+s8+$0x0], $0xffff;
	s1 =	sadd.s32 $0xFFFFFFF6, s24  }
0x35c: {  	v11 =	vld.idx.msk [tilespmem:v12+s8+$0x0], $0xffff;
	v12 =	vadd.s32 s1, v0;
	v2 =	vadd.f32 v4, v2  }
0x35d: {  	s1 =	sadd.s32 $0xFFFFFFF7, s24;
	v15 =	vld.idx.msk [tilespmem:v8+s8+$0x0], $0xffff  }
0x35e: {  	v8 =	vadd.s32 s1, v0;
	v16 =	vld.idx.msk [tilespmem:v9+s8+$0x0], $0xffff;
	v4 =	vadd.f32 v5, v2  }
0x35f: {  	s2 =	sadd.s32 $0xFFFFFFF9, s24;
	s1 =	sadd.s32 $0xFFFFFFF8, s24;
	v2 =	vld.idx.msk [tilespmem:v6+s8+$0x0], $0xffff  }
0x360: {  	v5 =	vadd.s32 s1, v0;
	v9 =	vadd.s32 s2, v0;
	v6 =	vld.idx.msk [tilespmem:v14+s8+$0x0], $0xffff;
	v7 =	vadd.f32 v7, v4  }
.Ltmp15:
0x361: {  	v9 =	vand.u32 $0x7F8, v9;
	v10 =	vadd.f32 v10, v13;
	v4 =	vld.idx.msk [tilespmem:v12+s8+$0x0], $0xffff;
	(pc) =	sbr.rel @p0 .LBB2_34-.Ltmp15, $4  }
0x362: {  	v9 =	vor.u32 v1, v9;
	v7 =	vadd.f32 v3, v7  }
0x363: {  	s1 =	sadd.s32 $0xFFFFFFFA, s24;
	v10 =	vadd.f32 v11, v10;
	v3 =	vld.idx.msk [tilespmem:v8+s8+$0x0], $0xffff  }
0x364: {  	v8 =	vadd.s32 s1, v0;
	v7 =	vadd.f32 v15, v7  }
0x365: {  	s1 =	sadd.s32 $0xFFFFFFFB, s24;
	v10 =	vadd.f32 v16, v10;
	v5 =	vld.idx.msk [tilespmem:v5+s8+$0x0], $0xffff  }
0x366: {  	_ = 	snop  }
0x367: {  	v6 =	vadd.f32 v6, v10;
	_ =	sdelay $0x1  }
0x368: {  	v50 =	vadd.s32 s1, v0;
	v4 =	vadd.f32 v4, v6  }
0x369: {  	v51 =	vld.idx.msk [tilespmem:v9+s8+$0x0], $0xffff;
	s2 =	sadd.s32 $0xFFFFFFFC, s24  }
0x36a: {  	v52 =	vadd.s32 s2, v0;
	v3 =	vadd.f32 v3, v4  }
0x36b: {  	v53 =	vld.idx.msk [tilespmem:v8+s8+$0x0], $0xffff;
	s17 =	sadd.s32 $0xFFFFFFFD, s24  }
0x36c: {  	v54 =	vadd.s32 s17, v0;
	v3 =	vadd.f32 v5, v3  }
0x36d: {  	s26 =	sadd.s32 $0xFFFFFFFE, s24;
	v55 =	vld.idx.msk [tilespmem:v50+s8+$0x0], $0xffff  }
0x36e: {  	v56 =	vadd.s32 s26, v0;
	v3 =	vadd.f32 v51, v3  }
0x36f: {  	s29 =	sadd.s32 $0xFFFFFFFF, s24;
	v57 =	vld.idx.msk [tilespmem:v52+s8+$0x0], $0xffff  }
0x370: {  	v58 =	vadd.s32 s29, v0;
	v3 =	vadd.f32 v53, v3  }
0x371: {  	v59 =	vld.idx.msk [tilespmem:v54+s8+$0x0], $0xffff  }
0x372: {  	v60 =	vadd.s32 s24, v0;
	v3 =	vadd.f32 v55, v3  }
0x373: {  	v61 =	vld.idx.msk [tilespmem:v56+s8+$0x0], $0xffff  }
0x374: {  	v3 =	vadd.f32 v57, v3  }
0x375: {  	v62 =	vld.idx.msk [tilespmem:v58+s8+$0x0], $0xffff  }
0x376: {  	v3 =	vadd.f32 v59, v3  }
0x377: {  	v63 =	vld.idx.msk [tilespmem:v60+s8+$0x0], $0xffff  }
0x378: {  	s14 =	sadd.s32 $0x1, s14;
	v3 =	vadd.f32 v61, v3  }
0x379: {  	p0 =	sne.s32 s14, $0x10  }
.Ltmp16:
0x37a: {  	v3 =	vadd.f32 v62, v3;
	(pc) =	sbr.rel @p0 .LBB2_31-.Ltmp16, $4  }
0x37b: {  	v2 =	vadd.f32 v2, v7  }
0x37c: {  	v3 =	vadd.f32 v63, v3  }
0x37d: {  	s30 =	sadd.s32 $0x10, s19;
	[tilespmem:s23+$0x0] =	vst v2  }
0x37e: {  	s15 =	sadd.s32 $0x40, s15;
	s16 =	sadd.s32 $0x40, s16;
	[tilespmem:s30+$0x0] =	vst v3  }
0x37f: {  	s11 =	sadd.s32 $0x1, s11  }
0x380: {  	p0 =	sne.s32 s11, $0x10  }
.Ltmp17:
0x381: {  	_ = 	snop;
	(pc) =	sbr.rel @p0 .LBB2_20-.Ltmp17, $4  }
0x382: {  	_ = 	snop  }
0x383: {  	s1 =	rddreg [dreg:$0x10]  }
0x384: {  	s2 =	simm.s32 $0x1B140;
	s17 =	smov.u32 s18;
	s1 =	sadd.s32 s1, s12  }
0x385: {  	[hbm4b:s1+s3] =	stream.linear.scatter [tilespmem:s2], [sflag:$0x6], $0x400, $0x38;
	[tilespmem:$0x1B540] =	vst v63  }
0x386: {  	_ =	swait.ge [sflag:s31], $0x10  }
0x387: {  	[sflag:s31] =	ssyncset.done $0x0  }
0x388: {  	[sflag:s31] =	ssyncadd.s32 $0xFFFFFFF0  }
0x389: {  	_ =	swait.ge [sflag:s31], $0x320  }
0x38a: {  	[sflag:s31] =	ssyncset.done $0x0  }
0x38b: {  	[sflag:s31] =	ssyncadd.s32 $0xFFFFFCE0  }
0x38c: {  	_ =	swait.ge [sflag:s0], $0x400  }
0x38d: {  	[sflag:s0] =	ssyncset.done $0x0  }
0x38e: {  	[sflag:s0] =	ssyncadd.s32 $0xFFFFFC00  }
0x38f: {  	_ =	swait.ge [sflag:s0], $0xC800  }
0x390: {  	[sflag:s0] =	ssyncset.done $0x0  }
0x391: {  	[sflag:s0] =	ssyncadd.s32 $0xFFFF3800  }
0x392: {  	_ =	swait.ge [sflag:s9], $0x400  }
0x393: {  	[sflag:s9] =	ssyncset.done $0x0  }
0x394: {  	[sflag:s9] =	ssyncadd.s32 $0xFFFFFC00  }
0x395: {  	_ =	swait.ge [sflag:s10], $0x400  }
0x396: {  	s2 =	rddreg [dreg:$0x11]  }
0x397: {  	s1 =	rddreg [dreg:$0xf];
	s2 =	sadd.s32 $0x1, s2  }
0x398: {  	p0 =	sne.s32 s2, s1  }
.Ltmp18:
0x399: {  	_ = 	snop;
	(pc) =	sbr.rel @p0 .LBB2_1-.Ltmp18, $3  }
0x39a: {  	_ =	sdelay $0x1  }
0x39b: {  	[sflag:s10] =	ssyncset.done $0x0  }
0x39c: {  	[sflag:s10] =	ssyncadd.s32 $0xFFFFFC00  }
0x39d: {  	_ =	sfence.sel $0x180000  }
0x39e: {  	[bflag:$0x0] =	sbarrier.arrive $0xFFFF  }
0x39f: {  	_ =	strace $0x9000004D  }
0x3a0: {  	s0 =	stileid.u32;
	[bflag:$0x2] =	sbarrier.arrive $0xFFFF  }
0x3a1: {  	p0 =	sne.s32 s0, $0x0;
	s0 =	rddreg [dreg:$0x3]  }
0x3a2: {  	s0 =	sadd.s32 @!p0 $0x100000, s0  }
0x3a3: {  	[sflag:s0] =	ssyncadd.tile.s32 @!p0 $0x1;
	_ =	shalt  }
.Lfunc_end2:
_tile_overlayer_lowered:
.L_overlay_start_2:
0x3a4: {  	(tag) =	ssettag $0x2  }
0x3a5: {  	s0 =	rddreg [dreg:$0x0];
	s2 =	stileid.u32  }
0x3a6: {  	s1 =	rddreg [dreg:$0x1];
	p0 =	sne.s32 s2, $0x0  }
0x3a7: {  	s3 =	rddreg [dreg:$0x2];
	[bflag:$0x3] =	sbarrier.arrive $0xFFFF;
	s2 =	simm.s32 @!p0 $0x1C07  }
0x3a8: {  	[timem:s3], [sflag:s2] =	dma.local @!p0 [hbm:s0], s1  }
0x3a9: {  	s0 =	simm.s32 @!p0 $0x7  }
0x3aa: {  	_ =	swait.ge @!p0 [sflag:s0], s1  }
0x3ab: {  	s1 =	ssub.s32 @!p0 $0x0, s1;
	[sflag:s0] =	ssyncset.done @!p0 $0x0  }
0x3ac: {  	[sflag:s0] =	ssyncadd.s32 @!p0 s1  }
0x3ad: {  	[bflag:$0x3] =	sbarrier.arrive $0xFFFF  }
0x3ae: {  	_ =	shalt  }

// kernel: sparse-core-data-format-call.1.cloned.1.call-start
scs
called_computation.1_lowered:
.L_overlay_start_0:
0x0: {  	s2 =	sld [smem:$0x3FD9]  }
0x1: {  	s3 =	sld [smem:$0x3FFE];
	_ =	sdelay $0x1  }
0x2: {  	s1 =	srdreg.scid  }
0x3: {  	s0 =	sand.u32 $0x1, s1  }
0x4: {  	s18 =	sshll.u32 s0, $0xA;
	s2 =	sadd.s32 s3, s2  }
0x5: {  	s2 =	sadd.s32 s2, s18  }
0x6: {  	[smem:$0x3FC4] =	sst s2  }
0x7: {  	_ = 	snop  }
0x8: {  	s19 =	sld [smem:$0x3FC7];
	(tm) =	ssettm $0x1  }
0x9: {  	s20 =	sld [smem:$0x3FFB];
	_ =	sdelay $0x3  }
0xa: {  	_ =	strace s20  }
0xb: {  	s2 =	sld [smem:$0x3FFC];
	_ =	sdelay $0x3  }
0xc: {  	_ =	strace s2  }
0xd: {  	s2 =	sld [smem:$0x3FFD];
	_ =	sdelay $0x3  }
0xe: {  	_ =	strace s2  }
0xf: {  	_ =	strace $0x8FFFFFFF  }
0x10: {  	s21 =	sld [smem:$0x3FDB];
	_ =	sdelay $0x1  }
0x11: {  	s4 =	simm.s32 $_scs_section_size  }
0x12: {  	s5 =	simm.s32 $_size__tile_overlayer_lowered;
	s6 =	simm.s32 $_tile_overlayer_lowered  }
0x13: {  	s7 =	simm.s32 $0x1BFF;
	s22 =	sshll.u32 s6, $0x1;
	s4 =	sadd.s32 s4, s21  }
0x14: {  	s23 =	simm.s32 $0x0;
	s5 =	sshll.u32 s5, $0x1;
	s6 =	sadd.s32 s22, s4  }
0x15: {  	[timem:s23], [sflag:s7] =	dma.local [hbm:s6], s5  }
0x16: {  	_ =	swait.ge [sflag:s7], s5  }
0x17: {  	s5 =	ssub.s32 $0x0, s5;
	[sflag:s7] =	ssyncset.done $0x0  }
0x18: {  	[sflag:s7] =	ssyncadd.s32 s5;
	_ =	sdelay $0x1  }
0x19: {  	s24 =	simm.s32 $0x1B8B  }
0x1a: {  	_ =	swait.ge [sflag:s24], $0x1  }
0x1b: {  	[sflag:s24] =	ssyncset.done $0x0  }
0x1c: {  	[sflag:s24] =	ssyncadd.s32 $0xFFFFFFFF  }
0x1d: {  	s5 =	sld [smem:$0x0]  }
0x1e: {  	s6 =	sand.u32 $0xFFFFFFFE, s1  }
0x1f: {  	p0 =	sne.s32 s1, s6  }
0x20: {  	s6 =	sshll.u32 @p0 s6, $0xE  }
0x21: {  	s6 =	sadd.s32 @p0 $0x11B8D, s6;
	s7 =	sshll.u32 @p0 s5, $0x11  }
0x22: {  	s6 =	sor.u32 @p0 s7, s6  }
0x23: {  	[sflag:s6] =	ssyncadd.remote.s32 @p0 $0x1;
	_ =	sdelay $0x1  }
0x24: {  	s6 =	simm.s32 @p0 $0x1B8D  }
0x25: {  	_ =	swait.eq @p0 [sflag:s6], $0x1  }
0x26: {  	[sflag:s6] =	ssyncadd.s32 @p0 $0xFFFFFFFF  }
0x27: {  	s7 =	sshll.u32 @!p0 s1, $0xE  }
0x28: {  	s7 =	sor.u32 @!p0 $0x4000, s7;
	s6 =	simm.s32 @!p0 $0x1B8D  }
0x29: {  	s5 =	sshll.u32 @!p0 s5, $0x11;
	s7 =	sadd.s32 @!p0 $0x11B8D, s7;
	_ =	swait.eq @!p0 [sflag:s6], $0x1  }
0x2a: {  	s5 =	sor.u32 @!p0 s5, s7;
	[sflag:s6] =	ssyncadd.s32 @!p0 $0xFFFFFFFF  }
0x2b: {  	s26 =	simm.s32 $0x1B8E;
	s25 =	sld [smem:$0x3FFE];
	[sflag:s5] =	ssyncadd.remote.s32 @!p0 $0x1  }
0x2c: {  	s27 =	simm.s32 $execute0_lowered;
	[smem:$0x3FD2] =	sst s26  }
0x2d: {  	s6 =	sshll.u32 s27, $0x1;
	_ =	strace $0x80000049;
	[dreg:$0x1] =	wrdreg $0xFFFFFFFF  }
0x2e: {  	s28 =	simm.s32 $_size_execute0_lowered;
	s4 =	sadd.s32 s4, s6;
	[dreg:$0x0] =	wrdreg $0x0  }
0x2f: {  	s6 =	sshll.u32 s28, $0x1;
	[dreg:$0x2] =	wrdreg s4  }
0x30: {  	[dreg:$0x3] =	wrdreg s6  }
0x31: {  	[dreg:$0x4] =	wrdreg $0xC0  }
0x32: {  	_ =	task [dreg:s23], $0x5FFFF  }
0x33: {  	[dreg:$0x1] =	wrdreg $0xFFFFFFFF  }
0x34: {  	[dreg:$0x0] =	wrdreg $0x60  }
0x35: {  	[dreg:$0x2] =	wrdreg s19  }
0x36: {  	[dreg:$0x3] =	wrdreg s25  }
0x37: {  	[dreg:$0x4] =	wrdreg $0xA  }
0x38: {  	_ =	task.clear_ibuf [dreg:s23], $0x5FFFF;
	_ =	strace $0x90000049  }
0x39: {  	s29 =	simm.s32 $0xA;
	_ =	strace $0x8000004B  }
0x3a: {  	_ =	swait.ge [sflag:s29], $0x1  }
0x3b: {  	[sflag:s29] =	ssyncadd.s32 $0xFFFFFFFF  }
0x3c: {  	_ =	strace $0x9000004B  }
0x3d: {  	_ =	sfence  }
0x3e: {  	s30 =	sld [smem:$0x0];
	_ =	sdelay $0x2  }
0x3f: {  	s31 =	sshll.u32 s1, $0xD;
	s1 =	sshrl.u32 s1, $0x2  }
0x40: {  	s4 =	sand.u32 $0x4000, s31;
	s1 =	sadd.s32 s1, s30  }
0x41: {  	s0 =	sor.u32 s4, s0;
	s1 =	sshll.u32 s1, $0x11  }
0x42: {  	s0 =	sor.u32 s1, s0  }
0x43: {  	s0 =	sadd.s32 $0x8F2B, s0  }
0x44: {  	[sflag:s0] =	ssyncadd.remote.s32 $0x1  }
0x45: {  	_ =	sfence.sel $0xFFFF  }
0x46: {  	[dreg:$0x0] =	wrdreg $0xFFFFFFFF;
	(pc) =	sbr.abs _section_cstart, $3  }
0x47: {  	[dreg:$0x1] =	wrdreg $0xFFFFFFFF  }
0x48: {  	_ =	task.clear_ibuf [dreg:s23], $0x2FFFF;
	_ =	strace $0x9FFFFFFF  }
0x49: {  	(tm) =	ssettm $0x7FFFFFFF  }
tec
execute0_lowered:
.L_overlay_start_1:
0x0: {  	(tag) =	ssettag $0x1  }
0x1: {  	s0 =	srdreg.scid;
	s2 =	rddreg [dreg:$0x0]  }
0x2: {  	s5 =	rddreg [dreg:$0x1];
	s1 =	stileid.u32  }
0x3: {  	s4 =	simm.s32 $0x1;
	s6 =	simm.s32 $0x2;
	s15 =	simm.s32 $0x0  }
0x4: {  	p0 =	por $0x0, $0x0;
	s8 =	simm.s32 $0x80;
	s0 =	sshll.u32 s0, $0x4  }
0x5: {  	s14 =	simm.s32 $0x0;
	s9 =	simm.s32 $0x0;
	s3 =	sand.u32 $0x10, s0  }
.Ltmp0:
0x6: {  	s10 =	simm.s32 $0x0;
	s3 =	sor.u32 s1, s3;
	(pc) =	sbr.rel .LBB1_1-.Ltmp0, $4  }
0x7: {  	s0 =	rddreg [dreg:$0x2];
	_ =	strace $0x8000004A;
	s3 =	sshll.u32 s3, $0x7  }
0x8: {  	s12 =	simm.s32 $0x0;
	[sflag:s4] =	ssyncpa.u1 $0x0;
	s7 =	ssub.s32 $0xF4200, s3  }
0x9: {  	s13 =	simm.s32 $0x0;
	[sflag:s6] =	ssyncpa.u1 $0x0;
	s6 =	sshrl.u32 s7, $0xC  }
0xa: {  	s5 =	sadd.s32 $0xF43200, s5;
	s11 =	smov.u32 s3;
	s7 =	sadd.s32 $0x2, s6  }
.LBB1_5:
0xb: {  	p1 =	slt.u32 s13, $0x2  }
0xc: {  	s17 =	smov.u32 s15;
	p2 =	sgt.s32 @!p1 s15, $0xF41C0;
	s16 =	sshra.s32 @!p1 s15, $0x1F  }
0xd: {  	p3 =	sgt.s32 @!p1 s14, $0x40;
	s18 =	sshra.s32 @!p1 s14, $0x1F;
	p2 =	por !p2, p1  }
0xe: {  	s15 =	sand.u32 @!p1 s16, s15;
	p3 =	por !p3, p1;
	s16 =	smov.u32 s14  }
0xf: {  	s14 =	sand.u32 @!p1 s18, s14;
	s17 =	simm.s32 @p2 $0xF41C0;
	s16 =	simm.s32 @p3 $0x40  }
0x10: {  	s15 =	ssub.s32 @!p1 s17, s15;
	s14 =	ssub.s32 @!p1 s16, s14  }
0x11: {  	s18 =	smov.u32 s12;
	s16 =	sadd.s32 @!p1 $0xFFF0BE40, s15;
	s17 =	sadd.s32 @!p1 $0xFFFFFFC0, s14  }
0x12: {  	s15 =	ssub.s32 @!p1 $0xF4240, s15;
	p2 =	sgt.s32 @!p1 s16, $0x7F;
	p3 =	sgt.s32 @!p1 s17, $0x3F  }
0x13: {  	s14 =	ssub.s32 @!p1 $0x80, s14;
	p2 =	por !p2, p1;
	p3 =	por !p3, p1  }
0x14: {  	s16 =	sadd.s32 $0x1000, s11;
	s15 =	simm.s32 @!p2 $0x0;
	s14 =	simm.s32 @!p3 $0x0  }
0x15: {  	p2 =	sgt.s32 s16, $0xF423F;
	s14 =	smul.u32 @!p1 s14, s15;
	s15 =	sadd.s32 $0x40, s12  }
0x16: {  	s18 =	smov.u32 @p2 s15  }
0x17: {  	s16 =	smov.u32 @p2 s3;
	p2 =	sgt.s32 s18, $0x3F  }
0x18: {  	s18 =	simm.s32 @p2 $0x0;
	p2 =	sne.s32 s13, s7  }
.Ltmp1:
0x19: {  	p0 =	por !p0, !p0;
	s17 =	simm.s32 @!p1 $0x2;
	(pc) =	sbr.rel @!p2 .LBB1_6-.Ltmp1, $4  }
0x1a: {  	s15 =	smov.u32 s9;
	s9 =	smov.u32 s11;
	s14 =	sand.u32 @!p1 $0x3FFFFFFF, s14  }
0x1b: {  	s11 =	smov.u32 s16;
	_ =	swait.ge @!p1 [sflag:s17], s14;
	s19 =	ssub.s32 @!p1 $0x0, s14  }
0x1c: {  	s14 =	smov.u32 s10;
	s13 =	sadd.s32 $0x1, s13;
	[sflag:s17] =	ssyncset.done @!p1 $0x0  }
0x1d: {  	s10 =	smov.u32 s12;
	s12 =	smov.u32 s18;
	[sflag:s17] =	ssyncadd.s32 @!p1 s19  }
.LBB1_1:
0x1e: {  	p1 =	sgt.u32 s13, s6  }
0x1f: {  	s16 =	sshrl.u32 @!p1 s12, $0x3  }
0x20: {  	s17 =	sshll.u32 @!p1 s11, $0x3;
	s16 =	smul.u32 @!p1 $0x7A1400, s16  }
0x21: {  	s18 =	sshll.u32 @!p1 s12, $0x7;
	s17 =	sand.u32 @!p1 $0xFFFFFC00, s17  }
0x22: {  	s16 =	sadd.s32 @!p1 s16, s17;
	s17 =	sand.u32 @!p1 $0x380, s18  }
0x23: {  	s18 =	sand.u32 @!p1 $0x7F, s11;
	s16 =	sor.u32 @!p1 s17, s16  }
0x24: {  	s17 =	sor.u32 @!p1 s18, s16  }
0x25: {  	s18 =	smulhi.u32 @!p1 $0x218D6287, s17;
	_ =	sdelay $0x1  }
0x26: {  	s16 =	smulhi.u32 @!p1 $0x218D6287, s16;
	s18 =	sshrl.u32 @!p1 s18, $0x11  }
0x27: {  	s18 =	smul.u32 @!p1 $0xF4280, s18  }
0x28: {  	s19 =	sxor.u32 @!p1 $0xFFFFFFFF, s13;
	s16 =	sshrl.u32 @!p1 s16, $0x11  }
0x29: {  	s19 =	sshll.u32 @!p1 s19, $0xD;
	s16 =	sand.u32 @!p1 $0x3F, s16;
	s17 =	ssub.s32 @!p1 s17, s18  }
0x2a: {  	s16 =	smul.u32 @!p1 $0x1E850, s16;
	s18 =	sshrl.u32 @!p1 s17, $0x3;
	s17 =	sand.u32 @!p1 $0x7, s17  }
0x2b: {  	s19 =	sand.u32 @!p1 $0x2000, s19;
	s18 =	sadd.s32 @!p1 s2, s18;
	s17 =	sshll.u32 @!p1 s17, $0x12  }
0x2c: {  	s16 =	sadd.s32 @!p1 s16, s18;
	s17 =	sor.u32 @!p1 $0x400, s17;
	s18 =	simm.s32 @!p1 $0x7A1400  }
0x2d: {  	[tilespmem:s19], [sflag:$0x1] =	stream.strided.gather @!p1 [hbm4b:s16+s17], $0x2000, s18, s17, $0x38;
	[tilespmem:$0x8100] =	vst v63  }
0x2e: {  	p1 =	seq.s32 s13, $0x0  }
0x2f: {  	p2 =	sge.u32 @!p1 s13, s7  }
0x30: {  	p1 =	por p1, p2  }
.Ltmp2:
0x31: {  	_ = 	snop;
	(pc) =	sbr.rel @p1 .LBB1_5-.Ltmp2, $1  }
0x32: {  	_ =	sdelay $0x3  }
0x33: {  	s16 =	simm.s32 $0x1  }
0x34: {  	_ =	swait.ge [sflag:s4], $0x2000;
	s16 =	simm.s32 @!p0 $0x0  }
0x35: {  	[sflag:s4] =	ssyncset.done $0x0;
	s17 =	sshll.u32 s16, $0xD  }
0x36: {  	[sflag:s4] =	ssyncadd.s32 $0xFFFFE000;
	s17 =	sor.u32 $0x40, s17  }
0x37: {  	s16 =	smul.u32 $0x8200, s16;
	v0 =	vld [tilespmem:s17+$0x30]  }
0x38: {  	v1 =	vld [tilespmem:s17+$0xFFFFFFD0]  }
0x39: {  	s16 =	sshrl.u32 s16, $0x2;
	v5 =	vld [tilespmem:s17+$0xFFFFFFE0]  }
0x3a: {  	v6 =	vld [tilespmem:s17+$0xFFFFFFF0];
	s19 =	sor.u32 $0x4000, s16  }
0x3b: {  	s31 =	sand.u32 $0x1, s13;
	v4 =	vld [tilespmem:s17+$0x0];
	s18 =	sadd.s32 $0x0, s19  }
0x3c: {  	v3 =	vld [tilespmem:s17+$0x10];
	s16 =	smul.u32 $0x8200, s31;
	[tilespmem:s18+$0x1C70 ss:$0x41] =	vst.msk $0xffff, v0  }
0x3d: {  	v2 =	vld [tilespmem:s17+$0x20];
	[tilespmem:s18+$0x410 ss:$0x41] =	vst.msk $0xffff, v1  }
0x3e: {  	s16 =	sshrl.u32 s16, $0x2;
	v1 =	vld [tilespmem:s17+$0xFFFFFFC0];
	[tilespmem:s18+$0x820 ss:$0x41] =	vst.msk $0xffff, v5;
	s17 =	sadd.s32 $0x80, s17  }
0x3f: {  	s20 =	simm.s32 $0x4;
	s21 =	simm.s32 $0x8;
	s16 =	sor.u32 $0x4000, s16;
	[tilespmem:s18+$0xC30 ss:$0x41] =	vst.msk $0xffff, v6;
	v0 =	vld [tilespmem:s17+$0x30]  }
.LBB1_3:
0x40: {  	p1 =	sne.s32 s21, $0xFC;
	v5 =	vld [tilespmem:s17+$0xFFFFFFD0];
	[tilespmem:s18+$0x1040 ss:$0x41] =	vst.msk $0xffff, v4  }
0x41: {  	v6 =	vld [tilespmem:s17+$0xFFFFFFE0];
	[tilespmem:s18+$0x1450 ss:$0x41] =	vst.msk $0xffff, v3  }
0x42: {  	s22 =	sshra.s32 s20, $0x2;
	s20 =	smov.u32 s21;
	v7 =	vld [tilespmem:s17+$0xFFFFFFF0];
	[tilespmem:s18+$0x1860 ss:$0x41] =	vst.msk $0xffff, v2  }
.Ltmp3:
0x43: {  	v4 =	vld [tilespmem:s17+$0x0];
	[tilespmem:s18+$0x0 ss:$0x41] =	vst.msk $0xffff, v1;
	s18 =	sadd.s32 s22, s19;
	(pc) =	sbr.rel @p1 .LBB1_3-.Ltmp3, $4  }
0x44: {  	v3 =	vld [tilespmem:s17+$0x10];
	[tilespmem:s18+$0x1C70 ss:$0x41] =	vst.msk $0xffff, v0  }
0x45: {  	[tilespmem:s18+$0x410 ss:$0x41] =	vst.msk $0xffff, v5;
	v2 =	vld [tilespmem:s17+$0x20]  }
0x46: {  	v1 =	vld [tilespmem:s17+$0xFFFFFFC0];
	[tilespmem:s18+$0x820 ss:$0x41] =	vst.msk $0xffff, v6;
	s17 =	sadd.s32 $0x80, s17  }
0x47: {  	s21 =	sadd.s32 $0x4, s21;
	v0 =	vld [tilespmem:s17+$0x30];
	[tilespmem:s18+$0xC30 ss:$0x41] =	vst.msk $0xffff, v7  }
0x48: {  	s21 =	sshll.u32 s9, $0x7;
	s22 =	sshll.u32 s10, $0x3;
	s20 =	sshra.s32 s20, $0x2  }
0x49: {  	p1 =	sgt.s32 s9, $0xF41C0;
	s30 =	sshra.s32 s9, $0x1F;
	s25 =	sshra.s32 s10, $0x1F  }
0x4a: {  	v5 =	vld [tilespmem:s17+$0xFFFFFFD0];
	s28 =	sshrl.u32 s10, $0x3;
	s23 =	sand.u32 $0xFFFFFC00, s21;
	s22 =	sand.u32 $0xFFFFFC00, s22  }
0x4b: {  	[tilespmem:s18+$0x1040 ss:$0x41] =	vst.msk $0xffff, v4;
	v58 =	vld [tilespmem:s17+$0xFFFFFFE0];
	s21 =	sand.u32 $0x380, s21;
	s19 =	sadd.s32 s20, s19;
	s22 =	sadd.s32 s22, s23  }
0x4c: {  	v59 =	vld [tilespmem:s17+$0xFFFFFFF0];
	[tilespmem:s18+$0x1450 ss:$0x41] =	vst.msk $0xffff, v3;
	s29 =	sor.u32 s21, s22;
	s21 =	smov.u32 s9;
	s22 =	sand.u32 s30, s9  }
0x4d: {  	v60 =	vld [tilespmem:s17+$0x0];
	[tilespmem:s18+$0x1860 ss:$0x41] =	vst.msk $0xffff, v2;
	s30 =	sand.u32 $0x7, s10;
	s20 =	sshrl.u32 s29, $0x7;
	s21 =	simm.s32 @!p1 $0xF41C0  }
0x4e: {  	v61 =	vld [tilespmem:s17+$0x10];
	[tilespmem:s18+$0x0 ss:$0x41] =	vst.msk $0xffff, v1;
	p1 =	sgt.s32 s10, $0x40;
	s24 =	ssub.s32 s21, s22;
	s21 =	smov.u32 s10  }
0x4f: {  	v62 =	vld [tilespmem:s17+$0x20];
	[tilespmem:s19+$0x1C70 ss:$0x41] =	vst.msk $0xffff, v0;
	s31 =	smulhi.u32 $0x218DEF5, s20;
	s22 =	sand.u32 s25, s10;
	s21 =	simm.s32 @!p1 $0x40  }
0x50: {  	v63 =	vld [tilespmem:s17+$0xFFFFFFC0];
	[tilespmem:s19+$0x410 ss:$0x41] =	vst.msk $0xffff, v5;
	s26 =	sadd.s32 $0xFFF0BE40, s24;
	s17 =	ssub.s32 $0xF4240, s24;
	s21 =	ssub.s32 s21, s22  }
0x51: {  	[tilespmem:s19+$0x820 ss:$0x41] =	vst.msk $0xffff, v58;
	s23 =	sshrl.u32 s31, $0xD;
	p1 =	sgt.s32 s26, $0x7F;
	s27 =	sadd.s32 $0xFFFFFFC0, s21  }
0x52: {  	[tilespmem:s19+$0xC30 ss:$0x41] =	vst.msk $0xffff, v59;
	s23 =	smul.u32 $0xF4240, s23;
	s18 =	ssub.s32 $0x80, s21;
	p2 =	sgt.s32 s27, $0x3F  }
.Ltmp4:
0x53: {  	[tilespmem:s19+$0x1040 ss:$0x41] =	vst.msk $0xffff, v60;
	s17 =	simm.s32 @p1 $0x0;
	s18 =	simm.s32 @p2 $0x0;
	(pc) =	sbr.rel .LBB1_5-.Ltmp4, $4  }
0x54: {  	s29 =	sand.u32 $0xF, s28;
	[tilespmem:s19+$0x1450 ss:$0x41] =	vst.msk $0xffff, v61;
	s20 =	ssub.s32 s20, s23;
	s17 =	smul.u32 s18, s17  }
0x55: {  	[tilespmem:s19+$0x1860 ss:$0x41] =	vst.msk $0xffff, v62;
	s21 =	sshll.u32 s30, $0x12;
	s20 =	sshll.u32 s20, $0x4;
	s18 =	sadd.s32 s5, s29  }
0x56: {  	[tilespmem:s19+$0x0 ss:$0x41] =	vst.msk $0xffff, v63;
	s31 =	sor.u32 $0x40, s21;
	s18 =	sadd.s32 s20, s18;
	s17 =	sand.u32 $0x3FFFFFFF, s17  }
0x57: {  	[hbm4b:s18+s31] =	stream.strided.scatter [tilespmem:s16], [sflag:$0x2], s17, s8, s31, $0x18;
	[tilespmem:$0x8100] =	vst v63  }
.LBB1_6:
0x58: {  	_ =	sfence.sel $0x180000  }
0x59: {  	s2 =	simm.s32 $0x1;
	[bflag:$0x0] =	sbarrier.arrive $0xFFFF  }
0x5a: {  	s31 =	simm.s32 $0x2;
	[sflag:s2] =	ssyncpa.u1 $0x1  }
0x5b: {  	[sflag:s31] =	ssyncpa.u1 $0x1  }
0x5c: {  	p0 =	sne.s32 s1, $0x0;
	_ =	strace $0x9000004A  }
0x5d: {  	s0 =	sadd.s32 @!p0 $0x100000, s0;
	[bflag:$0x2] =	sbarrier.arrive $0xFFFF  }
0x5e: {  	[sflag:s0] =	ssyncadd.tile.s32 @!p0 $0x1;
	_ =	shalt  }
.Lfunc_end1:
_tile_overlayer_lowered:
.L_overlay_start_2:
0x5f: {  	(tag) =	ssettag $0x2  }
0x60: {  	s0 =	rddreg [dreg:$0x0];
	s2 =	stileid.u32  }
0x61: {  	s1 =	rddreg [dreg:$0x1];
	p0 =	sne.s32 s2, $0x0  }
0x62: {  	s3 =	rddreg [dreg:$0x2];
	[bflag:$0x3] =	sbarrier.arrive $0xFFFF;
	s2 =	simm.s32 @!p0 $0x1C01  }
0x63: {  	[timem:s3], [sflag:s2] =	dma.local @!p0 [hbm:s0], s1  }
0x64: {  	s0 =	simm.s32 @!p0 $0x1  }
0x65: {  	_ =	swait.ge @!p0 [sflag:s0], s1  }
0x66: {  	s1 =	ssub.s32 @!p0 $0x0, s1;
	[sflag:s0] =	ssyncset.done @!p0 $0x0  }
0x67: {  	[sflag:s0] =	ssyncadd.s32 @!p0 s1  }
0x68: {  	[bflag:$0x3] =	sbarrier.arrive $0xFFFF  }
0x69: {  	_ =	shalt  }

// kernel: sparse-core-data-format-call.cloned.1.call-start
scs
called_computation_lowered:
.L_overlay_start_0:
0x0: {  	s2 =	sld [smem:$0x3FD9]  }
0x1: {  	s3 =	sld [smem:$0x3FFE];
	_ =	sdelay $0x1  }
0x2: {  	s1 =	srdreg.scid  }
0x3: {  	s0 =	sand.u32 $0x1, s1  }
0x4: {  	s18 =	sshll.u32 s0, $0xA;
	s2 =	sadd.s32 s3, s2  }
0x5: {  	s2 =	sadd.s32 s2, s18  }
0x6: {  	[smem:$0x3FC4] =	sst s2  }
0x7: {  	_ = 	snop  }
0x8: {  	s2 =	sld [smem:$0x3FC6];
	(tm) =	ssettm $0x1  }
0x9: {  	s19 =	sld [smem:$0x3FFB];
	_ =	sdelay $0x3  }
0xa: {  	_ =	strace s19  }
0xb: {  	s3 =	sld [smem:$0x3FFC];
	_ =	sdelay $0x3  }
0xc: {  	_ =	strace s3  }
0xd: {  	s3 =	sld [smem:$0x3FFD];
	_ =	sdelay $0x3  }
0xe: {  	_ =	strace s3  }
0xf: {  	_ =	strace $0x8FFFFFFF  }
0x10: {  	s20 =	sld [smem:$0x3FDB];
	_ =	sdelay $0x1  }
0x11: {  	s4 =	simm.s32 $_scs_section_size  }
0x12: {  	s5 =	simm.s32 $_size__tile_overlayer_lowered;
	s6 =	simm.s32 $_tile_overlayer_lowered  }
0x13: {  	s23 =	simm.s32 $0x1BFF;
	s22 =	sshll.u32 s6, $0x1;
	s3 =	sadd.s32 s4, s20  }
0x14: {  	s7 =	simm.s32 $0x0;
	s21 =	sshll.u32 s5, $0x1;
	s5 =	sadd.s32 s22, s3  }
0x15: {  	[timem:s7], [sflag:s23] =	dma.local [hbm:s5], s21  }
0x16: {  	_ =	swait.ge [sflag:s23], s21  }
0x17: {  	s4 =	ssub.s32 $0x0, s21;
	[sflag:s23] =	ssyncset.done $0x0  }
0x18: {  	[sflag:s23] =	ssyncadd.s32 s4;
	_ =	sdelay $0x1  }
0x19: {  	s24 =	simm.s32 $0x1B8B  }
0x1a: {  	_ =	swait.ge [sflag:s24], $0x1  }
0x1b: {  	[sflag:s24] =	ssyncset.done $0x0  }
0x1c: {  	s26 =	simm.s32 $0x1B8E;
	s25 =	sld [smem:$0x3FFE];
	[sflag:s24] =	ssyncadd.s32 $0xFFFFFFFF  }
0x1d: {  	s27 =	simm.s32 $execute0_lowered;
	[smem:$0x3FD2] =	sst s26  }
0x1e: {  	s5 =	sshll.u32 s27, $0x1;
	_ =	strace $0x80000046;
	[dreg:$0x1] =	wrdreg $0xFFFFFFFF  }
0x1f: {  	s28 =	simm.s32 $_size_execute0_lowered;
	s3 =	sadd.s32 s3, s5;
	[dreg:$0x0] =	wrdreg $0x0  }
0x20: {  	s5 =	sshll.u32 s28, $0x1;
	[dreg:$0x2] =	wrdreg s3  }
0x21: {  	[dreg:$0x3] =	wrdreg s5  }
0x22: {  	[dreg:$0x4] =	wrdreg $0xC0  }
0x23: {  	_ =	task [dreg:s7], $0x5FFFF  }
0x24: {  	[dreg:$0x1] =	wrdreg $0xFFFFFFFF  }
0x25: {  	[dreg:$0x0] =	wrdreg $0x60  }
0x26: {  	[dreg:$0x2] =	wrdreg s2  }
0x27: {  	[dreg:$0x3] =	wrdreg s25  }
0x28: {  	[dreg:$0x4] =	wrdreg $0x9  }
0x29: {  	_ =	task.clear_ibuf [dreg:s7], $0x5FFFF;
	_ =	strace $0x90000046  }
0x2a: {  	s29 =	simm.s32 $0x9;
	_ =	strace $0x80000048  }
0x2b: {  	_ =	swait.ge [sflag:s29], $0x1  }
0x2c: {  	[sflag:s29] =	ssyncadd.s32 $0xFFFFFFFF  }
0x2d: {  	_ =	strace $0x90000048  }
0x2e: {  	_ =	sfence  }
0x2f: {  	s30 =	sld [smem:$0x0];
	_ =	sdelay $0x2  }
0x30: {  	s31 =	sshll.u32 s1, $0xD;
	s1 =	sshrl.u32 s1, $0x2  }
0x31: {  	s3 =	sand.u32 $0x4000, s31;
	s1 =	sadd.s32 s1, s30  }
0x32: {  	s0 =	sor.u32 s3, s0;
	s1 =	sshll.u32 s1, $0x11  }
0x33: {  	s0 =	sor.u32 s1, s0  }
0x34: {  	s0 =	sadd.s32 $0x8F2B, s0  }
0x35: {  	[sflag:s0] =	ssyncadd.remote.s32 $0x1  }
0x36: {  	_ =	sfence.sel $0xFFFF  }
0x37: {  	[dreg:$0x0] =	wrdreg $0xFFFFFFFF;
	(pc) =	sbr.abs _section_cstart, $3  }
0x38: {  	[dreg:$0x1] =	wrdreg $0xFFFFFFFF  }
0x39: {  	_ =	task.clear_ibuf [dreg:s7], $0x2FFFF;
	_ =	strace $0x9FFFFFFF  }
0x3a: {  	(tm) =	ssettm $0x7FFFFFFF  }
0x3b: {  	_ =	shalt  }
tec
execute0_lowered:
.L_overlay_start_1:
0x0: {  	(tag) =	ssettag $0x1  }
0x1: {  	s0 =	srdreg.scid;
	s2 =	rddreg [dreg:$0x0]  }
0x2: {  	s5 =	rddreg [dreg:$0x1];
	s1 =	stileid.u32  }
0x3: {  	s4 =	simm.s32 $0x1;
	s6 =	simm.s32 $0x2;
	s15 =	simm.s32 $0x0  }
0x4: {  	p0 =	por $0x0, $0x0;
	s8 =	simm.s32 $0x80;
	s0 =	sshll.u32 s0, $0x4  }
0x5: {  	s14 =	simm.s32 $0x0;
	s9 =	simm.s32 $0x0;
	s3 =	sand.u32 $0x10, s0  }
.Ltmp0:
0x6: {  	s10 =	simm.s32 $0x0;
	s3 =	sor.u32 s1, s3;
	(pc) =	sbr.rel .LBB1_1-.Ltmp0, $4  }
0x7: {  	s0 =	rddreg [dreg:$0x2];
	_ =	strace $0x80000047;
	s3 =	sshll.u32 s3, $0x7  }
0x8: {  	s12 =	simm.s32 $0x0;
	[sflag:s4] =	ssyncpa.u1 $0x0;
	s7 =	ssub.s32 $0xF4200, s3  }
0x9: {  	s13 =	simm.s32 $0x0;
	[sflag:s6] =	ssyncpa.u1 $0x0;
	s6 =	sshrl.u32 s7, $0xC  }
0xa: {  	s5 =	sadd.s32 $0xE00, s5;
	s11 =	smov.u32 s3;
	s7 =	sadd.s32 $0x2, s6  }
.LBB1_5:
0xb: {  	p1 =	slt.u32 s13, $0x2  }
0xc: {  	s17 =	smov.u32 s15;
	p2 =	sgt.s32 @!p1 s15, $0xF41C0;
	s16 =	sshra.s32 @!p1 s15, $0x1F  }
0xd: {  	p3 =	sgt.s32 @!p1 s14, $0x40;
	s18 =	sshra.s32 @!p1 s14, $0x1F;
	p2 =	por !p2, p1  }
0xe: {  	s15 =	sand.u32 @!p1 s16, s15;
	p3 =	por !p3, p1;
	s16 =	smov.u32 s14  }
0xf: {  	s14 =	sand.u32 @!p1 s18, s14;
	s17 =	simm.s32 @p2 $0xF41C0;
	s16 =	simm.s32 @p3 $0x40  }
0x10: {  	s15 =	ssub.s32 @!p1 s17, s15;
	s14 =	ssub.s32 @!p1 s16, s14  }
0x11: {  	s18 =	smov.u32 s12;
	s16 =	sadd.s32 @!p1 $0xFFF0BE40, s15;
	s17 =	sadd.s32 @!p1 $0xFFFFFFC0, s14  }
0x12: {  	s15 =	ssub.s32 @!p1 $0xF4240, s15;
	p2 =	sgt.s32 @!p1 s16, $0x7F;
	p3 =	sgt.s32 @!p1 s17, $0x3F  }
0x13: {  	s14 =	ssub.s32 @!p1 $0x80, s14;
	p2 =	por !p2, p1;
	p3 =	por !p3, p1  }
0x14: {  	s16 =	sadd.s32 $0x1000, s11;
	s15 =	simm.s32 @!p2 $0x0;
	s14 =	simm.s32 @!p3 $0x0  }
0x15: {  	p2 =	sgt.s32 s16, $0xF423F;
	s14 =	smul.u32 @!p1 s14, s15;
	s15 =	sadd.s32 $0x40, s12  }
0x16: {  	s18 =	smov.u32 @p2 s15  }
0x17: {  	s16 =	smov.u32 @p2 s3;
	p2 =	sgt.s32 s18, $0x3F  }
0x18: {  	s18 =	simm.s32 @p2 $0x0;
	p2 =	sne.s32 s13, s7  }
.Ltmp1:
0x19: {  	p0 =	por !p0, !p0;
	s17 =	simm.s32 @!p1 $0x2;
	(pc) =	sbr.rel @!p2 .LBB1_6-.Ltmp1, $4  }
0x1a: {  	s15 =	smov.u32 s9;
	s9 =	smov.u32 s11;
	s14 =	sand.u32 @!p1 $0x3FFFFFFF, s14  }
0x1b: {  	s11 =	smov.u32 s16;
	_ =	swait.ge @!p1 [sflag:s17], s14;
	s19 =	ssub.s32 @!p1 $0x0, s14  }
0x1c: {  	s14 =	smov.u32 s10;
	s13 =	sadd.s32 $0x1, s13;
	[sflag:s17] =	ssyncset.done @!p1 $0x0  }
0x1d: {  	s10 =	smov.u32 s12;
	s12 =	smov.u32 s18;
	[sflag:s17] =	ssyncadd.s32 @!p1 s19  }
.LBB1_1:
0x1e: {  	p1 =	sgt.u32 s13, s6  }
0x1f: {  	s16 =	sshrl.u32 @!p1 s12, $0x3  }
0x20: {  	s17 =	sshll.u32 @!p1 s11, $0x3;
	s16 =	smul.u32 @!p1 $0x7A1400, s16  }
0x21: {  	s18 =	sshll.u32 @!p1 s12, $0x7;
	s17 =	sand.u32 @!p1 $0xFFFFFC00, s17  }
0x22: {  	s16 =	sadd.s32 @!p1 s16, s17;
	s17 =	sand.u32 @!p1 $0x380, s18  }
0x23: {  	s18 =	sand.u32 @!p1 $0x7F, s11;
	s16 =	sor.u32 @!p1 s17, s16  }
0x24: {  	s17 =	sor.u32 @!p1 s18, s16  }
0x25: {  	s18 =	smulhi.u32 @!p1 $0x218D6287, s17;
	_ =	sdelay $0x1  }
0x26: {  	s16 =	smulhi.u32 @!p1 $0x218D6287, s16;
	s18 =	sshrl.u32 @!p1 s18, $0x11  }
0x27: {  	s18 =	smul.u32 @!p1 $0xF4280, s18  }
0x28: {  	s19 =	sxor.u32 @!p1 $0xFFFFFFFF, s13;
	s16 =	sshrl.u32 @!p1 s16, $0x11  }
0x29: {  	s19 =	sshll.u32 @!p1 s19, $0xD;
	s16 =	sand.u32 @!p1 $0x3F, s16;
	s17 =	ssub.s32 @!p1 s17, s18  }
0x2a: {  	s16 =	smul.u32 @!p1 $0x1E850, s16;
	s18 =	sshrl.u32 @!p1 s17, $0x3;
	s17 =	sand.u32 @!p1 $0x7, s17  }
0x2b: {  	s19 =	sand.u32 @!p1 $0x2000, s19;
	s18 =	sadd.s32 @!p1 s2, s18;
	s17 =	sshll.u32 @!p1 s17, $0x12  }
0x2c: {  	s16 =	sadd.s32 @!p1 s16, s18;
	s17 =	sor.u32 @!p1 $0x400, s17;
	s18 =	simm.s32 @!p1 $0x7A1400  }
0x2d: {  	[tilespmem:s19], [sflag:$0x1] =	stream.strided.gather @!p1 [hbm4b:s16+s17], $0x2000, s18, s17, $0x38;
	[tilespmem:$0x8100] =	vst v63  }
0x2e: {  	p1 =	seq.s32 s13, $0x0  }
0x2f: {  	p2 =	sge.u32 @!p1 s13, s7  }
0x30: {  	p1 =	por p1, p2  }
.Ltmp2:
0x31: {  	_ = 	snop;
	(pc) =	sbr.rel @p1 .LBB1_5-.Ltmp2, $1  }
0x32: {  	_ =	sdelay $0x3  }
0x33: {  	s16 =	simm.s32 $0x1  }
0x34: {  	_ =	swait.ge [sflag:s4], $0x2000;
	s16 =	simm.s32 @!p0 $0x0  }
0x35: {  	[sflag:s4] =	ssyncset.done $0x0;
	s17 =	sshll.u32 s16, $0xD  }
0x36: {  	[sflag:s4] =	ssyncadd.s32 $0xFFFFE000;
	s17 =	sor.u32 $0x40, s17  }
0x37: {  	s16 =	smul.u32 $0x8200, s16;
	v0 =	vld [tilespmem:s17+$0x30]  }
0x38: {  	v1 =	vld [tilespmem:s17+$0xFFFFFFD0]  }
0x39: {  	s16 =	sshrl.u32 s16, $0x2;
	v5 =	vld [tilespmem:s17+$0xFFFFFFE0]  }
0x3a: {  	v6 =	vld [tilespmem:s17+$0xFFFFFFF0];
	s19 =	sor.u32 $0x4000, s16  }
0x3b: {  	s31 =	sand.u32 $0x1, s13;
	v4 =	vld [tilespmem:s17+$0x0];
	s18 =	sadd.s32 $0x0, s19  }
0x3c: {  	v3 =	vld [tilespmem:s17+$0x10];
	s16 =	smul.u32 $0x8200, s31;
	[tilespmem:s18+$0x1C70 ss:$0x41] =	vst.msk $0xffff, v0  }
0x3d: {  	v2 =	vld [tilespmem:s17+$0x20];
	[tilespmem:s18+$0x410 ss:$0x41] =	vst.msk $0xffff, v1  }
0x3e: {  	s16 =	sshrl.u32 s16, $0x2;
	v1 =	vld [tilespmem:s17+$0xFFFFFFC0];
	[tilespmem:s18+$0x820 ss:$0x41] =	vst.msk $0xffff, v5;
	s17 =	sadd.s32 $0x80, s17  }
0x3f: {  	s20 =	simm.s32 $0x4;
	s21 =	simm.s32 $0x8;
	s16 =	sor.u32 $0x4000, s16;
	[tilespmem:s18+$0xC30 ss:$0x41] =	vst.msk $0xffff, v6;
	v0 =	vld [tilespmem:s17+$0x30]  }
.LBB1_3:
0x40: {  	p1 =	sne.s32 s21, $0xFC;
	v5 =	vld [tilespmem:s17+$0xFFFFFFD0];
	[tilespmem:s18+$0x1040 ss:$0x41] =	vst.msk $0xffff, v4  }
0x41: {  	v6 =	vld [tilespmem:s17+$0xFFFFFFE0];
	[tilespmem:s18+$0x1450 ss:$0x41] =	vst.msk $0xffff, v3  }
0x42: {  	s22 =	sshra.s32 s20, $0x2;
	s20 =	smov.u32 s21;
	v7 =	vld [tilespmem:s17+$0xFFFFFFF0];
	[tilespmem:s18+$0x1860 ss:$0x41] =	vst.msk $0xffff, v2  }
.Ltmp3:
0x43: {  	v4 =	vld [tilespmem:s17+$0x0];
	[tilespmem:s18+$0x0 ss:$0x41] =	vst.msk $0xffff, v1;
	s18 =	sadd.s32 s22, s19;
	(pc) =	sbr.rel @p1 .LBB1_3-.Ltmp3, $4  }
0x44: {  	v3 =	vld [tilespmem:s17+$0x10];
	[tilespmem:s18+$0x1C70 ss:$0x41] =	vst.msk $0xffff, v0  }
0x45: {  	[tilespmem:s18+$0x410 ss:$0x41] =	vst.msk $0xffff, v5;
	v2 =	vld [tilespmem:s17+$0x20]  }
0x46: {  	v1 =	vld [tilespmem:s17+$0xFFFFFFC0];
	[tilespmem:s18+$0x820 ss:$0x41] =	vst.msk $0xffff, v6;
	s17 =	sadd.s32 $0x80, s17  }
0x47: {  	s21 =	sadd.s32 $0x4, s21;
	v0 =	vld [tilespmem:s17+$0x30];
	[tilespmem:s18+$0xC30 ss:$0x41] =	vst.msk $0xffff, v7  }
0x48: {  	s21 =	sshll.u32 s9, $0x7;
	s22 =	sshll.u32 s10, $0x3;
	s20 =	sshra.s32 s20, $0x2  }
0x49: {  	p1 =	sgt.s32 s9, $0xF41C0;
	s30 =	sshra.s32 s9, $0x1F;
	s25 =	sshra.s32 s10, $0x1F  }
0x4a: {  	v5 =	vld [tilespmem:s17+$0xFFFFFFD0];
	s28 =	sshrl.u32 s10, $0x3;
	s23 =	sand.u32 $0xFFFFFC00, s21;
	s22 =	sand.u32 $0xFFFFFC00, s22  }
0x4b: {  	[tilespmem:s18+$0x1040 ss:$0x41] =	vst.msk $0xffff, v4;
	v58 =	vld [tilespmem:s17+$0xFFFFFFE0];
	s21 =	sand.u32 $0x380, s21;
	s19 =	sadd.s32 s20, s19;
	s22 =	sadd.s32 s22, s23  }
0x4c: {  	v59 =	vld [tilespmem:s17+$0xFFFFFFF0];
	[tilespmem:s18+$0x1450 ss:$0x41] =	vst.msk $0xffff, v3;
	s29 =	sor.u32 s21, s22;
	s21 =	smov.u32 s9;
	s22 =	sand.u32 s30, s9  }
0x4d: {  	v60 =	vld [tilespmem:s17+$0x0];
	[tilespmem:s18+$0x1860 ss:$0x41] =	vst.msk $0xffff, v2;
	s30 =	sand.u32 $0x7, s10;
	s20 =	sshrl.u32 s29, $0x7;
	s21 =	simm.s32 @!p1 $0xF41C0  }
0x4e: {  	v61 =	vld [tilespmem:s17+$0x10];
	[tilespmem:s18+$0x0 ss:$0x41] =	vst.msk $0xffff, v1;
	p1 =	sgt.s32 s10, $0x40;
	s24 =	ssub.s32 s21, s22;
	s21 =	smov.u32 s10  }
0x4f: {  	v62 =	vld [tilespmem:s17+$0x20];
	[tilespmem:s19+$0x1C70 ss:$0x41] =	vst.msk $0xffff, v0;
	s31 =	smulhi.u32 $0x218DEF5, s20;
	s22 =	sand.u32 s25, s10;
	s21 =	simm.s32 @!p1 $0x40  }
0x50: {  	v63 =	vld [tilespmem:s17+$0xFFFFFFC0];
	[tilespmem:s19+$0x410 ss:$0x41] =	vst.msk $0xffff, v5;
	s26 =	sadd.s32 $0xFFF0BE40, s24;
	s17 =	ssub.s32 $0xF4240, s24;
	s21 =	ssub.s32 s21, s22  }
0x51: {  	[tilespmem:s19+$0x820 ss:$0x41] =	vst.msk $0xffff, v58;
	s23 =	sshrl.u32 s31, $0xD;
	p1 =	sgt.s32 s26, $0x7F;
	s27 =	sadd.s32 $0xFFFFFFC0, s21  }
0x52: {  	[tilespmem:s19+$0xC30 ss:$0x41] =	vst.msk $0xffff, v59;
	s23 =	smul.u32 $0xF4240, s23;
	s18 =	ssub.s32 $0x80, s21;
	p2 =	sgt.s32 s27, $0x3F  }
.Ltmp4:
0x53: {  	[tilespmem:s19+$0x1040 ss:$0x41] =	vst.msk $0xffff, v60;
	s17 =	simm.s32 @p1 $0x0;
	s18 =	simm.s32 @p2 $0x0;
	(pc) =	sbr.rel .LBB1_5-.Ltmp4, $4  }
0x54: {  	s29 =	sand.u32 $0xF, s28;
	[tilespmem:s19+$0x1450 ss:$0x41] =	vst.msk $0xffff, v61;
	s20 =	ssub.s32 s20, s23;
	s17 =	smul.u32 s18, s17  }
0x55: {  	[tilespmem:s19+$0x1860 ss:$0x41] =	vst.msk $0xffff, v62;
	s21 =	sshll.u32 s30, $0x12;
	s20 =	sshll.u32 s20, $0x4;
	s18 =	sadd.s32 s5, s29  }
0x56: {  	[tilespmem:s19+$0x0 ss:$0x41] =	vst.msk $0xffff, v63;
	s31 =	sor.u32 $0x40, s21;
	s18 =	sadd.s32 s20, s18;
	s17 =	sand.u32 $0x3FFFFFFF, s17  }
0x57: {  	[hbm4b:s18+s31] =	stream.strided.scatter [tilespmem:s16], [sflag:$0x2], s17, s8, s31, $0x18;
	[tilespmem:$0x8100] =	vst v63  }
.LBB1_6:
0x58: {  	_ =	sfence.sel $0x180000  }
0x59: {  	s2 =	simm.s32 $0x1;
	[bflag:$0x0] =	sbarrier.arrive $0xFFFF  }
0x5a: {  	s31 =	simm.s32 $0x2;
	[sflag:s2] =	ssyncpa.u1 $0x1  }
0x5b: {  	[sflag:s31] =	ssyncpa.u1 $0x1  }
0x5c: {  	p0 =	sne.s32 s1, $0x0;
	_ =	strace $0x90000047  }
0x5d: {  	s0 =	sadd.s32 @!p0 $0x100000, s0;
	[bflag:$0x2] =	sbarrier.arrive $0xFFFF  }
0x5e: {  	[sflag:s0] =	ssyncadd.tile.s32 @!p0 $0x1;
	_ =	shalt  }
.Lfunc_end1:
_tile_overlayer_lowered:
.L_overlay_start_2:
0x5f: {  	(tag) =	ssettag $0x2  }
0x60: {  	s0 =	rddreg [dreg:$0x0];
	s2 =	stileid.u32  }
0x61: {  	s1 =	rddreg [dreg:$0x1];
	p0 =	sne.s32 s2, $0x0  }
0x62: {  	s3 =	rddreg [dreg:$0x2];
	[bflag:$0x3] =	sbarrier.arrive $0xFFFF;
	s2 =	simm.s32 @!p0 $0x1C01  }
0x63: {  	[timem:s3], [sflag:s2] =	dma.local @!p0 [hbm:s0], s1  }
0x64: {  	s0 =	simm.s32 @!p0 $0x1  }
0x65: {  	_ =	swait.ge @!p0 [sflag:s0], s1  }
0x66: {  	s1 =	ssub.s32 @!p0 $0x0, s1;
	[sflag:s0] =	ssyncset.done @!p0 $0x0  }
0x67: {  	[sflag:s0] =	ssyncadd.s32 @!p0 s1  }
0x68: {  	[bflag:$0x3] =	sbarrier.arrive $0xFFFF  }
0x69: {  	_ =	shalt  }

</sc_bundles>
